<compile_context>
chip_gen: v7x
topology: tpu7x:2x2x1
jax: 0.10.2.dev20260603
libtpu: 0.0.44.dev20260713+nightly
codegen_flags: <defaults>
</compile_context>

<pallas_src>
import functools

import jax
import jax.numpy as jnp
from jax import lax
from jax.experimental import pallas as pl
from jax.experimental.pallas import tpu as pltpu
from jax.experimental.pallas import tpu_sc as plsc

_VOCAB = 1000000
_EMB = 64
_HID = 64
_BATCH = 1024
_SEQ = 50
_NTOK = _BATCH * _SEQ
_NW = 32
_CW = _BATCH // _NW


def _sc_gather(emb, inputs):
    mesh = plsc.VectorSubcoreMesh(core_axis_name="core",
                                  subcore_axis_name="subcore")
    cp = pltpu.CompilerParams()
    if "needs_layout_passes" in pltpu.CompilerParams.__dataclass_fields__:
        import dataclasses
        cp = dataclasses.replace(cp, needs_layout_passes=False)

    @functools.partial(
        pl.kernel,
        out_type=jax.ShapeDtypeStruct((_NTOK, _EMB), jnp.float32),
        mesh=mesh,
        compiler_params=cp,
        scratch_types=[
            pltpu.VMEM((_SEQ, _BATCH), jnp.int32),
            pltpu.VMEM((2, _CW, _EMB), jnp.float32),
            pltpu.SemaphoreType.DMA,
            pltpu.SemaphoreType.DMA,
            pltpu.SemaphoreType.DMA,
            pltpu.SemaphoreType.DMA,
        ],
    )
    def k(emb_hbm, i_hbm, o_hbm, idx2d, rows2, gs0, gs1, os0, os1):
        wid = lax.axis_index("subcore") * 2 + lax.axis_index("core")
        c0 = wid * _CW
        lane = lax.broadcasted_iota(jnp.int32, (16,), 0)
        gsems = (gs0, gs1)
        osems = (os0, os1)

        pltpu.sync_copy(i_hbm, idx2d)

        def out_wait(par):
            pltpu.make_async_copy(rows2.at[par],
                                  o_hbm.at[pl.ds(0, _CW)],
                                  osems[par]).wait()

        def fire(t, par):
            for h in range(_CW // 16):
                vec = idx2d[t, pl.ds(c0 + h * 16, 16)]
                for kk in range(16):
                    v = jax.lax.reduce_max(
                        jnp.where(lane == kk, vec, 0), (0,))
                    pltpu.async_copy(emb_hbm.at[v],
                                     rows2.at[par, h * 16 + kk], gsems[par])

        def drain(par):
            @pl.loop(0, _CW)
            def _(j):
                pltpu.make_async_copy(emb_hbm.at[0], rows2.at[par, j],
                                      gsems[par]).wait()

        def out_start(t, par):
            pltpu.async_copy(rows2.at[par],
                             o_hbm.at[pl.ds(t * _BATCH + c0, _CW)],
                             osems[par])

        fire(0, 0)

        @pl.loop(0, _SEQ // 2)
        def _(p):
            t0 = 2 * p

            @pl.when(p > 0)
            def _():
                out_wait(1)
            fire(t0 + 1, 1)
            drain(0)
            out_start(t0, 0)

            @pl.when(p < _SEQ // 2 - 1)
            def _():
                out_wait(0)
                fire(t0 + 2, 0)
            drain(1)
            out_start(t0 + 1, 1)

        out_wait(0)
        out_wait(1)

    return k(emb, _tc_transpose(inputs))


def _transpose_body(i_ref, o_ref):
    o_ref[...] = i_ref[...].T


def _tc_transpose(inputs):
    return pl.pallas_call(
        _transpose_body,
        out_shape=jax.ShapeDtypeStruct((_SEQ, _BATCH), jnp.int32),
    )(inputs)


def _lstm_body(x_ref, wf_ref, bf_ref, wib_ref, bb_ref, wcls_ref, bcls_ref,
               out_ref):
    wf = wf_ref[...]
    bf = bf_ref[...]

    def step(t, carry):
        h, c = carry
        xt = x_ref[pl.ds(t * _BATCH, _BATCH), :]
        xh = jnp.concatenate([xt, h], axis=1)
        gates = jnp.dot(xh, wf, preferred_element_type=jnp.float32) + bf
        i_, f_, g_, o_ = jnp.split(gates, 4, axis=1)
        c = jax.nn.sigmoid(f_) * c + jax.nn.sigmoid(i_) * jnp.tanh(g_)
        h = jax.nn.sigmoid(o_) * jnp.tanh(c)
        return (h, c)

    h0 = jnp.zeros((_BATCH, _HID), jnp.float32)
    h_f, _ = lax.fori_loop(0, _SEQ, step, (h0, h0), unroll=10)

    xt = x_ref[pl.ds((_SEQ - 1) * _BATCH, _BATCH), :]
    gb = jnp.dot(xt, wib_ref[...], preferred_element_type=jnp.float32) \
        + bb_ref[...]
    ib, _, gbb, ob = jnp.split(gb, 4, axis=1)
    cb = jax.nn.sigmoid(ib) * jnp.tanh(gbb)
    h_b = jax.nn.sigmoid(ob) * jnp.tanh(cb)

    last = jnp.concatenate([h_f, h_b], axis=1)
    out_ref[...] = jnp.dot(last, wcls_ref[...],
                           preferred_element_type=jnp.float32) + bcls_ref[...]


def _tc_lstm(x_tb, wf, bf, wib, bb, wcls, bcls, interpret=False):
    return pl.pallas_call(
        _lstm_body,
        out_shape=jax.ShapeDtypeStruct((_BATCH, 2), jnp.float32),
        interpret=interpret,
    )(x_tb, wf, bf, wib, bb, wcls, bcls)


def kernel(inputs, emb, W_ih_f, W_hh_f, b_ih_f, b_hh_f, W_ih_b, W_hh_b,
           b_ih_b, b_hh_b, W_cls, b_cls):
    x_tb = _sc_gather(emb, inputs)

    wf = jnp.concatenate([W_ih_f, W_hh_f], axis=1).T
    bf = (b_ih_f + b_hh_f).reshape(1, -1)
    wib = W_ih_b.T
    bb = (b_ih_b + b_hh_b).reshape(1, -1)
    wcls = W_cls.T
    bcls = b_cls.reshape(1, -1)
    return _tc_lstm(x_tb, wf, bf, wib, bb, wcls, bcls)

# --- scband reference (transcript-rebuilt; emitter-appended) ---
"""Pipeline reference for scband-model-41394894799577 (READ-ONLY COPY).

The authoritative reference and input builder live on the scoring server;
editing this copy changes nothing except your own understanding.
"""

import jax, jax.numpy as jnp
import numpy as np

VOCAB = 1000000
EMB = 64
HID = 64
BATCH = 1024
SEQ = 50


def lstm_dir(x, W_ih, W_hh, b_ih, b_hh, reverse=False):
    # x: [B, T, D] -> outputs [B, T, H]; PyTorch gate order i, f, g, o
    B = x.shape[0]
    H = W_hh.shape[1]
    xs = jnp.swapaxes(x, 0, 1)  # [T, B, D]
    if reverse:
        xs = xs[::-1]

    def step(carry, xt):
        h, c = carry
        gates = xt @ W_ih.T + h @ W_hh.T + b_ih + b_hh
        i, f, g, o = jnp.split(gates, 4, axis=-1)
        i = jax.nn.sigmoid(i)
        f = jax.nn.sigmoid(f)
        g = jnp.tanh(g)
        o = jax.nn.sigmoid(o)
        c_new = f * c + i * g
        h_new = o * jnp.tanh(c_new)
        return (h_new, c_new), h_new

    h0 = jnp.zeros((B, H), x.dtype)
    c0 = jnp.zeros((B, H), x.dtype)
    _, hs = jax.lax.scan(step, (h0, c0), xs)
    if reverse:
        hs = hs[::-1]
    return jnp.swapaxes(hs, 0, 1)  # [B, T, H]


def setup_inputs(seed: int = 0) -> dict:
    key = jax.random.key(seed)
    ks = jax.random.split(key, 12)
    s_ih = 1.0 / np.sqrt(HID)
    inp = {
        "inputs": jax.random.randint(ks[0], (BATCH, SEQ), 0, VOCAB, dtype=jnp.int64 if jax.config.jax_enable_x64 else jnp.int32).astype(jnp.int32),
        "emb": jax.random.normal(ks[1], (VOCAB, EMB), dtype=jnp.float32),
        "W_ih_f": jax.random.uniform(ks[2], (4 * HID, EMB), jnp.float32, -s_ih, s_ih),
        "W_hh_f": jax.random.uniform(ks[3], (4 * HID, HID), jnp.float32, -s_ih, s_ih),
        "b_ih_f": jax.random.uniform(ks[4], (4 * HID,), jnp.float32, -s_ih, s_ih),
        "b_hh_f": jax.random.uniform(ks[5], (4 * HID,), jnp.float32, -s_ih, s_ih),
        "W_ih_b": jax.random.uniform(ks[6], (4 * HID, EMB), jnp.float32, -s_ih, s_ih),
        "W_hh_b": jax.random.uniform(ks[7], (4 * HID, HID), jnp.float32, -s_ih, s_ih),
        "b_ih_b": jax.random.uniform(ks[8], (4 * HID,), jnp.float32, -s_ih, s_ih),
        "b_hh_b": jax.random.uniform(ks[9], (4 * HID,), jnp.float32, -s_ih, s_ih),
        "W_cls": jax.random.uniform(ks[10], (2, 2 * HID), jnp.float32, -1.0 / np.sqrt(2 * HID), 1.0 / np.sqrt(2 * HID)),
        "b_cls": jax.random.uniform(ks[11], (2,), jnp.float32, -1.0 / np.sqrt(2 * HID), 1.0 / np.sqrt(2 * HID)),
    }
    return inp


def reference(inputs, emb, W_ih_f, W_hh_f, b_ih_f, b_hh_f, W_ih_b, W_hh_b, b_ih_b, b_hh_b, W_cls, b_cls):
    x = jnp.take(emb, inputs, axis=0)  # [B, T, EMB] embedding lookup
    h_f = lstm_dir(x, W_ih_f, W_hh_f, b_ih_f, b_hh_f, reverse=False)
    h_b = lstm_dir(x, W_ih_b, W_hh_b, b_ih_b, b_hh_b, reverse=True)
    out = jnp.concatenate([h_f, h_b], axis=-1)  # [B, T, 2H]
    last = out[:, -1, :]  # [B, 2H]
    logits = last @ W_cls.T + b_cls  # [B, 2]
    return logits

if __name__ == "__main__":
    import jax
    _d = setup_inputs()
    print(jax.jit(kernel)(*tuple(_d.values())))

</pallas_src>

<mosaic_0001>
#map = affine_map<(d0, d1) -> (0, 0)>
module attributes {stable_mosaic.version = 14 : i64} {
  func.func @k(%arg0: i32, %arg1: i32, %arg2: memref<1000000x64xf32, #tpu.memory_space<hbm>>, %arg3: memref<50x1024xi32, #tpu.memory_space<hbm>>, %arg4: memref<51200x64xf32, #tpu.memory_space<hbm>>, %arg5: memref<50x1024xi32, #tpu.memory_space<vmem>>, %arg6: memref<2x32x64xf32, #tpu.memory_space<vmem>>, %arg7: memref<!tpu.dma_semaphore, #tpu.memory_space<semaphore_mem>>, %arg8: memref<!tpu.dma_semaphore, #tpu.memory_space<semaphore_mem>>, %arg9: memref<!tpu.dma_semaphore, #tpu.memory_space<semaphore_mem>>, %arg10: memref<!tpu.dma_semaphore, #tpu.memory_space<semaphore_mem>>) attributes {dimension_semantics = [#tpu.dimension_semantics<core_parallel>, #tpu.dimension_semantics<subcore_parallel>], iteration_bounds = array<i64: 2, 16>, scalar_prefetch = 0 : i64, scratch_operands = 6 : i64, tpu.core_type = #tpu.core_type<sc_vector_subcore>, window_params = [{transform_indices = #map}, {transform_indices = #map}, {transform_indices = #map}]} {
    %mul3A = arith.constant 2 : i32
    %mul3A_0 = arith.muli %arg1, %mul3A : i32
    %add3A = arith.addi %mul3A_0, %arg0 : i32
    %mul3A_1 = arith.constant 32 : i32
    %mul3A_2 = arith.muli %add3A, %mul3A_1 : i32
    %iota3A = tpu.iota {dimensions = array<i32: 0>} : vector<16xi32>
    "tpu.region"() ({
      %run_scoped3A = tpu.sem_alloc : memref<!tpu.dma_semaphore, #tpu.memory_space<semaphore_mem>>
      tpu.enqueue_dma source(%arg3 : memref<50x1024xi32, #tpu.memory_space<hbm>>) target(%arg5 : memref<50x1024xi32, #tpu.memory_space<vmem>>) target_semaphore(%run_scoped3A : memref<!tpu.dma_semaphore, #tpu.memory_space<semaphore_mem>>)
      tpu.wait_dma2 semaphore(%run_scoped3A : memref<!tpu.dma_semaphore, #tpu.memory_space<semaphore_mem>>) src(%arg3 : memref<50x1024xi32, #tpu.memory_space<hbm>>) dst(%arg5 : memref<50x1024xi32, #tpu.memory_space<vmem>>)
      tpu.yield
    }) : () -> ()
    %add3A_3 = arith.constant 0 : i32
    %add3A_4 = arith.addi %mul3A_2, %add3A_3 : i32
    %get3A = arith.constant 0 : i32
    %get3A_5 = arith.index_cast %get3A : i32 to index
    %get3A_6 = arith.index_cast %add3A_4 : i32 to index
    %get3A_7 = tpu.vector_load %arg5[%get3A_5, %get3A_6] {strides = array<i32>} : memref<50x1024xi32, #tpu.memory_space<vmem>>, vector<16xi32>,
    %eq3A = arith.constant 0 : i32
    %eq3A_8 = vector.broadcast %eq3A : i32 to vector<16xi32>
    %eq3A_9 = arith.cmpi eq, %iota3A, %eq3A_8 : vector<16xi32>
    %jit3A = arith.constant 0 : i32
    %broadcast_in_dim3A = vector.broadcast %jit3A : i32 to vector<16xi32>
    %select_n3A = arith.select %eq3A_9, %get3A_7, %broadcast_in_dim3A : vector<16xi1>, vector<16xi32>
    %reduce_max3A = arith.constant true
    %reduce_max3A_10 = vector.broadcast %reduce_max3A : i1 to vector<16xi1>
    %reduce_max3A_11 = arith.constant -2147483648 : i32
    %reduce_max3A_12 = vector.broadcast %reduce_max3A_11 : i32 to vector<16xi32>
    %reduce_max3A_13 = arith.xori %select_n3A, %reduce_max3A_12 : vector<16xi32>
    %reduce_max3A_14 = tpu.scan <max>, %reduce_max3A_13 masked %reduce_max3A_10 : vector<16xi32>, vector<16xi1> -> vector<16xi32>
    %reduce_max3A_15 = arith.xori %reduce_max3A_14, %reduce_max3A_12 : vector<16xi32>
    %reduce_max3A_16 = vector.extract %reduce_max3A_15[15] : i32 from vector<16xi32>
    %dma_start3A = arith.constant 0 : i32
    %dma_start3A_17 = arith.constant 0 : i32
    %dma_start3A_18 = arith.constant 0 : i32
    %dma_start3A_19 = tpu.memref_slice %arg6[%dma_start3A, %dma_start3A_17, %dma_start3A_18] : memref<2x32x64xf32, #tpu.memory_space<vmem>> -> memref<1x1x64xf32, #tpu.memory_space<vmem>>
    %dma_start3A_20 = tpu.memref_squeeze %dma_start3A_19 : memref<1x1x64xf32, #tpu.memory_space<vmem>> -> memref<64xf32, #tpu.memory_space<vmem>>
    %dma_start3A_21 = arith.constant 0 : i32
    %dma_start3A_22 = tpu.memref_slice %arg2[%reduce_max3A_16, %dma_start3A_21] : memref<1000000x64xf32, #tpu.memory_space<hbm>> -> memref<1x64xf32, #tpu.memory_space<hbm>>
    %dma_start3A_23 = tpu.memref_squeeze %dma_start3A_22 : memref<1x64xf32, #tpu.memory_space<hbm>> -> memref<64xf32, #tpu.memory_space<hbm>>
    %dma_start3A_24 = arith.constant 0 : i32
    %dma_start3A_25 = tpu.memref_slice %arg6[%dma_start3A, %dma_start3A_17, %dma_start3A_24] : memref<2x32x64xf32, #tpu.memory_space<vmem>> -> memref<1x1x64xf32, #tpu.memory_space<vmem>>
    %dma_start3A_26 = tpu.memref_squeeze %dma_start3A_25 : memref<1x1x64xf32, #tpu.memory_space<vmem>> -> memref<64xf32, #tpu.memory_space<vmem>>
    %dma_start3A_27 = arith.constant 0 : i32
    %dma_start3A_28 = tpu.memref_slice %arg2[%reduce_max3A_16, %dma_start3A_27] : memref<1000000x64xf32, #tpu.memory_space<hbm>> -> memref<1x64xf32, #tpu.memory_space<hbm>>
    %dma_start3A_29 = tpu.memref_squeeze %dma_start3A_28 : memref<1x64xf32, #tpu.memory_space<hbm>> -> memref<64xf32, #tpu.memory_space<hbm>>
    tpu.enqueue_dma source(%dma_start3A_29 : memref<64xf32, #tpu.memory_space<hbm>>) target(%dma_start3A_26 : memref<64xf32, #tpu.memory_space<vmem>>) target_semaphore(%arg7 : memref<!tpu.dma_semaphore, #tpu.memory_space<semaphore_mem>>)
    %eq3A_30 = arith.constant 1 : i32
    %eq3A_31 = vector.broadcast %eq3A_30 : i32 to vector<16xi32>
    %eq3A_32 = arith.cmpi eq, %iota3A, %eq3A_31 : vector<16xi32>
    %jit3A_33 = arith.constant 0 : i32
    %broadcast_in_dim3A_34 = vector.broadcast %jit3A_33 : i32 to vector<16xi32>
    %select_n3A_35 = arith.select %eq3A_32, %get3A_7, %broadcast_in_dim3A_34 : vector<16xi1>, vector<16xi32>
    %reduce_max3A_36 = arith.constant true
    %reduce_max3A_37 = vector.broadcast %reduce_max3A_36 : i1 to vector<16xi1>
    %reduce_max3A_38 = arith.constant -2147483648 : i32
    %reduce_max3A_39 = vector.broadcast %reduce_max3A_38 : i32 to vector<16xi32>
    %reduce_max3A_40 = arith.xori %select_n3A_35, %reduce_max3A_39 : vector<16xi32>
    %reduce_max3A_41 = tpu.scan <max>, %reduce_max3A_40 masked %reduce_max3A_37 : vector<16xi32>, vector<16xi1> -> vector<16xi32>
    %reduce_max3A_42 = arith.xori %reduce_max3A_41, %reduce_max3A_39 : vector<16xi32>
    %reduce_max3A_43 = vector.extract %reduce_max3A_42[15] : i32 from vector<16xi32>
    %dma_start3A_44 = arith.constant 0 : i32
    %dma_start3A_45 = arith.constant 1 : i32
    %dma_start3A_46 = arith.constant 0 : i32
    %dma_start3A_47 = tpu.memref_slice %arg6[%dma_start3A_44, %dma_start3A_45, %dma_start3A_46] : memref<2x32x64xf32, #tpu.memory_space<vmem>> -> memref<1x1x64xf32, #tpu.memory_space<vmem>>
    %dma_start3A_48 = tpu.memref_squeeze %dma_start3A_47 : memref<1x1x64xf32, #tpu.memory_space<vmem>> -> memref<64xf32, #tpu.memory_space<vmem>>
    %dma_start3A_49 = arith.constant 0 : i32
    %dma_start3A_50 = tpu.memref_slice %arg2[%reduce_max3A_43, %dma_start3A_49] : memref<1000000x64xf32, #tpu.memory_space<hbm>> -> memref<1x64xf32, #tpu.memory_space<hbm>>
    %dma_start3A_51 = tpu.memref_squeeze %dma_start3A_50 : memref<1x64xf32, #tpu.memory_space<hbm>> -> memref<64xf32, #tpu.memory_space<hbm>>
    %dma_start3A_52 = arith.constant 0 : i32
    %dma_start3A_53 = tpu.memref_slice %arg6[%dma_start3A_44, %dma_start3A_45, %dma_start3A_52] : memref<2x32x64xf32, #tpu.memory_space<vmem>> -> memref<1x1x64xf32, #tpu.memory_space<vmem>>
    %dma_start3A_54 = tpu.memref_squeeze %dma_start3A_53 : memref<1x1x64xf32, #tpu.memory_space<vmem>> -> memref<64xf32, #tpu.memory_space<vmem>>
    %dma_start3A_55 = arith.constant 0 : i32
    %dma_start3A_56 = tpu.memref_slice %arg2[%reduce_max3A_43, %dma_start3A_55] : memref<1000000x64xf32, #tpu.memory_space<hbm>> -> memref<1x64xf32, #tpu.memory_space<hbm>>
    %dma_start3A_57 = tpu.memref_squeeze %dma_start3A_56 : memref<1x64xf32, #tpu.memory_space<hbm>> -> memref<64xf32, #tpu.memory_space<hbm>>
    tpu.enqueue_dma source(%dma_start3A_57 : memref<64xf32, #tpu.memory_space<hbm>>) target(%dma_start3A_54 : memref<64xf32, #tpu.memory_space<vmem>>) target_semaphore(%arg7 : memref<!tpu.dma_semaphore, #tpu.memory_space<semaphore_mem>>)
    %eq3A_58 = arith.constant 2 : i32
    %eq3A_59 = vector.broadcast %eq3A_58 : i32 to vector<16xi32>
    %eq3A_60 = arith.cmpi eq, %iota3A, %eq3A_59 : vector<16xi32>
    %jit3A_61 = arith.constant 0 : i32
    %broadcast_in_dim3A_62 = vector.broadcast %jit3A_61 : i32 to vector<16xi32>
    %select_n3A_63 = arith.select %eq3A_60, %get3A_7, %broadcast_in_dim3A_62 : vector<16xi1>, vector<16xi32>
    %reduce_max3A_64 = arith.constant true
    %reduce_max3A_65 = vector.broadcast %reduce_max3A_64 : i1 to vector<16xi1>
    %reduce_max3A_66 = arith.constant -2147483648 : i32
    %reduce_max3A_67 = vector.broadcast %reduce_max3A_66 : i32 to vector<16xi32>
    %reduce_max3A_68 = arith.xori %select_n3A_63, %reduce_max3A_67 : vector<16xi32>
    %reduce_max3A_69 = tpu.scan <max>, %reduce_max3A_68 masked %reduce_max3A_65 : vector<16xi32>, vector<16xi1> -> vector<16xi32>
    %reduce_max3A_70 = arith.xori %reduce_max3A_69, %reduce_max3A_67 : vector<16xi32>
    %reduce_max3A_71 = vector.extract %reduce_max3A_70[15] : i32 from vector<16xi32>
    %dma_start3A_72 = arith.constant 0 : i32
    %dma_start3A_73 = arith.constant 2 : i32
    %dma_start3A_74 = arith.constant 0 : i32
    %dma_start3A_75 = tpu.memref_slice %arg6[%dma_start3A_72, %dma_start3A_73, %dma_start3A_74] : memref<2x32x64xf32, #tpu.memory_space<vmem>> -> memref<1x1x64xf32, #tpu.memory_space<vmem>>
    %dma_start3A_76 = tpu.memref_squeeze %dma_start3A_75 : memref<1x1x64xf32, #tpu.memory_space<vmem>> -> memref<64xf32, #tpu.memory_space<vmem>>
    %dma_start3A_77 = arith.constant 0 : i32
    %dma_start3A_78 = tpu.memref_slice %arg2[%reduce_max3A_71, %dma_start3A_77] : memref<1000000x64xf32, #tpu.memory_space<hbm>> -> memref<1x64xf32, #tpu.memory_space<hbm>>
    %dma_start3A_79 = tpu.memref_squeeze %dma_start3A_78 : memref<1x64xf32, #tpu.memory_space<hbm>> -> memref<64xf32, #tpu.memory_space<hbm>>
    %dma_start3A_80 = arith.constant 0 : i32
    %dma_start3A_81 = tpu.memref_slice %arg6[%dma_start3A_72, %dma_start3A_73, %dma_start3A_80] : memref<2x32x64xf32, #tpu.memory_space<vmem>> -> memref<1x1x64xf32, #tpu.memory_space<vmem>>
    %dma_start3A_82 = tpu.memref_squeeze %dma_start3A_81 : memref<1x1x64xf32, #tpu.memory_space<vmem>> -> memref<64xf32, #tpu.memory_space<vmem>>
    %dma_start3A_83 = arith.constant 0 : i32
    %dma_start3A_84 = tpu.memref_slice %arg2[%reduce_max3A_71, %dma_start3A_83] : memref<1000000x64xf32, #tpu.memory_space<hbm>> -> memref<1x64xf32, #tpu.memory_space<hbm>>
    %dma_start3A_85 = tpu.memref_squeeze %dma_start3A_84 : memref<1x64xf32, #tpu.memory_space<hbm>> -> memref<64xf32, #tpu.memory_space<hbm>>
    tpu.enqueue_dma source(%dma_start3A_85 : memref<64xf32, #tpu.memory_space<hbm>>) target(%dma_start3A_82 : memref<64xf32, #tpu.memory_space<vmem>>) target_semaphore(%arg7 : memref<!tpu.dma_semaphore, #tpu.memory_space<semaphore_mem>>)
    %eq3A_86 = arith.constant 3 : i32
    %eq3A_87 = vector.broadcast %eq3A_86 : i32 to vector<16xi32>
    %eq3A_88 = arith.cmpi eq, %iota3A, %eq3A_87 : vector<16xi32>
    %jit3A_89 = arith.constant 0 : i32
    %broadcast_in_dim3A_90 = vector.broadcast %jit3A_89 : i32 to vector<16xi32>
    %select_n3A_91 = arith.select %eq3A_88, %get3A_7, %broadcast_in_dim3A_90 : vector<16xi1>, vector<16xi32>
    %reduce_max3A_92 = arith.constant true
    %reduce_max3A_93 = vector.broadcast %reduce_max3A_92 : i1 to vector<16xi1>
    %reduce_max3A_94 = arith.constant -2147483648 : i32
    %reduce_max3A_95 = vector.broadcast %reduce_max3A_94 : i32 to vector<16xi32>
    %reduce_max3A_96 = arith.xori %select_n3A_91, %reduce_max3A_95 : vector<16xi32>
    %reduce_max3A_97 = tpu.scan <max>, %reduce_max3A_96 masked %reduce_max3A_93 : vector<16xi32>, vector<16xi1> -> vector<16xi32>
    %reduce_max3A_98 = arith.xori %reduce_max3A_97, %reduce_max3A_95 : vector<16xi32>
    %reduce_max3A_99 = vector.extract %reduce_max3A_98[15] : i32 from vector<16xi32>
    %dma_start3A_100 = arith.constant 0 : i32
    %dma_start3A_101 = arith.constant 3 : i32
    %dma_start3A_102 = arith.constant 0 : i32
    %dma_start3A_103 = tpu.memref_slice %arg6[%dma_start3A_100, %dma_start3A_101, %dma_start3A_102] : memref<2x32x64xf32, #tpu.memory_space<vmem>> -> memref<1x1x64xf32, #tpu.memory_space<vmem>>
    %dma_start3A_104 = tpu.memref_squeeze %dma_start3A_103 : memref<1x1x64xf32, #tpu.memory_space<vmem>> -> memref<64xf32, #tpu.memory_space<vmem>>
    %dma_start3A_105 = arith.constant 0 : i32
    %dma_start3A_106 = tpu.memref_slice %arg2[%reduce_max3A_99, %dma_start3A_105] : memref<1000000x64xf32, #tpu.memory_space<hbm>> -> memref<1x64xf32, #tpu.memory_space<hbm>>
    %dma_start3A_107 = tpu.memref_squeeze %dma_start3A_106 : memref<1x64xf32, #tpu.memory_space<hbm>> -> memref<64xf32, #tpu.memory_space<hbm>>
    %dma_start3A_108 = arith.constant 0 : i32
    %dma_start3A_109 = tpu.memref_slice %arg6[%dma_start3A_100, %dma_start3A_101, %dma_start3A_108] : memref<2x32x64xf32, #tpu.memory_space<vmem>> -> memref<1x1x64xf32, #tpu.memory_space<vmem>>
    %dma_start3A_110 = tpu.memref_squeeze %dma_start3A_109 : memref<1x1x64xf32, #tpu.memory_space<vmem>> -> memref<64xf32, #tpu.memory_space<vmem>>
    %dma_start3A_111 = arith.constant 0 : i32
    %dma_start3A_112 = tpu.memref_slice %arg2[%reduce_max3A_99, %dma_start3A_111] : memref<1000000x64xf32, #tpu.memory_space<hbm>> -> memref<1x64xf32, #tpu.memory_space<hbm>>
    %dma_start3A_113 = tpu.memref_squeeze %dma_start3A_112 : memref<1x64xf32, #tpu.memory_space<hbm>> -> memref<64xf32, #tpu.memory_space<hbm>>
    tpu.enqueue_dma source(%dma_start3A_113 : memref<64xf32, #tpu.memory_space<hbm>>) target(%dma_start3A_110 : memref<64xf32, #tpu.memory_space<vmem>>) target_semaphore(%arg7 : memref<!tpu.dma_semaphore, #tpu.memory_space<semaphore_mem>>)
    %eq3A_114 = arith.constant 4 : i32
    %eq3A_115 = vector.broadcast %eq3A_114 : i32 to vector<16xi32>
    %eq3A_116 = arith.cmpi eq, %iota3A, %eq3A_115 : vector<16xi32>
    %jit3A_117 = arith.constant 0 : i32
    %broadcast_in_dim3A_118 = vector.broadcast %jit3A_117 : i32 to vector<16xi32>
    %select_n3A_119 = arith.select %eq3A_116, %get3A_7, %broadcast_in_dim3A_118 : vector<16xi1>, vector<16xi32>
    %reduce_max3A_120 = arith.constant true
    %reduce_max3A_121 = vector.broadcast %reduce_max3A_120 : i1 to vector<16xi1>
    %reduce_max3A_122 = arith.constant -2147483648 : i32
    %reduce_max3A_123 = vector.broadcast %reduce_max3A_122 : i32 to vector<16xi32>
    %reduce_max3A_124 = arith.xori %select_n3A_119, %reduce_max3A_123 : vector<16xi32>
    %reduce_max3A_125 = tpu.scan <max>, %reduce_max3A_124 masked %reduce_max3A_121 : vector<16xi32>, vector<16xi1> -> vector<16xi32>
    %reduce_max3A_126 = arith.xori %reduce_max3A_125, %reduce_max3A_123 : vector<16xi32>
    %reduce_max3A_127 = vector.extract %reduce_max3A_126[15] : i32 from vector<16xi32>
    %dma_start3A_128 = arith.constant 0 : i32
    %dma_start3A_129 = arith.constant 4 : i32
    %dma_start3A_130 = arith.constant 0 : i32
    %dma_start3A_131 = tpu.memref_slice %arg6[%dma_start3A_128, %dma_start3A_129, %dma_start3A_130] : memref<2x32x64xf32, #tpu.memory_space<vmem>> -> memref<1x1x64xf32, #tpu.memory_space<vmem>>
    %dma_start3A_132 = tpu.memref_squeeze %dma_start3A_131 : memref<1x1x64xf32, #tpu.memory_space<vmem>> -> memref<64xf32, #tpu.memory_space<vmem>>
    %dma_start3A_133 = arith.constant 0 : i32
    %dma_start3A_134 = tpu.memref_slice %arg2[%reduce_max3A_127, %dma_start3A_133] : memref<1000000x64xf32, #tpu.memory_space<hbm>> -> memref<1x64xf32, #tpu.memory_space<hbm>>
    %dma_start3A_135 = tpu.memref_squeeze %dma_start3A_134 : memref<1x64xf32, #tpu.memory_space<hbm>> -> memref<64xf32, #tpu.memory_space<hbm>>
    %dma_start3A_136 = arith.constant 0 : i32
    %dma_start3A_137 = tpu.memref_slice %arg6[%dma_start3A_128, %dma_start3A_129, %dma_start3A_136] : memref<2x32x64xf32, #tpu.memory_space<vmem>> -> memref<1x1x64xf32, #tpu.memory_space<vmem>>
    %dma_start3A_138 = tpu.memref_squeeze %dma_start3A_137 : memref<1x1x64xf32, #tpu.memory_space<vmem>> -> memref<64xf32, #tpu.memory_space<vmem>>
    %dma_start3A_139 = arith.constant 0 : i32
    %dma_start3A_140 = tpu.memref_slice %arg2[%reduce_max3A_127, %dma_start3A_139] : memref<1000000x64xf32, #tpu.memory_space<hbm>> -> memref<1x64xf32, #tpu.memory_space<hbm>>
    %dma_start3A_141 = tpu.memref_squeeze %dma_start3A_140 : memref<1x64xf32, #tpu.memory_space<hbm>> -> memref<64xf32, #tpu.memory_space<hbm>>
    tpu.enqueue_dma source(%dma_start3A_141 : memref<64xf32, #tpu.memory_space<hbm>>) target(%dma_start3A_138 : memref<64xf32, #tpu.memory_space<vmem>>) target_semaphore(%arg7 : memref<!tpu.dma_semaphore, #tpu.memory_space<semaphore_mem>>)
    %eq3A_142 = arith.constant 5 : i32
    %eq3A_143 = vector.broadcast %eq3A_142 : i32 to vector<16xi32>
    %eq3A_144 = arith.cmpi eq, %iota3A, %eq3A_143 : vector<16xi32>
    %jit3A_145 = arith.constant 0 : i32
    %broadcast_in_dim3A_146 = vector.broadcast %jit3A_145 : i32 to vector<16xi32>
    %select_n3A_147 = arith.select %eq3A_144, %get3A_7, %broadcast_in_dim3A_146 : vector<16xi1>, vector<16xi32>
    %reduce_max3A_148 = arith.constant true
    %reduce_max3A_149 = vector.broadcast %reduce_max3A_148 : i1 to vector<16xi1>
    %reduce_max3A_150 = arith.constant -2147483648 : i32
    %reduce_max3A_151 = vector.broadcast %reduce_max3A_150 : i32 to vector<16xi32>
    %reduce_max3A_152 = arith.xori %select_n3A_147, %reduce_max3A_151 : vector<16xi32>
    %reduce_max3A_153 = tpu.scan <max>, %reduce_max3A_152 masked %reduce_max3A_149 : vector<16xi32>, vector<16xi1> -> vector<16xi32>
    %reduce_max3A_154 = arith.xori %reduce_max3A_153, %reduce_max3A_151 : vector<16xi32>
    %reduce_max3A_155 = vector.extract %reduce_max3A_154[15] : i32 from vector<16xi32>
    %dma_start3A_156 = arith.constant 0 : i32
    %dma_start3A_157 = arith.constant 5 : i32
    %dma_start3A_158 = arith.constant 0 : i32
    %dma_start3A_159 = tpu.memref_slice %arg6[%dma_start3A_156, %dma_start3A_157, %dma_start3A_158] : memref<2x32x64xf32, #tpu.memory_space<vmem>> -> memref<1x1x64xf32, #tpu.memory_space<vmem>>
    %dma_start3A_160 = tpu.memref_squeeze %dma_start3A_159 : memref<1x1x64xf32, #tpu.memory_space<vmem>> -> memref<64xf32, #tpu.memory_space<vmem>>
    %dma_start3A_161 = arith.constant 0 : i32
    %dma_start3A_162 = tpu.memref_slice %arg2[%reduce_max3A_155, %dma_start3A_161] : memref<1000000x64xf32, #tpu.memory_space<hbm>> -> memref<1x64xf32, #tpu.memory_space<hbm>>
    %dma_start3A_163 = tpu.memref_squeeze %dma_start3A_162 : memref<1x64xf32, #tpu.memory_space<hbm>> -> memref<64xf32, #tpu.memory_space<hbm>>
    %dma_start3A_164 = arith.constant 0 : i32
    %dma_start3A_165 = tpu.memref_slice %arg6[%dma_start3A_156, %dma_start3A_157, %dma_start3A_164] : memref<2x32x64xf32, #tpu.memory_space<vmem>> -> memref<1x1x64xf32, #tpu.memory_space<vmem>>
    %dma_start3A_166 = tpu.memref_squeeze %dma_start3A_165 : memref<1x1x64xf32, #tpu.memory_space<vmem>> -> memref<64xf32, #tpu.memory_space<vmem>>
    %dma_start3A_167 = arith.constant 0 : i32
    %dma_start3A_168 = tpu.memref_slice %arg2[%reduce_max3A_155, %dma_start3A_167] : memref<1000000x64xf32, #tpu.memory_space<hbm>> -> memref<1x64xf32, #tpu.memory_space<hbm>>
    %dma_start3A_169 = tpu.memref_squeeze %dma_start3A_168 : memref<1x64xf32, #tpu.memory_space<hbm>> -> memref<64xf32, #tpu.memory_space<hbm>>
    tpu.enqueue_dma source(%dma_start3A_169 : memref<64xf32, #tpu.memory_space<hbm>>) target(%dma_start3A_166 : memref<64xf32, #tpu.memory_space<vmem>>) target_semaphore(%arg7 : memref<!tpu.dma_semaphore, #tpu.memory_space<semaphore_mem>>)
    %eq3A_170 = arith.constant 6 : i32
    %eq3A_171 = vector.broadcast %eq3A_170 : i32 to vector<16xi32>
    %eq3A_172 = arith.cmpi eq, %iota3A, %eq3A_171 : vector<16xi32>
    %jit3A_173 = arith.constant 0 : i32
    %broadcast_in_dim3A_174 = vector.broadcast %jit3A_173 : i32 to vector<16xi32>
    %select_n3A_175 = arith.select %eq3A_172, %get3A_7, %broadcast_in_dim3A_174 : vector<16xi1>, vector<16xi32>
    %reduce_max3A_176 = arith.constant true
    %reduce_max3A_177 = vector.broadcast %reduce_max3A_176 : i1 to vector<16xi1>
    %reduce_max3A_178 = arith.constant -2147483648 : i32
    %reduce_max3A_179 = vector.broadcast %reduce_max3A_178 : i32 to vector<16xi32>
    %reduce_max3A_180 = arith.xori %select_n3A_175, %reduce_max3A_179 : vector<16xi32>
    %reduce_max3A_181 = tpu.scan <max>, %reduce_max3A_180 masked %reduce_max3A_177 : vector<16xi32>, vector<16xi1> -> vector<16xi32>
    %reduce_max3A_182 = arith.xori %reduce_max3A_181, %reduce_max3A_179 : vector<16xi32>
    %reduce_max3A_183 = vector.extract %reduce_max3A_182[15] : i32 from vector<16xi32>
    %dma_start3A_184 = arith.constant 0 : i32
    %dma_start3A_185 = arith.constant 6 : i32
    %dma_start3A_186 = arith.constant 0 : i32
    %dma_start3A_187 = tpu.memref_slice %arg6[%dma_start3A_184, %dma_start3A_185, %dma_start3A_186] : memref<2x32x64xf32, #tpu.memory_space<vmem>> -> memref<1x1x64xf32, #tpu.memory_space<vmem>>
    %dma_start3A_188 = tpu.memref_squeeze %dma_start3A_187 : memref<1x1x64xf32, #tpu.memory_space<vmem>> -> memref<64xf32, #tpu.memory_space<vmem>>
    %dma_start3A_189 = arith.constant 0 : i32
    %dma_start3A_190 = tpu.memref_slice %arg2[%reduce_max3A_183, %dma_start3A_189] : memref<1000000x64xf32, #tpu.memory_space<hbm>> -> memref<1x64xf32, #tpu.memory_space<hbm>>
    %dma_start3A_191 = tpu.memref_squeeze %dma_start3A_190 : memref<1x64xf32, #tpu.memory_space<hbm>> -> memref<64xf32, #tpu.memory_space<hbm>>
    %dma_start3A_192 = arith.constant 0 : i32
    %dma_start3A_193 = tpu.memref_slice %arg6[%dma_start3A_184, %dma_start3A_185, %dma_start3A_192] : memref<2x32x64xf32, #tpu.memory_space<vmem>> -> memref<1x1x64xf32, #tpu.memory_space<vmem>>
    %dma_start3A_194 = tpu.memref_squeeze %dma_start3A_193 : memref<1x1x64xf32, #tpu.memory_space<vmem>> -> memref<64xf32, #tpu.memory_space<vmem>>
    %dma_start3A_195 = arith.constant 0 : i32
    %dma_start3A_196 = tpu.memref_slice %arg2[%reduce_max3A_183, %dma_start3A_195] : memref<1000000x64xf32, #tpu.memory_space<hbm>> -> memref<1x64xf32, #tpu.memory_space<hbm>>
    %dma_start3A_197 = tpu.memref_squeeze %dma_start3A_196 : memref<1x64xf32, #tpu.memory_space<hbm>> -> memref<64xf32, #tpu.memory_space<hbm>>
    tpu.enqueue_dma source(%dma_start3A_197 : memref<64xf32, #tpu.memory_space<hbm>>) target(%dma_start3A_194 : memref<64xf32, #tpu.memory_space<vmem>>) target_semaphore(%arg7 : memref<!tpu.dma_semaphore, #tpu.memory_space<semaphore_mem>>)
    %eq3A_198 = arith.constant 7 : i32
    %eq3A_199 = vector.broadcast %eq3A_198 : i32 to vector<16xi32>
    %eq3A_200 = arith.cmpi eq, %iota3A, %eq3A_199 : vector<16xi32>
    %jit3A_201 = arith.constant 0 : i32
    %broadcast_in_dim3A_202 = vector.broadcast %jit3A_201 : i32 to vector<16xi32>
    %select_n3A_203 = arith.select %eq3A_200, %get3A_7, %broadcast_in_dim3A_202 : vector<16xi1>, vector<16xi32>
    %reduce_max3A_204 = arith.constant true
    %reduce_max3A_205 = vector.broadcast %reduce_max3A_204 : i1 to vector<16xi1>
    %reduce_max3A_206 = arith.constant -2147483648 : i32
    %reduce_max3A_207 = vector.broadcast %reduce_max3A_206 : i32 to vector<16xi32>
    %reduce_max3A_208 = arith.xori %select_n3A_203, %reduce_max3A_207 : vector<16xi32>
    %reduce_max3A_209 = tpu.scan <max>, %reduce_max3A_208 masked %reduce_max3A_205 : vector<16xi32>, vector<16xi1> -> vector<16xi32>
    %reduce_max3A_210 = arith.xori %reduce_max3A_209, %reduce_max3A_207 : vector<16xi32>
    %reduce_max3A_211 = vector.extract %reduce_max3A_210[15] : i32 from vector<16xi32>
    %dma_start3A_212 = arith.constant 0 : i32
    %dma_start3A_213 = arith.constant 7 : i32
    %dma_start3A_214 = arith.constant 0 : i32
    %dma_start3A_215 = tpu.memref_slice %arg6[%dma_start3A_212, %dma_start3A_213, %dma_start3A_214] : memref<2x32x64xf32, #tpu.memory_space<vmem>> -> memref<1x1x64xf32, #tpu.memory_space<vmem>>
    %dma_start3A_216 = tpu.memref_squeeze %dma_start3A_215 : memref<1x1x64xf32, #tpu.memory_space<vmem>> -> memref<64xf32, #tpu.memory_space<vmem>>
    %dma_start3A_217 = arith.constant 0 : i32
    %dma_start3A_218 = tpu.memref_slice %arg2[%reduce_max3A_211, %dma_start3A_217] : memref<1000000x64xf32, #tpu.memory_space<hbm>> -> memref<1x64xf32, #tpu.memory_space<hbm>>
    %dma_start3A_219 = tpu.memref_squeeze %dma_start3A_218 : memref<1x64xf32, #tpu.memory_space<hbm>> -> memref<64xf32, #tpu.memory_space<hbm>>
    %dma_start3A_220 = arith.constant 0 : i32
    %dma_start3A_221 = tpu.memref_slice %arg6[%dma_start3A_212, %dma_start3A_213, %dma_start3A_220] : memref<2x32x64xf32, #tpu.memory_space<vmem>> -> memref<1x1x64xf32, #tpu.memory_space<vmem>>
    %dma_start3A_222 = tpu.memref_squeeze %dma_start3A_221 : memref<1x1x64xf32, #tpu.memory_space<vmem>> -> memref<64xf32, #tpu.memory_space<vmem>>
    %dma_start3A_223 = arith.constant 0 : i32
    %dma_start3A_224 = tpu.memref_slice %arg2[%reduce_max3A_211, %dma_start3A_223] : memref<1000000x64xf32, #tpu.memory_space<hbm>> -> memref<1x64xf32, #tpu.memory_space<hbm>>
    %dma_start3A_225 = tpu.memref_squeeze %dma_start3A_224 : memref<1x64xf32, #tpu.memory_space<hbm>> -> memref<64xf32, #tpu.memory_space<hbm>>
    tpu.enqueue_dma source(%dma_start3A_225 : memref<64xf32, #tpu.memory_space<hbm>>) target(%dma_start3A_222 : memref<64xf32, #tpu.memory_space<vmem>>) target_semaphore(%arg7 : memref<!tpu.dma_semaphore, #tpu.memory_space<semaphore_mem>>)
    %eq3A_226 = arith.constant 8 : i32
    %eq3A_227 = vector.broadcast %eq3A_226 : i32 to vector<16xi32>
    %eq3A_228 = arith.cmpi eq, %iota3A, %eq3A_227 : vector<16xi32>
    %jit3A_229 = arith.constant 0 : i32
    %broadcast_in_dim3A_230 = vector.broadcast %jit3A_229 : i32 to vector<16xi32>
    %select_n3A_231 = arith.select %eq3A_228, %get3A_7, %broadcast_in_dim3A_230 : vector<16xi1>, vector<16xi32>
    %reduce_max3A_232 = arith.constant true
    %reduce_max3A_233 = vector.broadcast %reduce_max3A_232 : i1 to vector<16xi1>
    %reduce_max3A_234 = arith.constant -2147483648 : i32
    %reduce_max3A_235 = vector.broadcast %reduce_max3A_234 : i32 to vector<16xi32>
    %reduce_max3A_236 = arith.xori %select_n3A_231, %reduce_max3A_235 : vector<16xi32>
    %reduce_max3A_237 = tpu.scan <max>, %reduce_max3A_236 masked %reduce_max3A_233 : vector<16xi32>, vector<16xi1> -> vector<16xi32>
    %reduce_max3A_238 = arith.xori %reduce_max3A_237, %reduce_max3A_235 : vector<16xi32>
    %reduce_max3A_239 = vector.extract %reduce_max3A_238[15] : i32 from vector<16xi32>
    %dma_start3A_240 = arith.constant 0 : i32
    %dma_start3A_241 = arith.constant 8 : i32
    %dma_start3A_242 = arith.constant 0 : i32
    %dma_start3A_243 = tpu.memref_slice %arg6[%dma_start3A_240, %dma_start3A_241, %dma_start3A_242] : memref<2x32x64xf32, #tpu.memory_space<vmem>> -> memref<1x1x64xf32, #tpu.memory_space<vmem>>
    %dma_start3A_244 = tpu.memref_squeeze %dma_start3A_243 : memref<1x1x64xf32, #tpu.memory_space<vmem>> -> memref<64xf32, #tpu.memory_space<vmem>>
    %dma_start3A_245 = arith.constant 0 : i32
    %dma_start3A_246 = tpu.memref_slice %arg2[%reduce_max3A_239, %dma_start3A_245] : memref<1000000x64xf32, #tpu.memory_space<hbm>> -> memref<1x64xf32, #tpu.memory_space<hbm>>
    %dma_start3A_247 = tpu.memref_squeeze %dma_start3A_246 : memref<1x64xf32, #tpu.memory_space<hbm>> -> memref<64xf32, #tpu.memory_space<hbm>>
    %dma_start3A_248 = arith.constant 0 : i32
    %dma_start3A_249 = tpu.memref_slice %arg6[%dma_start3A_240, %dma_start3A_241, %dma_start3A_248] : memref<2x32x64xf32, #tpu.memory_space<vmem>> -> memref<1x1x64xf32, #tpu.memory_space<vmem>>
    %dma_start3A_250 = tpu.memref_squeeze %dma_start3A_249 : memref<1x1x64xf32, #tpu.memory_space<vmem>> -> memref<64xf32, #tpu.memory_space<vmem>>
    %dma_start3A_251 = arith.constant 0 : i32
    %dma_start3A_252 = tpu.memref_slice %arg2[%reduce_max3A_239, %dma_start3A_251] : memref<1000000x64xf32, #tpu.memory_space<hbm>> -> memref<1x64xf32, #tpu.memory_space<hbm>>
    %dma_start3A_253 = tpu.memref_squeeze %dma_start3A_252 : memref<1x64xf32, #tpu.memory_space<hbm>> -> memref<64xf32, #tpu.memory_space<hbm>>
    tpu.enqueue_dma source(%dma_start3A_253 : memref<64xf32, #tpu.memory_space<hbm>>) target(%dma_start3A_250 : memref<64xf32, #tpu.memory_space<vmem>>) target_semaphore(%arg7 : memref<!tpu.dma_semaphore, #tpu.memory_space<semaphore_mem>>)
    %eq3A_254 = arith.constant 9 : i32
    %eq3A_255 = vector.broadcast %eq3A_254 : i32 to vector<16xi32>
    %eq3A_256 = arith.cmpi eq, %iota3A, %eq3A_255 : vector<16xi32>
    %jit3A_257 = arith.constant 0 : i32
    %broadcast_in_dim3A_258 = vector.broadcast %jit3A_257 : i32 to vector<16xi32>
    %select_n3A_259 = arith.select %eq3A_256, %get3A_7, %broadcast_in_dim3A_258 : vector<16xi1>, vector<16xi32>
    %reduce_max3A_260 = arith.constant true
    %reduce_max3A_261 = vector.broadcast %reduce_max3A_260 : i1 to vector<16xi1>
    %reduce_max3A_262 = arith.constant -2147483648 : i32
    %reduce_max3A_263 = vector.broadcast %reduce_max3A_262 : i32 to vector<16xi32>
    %reduce_max3A_264 = arith.xori %select_n3A_259, %reduce_max3A_263 : vector<16xi32>
    %reduce_max3A_265 = tpu.scan <max>, %reduce_max3A_264 masked %reduce_max3A_261 : vector<16xi32>, vector<16xi1> -> vector<16xi32>
    %reduce_max3A_266 = arith.xori %reduce_max3A_265, %reduce_max3A_263 : vector<16xi32>
    %reduce_max3A_267 = vector.extract %reduce_max3A_266[15] : i32 from vector<16xi32>
    %dma_start3A_268 = arith.constant 0 : i32
    %dma_start3A_269 = arith.constant 9 : i32
    %dma_start3A_270 = arith.constant 0 : i32
    %dma_start3A_271 = tpu.memref_slice %arg6[%dma_start3A_268, %dma_start3A_269, %dma_start3A_270] : memref<2x32x64xf32, #tpu.memory_space<vmem>> -> memref<1x1x64xf32, #tpu.memory_space<vmem>>
    %dma_start3A_272 = tpu.memref_squeeze %dma_start3A_271 : memref<1x1x64xf32, #tpu.memory_space<vmem>> -> memref<64xf32, #tpu.memory_space<vmem>>
    %dma_start3A_273 = arith.constant 0 : i32
    %dma_start3A_274 = tpu.memref_slice %arg2[%reduce_max3A_267, %dma_start3A_273] : memref<1000000x64xf32, #tpu.memory_space<hbm>> -> memref<1x64xf32, #tpu.memory_space<hbm>>
    %dma_start3A_275 = tpu.memref_squeeze %dma_start3A_274 : memref<1x64xf32, #tpu.memory_space<hbm>> -> memref<64xf32, #tpu.memory_space<hbm>>
    %dma_start3A_276 = arith.constant 0 : i32
    %dma_start3A_277 = tpu.memref_slice %arg6[%dma_start3A_268, %dma_start3A_269, %dma_start3A_276] : memref<2x32x64xf32, #tpu.memory_space<vmem>> -> memref<1x1x64xf32, #tpu.memory_space<vmem>>
    %dma_start3A_278 = tpu.memref_squeeze %dma_start3A_277 : memref<1x1x64xf32, #tpu.memory_space<vmem>> -> memref<64xf32, #tpu.memory_space<vmem>>
    %dma_start3A_279 = arith.constant 0 : i32
    %dma_start3A_280 = tpu.memref_slice %arg2[%reduce_max3A_267, %dma_start3A_279] : memref<1000000x64xf32, #tpu.memory_space<hbm>> -> memref<1x64xf32, #tpu.memory_space<hbm>>
    %dma_start3A_281 = tpu.memref_squeeze %dma_start3A_280 : memref<1x64xf32, #tpu.memory_space<hbm>> -> memref<64xf32, #tpu.memory_space<hbm>>
    tpu.enqueue_dma source(%dma_start3A_281 : memref<64xf32, #tpu.memory_space<hbm>>) target(%dma_start3A_278 : memref<64xf32, #tpu.memory_space<vmem>>) target_semaphore(%arg7 : memref<!tpu.dma_semaphore, #tpu.memory_space<semaphore_mem>>)
    %eq3A_282 = arith.constant 10 : i32
    %eq3A_283 = vector.broadcast %eq3A_282 : i32 to vector<16xi32>
    %eq3A_284 = arith.cmpi eq, %iota3A, %eq3A_283 : vector<16xi32>
    %jit3A_285 = arith.constant 0 : i32
    %broadcast_in_dim3A_286 = vector.broadcast %jit3A_285 : i32 to vector<16xi32>
    %select_n3A_287 = arith.select %eq3A_284, %get3A_7, %broadcast_in_dim3A_286 : vector<16xi1>, vector<16xi32>
    %reduce_max3A_288 = arith.constant true
    %reduce_max3A_289 = vector.broadcast %reduce_max3A_288 : i1 to vector<16xi1>
    %reduce_max3A_290 = arith.constant -2147483648 : i32
    %reduce_max3A_291 = vector.broadcast %reduce_max3A_290 : i32 to vector<16xi32>
    %reduce_max3A_292 = arith.xori %select_n3A_287, %reduce_max3A_291 : vector<16xi32>
    %reduce_max3A_293 = tpu.scan <max>, %reduce_max3A_292 masked %reduce_max3A_289 : vector<16xi32>, vector<16xi1> -> vector<16xi32>
    %reduce_max3A_294 = arith.xori %reduce_max3A_293, %reduce_max3A_291 : vector<16xi32>
    %reduce_max3A_295 = vector.extract %reduce_max3A_294[15] : i32 from vector<16xi32>
    %dma_start3A_296 = arith.constant 0 : i32
    %dma_start3A_297 = arith.constant 10 : i32
    %dma_start3A_298 = arith.constant 0 : i32
    %dma_start3A_299 = tpu.memref_slice %arg6[%dma_start3A_296, %dma_start3A_297, %dma_start3A_298] : memref<2x32x64xf32, #tpu.memory_space<vmem>> -> memref<1x1x64xf32, #tpu.memory_space<vmem>>
    %dma_start3A_300 = tpu.memref_squeeze %dma_start3A_299 : memref<1x1x64xf32, #tpu.memory_space<vmem>> -> memref<64xf32, #tpu.memory_space<vmem>>
    %dma_start3A_301 = arith.constant 0 : i32
    %dma_start3A_302 = tpu.memref_slice %arg2[%reduce_max3A_295, %dma_start3A_301] : memref<1000000x64xf32, #tpu.memory_space<hbm>> -> memref<1x64xf32, #tpu.memory_space<hbm>>
    %dma_start3A_303 = tpu.memref_squeeze %dma_start3A_302 : memref<1x64xf32, #tpu.memory_space<hbm>> -> memref<64xf32, #tpu.memory_space<hbm>>
    %dma_start3A_304 = arith.constant 0 : i32
    %dma_start3A_305 = tpu.memref_slice %arg6[%dma_start3A_296, %dma_start3A_297, %dma_start3A_304] : memref<2x32x64xf32, #tpu.memory_space<vmem>> -> memref<1x1x64xf32, #tpu.memory_space<vmem>>
    %dma_start3A_306 = tpu.memref_squeeze %dma_start3A_305 : memref<1x1x64xf32, #tpu.memory_space<vmem>> -> memref<64xf32, #tpu.memory_space<vmem>>
    %dma_start3A_307 = arith.constant 0 : i32
    %dma_start3A_308 = tpu.memref_slice %arg2[%reduce_max3A_295, %dma_start3A_307] : memref<1000000x64xf32, #tpu.memory_space<hbm>> -> memref<1x64xf32, #tpu.memory_space<hbm>>
    %dma_start3A_309 = tpu.memref_squeeze %dma_start3A_308 : memref<1x64xf32, #tpu.memory_space<hbm>> -> memref<64xf32, #tpu.memory_space<hbm>>
    tpu.enqueue_dma source(%dma_start3A_309 : memref<64xf32, #tpu.memory_space<hbm>>) target(%dma_start3A_306 : memref<64xf32, #tpu.memory_space<vmem>>) target_semaphore(%arg7 : memref<!tpu.dma_semaphore, #tpu.memory_space<semaphore_mem>>)
    %eq3A_310 = arith.constant 11 : i32
    %eq3A_311 = vector.broadcast %eq3A_310 : i32 to vector<16xi32>
    %eq3A_312 = arith.cmpi eq, %iota3A, %eq3A_311 : vector<16xi32>
    %jit3A_313 = arith.constant 0 : i32
    %broadcast_in_dim3A_314 = vector.broadcast %jit3A_313 : i32 to vector<16xi32>
    %select_n3A_315 = arith.select %eq3A_312, %get3A_7, %broadcast_in_dim3A_314 : vector<16xi1>, vector<16xi32>
    %reduce_max3A_316 = arith.constant true
    %reduce_max3A_317 = vector.broadcast %reduce_max3A_316 : i1 to vector<16xi1>
    %reduce_max3A_318 = arith.constant -2147483648 : i32
    %reduce_max3A_319 = vector.broadcast %reduce_max3A_318 : i32 to vector<16xi32>
    %reduce_max3A_320 = arith.xori %select_n3A_315, %reduce_max3A_319 : vector<16xi32>
    %reduce_max3A_321 = tpu.scan <max>, %reduce_max3A_320 masked %reduce_max3A_317 : vector<16xi32>, vector<16xi1> -> vector<16xi32>
    %reduce_max3A_322 = arith.xori %reduce_max3A_321, %reduce_max3A_319 : vector<16xi32>
    %reduce_max3A_323 = vector.extract %reduce_max3A_322[15] : i32 from vector<16xi32>
    %dma_start3A_324 = arith.constant 0 : i32
    %dma_start3A_325 = arith.constant 11 : i32
    %dma_start3A_326 = arith.constant 0 : i32
    %dma_start3A_327 = tpu.memref_slice %arg6[%dma_start3A_324, %dma_start3A_325, %dma_start3A_326] : memref<2x32x64xf32, #tpu.memory_space<vmem>> -> memref<1x1x64xf32, #tpu.memory_space<vmem>>
    %dma_start3A_328 = tpu.memref_squeeze %dma_start3A_327 : memref<1x1x64xf32, #tpu.memory_space<vmem>> -> memref<64xf32, #tpu.memory_space<vmem>>
    %dma_start3A_329 = arith.constant 0 : i32
    %dma_start3A_330 = tpu.memref_slice %arg2[%reduce_max3A_323, %dma_start3A_329] : memref<1000000x64xf32, #tpu.memory_space<hbm>> -> memref<1x64xf32, #tpu.memory_space<hbm>>
    %dma_start3A_331 = tpu.memref_squeeze %dma_start3A_330 : memref<1x64xf32, #tpu.memory_space<hbm>> -> memref<64xf32, #tpu.memory_space<hbm>>
    %dma_start3A_332 = arith.constant 0 : i32
    %dma_start3A_333 = tpu.memref_slice %arg6[%dma_start3A_324, %dma_start3A_325, %dma_start3A_332] : memref<2x32x64xf32, #tpu.memory_space<vmem>> -> memref<1x1x64xf32, #tpu.memory_space<vmem>>
    %dma_start3A_334 = tpu.memref_squeeze %dma_start3A_333 : memref<1x1x64xf32, #tpu.memory_space<vmem>> -> memref<64xf32, #tpu.memory_space<vmem>>
    %dma_start3A_335 = arith.constant 0 : i32
    %dma_start3A_336 = tpu.memref_slice %arg2[%reduce_max3A_323, %dma_start3A_335] : memref<1000000x64xf32, #tpu.memory_space<hbm>> -> memref<1x64xf32, #tpu.memory_space<hbm>>
    %dma_start3A_337 = tpu.memref_squeeze %dma_start3A_336 : memref<1x64xf32, #tpu.memory_space<hbm>> -> memref<64xf32, #tpu.memory_space<hbm>>
    tpu.enqueue_dma source(%dma_start3A_337 : memref<64xf32, #tpu.memory_space<hbm>>) target(%dma_start3A_334 : memref<64xf32, #tpu.memory_space<vmem>>) target_semaphore(%arg7 : memref<!tpu.dma_semaphore, #tpu.memory_space<semaphore_mem>>)
    %eq3A_338 = arith.constant 12 : i32
    %eq3A_339 = vector.broadcast %eq3A_338 : i32 to vector<16xi32>
    %eq3A_340 = arith.cmpi eq, %iota3A, %eq3A_339 : vector<16xi32>
    %jit3A_341 = arith.constant 0 : i32
    %broadcast_in_dim3A_342 = vector.broadcast %jit3A_341 : i32 to vector<16xi32>
    %select_n3A_343 = arith.select %eq3A_340, %get3A_7, %broadcast_in_dim3A_342 : vector<16xi1>, vector<16xi32>
    %reduce_max3A_344 = arith.constant true
    %reduce_max3A_345 = vector.broadcast %reduce_max3A_344 : i1 to vector<16xi1>
    %reduce_max3A_346 = arith.constant -2147483648 : i32
    %reduce_max3A_347 = vector.broadcast %reduce_max3A_346 : i32 to vector<16xi32>
    %reduce_max3A_348 = arith.xori %select_n3A_343, %reduce_max3A_347 : vector<16xi32>
    %reduce_max3A_349 = tpu.scan <max>, %reduce_max3A_348 masked %reduce_max3A_345 : vector<16xi32>, vector<16xi1> -> vector<16xi32>
    %reduce_max3A_350 = arith.xori %reduce_max3A_349, %reduce_max3A_347 : vector<16xi32>
    %reduce_max3A_351 = vector.extract %reduce_max3A_350[15] : i32 from vector<16xi32>
    %dma_start3A_352 = arith.constant 0 : i32
    %dma_start3A_353 = arith.constant 12 : i32
    %dma_start3A_354 = arith.constant 0 : i32
    %dma_start3A_355 = tpu.memref_slice %arg6[%dma_start3A_352, %dma_start3A_353, %dma_start3A_354] : memref<2x32x64xf32, #tpu.memory_space<vmem>> -> memref<1x1x64xf32, #tpu.memory_space<vmem>>
    %dma_start3A_356 = tpu.memref_squeeze %dma_start3A_355 : memref<1x1x64xf32, #tpu.memory_space<vmem>> -> memref<64xf32, #tpu.memory_space<vmem>>
    %dma_start3A_357 = arith.constant 0 : i32
    %dma_start3A_358 = tpu.memref_slice %arg2[%reduce_max3A_351, %dma_start3A_357] : memref<1000000x64xf32, #tpu.memory_space<hbm>> -> memref<1x64xf32, #tpu.memory_space<hbm>>
    %dma_start3A_359 = tpu.memref_squeeze %dma_start3A_358 : memref<1x64xf32, #tpu.memory_space<hbm>> -> memref<64xf32, #tpu.memory_space<hbm>>
    %dma_start3A_360 = arith.constant 0 : i32
    %dma_start3A_361 = tpu.memref_slice %arg6[%dma_start3A_352, %dma_start3A_353, %dma_start3A_360] : memref<2x32x64xf32, #tpu.memory_space<vmem>> -> memref<1x1x64xf32, #tpu.memory_space<vmem>>
    %dma_start3A_362 = tpu.memref_squeeze %dma_start3A_361 : memref<1x1x64xf32, #tpu.memory_space<vmem>> -> memref<64xf32, #tpu.memory_space<vmem>>
    %dma_start3A_363 = arith.constant 0 : i32
    %dma_start3A_364 = tpu.memref_slice %arg2[%reduce_max3A_351, %dma_start3A_363] : memref<1000000x64xf32, #tpu.memory_space<hbm>> -> memref<1x64xf32, #tpu.memory_space<hbm>>
    %dma_start3A_365 = tpu.memref_squeeze %dma_start3A_364 : memref<1x64xf32, #tpu.memory_space<hbm>> -> memref<64xf32, #tpu.memory_space<hbm>>
    tpu.enqueue_dma source(%dma_start3A_365 : memref<64xf32, #tpu.memory_space<hbm>>) target(%dma_start3A_362 : memref<64xf32, #tpu.memory_space<vmem>>) target_semaphore(%arg7 : memref<!tpu.dma_semaphore, #tpu.memory_space<semaphore_mem>>)
    %eq3A_366 = arith.constant 13 : i32
    %eq3A_367 = vector.broadcast %eq3A_366 : i32 to vector<16xi32>
    %eq3A_368 = arith.cmpi eq, %iota3A, %eq3A_367 : vector<16xi32>
    %jit3A_369 = arith.constant 0 : i32
    %broadcast_in_dim3A_370 = vector.broadcast %jit3A_369 : i32 to vector<16xi32>
    %select_n3A_371 = arith.select %eq3A_368, %get3A_7, %broadcast_in_dim3A_370 : vector<16xi1>, vector<16xi32>
    %reduce_max3A_372 = arith.constant true
    %reduce_max3A_373 = vector.broadcast %reduce_max3A_372 : i1 to vector<16xi1>
    %reduce_max3A_374 = arith.constant -2147483648 : i32
    %reduce_max3A_375 = vector.broadcast %reduce_max3A_374 : i32 to vector<16xi32>
    %reduce_max3A_376 = arith.xori %select_n3A_371, %reduce_max3A_375 : vector<16xi32>
    %reduce_max3A_377 = tpu.scan <max>, %reduce_max3A_376 masked %reduce_max3A_373 : vector<16xi32>, vector<16xi1> -> vector<16xi32>
    %reduce_max3A_378 = arith.xori %reduce_max3A_377, %reduce_max3A_375 : vector<16xi32>
    %reduce_max3A_379 = vector.extract %reduce_max3A_378[15] : i32 from vector<16xi32>
    %dma_start3A_380 = arith.constant 0 : i32
    %dma_start3A_381 = arith.constant 13 : i32
    %dma_start3A_382 = arith.constant 0 : i32
    %dma_start3A_383 = tpu.memref_slice %arg6[%dma_start3A_380, %dma_start3A_381, %dma_start3A_382] : memref<2x32x64xf32, #tpu.memory_space<vmem>> -> memref<1x1x64xf32, #tpu.memory_space<vmem>>
    %dma_start3A_384 = tpu.memref_squeeze %dma_start3A_383 : memref<1x1x64xf32, #tpu.memory_space<vmem>> -> memref<64xf32, #tpu.memory_space<vmem>>
    %dma_start3A_385 = arith.constant 0 : i32
    %dma_start3A_386 = tpu.memref_slice %arg2[%reduce_max3A_379, %dma_start3A_385] : memref<1000000x64xf32, #tpu.memory_space<hbm>> -> memref<1x64xf32, #tpu.memory_space<hbm>>
    %dma_start3A_387 = tpu.memref_squeeze %dma_start3A_386 : memref<1x64xf32, #tpu.memory_space<hbm>> -> memref<64xf32, #tpu.memory_space<hbm>>
    %dma_start3A_388 = arith.constant 0 : i32
    %dma_start3A_389 = tpu.memref_slice %arg6[%dma_start3A_380, %dma_start3A_381, %dma_start3A_388] : memref<2x32x64xf32, #tpu.memory_space<vmem>> -> memref<1x1x64xf32, #tpu.memory_space<vmem>>
    %dma_start3A_390 = tpu.memref_squeeze %dma_start3A_389 : memref<1x1x64xf32, #tpu.memory_space<vmem>> -> memref<64xf32, #tpu.memory_space<vmem>>
    %dma_start3A_391 = arith.constant 0 : i32
    %dma_start3A_392 = tpu.memref_slice %arg2[%reduce_max3A_379, %dma_start3A_391] : memref<1000000x64xf32, #tpu.memory_space<hbm>> -> memref<1x64xf32, #tpu.memory_space<hbm>>
    %dma_start3A_393 = tpu.memref_squeeze %dma_start3A_392 : memref<1x64xf32, #tpu.memory_space<hbm>> -> memref<64xf32, #tpu.memory_space<hbm>>
    tpu.enqueue_dma source(%dma_start3A_393 : memref<64xf32, #tpu.memory_space<hbm>>) target(%dma_start3A_390 : memref<64xf32, #tpu.memory_space<vmem>>) target_semaphore(%arg7 : memref<!tpu.dma_semaphore, #tpu.memory_space<semaphore_mem>>)
    %eq3A_394 = arith.constant 14 : i32
    %eq3A_395 = vector.broadcast %eq3A_394 : i32 to vector<16xi32>
    %eq3A_396 = arith.cmpi eq, %iota3A, %eq3A_395 : vector<16xi32>
    %jit3A_397 = arith.constant 0 : i32
    %broadcast_in_dim3A_398 = vector.broadcast %jit3A_397 : i32 to vector<16xi32>
    %select_n3A_399 = arith.select %eq3A_396, %get3A_7, %broadcast_in_dim3A_398 : vector<16xi1>, vector<16xi32>
    %reduce_max3A_400 = arith.constant true
    %reduce_max3A_401 = vector.broadcast %reduce_max3A_400 : i1 to vector<16xi1>
    %reduce_max3A_402 = arith.constant -2147483648 : i32
    %reduce_max3A_403 = vector.broadcast %reduce_max3A_402 : i32 to vector<16xi32>
    %reduce_max3A_404 = arith.xori %select_n3A_399, %reduce_max3A_403 : vector<16xi32>
    %reduce_max3A_405 = tpu.scan <max>, %reduce_max3A_404 masked %reduce_max3A_401 : vector<16xi32>, vector<16xi1> -> vector<16xi32>
    %reduce_max3A_406 = arith.xori %reduce_max3A_405, %reduce_max3A_403 : vector<16xi32>
    %reduce_max3A_407 = vector.extract %reduce_max3A_406[15] : i32 from vector<16xi32>
    %dma_start3A_408 = arith.constant 0 : i32
    %dma_start3A_409 = arith.constant 14 : i32
    %dma_start3A_410 = arith.constant 0 : i32
    %dma_start3A_411 = tpu.memref_slice %arg6[%dma_start3A_408, %dma_start3A_409, %dma_start3A_410] : memref<2x32x64xf32, #tpu.memory_space<vmem>> -> memref<1x1x64xf32, #tpu.memory_space<vmem>>
    %dma_start3A_412 = tpu.memref_squeeze %dma_start3A_411 : memref<1x1x64xf32, #tpu.memory_space<vmem>> -> memref<64xf32, #tpu.memory_space<vmem>>
    %dma_start3A_413 = arith.constant 0 : i32
    %dma_start3A_414 = tpu.memref_slice %arg2[%reduce_max3A_407, %dma_start3A_413] : memref<1000000x64xf32, #tpu.memory_space<hbm>> -> memref<1x64xf32, #tpu.memory_space<hbm>>
    %dma_start3A_415 = tpu.memref_squeeze %dma_start3A_414 : memref<1x64xf32, #tpu.memory_space<hbm>> -> memref<64xf32, #tpu.memory_space<hbm>>
    %dma_start3A_416 = arith.constant 0 : i32
    %dma_start3A_417 = tpu.memref_slice %arg6[%dma_start3A_408, %dma_start3A_409, %dma_start3A_416] : memref<2x32x64xf32, #tpu.memory_space<vmem>> -> memref<1x1x64xf32, #tpu.memory_space<vmem>>
    %dma_start3A_418 = tpu.memref_squeeze %dma_start3A_417 : memref<1x1x64xf32, #tpu.memory_space<vmem>> -> memref<64xf32, #tpu.memory_space<vmem>>
    %dma_start3A_419 = arith.constant 0 : i32
    %dma_start3A_420 = tpu.memref_slice %arg2[%reduce_max3A_407, %dma_start3A_419] : memref<1000000x64xf32, #tpu.memory_space<hbm>> -> memref<1x64xf32, #tpu.memory_space<hbm>>
    %dma_start3A_421 = tpu.memref_squeeze %dma_start3A_420 : memref<1x64xf32, #tpu.memory_space<hbm>> -> memref<64xf32, #tpu.memory_space<hbm>>
    tpu.enqueue_dma source(%dma_start3A_421 : memref<64xf32, #tpu.memory_space<hbm>>) target(%dma_start3A_418 : memref<64xf32, #tpu.memory_space<vmem>>) target_semaphore(%arg7 : memref<!tpu.dma_semaphore, #tpu.memory_space<semaphore_mem>>)
    %eq3A_422 = arith.constant 15 : i32
    %eq3A_423 = vector.broadcast %eq3A_422 : i32 to vector<16xi32>
    %eq3A_424 = arith.cmpi eq, %iota3A, %eq3A_423 : vector<16xi32>
    %jit3A_425 = arith.constant 0 : i32
    %broadcast_in_dim3A_426 = vector.broadcast %jit3A_425 : i32 to vector<16xi32>
    %select_n3A_427 = arith.select %eq3A_424, %get3A_7, %broadcast_in_dim3A_426 : vector<16xi1>, vector<16xi32>
    %reduce_max3A_428 = arith.constant true
    %reduce_max3A_429 = vector.broadcast %reduce_max3A_428 : i1 to vector<16xi1>
    %reduce_max3A_430 = arith.constant -2147483648 : i32
    %reduce_max3A_431 = vector.broadcast %reduce_max3A_430 : i32 to vector<16xi32>
    %reduce_max3A_432 = arith.xori %select_n3A_427, %reduce_max3A_431 : vector<16xi32>
    %reduce_max3A_433 = tpu.scan <max>, %reduce_max3A_432 masked %reduce_max3A_429 : vector<16xi32>, vector<16xi1> -> vector<16xi32>
    %reduce_max3A_434 = arith.xori %reduce_max3A_433, %reduce_max3A_431 : vector<16xi32>
    %reduce_max3A_435 = vector.extract %reduce_max3A_434[15] : i32 from vector<16xi32>
    %dma_start3A_436 = arith.constant 0 : i32
    %dma_start3A_437 = arith.constant 15 : i32
    %dma_start3A_438 = arith.constant 0 : i32
    %dma_start3A_439 = tpu.memref_slice %arg6[%dma_start3A_436, %dma_start3A_437, %dma_start3A_438] : memref<2x32x64xf32, #tpu.memory_space<vmem>> -> memref<1x1x64xf32, #tpu.memory_space<vmem>>
    %dma_start3A_440 = tpu.memref_squeeze %dma_start3A_439 : memref<1x1x64xf32, #tpu.memory_space<vmem>> -> memref<64xf32, #tpu.memory_space<vmem>>
    %dma_start3A_441 = arith.constant 0 : i32
    %dma_start3A_442 = tpu.memref_slice %arg2[%reduce_max3A_435, %dma_start3A_441] : memref<1000000x64xf32, #tpu.memory_space<hbm>> -> memref<1x64xf32, #tpu.memory_space<hbm>>
    %dma_start3A_443 = tpu.memref_squeeze %dma_start3A_442 : memref<1x64xf32, #tpu.memory_space<hbm>> -> memref<64xf32, #tpu.memory_space<hbm>>
    %dma_start3A_444 = arith.constant 0 : i32
    %dma_start3A_445 = tpu.memref_slice %arg6[%dma_start3A_436, %dma_start3A_437, %dma_start3A_444] : memref<2x32x64xf32, #tpu.memory_space<vmem>> -> memref<1x1x64xf32, #tpu.memory_space<vmem>>
    %dma_start3A_446 = tpu.memref_squeeze %dma_start3A_445 : memref<1x1x64xf32, #tpu.memory_space<vmem>> -> memref<64xf32, #tpu.memory_space<vmem>>
    %dma_start3A_447 = arith.constant 0 : i32
    %dma_start3A_448 = tpu.memref_slice %arg2[%reduce_max3A_435, %dma_start3A_447] : memref<1000000x64xf32, #tpu.memory_space<hbm>> -> memref<1x64xf32, #tpu.memory_space<hbm>>
    %dma_start3A_449 = tpu.memref_squeeze %dma_start3A_448 : memref<1x64xf32, #tpu.memory_space<hbm>> -> memref<64xf32, #tpu.memory_space<hbm>>
    tpu.enqueue_dma source(%dma_start3A_449 : memref<64xf32, #tpu.memory_space<hbm>>) target(%dma_start3A_446 : memref<64xf32, #tpu.memory_space<vmem>>) target_semaphore(%arg7 : memref<!tpu.dma_semaphore, #tpu.memory_space<semaphore_mem>>)
    %add3A_450 = arith.constant 16 : i32
    %add3A_451 = arith.addi %mul3A_2, %add3A_450 : i32
    %get3A_452 = arith.constant 0 : i32
    %get3A_453 = arith.index_cast %get3A_452 : i32 to index
    %get3A_454 = arith.index_cast %add3A_451 : i32 to index
    %get3A_455 = tpu.vector_load %arg5[%get3A_453, %get3A_454] {strides = array<i32>} : memref<50x1024xi32, #tpu.memory_space<vmem>>, vector<16xi32>,
    %eq3A_456 = arith.constant 0 : i32
    %eq3A_457 = vector.broadcast %eq3A_456 : i32 to vector<16xi32>
    %eq3A_458 = arith.cmpi eq, %iota3A, %eq3A_457 : vector<16xi32>
    %jit3A_459 = arith.constant 0 : i32
    %broadcast_in_dim3A_460 = vector.broadcast %jit3A_459 : i32 to vector<16xi32>
    %select_n3A_461 = arith.select %eq3A_458, %get3A_455, %broadcast_in_dim3A_460 : vector<16xi1>, vector<16xi32>
    %reduce_max3A_462 = arith.constant true
    %reduce_max3A_463 = vector.broadcast %reduce_max3A_462 : i1 to vector<16xi1>
    %reduce_max3A_464 = arith.constant -2147483648 : i32
    %reduce_max3A_465 = vector.broadcast %reduce_max3A_464 : i32 to vector<16xi32>
    %reduce_max3A_466 = arith.xori %select_n3A_461, %reduce_max3A_465 : vector<16xi32>
    %reduce_max3A_467 = tpu.scan <max>, %reduce_max3A_466 masked %reduce_max3A_463 : vector<16xi32>, vector<16xi1> -> vector<16xi32>
    %reduce_max3A_468 = arith.xori %reduce_max3A_467, %reduce_max3A_465 : vector<16xi32>
    %reduce_max3A_469 = vector.extract %reduce_max3A_468[15] : i32 from vector<16xi32>
    %dma_start3A_470 = arith.constant 0 : i32
    %dma_start3A_471 = arith.constant 16 : i32
    %dma_start3A_472 = arith.constant 0 : i32
    %dma_start3A_473 = tpu.memref_slice %arg6[%dma_start3A_470, %dma_start3A_471, %dma_start3A_472] : memref<2x32x64xf32, #tpu.memory_space<vmem>> -> memref<1x1x64xf32, #tpu.memory_space<vmem>>
    %dma_start3A_474 = tpu.memref_squeeze %dma_start3A_473 : memref<1x1x64xf32, #tpu.memory_space<vmem>> -> memref<64xf32, #tpu.memory_space<vmem>>
    %dma_start3A_475 = arith.constant 0 : i32
    %dma_start3A_476 = tpu.memref_slice %arg2[%reduce_max3A_469, %dma_start3A_475] : memref<1000000x64xf32, #tpu.memory_space<hbm>> -> memref<1x64xf32, #tpu.memory_space<hbm>>
    %dma_start3A_477 = tpu.memref_squeeze %dma_start3A_476 : memref<1x64xf32, #tpu.memory_space<hbm>> -> memref<64xf32, #tpu.memory_space<hbm>>
    %dma_start3A_478 = arith.constant 0 : i32
    %dma_start3A_479 = tpu.memref_slice %arg6[%dma_start3A_470, %dma_start3A_471, %dma_start3A_478] : memref<2x32x64xf32, #tpu.memory_space<vmem>> -> memref<1x1x64xf32, #tpu.memory_space<vmem>>
    %dma_start3A_480 = tpu.memref_squeeze %dma_start3A_479 : memref<1x1x64xf32, #tpu.memory_space<vmem>> -> memref<64xf32, #tpu.memory_space<vmem>>
    %dma_start3A_481 = arith.constant 0 : i32
    %dma_start3A_482 = tpu.memref_slice %arg2[%reduce_max3A_469, %dma_start3A_481] : memref<1000000x64xf32, #tpu.memory_space<hbm>> -> memref<1x64xf32, #tpu.memory_space<hbm>>
    %dma_start3A_483 = tpu.memref_squeeze %dma_start3A_482 : memref<1x64xf32, #tpu.memory_space<hbm>> -> memref<64xf32, #tpu.memory_space<hbm>>
    tpu.enqueue_dma source(%dma_start3A_483 : memref<64xf32, #tpu.memory_space<hbm>>) target(%dma_start3A_480 : memref<64xf32, #tpu.memory_space<vmem>>) target_semaphore(%arg7 : memref<!tpu.dma_semaphore, #tpu.memory_space<semaphore_mem>>)
    %eq3A_484 = arith.constant 1 : i32
    %eq3A_485 = vector.broadcast %eq3A_484 : i32 to vector<16xi32>
    %eq3A_486 = arith.cmpi eq, %iota3A, %eq3A_485 : vector<16xi32>
    %jit3A_487 = arith.constant 0 : i32
    %broadcast_in_dim3A_488 = vector.broadcast %jit3A_487 : i32 to vector<16xi32>
    %select_n3A_489 = arith.select %eq3A_486, %get3A_455, %broadcast_in_dim3A_488 : vector<16xi1>, vector<16xi32>
    %reduce_max3A_490 = arith.constant true
    %reduce_max3A_491 = vector.broadcast %reduce_max3A_490 : i1 to vector<16xi1>
    %reduce_max3A_492 = arith.constant -2147483648 : i32
    %reduce_max3A_493 = vector.broadcast %reduce_max3A_492 : i32 to vector<16xi32>
    %reduce_max3A_494 = arith.xori %select_n3A_489, %reduce_max3A_493 : vector<16xi32>
    %reduce_max3A_495 = tpu.scan <max>, %reduce_max3A_494 masked %reduce_max3A_491 : vector<16xi32>, vector<16xi1> -> vector<16xi32>
    %reduce_max3A_496 = arith.xori %reduce_max3A_495, %reduce_max3A_493 : vector<16xi32>
    %reduce_max3A_497 = vector.extract %reduce_max3A_496[15] : i32 from vector<16xi32>
    %dma_start3A_498 = arith.constant 0 : i32
    %dma_start3A_499 = arith.constant 17 : i32
    %dma_start3A_500 = arith.constant 0 : i32
    %dma_start3A_501 = tpu.memref_slice %arg6[%dma_start3A_498, %dma_start3A_499, %dma_start3A_500] : memref<2x32x64xf32, #tpu.memory_space<vmem>> -> memref<1x1x64xf32, #tpu.memory_space<vmem>>
    %dma_start3A_502 = tpu.memref_squeeze %dma_start3A_501 : memref<1x1x64xf32, #tpu.memory_space<vmem>> -> memref<64xf32, #tpu.memory_space<vmem>>
    %dma_start3A_503 = arith.constant 0 : i32
    %dma_start3A_504 = tpu.memref_slice %arg2[%reduce_max3A_497, %dma_start3A_503] : memref<1000000x64xf32, #tpu.memory_space<hbm>> -> memref<1x64xf32, #tpu.memory_space<hbm>>
    %dma_start3A_505 = tpu.memref_squeeze %dma_start3A_504 : memref<1x64xf32, #tpu.memory_space<hbm>> -> memref<64xf32, #tpu.memory_space<hbm>>
    %dma_start3A_506 = arith.constant 0 : i32
    %dma_start3A_507 = tpu.memref_slice %arg6[%dma_start3A_498, %dma_start3A_499, %dma_start3A_506] : memref<2x32x64xf32, #tpu.memory_space<vmem>> -> memref<1x1x64xf32, #tpu.memory_space<vmem>>
    %dma_start3A_508 = tpu.memref_squeeze %dma_start3A_507 : memref<1x1x64xf32, #tpu.memory_space<vmem>> -> memref<64xf32, #tpu.memory_space<vmem>>
    %dma_start3A_509 = arith.constant 0 : i32
    %dma_start3A_510 = tpu.memref_slice %arg2[%reduce_max3A_497, %dma_start3A_509] : memref<1000000x64xf32, #tpu.memory_space<hbm>> -> memref<1x64xf32, #tpu.memory_space<hbm>>
    %dma_start3A_511 = tpu.memref_squeeze %dma_start3A_510 : memref<1x64xf32, #tpu.memory_space<hbm>> -> memref<64xf32, #tpu.memory_space<hbm>>
    tpu.enqueue_dma source(%dma_start3A_511 : memref<64xf32, #tpu.memory_space<hbm>>) target(%dma_start3A_508 : memref<64xf32, #tpu.memory_space<vmem>>) target_semaphore(%arg7 : memref<!tpu.dma_semaphore, #tpu.memory_space<semaphore_mem>>)
    %eq3A_512 = arith.constant 2 : i32
    %eq3A_513 = vector.broadcast %eq3A_512 : i32 to vector<16xi32>
    %eq3A_514 = arith.cmpi eq, %iota3A, %eq3A_513 : vector<16xi32>
    %jit3A_515 = arith.constant 0 : i32
    %broadcast_in_dim3A_516 = vector.broadcast %jit3A_515 : i32 to vector<16xi32>
    %select_n3A_517 = arith.select %eq3A_514, %get3A_455, %broadcast_in_dim3A_516 : vector<16xi1>, vector<16xi32>
    %reduce_max3A_518 = arith.constant true
    %reduce_max3A_519 = vector.broadcast %reduce_max3A_518 : i1 to vector<16xi1>
    %reduce_max3A_520 = arith.constant -2147483648 : i32
    %reduce_max3A_521 = vector.broadcast %reduce_max3A_520 : i32 to vector<16xi32>
    %reduce_max3A_522 = arith.xori %select_n3A_517, %reduce_max3A_521 : vector<16xi32>
    %reduce_max3A_523 = tpu.scan <max>, %reduce_max3A_522 masked %reduce_max3A_519 : vector<16xi32>, vector<16xi1> -> vector<16xi32>
    %reduce_max3A_524 = arith.xori %reduce_max3A_523, %reduce_max3A_521 : vector<16xi32>
    %reduce_max3A_525 = vector.extract %reduce_max3A_524[15] : i32 from vector<16xi32>
    %dma_start3A_526 = arith.constant 0 : i32
    %dma_start3A_527 = arith.constant 18 : i32
    %dma_start3A_528 = arith.constant 0 : i32
    %dma_start3A_529 = tpu.memref_slice %arg6[%dma_start3A_526, %dma_start3A_527, %dma_start3A_528] : memref<2x32x64xf32, #tpu.memory_space<vmem>> -> memref<1x1x64xf32, #tpu.memory_space<vmem>>
    %dma_start3A_530 = tpu.memref_squeeze %dma_start3A_529 : memref<1x1x64xf32, #tpu.memory_space<vmem>> -> memref<64xf32, #tpu.memory_space<vmem>>
    %dma_start3A_531 = arith.constant 0 : i32
    %dma_start3A_532 = tpu.memref_slice %arg2[%reduce_max3A_525, %dma_start3A_531] : memref<1000000x64xf32, #tpu.memory_space<hbm>> -> memref<1x64xf32, #tpu.memory_space<hbm>>
    %dma_start3A_533 = tpu.memref_squeeze %dma_start3A_532 : memref<1x64xf32, #tpu.memory_space<hbm>> -> memref<64xf32, #tpu.memory_space<hbm>>
    %dma_start3A_534 = arith.constant 0 : i32
    %dma_start3A_535 = tpu.memref_slice %arg6[%dma_start3A_526, %dma_start3A_527, %dma_start3A_534] : memref<2x32x64xf32, #tpu.memory_space<vmem>> -> memref<1x1x64xf32, #tpu.memory_space<vmem>>
    %dma_start3A_536 = tpu.memref_squeeze %dma_start3A_535 : memref<1x1x64xf32, #tpu.memory_space<vmem>> -> memref<64xf32, #tpu.memory_space<vmem>>
    %dma_start3A_537 = arith.constant 0 : i32
    %dma_start3A_538 = tpu.memref_slice %arg2[%reduce_max3A_525, %dma_start3A_537] : memref<1000000x64xf32, #tpu.memory_space<hbm>> -> memref<1x64xf32, #tpu.memory_space<hbm>>
    %dma_start3A_539 = tpu.memref_squeeze %dma_start3A_538 : memref<1x64xf32, #tpu.memory_space<hbm>> -> memref<64xf32, #tpu.memory_space<hbm>>
    tpu.enqueue_dma source(%dma_start3A_539 : memref<64xf32, #tpu.memory_space<hbm>>) target(%dma_start3A_536 : memref<64xf32, #tpu.memory_space<vmem>>) target_semaphore(%arg7 : memref<!tpu.dma_semaphore, #tpu.memory_space<semaphore_mem>>)
    %eq3A_540 = arith.constant 3 : i32
    %eq3A_541 = vector.broadcast %eq3A_540 : i32 to vector<16xi32>
    %eq3A_542 = arith.cmpi eq, %iota3A, %eq3A_541 : vector<16xi32>
    %jit3A_543 = arith.constant 0 : i32
    %broadcast_in_dim3A_544 = vector.broadcast %jit3A_543 : i32 to vector<16xi32>
    %select_n3A_545 = arith.select %eq3A_542, %get3A_455, %broadcast_in_dim3A_544 : vector<16xi1>, vector<16xi32>
    %reduce_max3A_546 = arith.constant true
    %reduce_max3A_547 = vector.broadcast %reduce_max3A_546 : i1 to vector<16xi1>
    %reduce_max3A_548 = arith.constant -2147483648 : i32
    %reduce_max3A_549 = vector.broadcast %reduce_max3A_548 : i32 to vector<16xi32>
    %reduce_max3A_550 = arith.xori %select_n3A_545, %reduce_max3A_549 : vector<16xi32>
    %reduce_max3A_551 = tpu.scan <max>, %reduce_max3A_550 masked %reduce_max3A_547 : vector<16xi32>, vector<16xi1> -> vector<16xi32>
    %reduce_max3A_552 = arith.xori %reduce_max3A_551, %reduce_max3A_549 : vector<16xi32>
    %reduce_max3A_553 = vector.extract %reduce_max3A_552[15] : i32 from vector<16xi32>
    %dma_start3A_554 = arith.constant 0 : i32
    %dma_start3A_555 = arith.constant 19 : i32
    %dma_start3A_556 = arith.constant 0 : i32
    %dma_start3A_557 = tpu.memref_slice %arg6[%dma_start3A_554, %dma_start3A_555, %dma_start3A_556] : memref<2x32x64xf32, #tpu.memory_space<vmem>> -> memref<1x1x64xf32, #tpu.memory_space<vmem>>
    %dma_start3A_558 = tpu.memref_squeeze %dma_start3A_557 : memref<1x1x64xf32, #tpu.memory_space<vmem>> -> memref<64xf32, #tpu.memory_space<vmem>>
    %dma_start3A_559 = arith.constant 0 : i32
    %dma_start3A_560 = tpu.memref_slice %arg2[%reduce_max3A_553, %dma_start3A_559] : memref<1000000x64xf32, #tpu.memory_space<hbm>> -> memref<1x64xf32, #tpu.memory_space<hbm>>
    %dma_start3A_561 = tpu.memref_squeeze %dma_start3A_560 : memref<1x64xf32, #tpu.memory_space<hbm>> -> memref<64xf32, #tpu.memory_space<hbm>>
    %dma_start3A_562 = arith.constant 0 : i32
    %dma_start3A_563 = tpu.memref_slice %arg6[%dma_start3A_554, %dma_start3A_555, %dma_start3A_562] : memref<2x32x64xf32, #tpu.memory_space<vmem>> -> memref<1x1x64xf32, #tpu.memory_space<vmem>>
    %dma_start3A_564 = tpu.memref_squeeze %dma_start3A_563 : memref<1x1x64xf32, #tpu.memory_space<vmem>> -> memref<64xf32, #tpu.memory_space<vmem>>
    %dma_start3A_565 = arith.constant 0 : i32
    %dma_start3A_566 = tpu.memref_slice %arg2[%reduce_max3A_553, %dma_start3A_565] : memref<1000000x64xf32, #tpu.memory_space<hbm>> -> memref<1x64xf32, #tpu.memory_space<hbm>>
    %dma_start3A_567 = tpu.memref_squeeze %dma_start3A_566 : memref<1x64xf32, #tpu.memory_space<hbm>> -> memref<64xf32, #tpu.memory_space<hbm>>
    tpu.enqueue_dma source(%dma_start3A_567 : memref<64xf32, #tpu.memory_space<hbm>>) target(%dma_start3A_564 : memref<64xf32, #tpu.memory_space<vmem>>) target_semaphore(%arg7 : memref<!tpu.dma_semaphore, #tpu.memory_space<semaphore_mem>>)
    %eq3A_568 = arith.constant 4 : i32
    %eq3A_569 = vector.broadcast %eq3A_568 : i32 to vector<16xi32>
    %eq3A_570 = arith.cmpi eq, %iota3A, %eq3A_569 : vector<16xi32>
    %jit3A_571 = arith.constant 0 : i32
    %broadcast_in_dim3A_572 = vector.broadcast %jit3A_571 : i32 to vector<16xi32>
    %select_n3A_573 = arith.select %eq3A_570, %get3A_455, %broadcast_in_dim3A_572 : vector<16xi1>, vector<16xi32>
    %reduce_max3A_574 = arith.constant true
    %reduce_max3A_575 = vector.broadcast %reduce_max3A_574 : i1 to vector<16xi1>
    %reduce_max3A_576 = arith.constant -2147483648 : i32
    %reduce_max3A_577 = vector.broadcast %reduce_max3A_576 : i32 to vector<16xi32>
    %reduce_max3A_578 = arith.xori %select_n3A_573, %reduce_max3A_577 : vector<16xi32>
    %reduce_max3A_579 = tpu.scan <max>, %reduce_max3A_578 masked %reduce_max3A_575 : vector<16xi32>, vector<16xi1> -> vector<16xi32>
    %reduce_max3A_580 = arith.xori %reduce_max3A_579, %reduce_max3A_577 : vector<16xi32>
    %reduce_max3A_581 = vector.extract %reduce_max3A_580[15] : i32 from vector<16xi32>
    %dma_start3A_582 = arith.constant 0 : i32
    %dma_start3A_583 = arith.constant 20 : i32
    %dma_start3A_584 = arith.constant 0 : i32
    %dma_start3A_585 = tpu.memref_slice %arg6[%dma_start3A_582, %dma_start3A_583, %dma_start3A_584] : memref<2x32x64xf32, #tpu.memory_space<vmem>> -> memref<1x1x64xf32, #tpu.memory_space<vmem>>
    %dma_start3A_586 = tpu.memref_squeeze %dma_start3A_585 : memref<1x1x64xf32, #tpu.memory_space<vmem>> -> memref<64xf32, #tpu.memory_space<vmem>>
    %dma_start3A_587 = arith.constant 0 : i32
    %dma_start3A_588 = tpu.memref_slice %arg2[%reduce_max3A_581, %dma_start3A_587] : memref<1000000x64xf32, #tpu.memory_space<hbm>> -> memref<1x64xf32, #tpu.memory_space<hbm>>
    %dma_start3A_589 = tpu.memref_squeeze %dma_start3A_588 : memref<1x64xf32, #tpu.memory_space<hbm>> -> memref<64xf32, #tpu.memory_space<hbm>>
    %dma_start3A_590 = arith.constant 0 : i32
    %dma_start3A_591 = tpu.memref_slice %arg6[%dma_start3A_582, %dma_start3A_583, %dma_start3A_590] : memref<2x32x64xf32, #tpu.memory_space<vmem>> -> memref<1x1x64xf32, #tpu.memory_space<vmem>>
    %dma_start3A_592 = tpu.memref_squeeze %dma_start3A_591 : memref<1x1x64xf32, #tpu.memory_space<vmem>> -> memref<64xf32, #tpu.memory_space<vmem>>
    %dma_start3A_593 = arith.constant 0 : i32
    %dma_start3A_594 = tpu.memref_slice %arg2[%reduce_max3A_581, %dma_start3A_593] : memref<1000000x64xf32, #tpu.memory_space<hbm>> -> memref<1x64xf32, #tpu.memory_space<hbm>>
    %dma_start3A_595 = tpu.memref_squeeze %dma_start3A_594 : memref<1x64xf32, #tpu.memory_space<hbm>> -> memref<64xf32, #tpu.memory_space<hbm>>
    tpu.enqueue_dma source(%dma_start3A_595 : memref<64xf32, #tpu.memory_space<hbm>>) target(%dma_start3A_592 : memref<64xf32, #tpu.memory_space<vmem>>) target_semaphore(%arg7 : memref<!tpu.dma_semaphore, #tpu.memory_space<semaphore_mem>>)
    %eq3A_596 = arith.constant 5 : i32
    %eq3A_597 = vector.broadcast %eq3A_596 : i32 to vector<16xi32>
    %eq3A_598 = arith.cmpi eq, %iota3A, %eq3A_597 : vector<16xi32>
    %jit3A_599 = arith.constant 0 : i32
    %broadcast_in_dim3A_600 = vector.broadcast %jit3A_599 : i32 to vector<16xi32>
    %select_n3A_601 = arith.select %eq3A_598, %get3A_455, %broadcast_in_dim3A_600 : vector<16xi1>, vector<16xi32>
    %reduce_max3A_602 = arith.constant true
    %reduce_max3A_603 = vector.broadcast %reduce_max3A_602 : i1 to vector<16xi1>
    %reduce_max3A_604 = arith.constant -2147483648 : i32
    %reduce_max3A_605 = vector.broadcast %reduce_max3A_604 : i32 to vector<16xi32>
    %reduce_max3A_606 = arith.xori %select_n3A_601, %reduce_max3A_605 : vector<16xi32>
    %reduce_max3A_607 = tpu.scan <max>, %reduce_max3A_606 masked %reduce_max3A_603 : vector<16xi32>, vector<16xi1> -> vector<16xi32>
    %reduce_max3A_608 = arith.xori %reduce_max3A_607, %reduce_max3A_605 : vector<16xi32>
    %reduce_max3A_609 = vector.extract %reduce_max3A_608[15] : i32 from vector<16xi32>
    %dma_start3A_610 = arith.constant 0 : i32
    %dma_start3A_611 = arith.constant 21 : i32
    %dma_start3A_612 = arith.constant 0 : i32
    %dma_start3A_613 = tpu.memref_slice %arg6[%dma_start3A_610, %dma_start3A_611, %dma_start3A_612] : memref<2x32x64xf32, #tpu.memory_space<vmem>> -> memref<1x1x64xf32, #tpu.memory_space<vmem>>
    %dma_start3A_614 = tpu.memref_squeeze %dma_start3A_613 : memref<1x1x64xf32, #tpu.memory_space<vmem>> -> memref<64xf32, #tpu.memory_space<vmem>>
    %dma_start3A_615 = arith.constant 0 : i32
    %dma_start3A_616 = tpu.memref_slice %arg2[%reduce_max3A_609, %dma_start3A_615] : memref<1000000x64xf32, #tpu.memory_space<hbm>> -> memref<1x64xf32, #tpu.memory_space<hbm>>
    %dma_start3A_617 = tpu.memref_squeeze %dma_start3A_616 : memref<1x64xf32, #tpu.memory_space<hbm>> -> memref<64xf32, #tpu.memory_space<hbm>>
    %dma_start3A_618 = arith.constant 0 : i32
    %dma_start3A_619 = tpu.memref_slice %arg6[%dma_start3A_610, %dma_start3A_611, %dma_start3A_618] : memref<2x32x64xf32, #tpu.memory_space<vmem>> -> memref<1x1x64xf32, #tpu.memory_space<vmem>>
    %dma_start3A_620 = tpu.memref_squeeze %dma_start3A_619 : memref<1x1x64xf32, #tpu.memory_space<vmem>> -> memref<64xf32, #tpu.memory_space<vmem>>
    %dma_start3A_621 = arith.constant 0 : i32
    %dma_start3A_622 = tpu.memref_slice %arg2[%reduce_max3A_609, %dma_start3A_621] : memref<1000000x64xf32, #tpu.memory_space<hbm>> -> memref<1x64xf32, #tpu.memory_space<hbm>>
    %dma_start3A_623 = tpu.memref_squeeze %dma_start3A_622 : memref<1x64xf32, #tpu.memory_space<hbm>> -> memref<64xf32, #tpu.memory_space<hbm>>
    tpu.enqueue_dma source(%dma_start3A_623 : memref<64xf32, #tpu.memory_space<hbm>>) target(%dma_start3A_620 : memref<64xf32, #tpu.memory_space<vmem>>) target_semaphore(%arg7 : memref<!tpu.dma_semaphore, #tpu.memory_space<semaphore_mem>>)
    %eq3A_624 = arith.constant 6 : i32
    %eq3A_625 = vector.broadcast %eq3A_624 : i32 to vector<16xi32>
    %eq3A_626 = arith.cmpi eq, %iota3A, %eq3A_625 : vector<16xi32>
    %jit3A_627 = arith.constant 0 : i32
    %broadcast_in_dim3A_628 = vector.broadcast %jit3A_627 : i32 to vector<16xi32>
    %select_n3A_629 = arith.select %eq3A_626, %get3A_455, %broadcast_in_dim3A_628 : vector<16xi1>, vector<16xi32>
    %reduce_max3A_630 = arith.constant true
    %reduce_max3A_631 = vector.broadcast %reduce_max3A_630 : i1 to vector<16xi1>
    %reduce_max3A_632 = arith.constant -2147483648 : i32
    %reduce_max3A_633 = vector.broadcast %reduce_max3A_632 : i32 to vector<16xi32>
    %reduce_max3A_634 = arith.xori %select_n3A_629, %reduce_max3A_633 : vector<16xi32>
    %reduce_max3A_635 = tpu.scan <max>, %reduce_max3A_634 masked %reduce_max3A_631 : vector<16xi32>, vector<16xi1> -> vector<16xi32>
    %reduce_max3A_636 = arith.xori %reduce_max3A_635, %reduce_max3A_633 : vector<16xi32>
    %reduce_max3A_637 = vector.extract %reduce_max3A_636[15] : i32 from vector<16xi32>
    %dma_start3A_638 = arith.constant 0 : i32
    %dma_start3A_639 = arith.constant 22 : i32
    %dma_start3A_640 = arith.constant 0 : i32
    %dma_start3A_641 = tpu.memref_slice %arg6[%dma_start3A_638, %dma_start3A_639, %dma_start3A_640] : memref<2x32x64xf32, #tpu.memory_space<vmem>> -> memref<1x1x64xf32, #tpu.memory_space<vmem>>
    %dma_start3A_642 = tpu.memref_squeeze %dma_start3A_641 : memref<1x1x64xf32, #tpu.memory_space<vmem>> -> memref<64xf32, #tpu.memory_space<vmem>>
    %dma_start3A_643 = arith.constant 0 : i32
    %dma_start3A_644 = tpu.memref_slice %arg2[%reduce_max3A_637, %dma_start3A_643] : memref<1000000x64xf32, #tpu.memory_space<hbm>> -> memref<1x64xf32, #tpu.memory_space<hbm>>
    %dma_start3A_645 = tpu.memref_squeeze %dma_start3A_644 : memref<1x64xf32, #tpu.memory_space<hbm>> -> memref<64xf32, #tpu.memory_space<hbm>>
    %dma_start3A_646 = arith.constant 0 : i32
    %dma_start3A_647 = tpu.memref_slice %arg6[%dma_start3A_638, %dma_start3A_639, %dma_start3A_646] : memref<2x32x64xf32, #tpu.memory_space<vmem>> -> memref<1x1x64xf32, #tpu.memory_space<vmem>>
    %dma_start3A_648 = tpu.memref_squeeze %dma_start3A_647 : memref<1x1x64xf32, #tpu.memory_space<vmem>> -> memref<64xf32, #tpu.memory_space<vmem>>
    %dma_start3A_649 = arith.constant 0 : i32
    %dma_start3A_650 = tpu.memref_slice %arg2[%reduce_max3A_637, %dma_start3A_649] : memref<1000000x64xf32, #tpu.memory_space<hbm>> -> memref<1x64xf32, #tpu.memory_space<hbm>>
    %dma_start3A_651 = tpu.memref_squeeze %dma_start3A_650 : memref<1x64xf32, #tpu.memory_space<hbm>> -> memref<64xf32, #tpu.memory_space<hbm>>
    tpu.enqueue_dma source(%dma_start3A_651 : memref<64xf32, #tpu.memory_space<hbm>>) target(%dma_start3A_648 : memref<64xf32, #tpu.memory_space<vmem>>) target_semaphore(%arg7 : memref<!tpu.dma_semaphore, #tpu.memory_space<semaphore_mem>>)
    %eq3A_652 = arith.constant 7 : i32
    %eq3A_653 = vector.broadcast %eq3A_652 : i32 to vector<16xi32>
    %eq3A_654 = arith.cmpi eq, %iota3A, %eq3A_653 : vector<16xi32>
    %jit3A_655 = arith.constant 0 : i32
    %broadcast_in_dim3A_656 = vector.broadcast %jit3A_655 : i32 to vector<16xi32>
    %select_n3A_657 = arith.select %eq3A_654, %get3A_455, %broadcast_in_dim3A_656 : vector<16xi1>, vector<16xi32>
    %reduce_max3A_658 = arith.constant true
    %reduce_max3A_659 = vector.broadcast %reduce_max3A_658 : i1 to vector<16xi1>
    %reduce_max3A_660 = arith.constant -2147483648 : i32
    %reduce_max3A_661 = vector.broadcast %reduce_max3A_660 : i32 to vector<16xi32>
    %reduce_max3A_662 = arith.xori %select_n3A_657, %reduce_max3A_661 : vector<16xi32>
    %reduce_max3A_663 = tpu.scan <max>, %reduce_max3A_662 masked %reduce_max3A_659 : vector<16xi32>, vector<16xi1> -> vector<16xi32>
    %reduce_max3A_664 = arith.xori %reduce_max3A_663, %reduce_max3A_661 : vector<16xi32>
    %reduce_max3A_665 = vector.extract %reduce_max3A_664[15] : i32 from vector<16xi32>
    %dma_start3A_666 = arith.constant 0 : i32
    %dma_start3A_667 = arith.constant 23 : i32
    %dma_start3A_668 = arith.constant 0 : i32
    %dma_start3A_669 = tpu.memref_slice %arg6[%dma_start3A_666, %dma_start3A_667, %dma_start3A_668] : memref<2x32x64xf32, #tpu.memory_space<vmem>> -> memref<1x1x64xf32, #tpu.memory_space<vmem>>
    %dma_start3A_670 = tpu.memref_squeeze %dma_start3A_669 : memref<1x1x64xf32, #tpu.memory_space<vmem>> -> memref<64xf32, #tpu.memory_space<vmem>>
    %dma_start3A_671 = arith.constant 0 : i32
    %dma_start3A_672 = tpu.memref_slice %arg2[%reduce_max3A_665, %dma_start3A_671] : memref<1000000x64xf32, #tpu.memory_space<hbm>> -> memref<1x64xf32, #tpu.memory_space<hbm>>
    %dma_start3A_673 = tpu.memref_squeeze %dma_start3A_672 : memref<1x64xf32, #tpu.memory_space<hbm>> -> memref<64xf32, #tpu.memory_space<hbm>>
    %dma_start3A_674 = arith.constant 0 : i32
    %dma_start3A_675 = tpu.memref_slice %arg6[%dma_start3A_666, %dma_start3A_667, %dma_start3A_674] : memref<2x32x64xf32, #tpu.memory_space<vmem>> -> memref<1x1x64xf32, #tpu.memory_space<vmem>>
    %dma_start3A_676 = tpu.memref_squeeze %dma_start3A_675 : memref<1x1x64xf32, #tpu.memory_space<vmem>> -> memref<64xf32, #tpu.memory_space<vmem>>
    %dma_start3A_677 = arith.constant 0 : i32
    %dma_start3A_678 = tpu.memref_slice %arg2[%reduce_max3A_665, %dma_start3A_677] : memref<1000000x64xf32, #tpu.memory_space<hbm>> -> memref<1x64xf32, #tpu.memory_space<hbm>>
    %dma_start3A_679 = tpu.memref_squeeze %dma_start3A_678 : memref<1x64xf32, #tpu.memory_space<hbm>> -> memref<64xf32, #tpu.memory_space<hbm>>
    tpu.enqueue_dma source(%dma_start3A_679 : memref<64xf32, #tpu.memory_space<hbm>>) target(%dma_start3A_676 : memref<64xf32, #tpu.memory_space<vmem>>) target_semaphore(%arg7 : memref<!tpu.dma_semaphore, #tpu.memory_space<semaphore_mem>>)
    %eq3A_680 = arith.constant 8 : i32
    %eq3A_681 = vector.broadcast %eq3A_680 : i32 to vector<16xi32>
    %eq3A_682 = arith.cmpi eq, %iota3A, %eq3A_681 : vector<16xi32>
    %jit3A_683 = arith.constant 0 : i32
    %broadcast_in_dim3A_684 = vector.broadcast %jit3A_683 : i32 to vector<16xi32>
    %select_n3A_685 = arith.select %eq3A_682, %get3A_455, %broadcast_in_dim3A_684 : vector<16xi1>, vector<16xi32>
    %reduce_max3A_686 = arith.constant true
    %reduce_max3A_687 = vector.broadcast %reduce_max3A_686 : i1 to vector<16xi1>
    %reduce_max3A_688 = arith.constant -2147483648 : i32
    %reduce_max3A_689 = vector.broadcast %reduce_max3A_688 : i32 to vector<16xi32>
    %reduce_max3A_690 = arith.xori %select_n3A_685, %reduce_max3A_689 : vector<16xi32>
    %reduce_max3A_691 = tpu.scan <max>, %reduce_max3A_690 masked %reduce_max3A_687 : vector<16xi32>, vector<16xi1> -> vector<16xi32>
    %reduce_max3A_692 = arith.xori %reduce_max3A_691, %reduce_max3A_689 : vector<16xi32>
    %reduce_max3A_693 = vector.extract %reduce_max3A_692[15] : i32 from vector<16xi32>
    %dma_start3A_694 = arith.constant 0 : i32
    %dma_start3A_695 = arith.constant 24 : i32
    %dma_start3A_696 = arith.constant 0 : i32
    %dma_start3A_697 = tpu.memref_slice %arg6[%dma_start3A_694, %dma_start3A_695, %dma_start3A_696] : memref<2x32x64xf32, #tpu.memory_space<vmem>> -> memref<1x1x64xf32, #tpu.memory_space<vmem>>
    %dma_start3A_698 = tpu.memref_squeeze %dma_start3A_697 : memref<1x1x64xf32, #tpu.memory_space<vmem>> -> memref<64xf32, #tpu.memory_space<vmem>>
    %dma_start3A_699 = arith.constant 0 : i32
    %dma_start3A_700 = tpu.memref_slice %arg2[%reduce_max3A_693, %dma_start3A_699] : memref<1000000x64xf32, #tpu.memory_space<hbm>> -> memref<1x64xf32, #tpu.memory_space<hbm>>
    %dma_start3A_701 = tpu.memref_squeeze %dma_start3A_700 : memref<1x64xf32, #tpu.memory_space<hbm>> -> memref<64xf32, #tpu.memory_space<hbm>>
    %dma_start3A_702 = arith.constant 0 : i32
    %dma_start3A_703 = tpu.memref_slice %arg6[%dma_start3A_694, %dma_start3A_695, %dma_start3A_702] : memref<2x32x64xf32, #tpu.memory_space<vmem>> -> memref<1x1x64xf32, #tpu.memory_space<vmem>>
    %dma_start3A_704 = tpu.memref_squeeze %dma_start3A_703 : memref<1x1x64xf32, #tpu.memory_space<vmem>> -> memref<64xf32, #tpu.memory_space<vmem>>
    %dma_start3A_705 = arith.constant 0 : i32
    %dma_start3A_706 = tpu.memref_slice %arg2[%reduce_max3A_693, %dma_start3A_705] : memref<1000000x64xf32, #tpu.memory_space<hbm>> -> memref<1x64xf32, #tpu.memory_space<hbm>>
    %dma_start3A_707 = tpu.memref_squeeze %dma_start3A_706 : memref<1x64xf32, #tpu.memory_space<hbm>> -> memref<64xf32, #tpu.memory_space<hbm>>
    tpu.enqueue_dma source(%dma_start3A_707 : memref<64xf32, #tpu.memory_space<hbm>>) target(%dma_start3A_704 : memref<64xf32, #tpu.memory_space<vmem>>) target_semaphore(%arg7 : memref<!tpu.dma_semaphore, #tpu.memory_space<semaphore_mem>>)
    %eq3A_708 = arith.constant 9 : i32
    %eq3A_709 = vector.broadcast %eq3A_708 : i32 to vector<16xi32>
    %eq3A_710 = arith.cmpi eq, %iota3A, %eq3A_709 : vector<16xi32>
    %jit3A_711 = arith.constant 0 : i32
    %broadcast_in_dim3A_712 = vector.broadcast %jit3A_711 : i32 to vector<16xi32>
    %select_n3A_713 = arith.select %eq3A_710, %get3A_455, %broadcast_in_dim3A_712 : vector<16xi1>, vector<16xi32>
    %reduce_max3A_714 = arith.constant true
    %reduce_max3A_715 = vector.broadcast %reduce_max3A_714 : i1 to vector<16xi1>
    %reduce_max3A_716 = arith.constant -2147483648 : i32
    %reduce_max3A_717 = vector.broadcast %reduce_max3A_716 : i32 to vector<16xi32>
    %reduce_max3A_718 = arith.xori %select_n3A_713, %reduce_max3A_717 : vector<16xi32>
    %reduce_max3A_719 = tpu.scan <max>, %reduce_max3A_718 masked %reduce_max3A_715 : vector<16xi32>, vector<16xi1> -> vector<16xi32>
    %reduce_max3A_720 = arith.xori %reduce_max3A_719, %reduce_max3A_717 : vector<16xi32>
    %reduce_max3A_721 = vector.extract %reduce_max3A_720[15] : i32 from vector<16xi32>
    %dma_start3A_722 = arith.constant 0 : i32
    %dma_start3A_723 = arith.constant 25 : i32
    %dma_start3A_724 = arith.constant 0 : i32
    %dma_start3A_725 = tpu.memref_slice %arg6[%dma_start3A_722, %dma_start3A_723, %dma_start3A_724] : memref<2x32x64xf32, #tpu.memory_space<vmem>> -> memref<1x1x64xf32, #tpu.memory_space<vmem>>
    %dma_start3A_726 = tpu.memref_squeeze %dma_start3A_725 : memref<1x1x64xf32, #tpu.memory_space<vmem>> -> memref<64xf32, #tpu.memory_space<vmem>>
    %dma_start3A_727 = arith.constant 0 : i32
    %dma_start3A_728 = tpu.memref_slice %arg2[%reduce_max3A_721, %dma_start3A_727] : memref<1000000x64xf32, #tpu.memory_space<hbm>> -> memref<1x64xf32, #tpu.memory_space<hbm>>
    %dma_start3A_729 = tpu.memref_squeeze %dma_start3A_728 : memref<1x64xf32, #tpu.memory_space<hbm>> -> memref<64xf32, #tpu.memory_space<hbm>>
    %dma_start3A_730 = arith.constant 0 : i32
    %dma_start3A_731 = tpu.memref_slice %arg6[%dma_start3A_722, %dma_start3A_723, %dma_start3A_730] : memref<2x32x64xf32, #tpu.memory_space<vmem>> -> memref<1x1x64xf32, #tpu.memory_space<vmem>>
    %dma_start3A_732 = tpu.memref_squeeze %dma_start3A_731 : memref<1x1x64xf32, #tpu.memory_space<vmem>> -> memref<64xf32, #tpu.memory_space<vmem>>
    %dma_start3A_733 = arith.constant 0 : i32
    %dma_start3A_734 = tpu.memref_slice %arg2[%reduce_max3A_721, %dma_start3A_733] : memref<1000000x64xf32, #tpu.memory_space<hbm>> -> memref<1x64xf32, #tpu.memory_space<hbm>>
    %dma_start3A_735 = tpu.memref_squeeze %dma_start3A_734 : memref<1x64xf32, #tpu.memory_space<hbm>> -> memref<64xf32, #tpu.memory_space<hbm>>
    tpu.enqueue_dma source(%dma_start3A_735 : memref<64xf32, #tpu.memory_space<hbm>>) target(%dma_start3A_732 : memref<64xf32, #tpu.memory_space<vmem>>) target_semaphore(%arg7 : memref<!tpu.dma_semaphore, #tpu.memory_space<semaphore_mem>>)
    %eq3A_736 = arith.constant 10 : i32
    %eq3A_737 = vector.broadcast %eq3A_736 : i32 to vector<16xi32>
    %eq3A_738 = arith.cmpi eq, %iota3A, %eq3A_737 : vector<16xi32>
    %jit3A_739 = arith.constant 0 : i32
    %broadcast_in_dim3A_740 = vector.broadcast %jit3A_739 : i32 to vector<16xi32>
    %select_n3A_741 = arith.select %eq3A_738, %get3A_455, %broadcast_in_dim3A_740 : vector<16xi1>, vector<16xi32>
    %reduce_max3A_742 = arith.constant true
    %reduce_max3A_743 = vector.broadcast %reduce_max3A_742 : i1 to vector<16xi1>
    %reduce_max3A_744 = arith.constant -2147483648 : i32
    %reduce_max3A_745 = vector.broadcast %reduce_max3A_744 : i32 to vector<16xi32>
    %reduce_max3A_746 = arith.xori %select_n3A_741, %reduce_max3A_745 : vector<16xi32>
    %reduce_max3A_747 = tpu.scan <max>, %reduce_max3A_746 masked %reduce_max3A_743 : vector<16xi32>, vector<16xi1> -> vector<16xi32>
    %reduce_max3A_748 = arith.xori %reduce_max3A_747, %reduce_max3A_745 : vector<16xi32>
    %reduce_max3A_749 = vector.extract %reduce_max3A_748[15] : i32 from vector<16xi32>
    %dma_start3A_750 = arith.constant 0 : i32
    %dma_start3A_751 = arith.constant 26 : i32
    %dma_start3A_752 = arith.constant 0 : i32
    %dma_start3A_753 = tpu.memref_slice %arg6[%dma_start3A_750, %dma_start3A_751, %dma_start3A_752] : memref<2x32x64xf32, #tpu.memory_space<vmem>> -> memref<1x1x64xf32, #tpu.memory_space<vmem>>
    %dma_start3A_754 = tpu.memref_squeeze %dma_start3A_753 : memref<1x1x64xf32, #tpu.memory_space<vmem>> -> memref<64xf32, #tpu.memory_space<vmem>>
    %dma_start3A_755 = arith.constant 0 : i32
    %dma_start3A_756 = tpu.memref_slice %arg2[%reduce_max3A_749, %dma_start3A_755] : memref<1000000x64xf32, #tpu.memory_space<hbm>> -> memref<1x64xf32, #tpu.memory_space<hbm>>
    %dma_start3A_757 = tpu.memref_squeeze %dma_start3A_756 : memref<1x64xf32, #tpu.memory_space<hbm>> -> memref<64xf32, #tpu.memory_space<hbm>>
    %dma_start3A_758 = arith.constant 0 : i32
    %dma_start3A_759 = tpu.memref_slice %arg6[%dma_start3A_750, %dma_start3A_751, %dma_start3A_758] : memref<2x32x64xf32, #tpu.memory_space<vmem>> -> memref<1x1x64xf32, #tpu.memory_space<vmem>>
    %dma_start3A_760 = tpu.memref_squeeze %dma_start3A_759 : memref<1x1x64xf32, #tpu.memory_space<vmem>> -> memref<64xf32, #tpu.memory_space<vmem>>
    %dma_start3A_761 = arith.constant 0 : i32
    %dma_start3A_762 = tpu.memref_slice %arg2[%reduce_max3A_749, %dma_start3A_761] : memref<1000000x64xf32, #tpu.memory_space<hbm>> -> memref<1x64xf32, #tpu.memory_space<hbm>>
    %dma_start3A_763 = tpu.memref_squeeze %dma_start3A_762 : memref<1x64xf32, #tpu.memory_space<hbm>> -> memref<64xf32, #tpu.memory_space<hbm>>
    tpu.enqueue_dma source(%dma_start3A_763 : memref<64xf32, #tpu.memory_space<hbm>>) target(%dma_start3A_760 : memref<64xf32, #tpu.memory_space<vmem>>) target_semaphore(%arg7 : memref<!tpu.dma_semaphore, #tpu.memory_space<semaphore_mem>>)
    %eq3A_764 = arith.constant 11 : i32
    %eq3A_765 = vector.broadcast %eq3A_764 : i32 to vector<16xi32>
    %eq3A_766 = arith.cmpi eq, %iota3A, %eq3A_765 : vector<16xi32>
    %jit3A_767 = arith.constant 0 : i32
    %broadcast_in_dim3A_768 = vector.broadcast %jit3A_767 : i32 to vector<16xi32>
    %select_n3A_769 = arith.select %eq3A_766, %get3A_455, %broadcast_in_dim3A_768 : vector<16xi1>, vector<16xi32>
    %reduce_max3A_770 = arith.constant true
    %reduce_max3A_771 = vector.broadcast %reduce_max3A_770 : i1 to vector<16xi1>
    %reduce_max3A_772 = arith.constant -2147483648 : i32
    %reduce_max3A_773 = vector.broadcast %reduce_max3A_772 : i32 to vector<16xi32>
    %reduce_max3A_774 = arith.xori %select_n3A_769, %reduce_max3A_773 : vector<16xi32>
    %reduce_max3A_775 = tpu.scan <max>, %reduce_max3A_774 masked %reduce_max3A_771 : vector<16xi32>, vector<16xi1> -> vector<16xi32>
    %reduce_max3A_776 = arith.xori %reduce_max3A_775, %reduce_max3A_773 : vector<16xi32>
    %reduce_max3A_777 = vector.extract %reduce_max3A_776[15] : i32 from vector<16xi32>
    %dma_start3A_778 = arith.constant 0 : i32
    %dma_start3A_779 = arith.constant 27 : i32
    %dma_start3A_780 = arith.constant 0 : i32
    %dma_start3A_781 = tpu.memref_slice %arg6[%dma_start3A_778, %dma_start3A_779, %dma_start3A_780] : memref<2x32x64xf32, #tpu.memory_space<vmem>> -> memref<1x1x64xf32, #tpu.memory_space<vmem>>
    %dma_start3A_782 = tpu.memref_squeeze %dma_start3A_781 : memref<1x1x64xf32, #tpu.memory_space<vmem>> -> memref<64xf32, #tpu.memory_space<vmem>>
    %dma_start3A_783 = arith.constant 0 : i32
    %dma_start3A_784 = tpu.memref_slice %arg2[%reduce_max3A_777, %dma_start3A_783] : memref<1000000x64xf32, #tpu.memory_space<hbm>> -> memref<1x64xf32, #tpu.memory_space<hbm>>
    %dma_start3A_785 = tpu.memref_squeeze %dma_start3A_784 : memref<1x64xf32, #tpu.memory_space<hbm>> -> memref<64xf32, #tpu.memory_space<hbm>>
    %dma_start3A_786 = arith.constant 0 : i32
    %dma_start3A_787 = tpu.memref_slice %arg6[%dma_start3A_778, %dma_start3A_779, %dma_start3A_786] : memref<2x32x64xf32, #tpu.memory_space<vmem>> -> memref<1x1x64xf32, #tpu.memory_space<vmem>>
    %dma_start3A_788 = tpu.memref_squeeze %dma_start3A_787 : memref<1x1x64xf32, #tpu.memory_space<vmem>> -> memref<64xf32, #tpu.memory_space<vmem>>
    %dma_start3A_789 = arith.constant 0 : i32
    %dma_start3A_790 = tpu.memref_slice %arg2[%reduce_max3A_777, %dma_start3A_789] : memref<1000000x64xf32, #tpu.memory_space<hbm>> -> memref<1x64xf32, #tpu.memory_space<hbm>>
    %dma_start3A_791 = tpu.memref_squeeze %dma_start3A_790 : memref<1x64xf32, #tpu.memory_space<hbm>> -> memref<64xf32, #tpu.memory_space<hbm>>
    tpu.enqueue_dma source(%dma_start3A_791 : memref<64xf32, #tpu.memory_space<hbm>>) target(%dma_start3A_788 : memref<64xf32, #tpu.memory_space<vmem>>) target_semaphore(%arg7 : memref<!tpu.dma_semaphore, #tpu.memory_space<semaphore_mem>>)
    %eq3A_792 = arith.constant 12 : i32
    %eq3A_793 = vector.broadcast %eq3A_792 : i32 to vector<16xi32>
    %eq3A_794 = arith.cmpi eq, %iota3A, %eq3A_793 : vector<16xi32>
    %jit3A_795 = arith.constant 0 : i32
    %broadcast_in_dim3A_796 = vector.broadcast %jit3A_795 : i32 to vector<16xi32>
    %select_n3A_797 = arith.select %eq3A_794, %get3A_455, %broadcast_in_dim3A_796 : vector<16xi1>, vector<16xi32>
    %reduce_max3A_798 = arith.constant true
    %reduce_max3A_799 = vector.broadcast %reduce_max3A_798 : i1 to vector<16xi1>
    %reduce_max3A_800 = arith.constant -2147483648 : i32
    %reduce_max3A_801 = vector.broadcast %reduce_max3A_800 : i32 to vector<16xi32>
    %reduce_max3A_802 = arith.xori %select_n3A_797, %reduce_max3A_801 : vector<16xi32>
    %reduce_max3A_803 = tpu.scan <max>, %reduce_max3A_802 masked %reduce_max3A_799 : vector<16xi32>, vector<16xi1> -> vector<16xi32>
    %reduce_max3A_804 = arith.xori %reduce_max3A_803, %reduce_max3A_801 : vector<16xi32>
    %reduce_max3A_805 = vector.extract %reduce_max3A_804[15] : i32 from vector<16xi32>
    %dma_start3A_806 = arith.constant 0 : i32
    %dma_start3A_807 = arith.constant 28 : i32
    %dma_start3A_808 = arith.constant 0 : i32
    %dma_start3A_809 = tpu.memref_slice %arg6[%dma_start3A_806, %dma_start3A_807, %dma_start3A_808] : memref<2x32x64xf32, #tpu.memory_space<vmem>> -> memref<1x1x64xf32, #tpu.memory_space<vmem>>
    %dma_start3A_810 = tpu.memref_squeeze %dma_start3A_809 : memref<1x1x64xf32, #tpu.memory_space<vmem>> -> memref<64xf32, #tpu.memory_space<vmem>>
    %dma_start3A_811 = arith.constant 0 : i32
    %dma_start3A_812 = tpu.memref_slice %arg2[%reduce_max3A_805, %dma_start3A_811] : memref<1000000x64xf32, #tpu.memory_space<hbm>> -> memref<1x64xf32, #tpu.memory_space<hbm>>
    %dma_start3A_813 = tpu.memref_squeeze %dma_start3A_812 : memref<1x64xf32, #tpu.memory_space<hbm>> -> memref<64xf32, #tpu.memory_space<hbm>>
    %dma_start3A_814 = arith.constant 0 : i32
    %dma_start3A_815 = tpu.memref_slice %arg6[%dma_start3A_806, %dma_start3A_807, %dma_start3A_814] : memref<2x32x64xf32, #tpu.memory_space<vmem>> -> memref<1x1x64xf32, #tpu.memory_space<vmem>>
    %dma_start3A_816 = tpu.memref_squeeze %dma_start3A_815 : memref<1x1x64xf32, #tpu.memory_space<vmem>> -> memref<64xf32, #tpu.memory_space<vmem>>
    %dma_start3A_817 = arith.constant 0 : i32
    %dma_start3A_818 = tpu.memref_slice %arg2[%reduce_max3A_805, %dma_start3A_817] : memref<1000000x64xf32, #tpu.memory_space<hbm>> -> memref<1x64xf32, #tpu.memory_space<hbm>>
    %dma_start3A_819 = tpu.memref_squeeze %dma_start3A_818 : memref<1x64xf32, #tpu.memory_space<hbm>> -> memref<64xf32, #tpu.memory_space<hbm>>
    tpu.enqueue_dma source(%dma_start3A_819 : memref<64xf32, #tpu.memory_space<hbm>>) target(%dma_start3A_816 : memref<64xf32, #tpu.memory_space<vmem>>) target_semaphore(%arg7 : memref<!tpu.dma_semaphore, #tpu.memory_space<semaphore_mem>>)
    %eq3A_820 = arith.constant 13 : i32
    %eq3A_821 = vector.broadcast %eq3A_820 : i32 to vector<16xi32>
    %eq3A_822 = arith.cmpi eq, %iota3A, %eq3A_821 : vector<16xi32>
    %jit3A_823 = arith.constant 0 : i32
    %broadcast_in_dim3A_824 = vector.broadcast %jit3A_823 : i32 to vector<16xi32>
    %select_n3A_825 = arith.select %eq3A_822, %get3A_455, %broadcast_in_dim3A_824 : vector<16xi1>, vector<16xi32>
    %reduce_max3A_826 = arith.constant true
    %reduce_max3A_827 = vector.broadcast %reduce_max3A_826 : i1 to vector<16xi1>
    %reduce_max3A_828 = arith.constant -2147483648 : i32
    %reduce_max3A_829 = vector.broadcast %reduce_max3A_828 : i32 to vector<16xi32>
    %reduce_max3A_830 = arith.xori %select_n3A_825, %reduce_max3A_829 : vector<16xi32>
    %reduce_max3A_831 = tpu.scan <max>, %reduce_max3A_830 masked %reduce_max3A_827 : vector<16xi32>, vector<16xi1> -> vector<16xi32>
    %reduce_max3A_832 = arith.xori %reduce_max3A_831, %reduce_max3A_829 : vector<16xi32>
    %reduce_max3A_833 = vector.extract %reduce_max3A_832[15] : i32 from vector<16xi32>
    %dma_start3A_834 = arith.constant 0 : i32
    %dma_start3A_835 = arith.constant 29 : i32
    %dma_start3A_836 = arith.constant 0 : i32
    %dma_start3A_837 = tpu.memref_slice %arg6[%dma_start3A_834, %dma_start3A_835, %dma_start3A_836] : memref<2x32x64xf32, #tpu.memory_space<vmem>> -> memref<1x1x64xf32, #tpu.memory_space<vmem>>
    %dma_start3A_838 = tpu.memref_squeeze %dma_start3A_837 : memref<1x1x64xf32, #tpu.memory_space<vmem>> -> memref<64xf32, #tpu.memory_space<vmem>>
    %dma_start3A_839 = arith.constant 0 : i32
    %dma_start3A_840 = tpu.memref_slice %arg2[%reduce_max3A_833, %dma_start3A_839] : memref<1000000x64xf32, #tpu.memory_space<hbm>> -> memref<1x64xf32, #tpu.memory_space<hbm>>
    %dma_start3A_841 = tpu.memref_squeeze %dma_start3A_840 : memref<1x64xf32, #tpu.memory_space<hbm>> -> memref<64xf32, #tpu.memory_space<hbm>>
    %dma_start3A_842 = arith.constant 0 : i32
    %dma_start3A_843 = tpu.memref_slice %arg6[%dma_start3A_834, %dma_start3A_835, %dma_start3A_842] : memref<2x32x64xf32, #tpu.memory_space<vmem>> -> memref<1x1x64xf32, #tpu.memory_space<vmem>>
    %dma_start3A_844 = tpu.memref_squeeze %dma_start3A_843 : memref<1x1x64xf32, #tpu.memory_space<vmem>> -> memref<64xf32, #tpu.memory_space<vmem>>
    %dma_start3A_845 = arith.constant 0 : i32
    %dma_start3A_846 = tpu.memref_slice %arg2[%reduce_max3A_833, %dma_start3A_845] : memref<1000000x64xf32, #tpu.memory_space<hbm>> -> memref<1x64xf32, #tpu.memory_space<hbm>>
    %dma_start3A_847 = tpu.memref_squeeze %dma_start3A_846 : memref<1x64xf32, #tpu.memory_space<hbm>> -> memref<64xf32, #tpu.memory_space<hbm>>
    tpu.enqueue_dma source(%dma_start3A_847 : memref<64xf32, #tpu.memory_space<hbm>>) target(%dma_start3A_844 : memref<64xf32, #tpu.memory_space<vmem>>) target_semaphore(%arg7 : memref<!tpu.dma_semaphore, #tpu.memory_space<semaphore_mem>>)
    %eq3A_848 = arith.constant 14 : i32
    %eq3A_849 = vector.broadcast %eq3A_848 : i32 to vector<16xi32>
    %eq3A_850 = arith.cmpi eq, %iota3A, %eq3A_849 : vector<16xi32>
    %jit3A_851 = arith.constant 0 : i32
    %broadcast_in_dim3A_852 = vector.broadcast %jit3A_851 : i32 to vector<16xi32>
    %select_n3A_853 = arith.select %eq3A_850, %get3A_455, %broadcast_in_dim3A_852 : vector<16xi1>, vector<16xi32>
    %reduce_max3A_854 = arith.constant true
    %reduce_max3A_855 = vector.broadcast %reduce_max3A_854 : i1 to vector<16xi1>
    %reduce_max3A_856 = arith.constant -2147483648 : i32
    %reduce_max3A_857 = vector.broadcast %reduce_max3A_856 : i32 to vector<16xi32>
    %reduce_max3A_858 = arith.xori %select_n3A_853, %reduce_max3A_857 : vector<16xi32>
    %reduce_max3A_859 = tpu.scan <max>, %reduce_max3A_858 masked %reduce_max3A_855 : vector<16xi32>, vector<16xi1> -> vector<16xi32>
    %reduce_max3A_860 = arith.xori %reduce_max3A_859, %reduce_max3A_857 : vector<16xi32>
    %reduce_max3A_861 = vector.extract %reduce_max3A_860[15] : i32 from vector<16xi32>
    %dma_start3A_862 = arith.constant 0 : i32
    %dma_start3A_863 = arith.constant 30 : i32
    %dma_start3A_864 = arith.constant 0 : i32
    %dma_start3A_865 = tpu.memref_slice %arg6[%dma_start3A_862, %dma_start3A_863, %dma_start3A_864] : memref<2x32x64xf32, #tpu.memory_space<vmem>> -> memref<1x1x64xf32, #tpu.memory_space<vmem>>
    %dma_start3A_866 = tpu.memref_squeeze %dma_start3A_865 : memref<1x1x64xf32, #tpu.memory_space<vmem>> -> memref<64xf32, #tpu.memory_space<vmem>>
    %dma_start3A_867 = arith.constant 0 : i32
    %dma_start3A_868 = tpu.memref_slice %arg2[%reduce_max3A_861, %dma_start3A_867] : memref<1000000x64xf32, #tpu.memory_space<hbm>> -> memref<1x64xf32, #tpu.memory_space<hbm>>
    %dma_start3A_869 = tpu.memref_squeeze %dma_start3A_868 : memref<1x64xf32, #tpu.memory_space<hbm>> -> memref<64xf32, #tpu.memory_space<hbm>>
    %dma_start3A_870 = arith.constant 0 : i32
    %dma_start3A_871 = tpu.memref_slice %arg6[%dma_start3A_862, %dma_start3A_863, %dma_start3A_870] : memref<2x32x64xf32, #tpu.memory_space<vmem>> -> memref<1x1x64xf32, #tpu.memory_space<vmem>>
    %dma_start3A_872 = tpu.memref_squeeze %dma_start3A_871 : memref<1x1x64xf32, #tpu.memory_space<vmem>> -> memref<64xf32, #tpu.memory_space<vmem>>
    %dma_start3A_873 = arith.constant 0 : i32
    %dma_start3A_874 = tpu.memref_slice %arg2[%reduce_max3A_861, %dma_start3A_873] : memref<1000000x64xf32, #tpu.memory_space<hbm>> -> memref<1x64xf32, #tpu.memory_space<hbm>>
    %dma_start3A_875 = tpu.memref_squeeze %dma_start3A_874 : memref<1x64xf32, #tpu.memory_space<hbm>> -> memref<64xf32, #tpu.memory_space<hbm>>
    tpu.enqueue_dma source(%dma_start3A_875 : memref<64xf32, #tpu.memory_space<hbm>>) target(%dma_start3A_872 : memref<64xf32, #tpu.memory_space<vmem>>) target_semaphore(%arg7 : memref<!tpu.dma_semaphore, #tpu.memory_space<semaphore_mem>>)
    %eq3A_876 = arith.constant 15 : i32
    %eq3A_877 = vector.broadcast %eq3A_876 : i32 to vector<16xi32>
    %eq3A_878 = arith.cmpi eq, %iota3A, %eq3A_877 : vector<16xi32>
    %jit3A_879 = arith.constant 0 : i32
    %broadcast_in_dim3A_880 = vector.broadcast %jit3A_879 : i32 to vector<16xi32>
    %select_n3A_881 = arith.select %eq3A_878, %get3A_455, %broadcast_in_dim3A_880 : vector<16xi1>, vector<16xi32>
    %reduce_max3A_882 = arith.constant true
    %reduce_max3A_883 = vector.broadcast %reduce_max3A_882 : i1 to vector<16xi1>
    %reduce_max3A_884 = arith.constant -2147483648 : i32
    %reduce_max3A_885 = vector.broadcast %reduce_max3A_884 : i32 to vector<16xi32>
    %reduce_max3A_886 = arith.xori %select_n3A_881, %reduce_max3A_885 : vector<16xi32>
    %reduce_max3A_887 = tpu.scan <max>, %reduce_max3A_886 masked %reduce_max3A_883 : vector<16xi32>, vector<16xi1> -> vector<16xi32>
    %reduce_max3A_888 = arith.xori %reduce_max3A_887, %reduce_max3A_885 : vector<16xi32>
    %reduce_max3A_889 = vector.extract %reduce_max3A_888[15] : i32 from vector<16xi32>
    %dma_start3A_890 = arith.constant 0 : i32
    %dma_start3A_891 = arith.constant 31 : i32
    %dma_start3A_892 = arith.constant 0 : i32
    %dma_start3A_893 = tpu.memref_slice %arg6[%dma_start3A_890, %dma_start3A_891, %dma_start3A_892] : memref<2x32x64xf32, #tpu.memory_space<vmem>> -> memref<1x1x64xf32, #tpu.memory_space<vmem>>
    %dma_start3A_894 = tpu.memref_squeeze %dma_start3A_893 : memref<1x1x64xf32, #tpu.memory_space<vmem>> -> memref<64xf32, #tpu.memory_space<vmem>>
    %dma_start3A_895 = arith.constant 0 : i32
    %dma_start3A_896 = tpu.memref_slice %arg2[%reduce_max3A_889, %dma_start3A_895] : memref<1000000x64xf32, #tpu.memory_space<hbm>> -> memref<1x64xf32, #tpu.memory_space<hbm>>
    %dma_start3A_897 = tpu.memref_squeeze %dma_start3A_896 : memref<1x64xf32, #tpu.memory_space<hbm>> -> memref<64xf32, #tpu.memory_space<hbm>>
    %dma_start3A_898 = arith.constant 0 : i32
    %dma_start3A_899 = tpu.memref_slice %arg6[%dma_start3A_890, %dma_start3A_891, %dma_start3A_898] : memref<2x32x64xf32, #tpu.memory_space<vmem>> -> memref<1x1x64xf32, #tpu.memory_space<vmem>>
    %dma_start3A_900 = tpu.memref_squeeze %dma_start3A_899 : memref<1x1x64xf32, #tpu.memory_space<vmem>> -> memref<64xf32, #tpu.memory_space<vmem>>
    %dma_start3A_901 = arith.constant 0 : i32
    %dma_start3A_902 = tpu.memref_slice %arg2[%reduce_max3A_889, %dma_start3A_901] : memref<1000000x64xf32, #tpu.memory_space<hbm>> -> memref<1x64xf32, #tpu.memory_space<hbm>>
    %dma_start3A_903 = tpu.memref_squeeze %dma_start3A_902 : memref<1x64xf32, #tpu.memory_space<hbm>> -> memref<64xf32, #tpu.memory_space<hbm>>
    tpu.enqueue_dma source(%dma_start3A_903 : memref<64xf32, #tpu.memory_space<hbm>>) target(%dma_start3A_900 : memref<64xf32, #tpu.memory_space<vmem>>) target_semaphore(%arg7 : memref<!tpu.dma_semaphore, #tpu.memory_space<semaphore_mem>>)
    %scan3A = arith.constant 0 : i32
    %scan3A_904 = arith.constant 25 : i32
    %scan3A_905 = arith.addi %scan3A, %scan3A_904 : i32
    %scan3A_906 = arith.constant 1 : i32
    scf.for %scan3A_937 = %scan3A to %scan3A_905 step %scan3A_906  : i32 {
      %mul3A_938 = arith.constant 1 : i32
      %mul3A_939 = arith.muli %scan3A_937, %mul3A_938 : i32
      %add3A_940 = arith.constant 0 : i32
      %add3A_941 = arith.addi %add3A_940, %mul3A_939 : i32
      %mul3A_942 = arith.constant 2 : i32
      %mul3A_943 = arith.muli %mul3A_942, %add3A_941 : i32
      %gt3A = arith.constant 0 : i32
      %gt3A_944 = arith.cmpi sgt, %add3A_941, %gt3A : i32
      %convert_element_type3A = arith.extui %gt3A_944 : i1 to i32
      %cond3A = arith.constant 0 : i32
      %cond3A_945 = arith.cmpi ne, %convert_element_type3A, %cond3A : i32
      scf.if %cond3A_945 {
        %dma_wait3A_1902 = arith.constant 1 : i32
        %dma_wait3A_1903 = arith.constant 0 : i32
        %dma_wait3A_1904 = arith.constant 0 : i32
        %dma_wait3A_1905 = tpu.memref_slice %arg6[%dma_wait3A_1902, %dma_wait3A_1903, %dma_wait3A_1904] : memref<2x32x64xf32, #tpu.memory_space<vmem>> -> memref<1x32x64xf32, #tpu.memory_space<vmem>>
        %dma_wait3A_1906 = tpu.memref_squeeze %dma_wait3A_1905 : memref<1x32x64xf32, #tpu.memory_space<vmem>> -> memref<32x64xf32, #tpu.memory_space<vmem>>
        %dma_wait3A_1907 = arith.constant 0 : i32
        %dma_wait3A_1908 = arith.constant 0 : i32
        %dma_wait3A_1909 = tpu.memref_slice %arg4[%dma_wait3A_1907, %dma_wait3A_1908] : memref<51200x64xf32, #tpu.memory_space<hbm>> -> memref<32x64xf32, #tpu.memory_space<hbm>>
        %dma_wait3A_1910 = arith.constant 0 : i32
        %dma_wait3A_1911 = arith.constant 0 : i32
        %dma_wait3A_1912 = tpu.memref_slice %arg4[%dma_wait3A_1910, %dma_wait3A_1911] : memref<51200x64xf32, #tpu.memory_space<hbm>> -> memref<32x64xf32, #tpu.memory_space<hbm>>
        %dma_wait3A_1913 = arith.constant 0 : i32
        %dma_wait3A_1914 = arith.constant 0 : i32
        %dma_wait3A_1915 = tpu.memref_slice %arg6[%dma_wait3A_1902, %dma_wait3A_1913, %dma_wait3A_1914] : memref<2x32x64xf32, #tpu.memory_space<vmem>> -> memref<1x32x64xf32, #tpu.memory_space<vmem>>
        %dma_wait3A_1916 = tpu.memref_squeeze %dma_wait3A_1915 : memref<1x32x64xf32, #tpu.memory_space<vmem>> -> memref<32x64xf32, #tpu.memory_space<vmem>>
        tpu.wait_dma2 semaphore(%arg10 : memref<!tpu.dma_semaphore, #tpu.memory_space<semaphore_mem>>) src(%dma_wait3A_1916 : memref<32x64xf32, #tpu.memory_space<vmem>>) dst(%dma_wait3A_1912 : memref<32x64xf32, #tpu.memory_space<hbm>>)
      } else {
      }
      %add3A_946 = arith.constant 1 : i32
      %add3A_947 = arith.addi %mul3A_943, %add3A_946 : i32
      %add3A_948 = arith.constant 0 : i32
      %add3A_949 = arith.addi %mul3A_2, %add3A_948 : i32
      %get3A_950 = arith.index_cast %add3A_947 : i32 to index
      %get3A_951 = arith.index_cast %add3A_949 : i32 to index
      %get3A_952 = tpu.vector_load %arg5[%get3A_950, %get3A_951] {strides = array<i32>} : memref<50x1024xi32, #tpu.memory_space<vmem>>, vector<16xi32>,
      %eq3A_953 = arith.constant 0 : i32
      %eq3A_954 = vector.broadcast %eq3A_953 : i32 to vector<16xi32>
      %eq3A_955 = arith.cmpi eq, %iota3A, %eq3A_954 : vector<16xi32>
      %jit3A_956 = arith.constant 0 : i32
      %broadcast_in_dim3A_957 = vector.broadcast %jit3A_956 : i32 to vector<16xi32>
      %select_n3A_958 = arith.select %eq3A_955, %get3A_952, %broadcast_in_dim3A_957 : vector<16xi1>, vector<16xi32>
      %reduce_max3A_959 = arith.constant true
      %reduce_max3A_960 = vector.broadcast %reduce_max3A_959 : i1 to vector<16xi1>
      %reduce_max3A_961 = arith.constant -2147483648 : i32
      %reduce_max3A_962 = vector.broadcast %reduce_max3A_961 : i32 to vector<16xi32>
      %reduce_max3A_963 = arith.xori %select_n3A_958, %reduce_max3A_962 : vector<16xi32>
      %reduce_max3A_964 = tpu.scan <max>, %reduce_max3A_963 masked %reduce_max3A_960 : vector<16xi32>, vector<16xi1> -> vector<16xi32>
      %reduce_max3A_965 = arith.xori %reduce_max3A_964, %reduce_max3A_962 : vector<16xi32>
      %reduce_max3A_966 = vector.extract %reduce_max3A_965[15] : i32 from vector<16xi32>
      %dma_start3A_967 = arith.constant 1 : i32
      %dma_start3A_968 = arith.constant 0 : i32
      %dma_start3A_969 = arith.constant 0 : i32
      %dma_start3A_970 = tpu.memref_slice %arg6[%dma_start3A_967, %dma_start3A_968, %dma_start3A_969] : memref<2x32x64xf32, #tpu.memory_space<vmem>> -> memref<1x1x64xf32, #tpu.memory_space<vmem>>
      %dma_start3A_971 = tpu.memref_squeeze %dma_start3A_970 : memref<1x1x64xf32, #tpu.memory_space<vmem>> -> memref<64xf32, #tpu.memory_space<vmem>>
      %dma_start3A_972 = arith.constant 0 : i32
      %dma_start3A_973 = tpu.memref_slice %arg2[%reduce_max3A_966, %dma_start3A_972] : memref<1000000x64xf32, #tpu.memory_space<hbm>> -> memref<1x64xf32, #tpu.memory_space<hbm>>
      %dma_start3A_974 = tpu.memref_squeeze %dma_start3A_973 : memref<1x64xf32, #tpu.memory_space<hbm>> -> memref<64xf32, #tpu.memory_space<hbm>>
      %dma_start3A_975 = arith.constant 0 : i32
      %dma_start3A_976 = tpu.memref_slice %arg6[%dma_start3A_967, %dma_start3A_968, %dma_start3A_975] : memref<2x32x64xf32, #tpu.memory_space<vmem>> -> memref<1x1x64xf32, #tpu.memory_space<vmem>>
      %dma_start3A_977 = tpu.memref_squeeze %dma_start3A_976 : memref<1x1x64xf32, #tpu.memory_space<vmem>> -> memref<64xf32, #tpu.memory_space<vmem>>
      %dma_start3A_978 = arith.constant 0 : i32
      %dma_start3A_979 = tpu.memref_slice %arg2[%reduce_max3A_966, %dma_start3A_978] : memref<1000000x64xf32, #tpu.memory_space<hbm>> -> memref<1x64xf32, #tpu.memory_space<hbm>>
      %dma_start3A_980 = tpu.memref_squeeze %dma_start3A_979 : memref<1x64xf32, #tpu.memory_space<hbm>> -> memref<64xf32, #tpu.memory_space<hbm>>
      tpu.enqueue_dma source(%dma_start3A_980 : memref<64xf32, #tpu.memory_space<hbm>>) target(%dma_start3A_977 : memref<64xf32, #tpu.memory_space<vmem>>) target_semaphore(%arg8 : memref<!tpu.dma_semaphore, #tpu.memory_space<semaphore_mem>>)
      %eq3A_981 = arith.constant 1 : i32
      %eq3A_982 = vector.broadcast %eq3A_981 : i32 to vector<16xi32>
      %eq3A_983 = arith.cmpi eq, %iota3A, %eq3A_982 : vector<16xi32>
      %jit3A_984 = arith.constant 0 : i32
      %broadcast_in_dim3A_985 = vector.broadcast %jit3A_984 : i32 to vector<16xi32>
      %select_n3A_986 = arith.select %eq3A_983, %get3A_952, %broadcast_in_dim3A_985 : vector<16xi1>, vector<16xi32>
      %reduce_max3A_987 = arith.constant true
      %reduce_max3A_988 = vector.broadcast %reduce_max3A_987 : i1 to vector<16xi1>
      %reduce_max3A_989 = arith.constant -2147483648 : i32
      %reduce_max3A_990 = vector.broadcast %reduce_max3A_989 : i32 to vector<16xi32>
      %reduce_max3A_991 = arith.xori %select_n3A_986, %reduce_max3A_990 : vector<16xi32>
      %reduce_max3A_992 = tpu.scan <max>, %reduce_max3A_991 masked %reduce_max3A_988 : vector<16xi32>, vector<16xi1> -> vector<16xi32>
      %reduce_max3A_993 = arith.xori %reduce_max3A_992, %reduce_max3A_990 : vector<16xi32>
      %reduce_max3A_994 = vector.extract %reduce_max3A_993[15] : i32 from vector<16xi32>
      %dma_start3A_995 = arith.constant 1 : i32
      %dma_start3A_996 = arith.constant 1 : i32
      %dma_start3A_997 = arith.constant 0 : i32
      %dma_start3A_998 = tpu.memref_slice %arg6[%dma_start3A_995, %dma_start3A_996, %dma_start3A_997] : memref<2x32x64xf32, #tpu.memory_space<vmem>> -> memref<1x1x64xf32, #tpu.memory_space<vmem>>
      %dma_start3A_999 = tpu.memref_squeeze %dma_start3A_998 : memref<1x1x64xf32, #tpu.memory_space<vmem>> -> memref<64xf32, #tpu.memory_space<vmem>>
      %dma_start3A_1000 = arith.constant 0 : i32
      %dma_start3A_1001 = tpu.memref_slice %arg2[%reduce_max3A_994, %dma_start3A_1000] : memref<1000000x64xf32, #tpu.memory_space<hbm>> -> memref<1x64xf32, #tpu.memory_space<hbm>>
      %dma_start3A_1002 = tpu.memref_squeeze %dma_start3A_1001 : memref<1x64xf32, #tpu.memory_space<hbm>> -> memref<64xf32, #tpu.memory_space<hbm>>
      %dma_start3A_1003 = arith.constant 0 : i32
      %dma_start3A_1004 = tpu.memref_slice %arg6[%dma_start3A_995, %dma_start3A_996, %dma_start3A_1003] : memref<2x32x64xf32, #tpu.memory_space<vmem>> -> memref<1x1x64xf32, #tpu.memory_space<vmem>>
      %dma_start3A_1005 = tpu.memref_squeeze %dma_start3A_1004 : memref<1x1x64xf32, #tpu.memory_space<vmem>> -> memref<64xf32, #tpu.memory_space<vmem>>
      %dma_start3A_1006 = arith.constant 0 : i32
      %dma_start3A_1007 = tpu.memref_slice %arg2[%reduce_max3A_994, %dma_start3A_1006] : memref<1000000x64xf32, #tpu.memory_space<hbm>> -> memref<1x64xf32, #tpu.memory_space<hbm>>
      %dma_start3A_1008 = tpu.memref_squeeze %dma_start3A_1007 : memref<1x64xf32, #tpu.memory_space<hbm>> -> memref<64xf32, #tpu.memory_space<hbm>>
      tpu.enqueue_dma source(%dma_start3A_1008 : memref<64xf32, #tpu.memory_space<hbm>>) target(%dma_start3A_1005 : memref<64xf32, #tpu.memory_space<vmem>>) target_semaphore(%arg8 : memref<!tpu.dma_semaphore, #tpu.memory_space<semaphore_mem>>)
      %eq3A_1009 = arith.constant 2 : i32
      %eq3A_1010 = vector.broadcast %eq3A_1009 : i32 to vector<16xi32>
      %eq3A_1011 = arith.cmpi eq, %iota3A, %eq3A_1010 : vector<16xi32>
      %jit3A_1012 = arith.constant 0 : i32
      %broadcast_in_dim3A_1013 = vector.broadcast %jit3A_1012 : i32 to vector<16xi32>
      %select_n3A_1014 = arith.select %eq3A_1011, %get3A_952, %broadcast_in_dim3A_1013 : vector<16xi1>, vector<16xi32>
      %reduce_max3A_1015 = arith.constant true
      %reduce_max3A_1016 = vector.broadcast %reduce_max3A_1015 : i1 to vector<16xi1>
      %reduce_max3A_1017 = arith.constant -2147483648 : i32
      %reduce_max3A_1018 = vector.broadcast %reduce_max3A_1017 : i32 to vector<16xi32>
      %reduce_max3A_1019 = arith.xori %select_n3A_1014, %reduce_max3A_1018 : vector<16xi32>
      %reduce_max3A_1020 = tpu.scan <max>, %reduce_max3A_1019 masked %reduce_max3A_1016 : vector<16xi32>, vector<16xi1> -> vector<16xi32>
      %reduce_max3A_1021 = arith.xori %reduce_max3A_1020, %reduce_max3A_1018 : vector<16xi32>
      %reduce_max3A_1022 = vector.extract %reduce_max3A_1021[15] : i32 from vector<16xi32>
      %dma_start3A_1023 = arith.constant 1 : i32
      %dma_start3A_1024 = arith.constant 2 : i32
      %dma_start3A_1025 = arith.constant 0 : i32
      %dma_start3A_1026 = tpu.memref_slice %arg6[%dma_start3A_1023, %dma_start3A_1024, %dma_start3A_1025] : memref<2x32x64xf32, #tpu.memory_space<vmem>> -> memref<1x1x64xf32, #tpu.memory_space<vmem>>
      %dma_start3A_1027 = tpu.memref_squeeze %dma_start3A_1026 : memref<1x1x64xf32, #tpu.memory_space<vmem>> -> memref<64xf32, #tpu.memory_space<vmem>>
      %dma_start3A_1028 = arith.constant 0 : i32
      %dma_start3A_1029 = tpu.memref_slice %arg2[%reduce_max3A_1022, %dma_start3A_1028] : memref<1000000x64xf32, #tpu.memory_space<hbm>> -> memref<1x64xf32, #tpu.memory_space<hbm>>
      %dma_start3A_1030 = tpu.memref_squeeze %dma_start3A_1029 : memref<1x64xf32, #tpu.memory_space<hbm>> -> memref<64xf32, #tpu.memory_space<hbm>>
      %dma_start3A_1031 = arith.constant 0 : i32
      %dma_start3A_1032 = tpu.memref_slice %arg6[%dma_start3A_1023, %dma_start3A_1024, %dma_start3A_1031] : memref<2x32x64xf32, #tpu.memory_space<vmem>> -> memref<1x1x64xf32, #tpu.memory_space<vmem>>
      %dma_start3A_1033 = tpu.memref_squeeze %dma_start3A_1032 : memref<1x1x64xf32, #tpu.memory_space<vmem>> -> memref<64xf32, #tpu.memory_space<vmem>>
      %dma_start3A_1034 = arith.constant 0 : i32
      %dma_start3A_1035 = tpu.memref_slice %arg2[%reduce_max3A_1022, %dma_start3A_1034] : memref<1000000x64xf32, #tpu.memory_space<hbm>> -> memref<1x64xf32, #tpu.memory_space<hbm>>
      %dma_start3A_1036 = tpu.memref_squeeze %dma_start3A_1035 : memref<1x64xf32, #tpu.memory_space<hbm>> -> memref<64xf32, #tpu.memory_space<hbm>>
      tpu.enqueue_dma source(%dma_start3A_1036 : memref<64xf32, #tpu.memory_space<hbm>>) target(%dma_start3A_1033 : memref<64xf32, #tpu.memory_space<vmem>>) target_semaphore(%arg8 : memref<!tpu.dma_semaphore, #tpu.memory_space<semaphore_mem>>)
      %eq3A_1037 = arith.constant 3 : i32
      %eq3A_1038 = vector.broadcast %eq3A_1037 : i32 to vector<16xi32>
      %eq3A_1039 = arith.cmpi eq, %iota3A, %eq3A_1038 : vector<16xi32>
      %jit3A_1040 = arith.constant 0 : i32
      %broadcast_in_dim3A_1041 = vector.broadcast %jit3A_1040 : i32 to vector<16xi32>
      %select_n3A_1042 = arith.select %eq3A_1039, %get3A_952, %broadcast_in_dim3A_1041 : vector<16xi1>, vector<16xi32>
      %reduce_max3A_1043 = arith.constant true
      %reduce_max3A_1044 = vector.broadcast %reduce_max3A_1043 : i1 to vector<16xi1>
      %reduce_max3A_1045 = arith.constant -2147483648 : i32
      %reduce_max3A_1046 = vector.broadcast %reduce_max3A_1045 : i32 to vector<16xi32>
      %reduce_max3A_1047 = arith.xori %select_n3A_1042, %reduce_max3A_1046 : vector<16xi32>
      %reduce_max3A_1048 = tpu.scan <max>, %reduce_max3A_1047 masked %reduce_max3A_1044 : vector<16xi32>, vector<16xi1> -> vector<16xi32>
      %reduce_max3A_1049 = arith.xori %reduce_max3A_1048, %reduce_max3A_1046 : vector<16xi32>
      %reduce_max3A_1050 = vector.extract %reduce_max3A_1049[15] : i32 from vector<16xi32>
      %dma_start3A_1051 = arith.constant 1 : i32
      %dma_start3A_1052 = arith.constant 3 : i32
      %dma_start3A_1053 = arith.constant 0 : i32
      %dma_start3A_1054 = tpu.memref_slice %arg6[%dma_start3A_1051, %dma_start3A_1052, %dma_start3A_1053] : memref<2x32x64xf32, #tpu.memory_space<vmem>> -> memref<1x1x64xf32, #tpu.memory_space<vmem>>
      %dma_start3A_1055 = tpu.memref_squeeze %dma_start3A_1054 : memref<1x1x64xf32, #tpu.memory_space<vmem>> -> memref<64xf32, #tpu.memory_space<vmem>>
      %dma_start3A_1056 = arith.constant 0 : i32
      %dma_start3A_1057 = tpu.memref_slice %arg2[%reduce_max3A_1050, %dma_start3A_1056] : memref<1000000x64xf32, #tpu.memory_space<hbm>> -> memref<1x64xf32, #tpu.memory_space<hbm>>
      %dma_start3A_1058 = tpu.memref_squeeze %dma_start3A_1057 : memref<1x64xf32, #tpu.memory_space<hbm>> -> memref<64xf32, #tpu.memory_space<hbm>>
      %dma_start3A_1059 = arith.constant 0 : i32
      %dma_start3A_1060 = tpu.memref_slice %arg6[%dma_start3A_1051, %dma_start3A_1052, %dma_start3A_1059] : memref<2x32x64xf32, #tpu.memory_space<vmem>> -> memref<1x1x64xf32, #tpu.memory_space<vmem>>
      %dma_start3A_1061 = tpu.memref_squeeze %dma_start3A_1060 : memref<1x1x64xf32, #tpu.memory_space<vmem>> -> memref<64xf32, #tpu.memory_space<vmem>>
      %dma_start3A_1062 = arith.constant 0 : i32
      %dma_start3A_1063 = tpu.memref_slice %arg2[%reduce_max3A_1050, %dma_start3A_1062] : memref<1000000x64xf32, #tpu.memory_space<hbm>> -> memref<1x64xf32, #tpu.memory_space<hbm>>
      %dma_start3A_1064 = tpu.memref_squeeze %dma_start3A_1063 : memref<1x64xf32, #tpu.memory_space<hbm>> -> memref<64xf32, #tpu.memory_space<hbm>>
      tpu.enqueue_dma source(%dma_start3A_1064 : memref<64xf32, #tpu.memory_space<hbm>>) target(%dma_start3A_1061 : memref<64xf32, #tpu.memory_space<vmem>>) target_semaphore(%arg8 : memref<!tpu.dma_semaphore, #tpu.memory_space<semaphore_mem>>)
      %eq3A_1065 = arith.constant 4 : i32
      %eq3A_1066 = vector.broadcast %eq3A_1065 : i32 to vector<16xi32>
      %eq3A_1067 = arith.cmpi eq, %iota3A, %eq3A_1066 : vector<16xi32>
      %jit3A_1068 = arith.constant 0 : i32
      %broadcast_in_dim3A_1069 = vector.broadcast %jit3A_1068 : i32 to vector<16xi32>
      %select_n3A_1070 = arith.select %eq3A_1067, %get3A_952, %broadcast_in_dim3A_1069 : vector<16xi1>, vector<16xi32>
      %reduce_max3A_1071 = arith.constant true
      %reduce_max3A_1072 = vector.broadcast %reduce_max3A_1071 : i1 to vector<16xi1>
      %reduce_max3A_1073 = arith.constant -2147483648 : i32
      %reduce_max3A_1074 = vector.broadcast %reduce_max3A_1073 : i32 to vector<16xi32>
      %reduce_max3A_1075 = arith.xori %select_n3A_1070, %reduce_max3A_1074 : vector<16xi32>
      %reduce_max3A_1076 = tpu.scan <max>, %reduce_max3A_1075 masked %reduce_max3A_1072 : vector<16xi32>, vector<16xi1> -> vector<16xi32>
      %reduce_max3A_1077 = arith.xori %reduce_max3A_1076, %reduce_max3A_1074 : vector<16xi32>
      %reduce_max3A_1078 = vector.extract %reduce_max3A_1077[15] : i32 from vector<16xi32>
      %dma_start3A_1079 = arith.constant 1 : i32
      %dma_start3A_1080 = arith.constant 4 : i32
      %dma_start3A_1081 = arith.constant 0 : i32
      %dma_start3A_1082 = tpu.memref_slice %arg6[%dma_start3A_1079, %dma_start3A_1080, %dma_start3A_1081] : memref<2x32x64xf32, #tpu.memory_space<vmem>> -> memref<1x1x64xf32, #tpu.memory_space<vmem>>
      %dma_start3A_1083 = tpu.memref_squeeze %dma_start3A_1082 : memref<1x1x64xf32, #tpu.memory_space<vmem>> -> memref<64xf32, #tpu.memory_space<vmem>>
      %dma_start3A_1084 = arith.constant 0 : i32
      %dma_start3A_1085 = tpu.memref_slice %arg2[%reduce_max3A_1078, %dma_start3A_1084] : memref<1000000x64xf32, #tpu.memory_space<hbm>> -> memref<1x64xf32, #tpu.memory_space<hbm>>
      %dma_start3A_1086 = tpu.memref_squeeze %dma_start3A_1085 : memref<1x64xf32, #tpu.memory_space<hbm>> -> memref<64xf32, #tpu.memory_space<hbm>>
      %dma_start3A_1087 = arith.constant 0 : i32
      %dma_start3A_1088 = tpu.memref_slice %arg6[%dma_start3A_1079, %dma_start3A_1080, %dma_start3A_1087] : memref<2x32x64xf32, #tpu.memory_space<vmem>> -> memref<1x1x64xf32, #tpu.memory_space<vmem>>
      %dma_start3A_1089 = tpu.memref_squeeze %dma_start3A_1088 : memref<1x1x64xf32, #tpu.memory_space<vmem>> -> memref<64xf32, #tpu.memory_space<vmem>>
      %dma_start3A_1090 = arith.constant 0 : i32
      %dma_start3A_1091 = tpu.memref_slice %arg2[%reduce_max3A_1078, %dma_start3A_1090] : memref<1000000x64xf32, #tpu.memory_space<hbm>> -> memref<1x64xf32, #tpu.memory_space<hbm>>
      %dma_start3A_1092 = tpu.memref_squeeze %dma_start3A_1091 : memref<1x64xf32, #tpu.memory_space<hbm>> -> memref<64xf32, #tpu.memory_space<hbm>>
      tpu.enqueue_dma source(%dma_start3A_1092 : memref<64xf32, #tpu.memory_space<hbm>>) target(%dma_start3A_1089 : memref<64xf32, #tpu.memory_space<vmem>>) target_semaphore(%arg8 : memref<!tpu.dma_semaphore, #tpu.memory_space<semaphore_mem>>)
      %eq3A_1093 = arith.constant 5 : i32
      %eq3A_1094 = vector.broadcast %eq3A_1093 : i32 to vector<16xi32>
      %eq3A_1095 = arith.cmpi eq, %iota3A, %eq3A_1094 : vector<16xi32>
      %jit3A_1096 = arith.constant 0 : i32
      %broadcast_in_dim3A_1097 = vector.broadcast %jit3A_1096 : i32 to vector<16xi32>
      %select_n3A_1098 = arith.select %eq3A_1095, %get3A_952, %broadcast_in_dim3A_1097 : vector<16xi1>, vector<16xi32>
      %reduce_max3A_1099 = arith.constant true
      %reduce_max3A_1100 = vector.broadcast %reduce_max3A_1099 : i1 to vector<16xi1>
      %reduce_max3A_1101 = arith.constant -2147483648 : i32
      %reduce_max3A_1102 = vector.broadcast %reduce_max3A_1101 : i32 to vector<16xi32>
      %reduce_max3A_1103 = arith.xori %select_n3A_1098, %reduce_max3A_1102 : vector<16xi32>
      %reduce_max3A_1104 = tpu.scan <max>, %reduce_max3A_1103 masked %reduce_max3A_1100 : vector<16xi32>, vector<16xi1> -> vector<16xi32>
      %reduce_max3A_1105 = arith.xori %reduce_max3A_1104, %reduce_max3A_1102 : vector<16xi32>
      %reduce_max3A_1106 = vector.extract %reduce_max3A_1105[15] : i32 from vector<16xi32>
      %dma_start3A_1107 = arith.constant 1 : i32
      %dma_start3A_1108 = arith.constant 5 : i32
      %dma_start3A_1109 = arith.constant 0 : i32
      %dma_start3A_1110 = tpu.memref_slice %arg6[%dma_start3A_1107, %dma_start3A_1108, %dma_start3A_1109] : memref<2x32x64xf32, #tpu.memory_space<vmem>> -> memref<1x1x64xf32, #tpu.memory_space<vmem>>
      %dma_start3A_1111 = tpu.memref_squeeze %dma_start3A_1110 : memref<1x1x64xf32, #tpu.memory_space<vmem>> -> memref<64xf32, #tpu.memory_space<vmem>>
      %dma_start3A_1112 = arith.constant 0 : i32
      %dma_start3A_1113 = tpu.memref_slice %arg2[%reduce_max3A_1106, %dma_start3A_1112] : memref<1000000x64xf32, #tpu.memory_space<hbm>> -> memref<1x64xf32, #tpu.memory_space<hbm>>
      %dma_start3A_1114 = tpu.memref_squeeze %dma_start3A_1113 : memref<1x64xf32, #tpu.memory_space<hbm>> -> memref<64xf32, #tpu.memory_space<hbm>>
      %dma_start3A_1115 = arith.constant 0 : i32
      %dma_start3A_1116 = tpu.memref_slice %arg6[%dma_start3A_1107, %dma_start3A_1108, %dma_start3A_1115] : memref<2x32x64xf32, #tpu.memory_space<vmem>> -> memref<1x1x64xf32, #tpu.memory_space<vmem>>
      %dma_start3A_1117 = tpu.memref_squeeze %dma_start3A_1116 : memref<1x1x64xf32, #tpu.memory_space<vmem>> -> memref<64xf32, #tpu.memory_space<vmem>>
      %dma_start3A_1118 = arith.constant 0 : i32
      %dma_start3A_1119 = tpu.memref_slice %arg2[%reduce_max3A_1106, %dma_start3A_1118] : memref<1000000x64xf32, #tpu.memory_space<hbm>> -> memref<1x64xf32, #tpu.memory_space<hbm>>
      %dma_start3A_1120 = tpu.memref_squeeze %dma_start3A_1119 : memref<1x64xf32, #tpu.memory_space<hbm>> -> memref<64xf32, #tpu.memory_space<hbm>>
      tpu.enqueue_dma source(%dma_start3A_1120 : memref<64xf32, #tpu.memory_space<hbm>>) target(%dma_start3A_1117 : memref<64xf32, #tpu.memory_space<vmem>>) target_semaphore(%arg8 : memref<!tpu.dma_semaphore, #tpu.memory_space<semaphore_mem>>)
      %eq3A_1121 = arith.constant 6 : i32
      %eq3A_1122 = vector.broadcast %eq3A_1121 : i32 to vector<16xi32>
      %eq3A_1123 = arith.cmpi eq, %iota3A, %eq3A_1122 : vector<16xi32>
      %jit3A_1124 = arith.constant 0 : i32
      %broadcast_in_dim3A_1125 = vector.broadcast %jit3A_1124 : i32 to vector<16xi32>
      %select_n3A_1126 = arith.select %eq3A_1123, %get3A_952, %broadcast_in_dim3A_1125 : vector<16xi1>, vector<16xi32>
      %reduce_max3A_1127 = arith.constant true
      %reduce_max3A_1128 = vector.broadcast %reduce_max3A_1127 : i1 to vector<16xi1>
      %reduce_max3A_1129 = arith.constant -2147483648 : i32
      %reduce_max3A_1130 = vector.broadcast %reduce_max3A_1129 : i32 to vector<16xi32>
      %reduce_max3A_1131 = arith.xori %select_n3A_1126, %reduce_max3A_1130 : vector<16xi32>
      %reduce_max3A_1132 = tpu.scan <max>, %reduce_max3A_1131 masked %reduce_max3A_1128 : vector<16xi32>, vector<16xi1> -> vector<16xi32>
      %reduce_max3A_1133 = arith.xori %reduce_max3A_1132, %reduce_max3A_1130 : vector<16xi32>
      %reduce_max3A_1134 = vector.extract %reduce_max3A_1133[15] : i32 from vector<16xi32>
      %dma_start3A_1135 = arith.constant 1 : i32
      %dma_start3A_1136 = arith.constant 6 : i32
      %dma_start3A_1137 = arith.constant 0 : i32
      %dma_start3A_1138 = tpu.memref_slice %arg6[%dma_start3A_1135, %dma_start3A_1136, %dma_start3A_1137] : memref<2x32x64xf32, #tpu.memory_space<vmem>> -> memref<1x1x64xf32, #tpu.memory_space<vmem>>
      %dma_start3A_1139 = tpu.memref_squeeze %dma_start3A_1138 : memref<1x1x64xf32, #tpu.memory_space<vmem>> -> memref<64xf32, #tpu.memory_space<vmem>>
      %dma_start3A_1140 = arith.constant 0 : i32
      %dma_start3A_1141 = tpu.memref_slice %arg2[%reduce_max3A_1134, %dma_start3A_1140] : memref<1000000x64xf32, #tpu.memory_space<hbm>> -> memref<1x64xf32, #tpu.memory_space<hbm>>
      %dma_start3A_1142 = tpu.memref_squeeze %dma_start3A_1141 : memref<1x64xf32, #tpu.memory_space<hbm>> -> memref<64xf32, #tpu.memory_space<hbm>>
      %dma_start3A_1143 = arith.constant 0 : i32
      %dma_start3A_1144 = tpu.memref_slice %arg6[%dma_start3A_1135, %dma_start3A_1136, %dma_start3A_1143] : memref<2x32x64xf32, #tpu.memory_space<vmem>> -> memref<1x1x64xf32, #tpu.memory_space<vmem>>
      %dma_start3A_1145 = tpu.memref_squeeze %dma_start3A_1144 : memref<1x1x64xf32, #tpu.memory_space<vmem>> -> memref<64xf32, #tpu.memory_space<vmem>>
      %dma_start3A_1146 = arith.constant 0 : i32
      %dma_start3A_1147 = tpu.memref_slice %arg2[%reduce_max3A_1134, %dma_start3A_1146] : memref<1000000x64xf32, #tpu.memory_space<hbm>> -> memref<1x64xf32, #tpu.memory_space<hbm>>
      %dma_start3A_1148 = tpu.memref_squeeze %dma_start3A_1147 : memref<1x64xf32, #tpu.memory_space<hbm>> -> memref<64xf32, #tpu.memory_space<hbm>>
      tpu.enqueue_dma source(%dma_start3A_1148 : memref<64xf32, #tpu.memory_space<hbm>>) target(%dma_start3A_1145 : memref<64xf32, #tpu.memory_space<vmem>>) target_semaphore(%arg8 : memref<!tpu.dma_semaphore, #tpu.memory_space<semaphore_mem>>)
      %eq3A_1149 = arith.constant 7 : i32
      %eq3A_1150 = vector.broadcast %eq3A_1149 : i32 to vector<16xi32>
      %eq3A_1151 = arith.cmpi eq, %iota3A, %eq3A_1150 : vector<16xi32>
      %jit3A_1152 = arith.constant 0 : i32
      %broadcast_in_dim3A_1153 = vector.broadcast %jit3A_1152 : i32 to vector<16xi32>
      %select_n3A_1154 = arith.select %eq3A_1151, %get3A_952, %broadcast_in_dim3A_1153 : vector<16xi1>, vector<16xi32>
      %reduce_max3A_1155 = arith.constant true
      %reduce_max3A_1156 = vector.broadcast %reduce_max3A_1155 : i1 to vector<16xi1>
      %reduce_max3A_1157 = arith.constant -2147483648 : i32
      %reduce_max3A_1158 = vector.broadcast %reduce_max3A_1157 : i32 to vector<16xi32>
      %reduce_max3A_1159 = arith.xori %select_n3A_1154, %reduce_max3A_1158 : vector<16xi32>
      %reduce_max3A_1160 = tpu.scan <max>, %reduce_max3A_1159 masked %reduce_max3A_1156 : vector<16xi32>, vector<16xi1> -> vector<16xi32>
      %reduce_max3A_1161 = arith.xori %reduce_max3A_1160, %reduce_max3A_1158 : vector<16xi32>
      %reduce_max3A_1162 = vector.extract %reduce_max3A_1161[15] : i32 from vector<16xi32>
      %dma_start3A_1163 = arith.constant 1 : i32
      %dma_start3A_1164 = arith.constant 7 : i32
      %dma_start3A_1165 = arith.constant 0 : i32
      %dma_start3A_1166 = tpu.memref_slice %arg6[%dma_start3A_1163, %dma_start3A_1164, %dma_start3A_1165] : memref<2x32x64xf32, #tpu.memory_space<vmem>> -> memref<1x1x64xf32, #tpu.memory_space<vmem>>
      %dma_start3A_1167 = tpu.memref_squeeze %dma_start3A_1166 : memref<1x1x64xf32, #tpu.memory_space<vmem>> -> memref<64xf32, #tpu.memory_space<vmem>>
      %dma_start3A_1168 = arith.constant 0 : i32
      %dma_start3A_1169 = tpu.memref_slice %arg2[%reduce_max3A_1162, %dma_start3A_1168] : memref<1000000x64xf32, #tpu.memory_space<hbm>> -> memref<1x64xf32, #tpu.memory_space<hbm>>
      %dma_start3A_1170 = tpu.memref_squeeze %dma_start3A_1169 : memref<1x64xf32, #tpu.memory_space<hbm>> -> memref<64xf32, #tpu.memory_space<hbm>>
      %dma_start3A_1171 = arith.constant 0 : i32
      %dma_start3A_1172 = tpu.memref_slice %arg6[%dma_start3A_1163, %dma_start3A_1164, %dma_start3A_1171] : memref<2x32x64xf32, #tpu.memory_space<vmem>> -> memref<1x1x64xf32, #tpu.memory_space<vmem>>
      %dma_start3A_1173 = tpu.memref_squeeze %dma_start3A_1172 : memref<1x1x64xf32, #tpu.memory_space<vmem>> -> memref<64xf32, #tpu.memory_space<vmem>>
      %dma_start3A_1174 = arith.constant 0 : i32
      %dma_start3A_1175 = tpu.memref_slice %arg2[%reduce_max3A_1162, %dma_start3A_1174] : memref<1000000x64xf32, #tpu.memory_space<hbm>> -> memref<1x64xf32, #tpu.memory_space<hbm>>
      %dma_start3A_1176 = tpu.memref_squeeze %dma_start3A_1175 : memref<1x64xf32, #tpu.memory_space<hbm>> -> memref<64xf32, #tpu.memory_space<hbm>>
      tpu.enqueue_dma source(%dma_start3A_1176 : memref<64xf32, #tpu.memory_space<hbm>>) target(%dma_start3A_1173 : memref<64xf32, #tpu.memory_space<vmem>>) target_semaphore(%arg8 : memref<!tpu.dma_semaphore, #tpu.memory_space<semaphore_mem>>)
      %eq3A_1177 = arith.constant 8 : i32
      %eq3A_1178 = vector.broadcast %eq3A_1177 : i32 to vector<16xi32>
      %eq3A_1179 = arith.cmpi eq, %iota3A, %eq3A_1178 : vector<16xi32>
      %jit3A_1180 = arith.constant 0 : i32
      %broadcast_in_dim3A_1181 = vector.broadcast %jit3A_1180 : i32 to vector<16xi32>
      %select_n3A_1182 = arith.select %eq3A_1179, %get3A_952, %broadcast_in_dim3A_1181 : vector<16xi1>, vector<16xi32>
      %reduce_max3A_1183 = arith.constant true
      %reduce_max3A_1184 = vector.broadcast %reduce_max3A_1183 : i1 to vector<16xi1>
      %reduce_max3A_1185 = arith.constant -2147483648 : i32
      %reduce_max3A_1186 = vector.broadcast %reduce_max3A_1185 : i32 to vector<16xi32>
      %reduce_max3A_1187 = arith.xori %select_n3A_1182, %reduce_max3A_1186 : vector<16xi32>
      %reduce_max3A_1188 = tpu.scan <max>, %reduce_max3A_1187 masked %reduce_max3A_1184 : vector<16xi32>, vector<16xi1> -> vector<16xi32>
      %reduce_max3A_1189 = arith.xori %reduce_max3A_1188, %reduce_max3A_1186 : vector<16xi32>
      %reduce_max3A_1190 = vector.extract %reduce_max3A_1189[15] : i32 from vector<16xi32>
      %dma_start3A_1191 = arith.constant 1 : i32
      %dma_start3A_1192 = arith.constant 8 : i32
      %dma_start3A_1193 = arith.constant 0 : i32
      %dma_start3A_1194 = tpu.memref_slice %arg6[%dma_start3A_1191, %dma_start3A_1192, %dma_start3A_1193] : memref<2x32x64xf32, #tpu.memory_space<vmem>> -> memref<1x1x64xf32, #tpu.memory_space<vmem>>
      %dma_start3A_1195 = tpu.memref_squeeze %dma_start3A_1194 : memref<1x1x64xf32, #tpu.memory_space<vmem>> -> memref<64xf32, #tpu.memory_space<vmem>>
      %dma_start3A_1196 = arith.constant 0 : i32
      %dma_start3A_1197 = tpu.memref_slice %arg2[%reduce_max3A_1190, %dma_start3A_1196] : memref<1000000x64xf32, #tpu.memory_space<hbm>> -> memref<1x64xf32, #tpu.memory_space<hbm>>
      %dma_start3A_1198 = tpu.memref_squeeze %dma_start3A_1197 : memref<1x64xf32, #tpu.memory_space<hbm>> -> memref<64xf32, #tpu.memory_space<hbm>>
      %dma_start3A_1199 = arith.constant 0 : i32
      %dma_start3A_1200 = tpu.memref_slice %arg6[%dma_start3A_1191, %dma_start3A_1192, %dma_start3A_1199] : memref<2x32x64xf32, #tpu.memory_space<vmem>> -> memref<1x1x64xf32, #tpu.memory_space<vmem>>
      %dma_start3A_1201 = tpu.memref_squeeze %dma_start3A_1200 : memref<1x1x64xf32, #tpu.memory_space<vmem>> -> memref<64xf32, #tpu.memory_space<vmem>>
      %dma_start3A_1202 = arith.constant 0 : i32
      %dma_start3A_1203 = tpu.memref_slice %arg2[%reduce_max3A_1190, %dma_start3A_1202] : memref<1000000x64xf32, #tpu.memory_space<hbm>> -> memref<1x64xf32, #tpu.memory_space<hbm>>
      %dma_start3A_1204 = tpu.memref_squeeze %dma_start3A_1203 : memref<1x64xf32, #tpu.memory_space<hbm>> -> memref<64xf32, #tpu.memory_space<hbm>>
      tpu.enqueue_dma source(%dma_start3A_1204 : memref<64xf32, #tpu.memory_space<hbm>>) target(%dma_start3A_1201 : memref<64xf32, #tpu.memory_space<vmem>>) target_semaphore(%arg8 : memref<!tpu.dma_semaphore, #tpu.memory_space<semaphore_mem>>)
      %eq3A_1205 = arith.constant 9 : i32
      %eq3A_1206 = vector.broadcast %eq3A_1205 : i32 to vector<16xi32>
      %eq3A_1207 = arith.cmpi eq, %iota3A, %eq3A_1206 : vector<16xi32>
      %jit3A_1208 = arith.constant 0 : i32
      %broadcast_in_dim3A_1209 = vector.broadcast %jit3A_1208 : i32 to vector<16xi32>
      %select_n3A_1210 = arith.select %eq3A_1207, %get3A_952, %broadcast_in_dim3A_1209 : vector<16xi1>, vector<16xi32>
      %reduce_max3A_1211 = arith.constant true
      %reduce_max3A_1212 = vector.broadcast %reduce_max3A_1211 : i1 to vector<16xi1>
      %reduce_max3A_1213 = arith.constant -2147483648 : i32
      %reduce_max3A_1214 = vector.broadcast %reduce_max3A_1213 : i32 to vector<16xi32>
      %reduce_max3A_1215 = arith.xori %select_n3A_1210, %reduce_max3A_1214 : vector<16xi32>
      %reduce_max3A_1216 = tpu.scan <max>, %reduce_max3A_1215 masked %reduce_max3A_1212 : vector<16xi32>, vector<16xi1> -> vector<16xi32>
      %reduce_max3A_1217 = arith.xori %reduce_max3A_1216, %reduce_max3A_1214 : vector<16xi32>
      %reduce_max3A_1218 = vector.extract %reduce_max3A_1217[15] : i32 from vector<16xi32>
      %dma_start3A_1219 = arith.constant 1 : i32
      %dma_start3A_1220 = arith.constant 9 : i32
      %dma_start3A_1221 = arith.constant 0 : i32
      %dma_start3A_1222 = tpu.memref_slice %arg6[%dma_start3A_1219, %dma_start3A_1220, %dma_start3A_1221] : memref<2x32x64xf32, #tpu.memory_space<vmem>> -> memref<1x1x64xf32, #tpu.memory_space<vmem>>
      %dma_start3A_1223 = tpu.memref_squeeze %dma_start3A_1222 : memref<1x1x64xf32, #tpu.memory_space<vmem>> -> memref<64xf32, #tpu.memory_space<vmem>>
      %dma_start3A_1224 = arith.constant 0 : i32
      %dma_start3A_1225 = tpu.memref_slice %arg2[%reduce_max3A_1218, %dma_start3A_1224] : memref<1000000x64xf32, #tpu.memory_space<hbm>> -> memref<1x64xf32, #tpu.memory_space<hbm>>
      %dma_start3A_1226 = tpu.memref_squeeze %dma_start3A_1225 : memref<1x64xf32, #tpu.memory_space<hbm>> -> memref<64xf32, #tpu.memory_space<hbm>>
      %dma_start3A_1227 = arith.constant 0 : i32
      %dma_start3A_1228 = tpu.memref_slice %arg6[%dma_start3A_1219, %dma_start3A_1220, %dma_start3A_1227] : memref<2x32x64xf32, #tpu.memory_space<vmem>> -> memref<1x1x64xf32, #tpu.memory_space<vmem>>
      %dma_start3A_1229 = tpu.memref_squeeze %dma_start3A_1228 : memref<1x1x64xf32, #tpu.memory_space<vmem>> -> memref<64xf32, #tpu.memory_space<vmem>>
      %dma_start3A_1230 = arith.constant 0 : i32
      %dma_start3A_1231 = tpu.memref_slice %arg2[%reduce_max3A_1218, %dma_start3A_1230] : memref<1000000x64xf32, #tpu.memory_space<hbm>> -> memref<1x64xf32, #tpu.memory_space<hbm>>
      %dma_start3A_1232 = tpu.memref_squeeze %dma_start3A_1231 : memref<1x64xf32, #tpu.memory_space<hbm>> -> memref<64xf32, #tpu.memory_space<hbm>>
      tpu.enqueue_dma source(%dma_start3A_1232 : memref<64xf32, #tpu.memory_space<hbm>>) target(%dma_start3A_1229 : memref<64xf32, #tpu.memory_space<vmem>>) target_semaphore(%arg8 : memref<!tpu.dma_semaphore, #tpu.memory_space<semaphore_mem>>)
      %eq3A_1233 = arith.constant 10 : i32
      %eq3A_1234 = vector.broadcast %eq3A_1233 : i32 to vector<16xi32>
      %eq3A_1235 = arith.cmpi eq, %iota3A, %eq3A_1234 : vector<16xi32>
      %jit3A_1236 = arith.constant 0 : i32
      %broadcast_in_dim3A_1237 = vector.broadcast %jit3A_1236 : i32 to vector<16xi32>
      %select_n3A_1238 = arith.select %eq3A_1235, %get3A_952, %broadcast_in_dim3A_1237 : vector<16xi1>, vector<16xi32>
      %reduce_max3A_1239 = arith.constant true
      %reduce_max3A_1240 = vector.broadcast %reduce_max3A_1239 : i1 to vector<16xi1>
      %reduce_max3A_1241 = arith.constant -2147483648 : i32
      %reduce_max3A_1242 = vector.broadcast %reduce_max3A_1241 : i32 to vector<16xi32>
      %reduce_max3A_1243 = arith.xori %select_n3A_1238, %reduce_max3A_1242 : vector<16xi32>
      %reduce_max3A_1244 = tpu.scan <max>, %reduce_max3A_1243 masked %reduce_max3A_1240 : vector<16xi32>, vector<16xi1> -> vector<16xi32>
      %reduce_max3A_1245 = arith.xori %reduce_max3A_1244, %reduce_max3A_1242 : vector<16xi32>
      %reduce_max3A_1246 = vector.extract %reduce_max3A_1245[15] : i32 from vector<16xi32>
      %dma_start3A_1247 = arith.constant 1 : i32
      %dma_start3A_1248 = arith.constant 10 : i32
      %dma_start3A_1249 = arith.constant 0 : i32
      %dma_start3A_1250 = tpu.memref_slice %arg6[%dma_start3A_1247, %dma_start3A_1248, %dma_start3A_1249] : memref<2x32x64xf32, #tpu.memory_space<vmem>> -> memref<1x1x64xf32, #tpu.memory_space<vmem>>
      %dma_start3A_1251 = tpu.memref_squeeze %dma_start3A_1250 : memref<1x1x64xf32, #tpu.memory_space<vmem>> -> memref<64xf32, #tpu.memory_space<vmem>>
      %dma_start3A_1252 = arith.constant 0 : i32
      %dma_start3A_1253 = tpu.memref_slice %arg2[%reduce_max3A_1246, %dma_start3A_1252] : memref<1000000x64xf32, #tpu.memory_space<hbm>> -> memref<1x64xf32, #tpu.memory_space<hbm>>
      %dma_start3A_1254 = tpu.memref_squeeze %dma_start3A_1253 : memref<1x64xf32, #tpu.memory_space<hbm>> -> memref<64xf32, #tpu.memory_space<hbm>>
      %dma_start3A_1255 = arith.constant 0 : i32
      %dma_start3A_1256 = tpu.memref_slice %arg6[%dma_start3A_1247, %dma_start3A_1248, %dma_start3A_1255] : memref<2x32x64xf32, #tpu.memory_space<vmem>> -> memref<1x1x64xf32, #tpu.memory_space<vmem>>
      %dma_start3A_1257 = tpu.memref_squeeze %dma_start3A_1256 : memref<1x1x64xf32, #tpu.memory_space<vmem>> -> memref<64xf32, #tpu.memory_space<vmem>>
      %dma_start3A_1258 = arith.constant 0 : i32
      %dma_start3A_1259 = tpu.memref_slice %arg2[%reduce_max3A_1246, %dma_start3A_1258] : memref<1000000x64xf32, #tpu.memory_space<hbm>> -> memref<1x64xf32, #tpu.memory_space<hbm>>
      %dma_start3A_1260 = tpu.memref_squeeze %dma_start3A_1259 : memref<1x64xf32, #tpu.memory_space<hbm>> -> memref<64xf32, #tpu.memory_space<hbm>>
      tpu.enqueue_dma source(%dma_start3A_1260 : memref<64xf32, #tpu.memory_space<hbm>>) target(%dma_start3A_1257 : memref<64xf32, #tpu.memory_space<vmem>>) target_semaphore(%arg8 : memref<!tpu.dma_semaphore, #tpu.memory_space<semaphore_mem>>)
      %eq3A_1261 = arith.constant 11 : i32
      %eq3A_1262 = vector.broadcast %eq3A_1261 : i32 to vector<16xi32>
      %eq3A_1263 = arith.cmpi eq, %iota3A, %eq3A_1262 : vector<16xi32>
      %jit3A_1264 = arith.constant 0 : i32
      %broadcast_in_dim3A_1265 = vector.broadcast %jit3A_1264 : i32 to vector<16xi32>
      %select_n3A_1266 = arith.select %eq3A_1263, %get3A_952, %broadcast_in_dim3A_1265 : vector<16xi1>, vector<16xi32>
      %reduce_max3A_1267 = arith.constant true
      %reduce_max3A_1268 = vector.broadcast %reduce_max3A_1267 : i1 to vector<16xi1>
      %reduce_max3A_1269 = arith.constant -2147483648 : i32
      %reduce_max3A_1270 = vector.broadcast %reduce_max3A_1269 : i32 to vector<16xi32>
      %reduce_max3A_1271 = arith.xori %select_n3A_1266, %reduce_max3A_1270 : vector<16xi32>
      %reduce_max3A_1272 = tpu.scan <max>, %reduce_max3A_1271 masked %reduce_max3A_1268 : vector<16xi32>, vector<16xi1> -> vector<16xi32>
      %reduce_max3A_1273 = arith.xori %reduce_max3A_1272, %reduce_max3A_1270 : vector<16xi32>
      %reduce_max3A_1274 = vector.extract %reduce_max3A_1273[15] : i32 from vector<16xi32>
      %dma_start3A_1275 = arith.constant 1 : i32
      %dma_start3A_1276 = arith.constant 11 : i32
      %dma_start3A_1277 = arith.constant 0 : i32
      %dma_start3A_1278 = tpu.memref_slice %arg6[%dma_start3A_1275, %dma_start3A_1276, %dma_start3A_1277] : memref<2x32x64xf32, #tpu.memory_space<vmem>> -> memref<1x1x64xf32, #tpu.memory_space<vmem>>
      %dma_start3A_1279 = tpu.memref_squeeze %dma_start3A_1278 : memref<1x1x64xf32, #tpu.memory_space<vmem>> -> memref<64xf32, #tpu.memory_space<vmem>>
      %dma_start3A_1280 = arith.constant 0 : i32
      %dma_start3A_1281 = tpu.memref_slice %arg2[%reduce_max3A_1274, %dma_start3A_1280] : memref<1000000x64xf32, #tpu.memory_space<hbm>> -> memref<1x64xf32, #tpu.memory_space<hbm>>
      %dma_start3A_1282 = tpu.memref_squeeze %dma_start3A_1281 : memref<1x64xf32, #tpu.memory_space<hbm>> -> memref<64xf32, #tpu.memory_space<hbm>>
      %dma_start3A_1283 = arith.constant 0 : i32
      %dma_start3A_1284 = tpu.memref_slice %arg6[%dma_start3A_1275, %dma_start3A_1276, %dma_start3A_1283] : memref<2x32x64xf32, #tpu.memory_space<vmem>> -> memref<1x1x64xf32, #tpu.memory_space<vmem>>
      %dma_start3A_1285 = tpu.memref_squeeze %dma_start3A_1284 : memref<1x1x64xf32, #tpu.memory_space<vmem>> -> memref<64xf32, #tpu.memory_space<vmem>>
      %dma_start3A_1286 = arith.constant 0 : i32
      %dma_start3A_1287 = tpu.memref_slice %arg2[%reduce_max3A_1274, %dma_start3A_1286] : memref<1000000x64xf32, #tpu.memory_space<hbm>> -> memref<1x64xf32, #tpu.memory_space<hbm>>
      %dma_start3A_1288 = tpu.memref_squeeze %dma_start3A_1287 : memref<1x64xf32, #tpu.memory_space<hbm>> -> memref<64xf32, #tpu.memory_space<hbm>>
      tpu.enqueue_dma source(%dma_start3A_1288 : memref<64xf32, #tpu.memory_space<hbm>>) target(%dma_start3A_1285 : memref<64xf32, #tpu.memory_space<vmem>>) target_semaphore(%arg8 : memref<!tpu.dma_semaphore, #tpu.memory_space<semaphore_mem>>)
      %eq3A_1289 = arith.constant 12 : i32
      %eq3A_1290 = vector.broadcast %eq3A_1289 : i32 to vector<16xi32>
      %eq3A_1291 = arith.cmpi eq, %iota3A, %eq3A_1290 : vector<16xi32>
      %jit3A_1292 = arith.constant 0 : i32
      %broadcast_in_dim3A_1293 = vector.broadcast %jit3A_1292 : i32 to vector<16xi32>
      %select_n3A_1294 = arith.select %eq3A_1291, %get3A_952, %broadcast_in_dim3A_1293 : vector<16xi1>, vector<16xi32>
      %reduce_max3A_1295 = arith.constant true
      %reduce_max3A_1296 = vector.broadcast %reduce_max3A_1295 : i1 to vector<16xi1>
      %reduce_max3A_1297 = arith.constant -2147483648 : i32
      %reduce_max3A_1298 = vector.broadcast %reduce_max3A_1297 : i32 to vector<16xi32>
      %reduce_max3A_1299 = arith.xori %select_n3A_1294, %reduce_max3A_1298 : vector<16xi32>
      %reduce_max3A_1300 = tpu.scan <max>, %reduce_max3A_1299 masked %reduce_max3A_1296 : vector<16xi32>, vector<16xi1> -> vector<16xi32>
      %reduce_max3A_1301 = arith.xori %reduce_max3A_1300, %reduce_max3A_1298 : vector<16xi32>
      %reduce_max3A_1302 = vector.extract %reduce_max3A_1301[15] : i32 from vector<16xi32>
      %dma_start3A_1303 = arith.constant 1 : i32
      %dma_start3A_1304 = arith.constant 12 : i32
      %dma_start3A_1305 = arith.constant 0 : i32
      %dma_start3A_1306 = tpu.memref_slice %arg6[%dma_start3A_1303, %dma_start3A_1304, %dma_start3A_1305] : memref<2x32x64xf32, #tpu.memory_space<vmem>> -> memref<1x1x64xf32, #tpu.memory_space<vmem>>
      %dma_start3A_1307 = tpu.memref_squeeze %dma_start3A_1306 : memref<1x1x64xf32, #tpu.memory_space<vmem>> -> memref<64xf32, #tpu.memory_space<vmem>>
      %dma_start3A_1308 = arith.constant 0 : i32
      %dma_start3A_1309 = tpu.memref_slice %arg2[%reduce_max3A_1302, %dma_start3A_1308] : memref<1000000x64xf32, #tpu.memory_space<hbm>> -> memref<1x64xf32, #tpu.memory_space<hbm>>
      %dma_start3A_1310 = tpu.memref_squeeze %dma_start3A_1309 : memref<1x64xf32, #tpu.memory_space<hbm>> -> memref<64xf32, #tpu.memory_space<hbm>>
      %dma_start3A_1311 = arith.constant 0 : i32
      %dma_start3A_1312 = tpu.memref_slice %arg6[%dma_start3A_1303, %dma_start3A_1304, %dma_start3A_1311] : memref<2x32x64xf32, #tpu.memory_space<vmem>> -> memref<1x1x64xf32, #tpu.memory_space<vmem>>
      %dma_start3A_1313 = tpu.memref_squeeze %dma_start3A_1312 : memref<1x1x64xf32, #tpu.memory_space<vmem>> -> memref<64xf32, #tpu.memory_space<vmem>>
      %dma_start3A_1314 = arith.constant 0 : i32
      %dma_start3A_1315 = tpu.memref_slice %arg2[%reduce_max3A_1302, %dma_start3A_1314] : memref<1000000x64xf32, #tpu.memory_space<hbm>> -> memref<1x64xf32, #tpu.memory_space<hbm>>
      %dma_start3A_1316 = tpu.memref_squeeze %dma_start3A_1315 : memref<1x64xf32, #tpu.memory_space<hbm>> -> memref<64xf32, #tpu.memory_space<hbm>>
      tpu.enqueue_dma source(%dma_start3A_1316 : memref<64xf32, #tpu.memory_space<hbm>>) target(%dma_start3A_1313 : memref<64xf32, #tpu.memory_space<vmem>>) target_semaphore(%arg8 : memref<!tpu.dma_semaphore, #tpu.memory_space<semaphore_mem>>)
      %eq3A_1317 = arith.constant 13 : i32
      %eq3A_1318 = vector.broadcast %eq3A_1317 : i32 to vector<16xi32>
      %eq3A_1319 = arith.cmpi eq, %iota3A, %eq3A_1318 : vector<16xi32>
      %jit3A_1320 = arith.constant 0 : i32
      %broadcast_in_dim3A_1321 = vector.broadcast %jit3A_1320 : i32 to vector<16xi32>
      %select_n3A_1322 = arith.select %eq3A_1319, %get3A_952, %broadcast_in_dim3A_1321 : vector<16xi1>, vector<16xi32>
      %reduce_max3A_1323 = arith.constant true
      %reduce_max3A_1324 = vector.broadcast %reduce_max3A_1323 : i1 to vector<16xi1>
      %reduce_max3A_1325 = arith.constant -2147483648 : i32
      %reduce_max3A_1326 = vector.broadcast %reduce_max3A_1325 : i32 to vector<16xi32>
      %reduce_max3A_1327 = arith.xori %select_n3A_1322, %reduce_max3A_1326 : vector<16xi32>
      %reduce_max3A_1328 = tpu.scan <max>, %reduce_max3A_1327 masked %reduce_max3A_1324 : vector<16xi32>, vector<16xi1> -> vector<16xi32>
      %reduce_max3A_1329 = arith.xori %reduce_max3A_1328, %reduce_max3A_1326 : vector<16xi32>
      %reduce_max3A_1330 = vector.extract %reduce_max3A_1329[15] : i32 from vector<16xi32>
      %dma_start3A_1331 = arith.constant 1 : i32
      %dma_start3A_1332 = arith.constant 13 : i32
      %dma_start3A_1333 = arith.constant 0 : i32
      %dma_start3A_1334 = tpu.memref_slice %arg6[%dma_start3A_1331, %dma_start3A_1332, %dma_start3A_1333] : memref<2x32x64xf32, #tpu.memory_space<vmem>> -> memref<1x1x64xf32, #tpu.memory_space<vmem>>
      %dma_start3A_1335 = tpu.memref_squeeze %dma_start3A_1334 : memref<1x1x64xf32, #tpu.memory_space<vmem>> -> memref<64xf32, #tpu.memory_space<vmem>>
      %dma_start3A_1336 = arith.constant 0 : i32
      %dma_start3A_1337 = tpu.memref_slice %arg2[%reduce_max3A_1330, %dma_start3A_1336] : memref<1000000x64xf32, #tpu.memory_space<hbm>> -> memref<1x64xf32, #tpu.memory_space<hbm>>
      %dma_start3A_1338 = tpu.memref_squeeze %dma_start3A_1337 : memref<1x64xf32, #tpu.memory_space<hbm>> -> memref<64xf32, #tpu.memory_space<hbm>>
      %dma_start3A_1339 = arith.constant 0 : i32
      %dma_start3A_1340 = tpu.memref_slice %arg6[%dma_start3A_1331, %dma_start3A_1332, %dma_start3A_1339] : memref<2x32x64xf32, #tpu.memory_space<vmem>> -> memref<1x1x64xf32, #tpu.memory_space<vmem>>
      %dma_start3A_1341 = tpu.memref_squeeze %dma_start3A_1340 : memref<1x1x64xf32, #tpu.memory_space<vmem>> -> memref<64xf32, #tpu.memory_space<vmem>>
      %dma_start3A_1342 = arith.constant 0 : i32
      %dma_start3A_1343 = tpu.memref_slice %arg2[%reduce_max3A_1330, %dma_start3A_1342] : memref<1000000x64xf32, #tpu.memory_space<hbm>> -> memref<1x64xf32, #tpu.memory_space<hbm>>
      %dma_start3A_1344 = tpu.memref_squeeze %dma_start3A_1343 : memref<1x64xf32, #tpu.memory_space<hbm>> -> memref<64xf32, #tpu.memory_space<hbm>>
      tpu.enqueue_dma source(%dma_start3A_1344 : memref<64xf32, #tpu.memory_space<hbm>>) target(%dma_start3A_1341 : memref<64xf32, #tpu.memory_space<vmem>>) target_semaphore(%arg8 : memref<!tpu.dma_semaphore, #tpu.memory_space<semaphore_mem>>)
      %eq3A_1345 = arith.constant 14 : i32
      %eq3A_1346 = vector.broadcast %eq3A_1345 : i32 to vector<16xi32>
      %eq3A_1347 = arith.cmpi eq, %iota3A, %eq3A_1346 : vector<16xi32>
      %jit3A_1348 = arith.constant 0 : i32
      %broadcast_in_dim3A_1349 = vector.broadcast %jit3A_1348 : i32 to vector<16xi32>
      %select_n3A_1350 = arith.select %eq3A_1347, %get3A_952, %broadcast_in_dim3A_1349 : vector<16xi1>, vector<16xi32>
      %reduce_max3A_1351 = arith.constant true
      %reduce_max3A_1352 = vector.broadcast %reduce_max3A_1351 : i1 to vector<16xi1>
      %reduce_max3A_1353 = arith.constant -2147483648 : i32
      %reduce_max3A_1354 = vector.broadcast %reduce_max3A_1353 : i32 to vector<16xi32>
      %reduce_max3A_1355 = arith.xori %select_n3A_1350, %reduce_max3A_1354 : vector<16xi32>
      %reduce_max3A_1356 = tpu.scan <max>, %reduce_max3A_1355 masked %reduce_max3A_1352 : vector<16xi32>, vector<16xi1> -> vector<16xi32>
      %reduce_max3A_1357 = arith.xori %reduce_max3A_1356, %reduce_max3A_1354 : vector<16xi32>
      %reduce_max3A_1358 = vector.extract %reduce_max3A_1357[15] : i32 from vector<16xi32>
      %dma_start3A_1359 = arith.constant 1 : i32
      %dma_start3A_1360 = arith.constant 14 : i32
      %dma_start3A_1361 = arith.constant 0 : i32
      %dma_start3A_1362 = tpu.memref_slice %arg6[%dma_start3A_1359, %dma_start3A_1360, %dma_start3A_1361] : memref<2x32x64xf32, #tpu.memory_space<vmem>> -> memref<1x1x64xf32, #tpu.memory_space<vmem>>
      %dma_start3A_1363 = tpu.memref_squeeze %dma_start3A_1362 : memref<1x1x64xf32, #tpu.memory_space<vmem>> -> memref<64xf32, #tpu.memory_space<vmem>>
      %dma_start3A_1364 = arith.constant 0 : i32
      %dma_start3A_1365 = tpu.memref_slice %arg2[%reduce_max3A_1358, %dma_start3A_1364] : memref<1000000x64xf32, #tpu.memory_space<hbm>> -> memref<1x64xf32, #tpu.memory_space<hbm>>
      %dma_start3A_1366 = tpu.memref_squeeze %dma_start3A_1365 : memref<1x64xf32, #tpu.memory_space<hbm>> -> memref<64xf32, #tpu.memory_space<hbm>>
      %dma_start3A_1367 = arith.constant 0 : i32
      %dma_start3A_1368 = tpu.memref_slice %arg6[%dma_start3A_1359, %dma_start3A_1360, %dma_start3A_1367] : memref<2x32x64xf32, #tpu.memory_space<vmem>> -> memref<1x1x64xf32, #tpu.memory_space<vmem>>
      %dma_start3A_1369 = tpu.memref_squeeze %dma_start3A_1368 : memref<1x1x64xf32, #tpu.memory_space<vmem>> -> memref<64xf32, #tpu.memory_space<vmem>>
      %dma_start3A_1370 = arith.constant 0 : i32
      %dma_start3A_1371 = tpu.memref_slice %arg2[%reduce_max3A_1358, %dma_start3A_1370] : memref<1000000x64xf32, #tpu.memory_space<hbm>> -> memref<1x64xf32, #tpu.memory_space<hbm>>
      %dma_start3A_1372 = tpu.memref_squeeze %dma_start3A_1371 : memref<1x64xf32, #tpu.memory_space<hbm>> -> memref<64xf32, #tpu.memory_space<hbm>>
      tpu.enqueue_dma source(%dma_start3A_1372 : memref<64xf32, #tpu.memory_space<hbm>>) target(%dma_start3A_1369 : memref<64xf32, #tpu.memory_space<vmem>>) target_semaphore(%arg8 : memref<!tpu.dma_semaphore, #tpu.memory_space<semaphore_mem>>)
      %eq3A_1373 = arith.constant 15 : i32
      %eq3A_1374 = vector.broadcast %eq3A_1373 : i32 to vector<16xi32>
      %eq3A_1375 = arith.cmpi eq, %iota3A, %eq3A_1374 : vector<16xi32>
      %jit3A_1376 = arith.constant 0 : i32
      %broadcast_in_dim3A_1377 = vector.broadcast %jit3A_1376 : i32 to vector<16xi32>
      %select_n3A_1378 = arith.select %eq3A_1375, %get3A_952, %broadcast_in_dim3A_1377 : vector<16xi1>, vector<16xi32>
      %reduce_max3A_1379 = arith.constant true
      %reduce_max3A_1380 = vector.broadcast %reduce_max3A_1379 : i1 to vector<16xi1>
      %reduce_max3A_1381 = arith.constant -2147483648 : i32
      %reduce_max3A_1382 = vector.broadcast %reduce_max3A_1381 : i32 to vector<16xi32>
      %reduce_max3A_1383 = arith.xori %select_n3A_1378, %reduce_max3A_1382 : vector<16xi32>
      %reduce_max3A_1384 = tpu.scan <max>, %reduce_max3A_1383 masked %reduce_max3A_1380 : vector<16xi32>, vector<16xi1> -> vector<16xi32>
      %reduce_max3A_1385 = arith.xori %reduce_max3A_1384, %reduce_max3A_1382 : vector<16xi32>
      %reduce_max3A_1386 = vector.extract %reduce_max3A_1385[15] : i32 from vector<16xi32>
      %dma_start3A_1387 = arith.constant 1 : i32
      %dma_start3A_1388 = arith.constant 15 : i32
      %dma_start3A_1389 = arith.constant 0 : i32
      %dma_start3A_1390 = tpu.memref_slice %arg6[%dma_start3A_1387, %dma_start3A_1388, %dma_start3A_1389] : memref<2x32x64xf32, #tpu.memory_space<vmem>> -> memref<1x1x64xf32, #tpu.memory_space<vmem>>
      %dma_start3A_1391 = tpu.memref_squeeze %dma_start3A_1390 : memref<1x1x64xf32, #tpu.memory_space<vmem>> -> memref<64xf32, #tpu.memory_space<vmem>>
      %dma_start3A_1392 = arith.constant 0 : i32
      %dma_start3A_1393 = tpu.memref_slice %arg2[%reduce_max3A_1386, %dma_start3A_1392] : memref<1000000x64xf32, #tpu.memory_space<hbm>> -> memref<1x64xf32, #tpu.memory_space<hbm>>
      %dma_start3A_1394 = tpu.memref_squeeze %dma_start3A_1393 : memref<1x64xf32, #tpu.memory_space<hbm>> -> memref<64xf32, #tpu.memory_space<hbm>>
      %dma_start3A_1395 = arith.constant 0 : i32
      %dma_start3A_1396 = tpu.memref_slice %arg6[%dma_start3A_1387, %dma_start3A_1388, %dma_start3A_1395] : memref<2x32x64xf32, #tpu.memory_space<vmem>> -> memref<1x1x64xf32, #tpu.memory_space<vmem>>
      %dma_start3A_1397 = tpu.memref_squeeze %dma_start3A_1396 : memref<1x1x64xf32, #tpu.memory_space<vmem>> -> memref<64xf32, #tpu.memory_space<vmem>>
      %dma_start3A_1398 = arith.constant 0 : i32
      %dma_start3A_1399 = tpu.memref_slice %arg2[%reduce_max3A_1386, %dma_start3A_1398] : memref<1000000x64xf32, #tpu.memory_space<hbm>> -> memref<1x64xf32, #tpu.memory_space<hbm>>
      %dma_start3A_1400 = tpu.memref_squeeze %dma_start3A_1399 : memref<1x64xf32, #tpu.memory_space<hbm>> -> memref<64xf32, #tpu.memory_space<hbm>>
      tpu.enqueue_dma source(%dma_start3A_1400 : memref<64xf32, #tpu.memory_space<hbm>>) target(%dma_start3A_1397 : memref<64xf32, #tpu.memory_space<vmem>>) target_semaphore(%arg8 : memref<!tpu.dma_semaphore, #tpu.memory_space<semaphore_mem>>)
      %add3A_1401 = arith.constant 16 : i32
      %add3A_1402 = arith.addi %mul3A_2, %add3A_1401 : i32
      %get3A_1403 = arith.index_cast %add3A_947 : i32 to index
      %get3A_1404 = arith.index_cast %add3A_1402 : i32 to index
      %get3A_1405 = tpu.vector_load %arg5[%get3A_1403, %get3A_1404] {strides = array<i32>} : memref<50x1024xi32, #tpu.memory_space<vmem>>, vector<16xi32>,
      %eq3A_1406 = arith.constant 0 : i32
      %eq3A_1407 = vector.broadcast %eq3A_1406 : i32 to vector<16xi32>
      %eq3A_1408 = arith.cmpi eq, %iota3A, %eq3A_1407 : vector<16xi32>
      %jit3A_1409 = arith.constant 0 : i32
      %broadcast_in_dim3A_1410 = vector.broadcast %jit3A_1409 : i32 to vector<16xi32>
      %select_n3A_1411 = arith.select %eq3A_1408, %get3A_1405, %broadcast_in_dim3A_1410 : vector<16xi1>, vector<16xi32>
      %reduce_max3A_1412 = arith.constant true
      %reduce_max3A_1413 = vector.broadcast %reduce_max3A_1412 : i1 to vector<16xi1>
      %reduce_max3A_1414 = arith.constant -2147483648 : i32
      %reduce_max3A_1415 = vector.broadcast %reduce_max3A_1414 : i32 to vector<16xi32>
      %reduce_max3A_1416 = arith.xori %select_n3A_1411, %reduce_max3A_1415 : vector<16xi32>
      %reduce_max3A_1417 = tpu.scan <max>, %reduce_max3A_1416 masked %reduce_max3A_1413 : vector<16xi32>, vector<16xi1> -> vector<16xi32>
      %reduce_max3A_1418 = arith.xori %reduce_max3A_1417, %reduce_max3A_1415 : vector<16xi32>
      %reduce_max3A_1419 = vector.extract %reduce_max3A_1418[15] : i32 from vector<16xi32>
      %dma_start3A_1420 = arith.constant 1 : i32
      %dma_start3A_1421 = arith.constant 16 : i32
      %dma_start3A_1422 = arith.constant 0 : i32
      %dma_start3A_1423 = tpu.memref_slice %arg6[%dma_start3A_1420, %dma_start3A_1421, %dma_start3A_1422] : memref<2x32x64xf32, #tpu.memory_space<vmem>> -> memref<1x1x64xf32, #tpu.memory_space<vmem>>
      %dma_start3A_1424 = tpu.memref_squeeze %dma_start3A_1423 : memref<1x1x64xf32, #tpu.memory_space<vmem>> -> memref<64xf32, #tpu.memory_space<vmem>>
      %dma_start3A_1425 = arith.constant 0 : i32
      %dma_start3A_1426 = tpu.memref_slice %arg2[%reduce_max3A_1419, %dma_start3A_1425] : memref<1000000x64xf32, #tpu.memory_space<hbm>> -> memref<1x64xf32, #tpu.memory_space<hbm>>
      %dma_start3A_1427 = tpu.memref_squeeze %dma_start3A_1426 : memref<1x64xf32, #tpu.memory_space<hbm>> -> memref<64xf32, #tpu.memory_space<hbm>>
      %dma_start3A_1428 = arith.constant 0 : i32
      %dma_start3A_1429 = tpu.memref_slice %arg6[%dma_start3A_1420, %dma_start3A_1421, %dma_start3A_1428] : memref<2x32x64xf32, #tpu.memory_space<vmem>> -> memref<1x1x64xf32, #tpu.memory_space<vmem>>
      %dma_start3A_1430 = tpu.memref_squeeze %dma_start3A_1429 : memref<1x1x64xf32, #tpu.memory_space<vmem>> -> memref<64xf32, #tpu.memory_space<vmem>>
      %dma_start3A_1431 = arith.constant 0 : i32
      %dma_start3A_1432 = tpu.memref_slice %arg2[%reduce_max3A_1419, %dma_start3A_1431] : memref<1000000x64xf32, #tpu.memory_space<hbm>> -> memref<1x64xf32, #tpu.memory_space<hbm>>
      %dma_start3A_1433 = tpu.memref_squeeze %dma_start3A_1432 : memref<1x64xf32, #tpu.memory_space<hbm>> -> memref<64xf32, #tpu.memory_space<hbm>>
      tpu.enqueue_dma source(%dma_start3A_1433 : memref<64xf32, #tpu.memory_space<hbm>>) target(%dma_start3A_1430 : memref<64xf32, #tpu.memory_space<vmem>>) target_semaphore(%arg8 : memref<!tpu.dma_semaphore, #tpu.memory_space<semaphore_mem>>)
      %eq3A_1434 = arith.constant 1 : i32
      %eq3A_1435 = vector.broadcast %eq3A_1434 : i32 to vector<16xi32>
      %eq3A_1436 = arith.cmpi eq, %iota3A, %eq3A_1435 : vector<16xi32>
      %jit3A_1437 = arith.constant 0 : i32
      %broadcast_in_dim3A_1438 = vector.broadcast %jit3A_1437 : i32 to vector<16xi32>
      %select_n3A_1439 = arith.select %eq3A_1436, %get3A_1405, %broadcast_in_dim3A_1438 : vector<16xi1>, vector<16xi32>
      %reduce_max3A_1440 = arith.constant true
      %reduce_max3A_1441 = vector.broadcast %reduce_max3A_1440 : i1 to vector<16xi1>
      %reduce_max3A_1442 = arith.constant -2147483648 : i32
      %reduce_max3A_1443 = vector.broadcast %reduce_max3A_1442 : i32 to vector<16xi32>
      %reduce_max3A_1444 = arith.xori %select_n3A_1439, %reduce_max3A_1443 : vector<16xi32>
      %reduce_max3A_1445 = tpu.scan <max>, %reduce_max3A_1444 masked %reduce_max3A_1441 : vector<16xi32>, vector<16xi1> -> vector<16xi32>
      %reduce_max3A_1446 = arith.xori %reduce_max3A_1445, %reduce_max3A_1443 : vector<16xi32>
      %reduce_max3A_1447 = vector.extract %reduce_max3A_1446[15] : i32 from vector<16xi32>
      %dma_start3A_1448 = arith.constant 1 : i32
      %dma_start3A_1449 = arith.constant 17 : i32
      %dma_start3A_1450 = arith.constant 0 : i32
      %dma_start3A_1451 = tpu.memref_slice %arg6[%dma_start3A_1448, %dma_start3A_1449, %dma_start3A_1450] : memref<2x32x64xf32, #tpu.memory_space<vmem>> -> memref<1x1x64xf32, #tpu.memory_space<vmem>>
      %dma_start3A_1452 = tpu.memref_squeeze %dma_start3A_1451 : memref<1x1x64xf32, #tpu.memory_space<vmem>> -> memref<64xf32, #tpu.memory_space<vmem>>
      %dma_start3A_1453 = arith.constant 0 : i32
      %dma_start3A_1454 = tpu.memref_slice %arg2[%reduce_max3A_1447, %dma_start3A_1453] : memref<1000000x64xf32, #tpu.memory_space<hbm>> -> memref<1x64xf32, #tpu.memory_space<hbm>>
      %dma_start3A_1455 = tpu.memref_squeeze %dma_start3A_1454 : memref<1x64xf32, #tpu.memory_space<hbm>> -> memref<64xf32, #tpu.memory_space<hbm>>
      %dma_start3A_1456 = arith.constant 0 : i32
      %dma_start3A_1457 = tpu.memref_slice %arg6[%dma_start3A_1448, %dma_start3A_1449, %dma_start3A_1456] : memref<2x32x64xf32, #tpu.memory_space<vmem>> -> memref<1x1x64xf32, #tpu.memory_space<vmem>>
      %dma_start3A_1458 = tpu.memref_squeeze %dma_start3A_1457 : memref<1x1x64xf32, #tpu.memory_space<vmem>> -> memref<64xf32, #tpu.memory_space<vmem>>
      %dma_start3A_1459 = arith.constant 0 : i32
      %dma_start3A_1460 = tpu.memref_slice %arg2[%reduce_max3A_1447, %dma_start3A_1459] : memref<1000000x64xf32, #tpu.memory_space<hbm>> -> memref<1x64xf32, #tpu.memory_space<hbm>>
      %dma_start3A_1461 = tpu.memref_squeeze %dma_start3A_1460 : memref<1x64xf32, #tpu.memory_space<hbm>> -> memref<64xf32, #tpu.memory_space<hbm>>
      tpu.enqueue_dma source(%dma_start3A_1461 : memref<64xf32, #tpu.memory_space<hbm>>) target(%dma_start3A_1458 : memref<64xf32, #tpu.memory_space<vmem>>) target_semaphore(%arg8 : memref<!tpu.dma_semaphore, #tpu.memory_space<semaphore_mem>>)
      %eq3A_1462 = arith.constant 2 : i32
      %eq3A_1463 = vector.broadcast %eq3A_1462 : i32 to vector<16xi32>
      %eq3A_1464 = arith.cmpi eq, %iota3A, %eq3A_1463 : vector<16xi32>
      %jit3A_1465 = arith.constant 0 : i32
      %broadcast_in_dim3A_1466 = vector.broadcast %jit3A_1465 : i32 to vector<16xi32>
      %select_n3A_1467 = arith.select %eq3A_1464, %get3A_1405, %broadcast_in_dim3A_1466 : vector<16xi1>, vector<16xi32>
      %reduce_max3A_1468 = arith.constant true
      %reduce_max3A_1469 = vector.broadcast %reduce_max3A_1468 : i1 to vector<16xi1>
      %reduce_max3A_1470 = arith.constant -2147483648 : i32
      %reduce_max3A_1471 = vector.broadcast %reduce_max3A_1470 : i32 to vector<16xi32>
      %reduce_max3A_1472 = arith.xori %select_n3A_1467, %reduce_max3A_1471 : vector<16xi32>
      %reduce_max3A_1473 = tpu.scan <max>, %reduce_max3A_1472 masked %reduce_max3A_1469 : vector<16xi32>, vector<16xi1> -> vector<16xi32>
      %reduce_max3A_1474 = arith.xori %reduce_max3A_1473, %reduce_max3A_1471 : vector<16xi32>
      %reduce_max3A_1475 = vector.extract %reduce_max3A_1474[15] : i32 from vector<16xi32>
      %dma_start3A_1476 = arith.constant 1 : i32
      %dma_start3A_1477 = arith.constant 18 : i32
      %dma_start3A_1478 = arith.constant 0 : i32
      %dma_start3A_1479 = tpu.memref_slice %arg6[%dma_start3A_1476, %dma_start3A_1477, %dma_start3A_1478] : memref<2x32x64xf32, #tpu.memory_space<vmem>> -> memref<1x1x64xf32, #tpu.memory_space<vmem>>
      %dma_start3A_1480 = tpu.memref_squeeze %dma_start3A_1479 : memref<1x1x64xf32, #tpu.memory_space<vmem>> -> memref<64xf32, #tpu.memory_space<vmem>>
      %dma_start3A_1481 = arith.constant 0 : i32
      %dma_start3A_1482 = tpu.memref_slice %arg2[%reduce_max3A_1475, %dma_start3A_1481] : memref<1000000x64xf32, #tpu.memory_space<hbm>> -> memref<1x64xf32, #tpu.memory_space<hbm>>
      %dma_start3A_1483 = tpu.memref_squeeze %dma_start3A_1482 : memref<1x64xf32, #tpu.memory_space<hbm>> -> memref<64xf32, #tpu.memory_space<hbm>>
      %dma_start3A_1484 = arith.constant 0 : i32
      %dma_start3A_1485 = tpu.memref_slice %arg6[%dma_start3A_1476, %dma_start3A_1477, %dma_start3A_1484] : memref<2x32x64xf32, #tpu.memory_space<vmem>> -> memref<1x1x64xf32, #tpu.memory_space<vmem>>
      %dma_start3A_1486 = tpu.memref_squeeze %dma_start3A_1485 : memref<1x1x64xf32, #tpu.memory_space<vmem>> -> memref<64xf32, #tpu.memory_space<vmem>>
      %dma_start3A_1487 = arith.constant 0 : i32
      %dma_start3A_1488 = tpu.memref_slice %arg2[%reduce_max3A_1475, %dma_start3A_1487] : memref<1000000x64xf32, #tpu.memory_space<hbm>> -> memref<1x64xf32, #tpu.memory_space<hbm>>
      %dma_start3A_1489 = tpu.memref_squeeze %dma_start3A_1488 : memref<1x64xf32, #tpu.memory_space<hbm>> -> memref<64xf32, #tpu.memory_space<hbm>>
      tpu.enqueue_dma source(%dma_start3A_1489 : memref<64xf32, #tpu.memory_space<hbm>>) target(%dma_start3A_1486 : memref<64xf32, #tpu.memory_space<vmem>>) target_semaphore(%arg8 : memref<!tpu.dma_semaphore, #tpu.memory_space<semaphore_mem>>)
      %eq3A_1490 = arith.constant 3 : i32
      %eq3A_1491 = vector.broadcast %eq3A_1490 : i32 to vector<16xi32>
      %eq3A_1492 = arith.cmpi eq, %iota3A, %eq3A_1491 : vector<16xi32>
      %jit3A_1493 = arith.constant 0 : i32
      %broadcast_in_dim3A_1494 = vector.broadcast %jit3A_1493 : i32 to vector<16xi32>
      %select_n3A_1495 = arith.select %eq3A_1492, %get3A_1405, %broadcast_in_dim3A_1494 : vector<16xi1>, vector<16xi32>
      %reduce_max3A_1496 = arith.constant true
      %reduce_max3A_1497 = vector.broadcast %reduce_max3A_1496 : i1 to vector<16xi1>
      %reduce_max3A_1498 = arith.constant -2147483648 : i32
      %reduce_max3A_1499 = vector.broadcast %reduce_max3A_1498 : i32 to vector<16xi32>
      %reduce_max3A_1500 = arith.xori %select_n3A_1495, %reduce_max3A_1499 : vector<16xi32>
      %reduce_max3A_1501 = tpu.scan <max>, %reduce_max3A_1500 masked %reduce_max3A_1497 : vector<16xi32>, vector<16xi1> -> vector<16xi32>
      %reduce_max3A_1502 = arith.xori %reduce_max3A_1501, %reduce_max3A_1499 : vector<16xi32>
      %reduce_max3A_1503 = vector.extract %reduce_max3A_1502[15] : i32 from vector<16xi32>
      %dma_start3A_1504 = arith.constant 1 : i32
      %dma_start3A_1505 = arith.constant 19 : i32
      %dma_start3A_1506 = arith.constant 0 : i32
      %dma_start3A_1507 = tpu.memref_slice %arg6[%dma_start3A_1504, %dma_start3A_1505, %dma_start3A_1506] : memref<2x32x64xf32, #tpu.memory_space<vmem>> -> memref<1x1x64xf32, #tpu.memory_space<vmem>>
      %dma_start3A_1508 = tpu.memref_squeeze %dma_start3A_1507 : memref<1x1x64xf32, #tpu.memory_space<vmem>> -> memref<64xf32, #tpu.memory_space<vmem>>
      %dma_start3A_1509 = arith.constant 0 : i32
      %dma_start3A_1510 = tpu.memref_slice %arg2[%reduce_max3A_1503, %dma_start3A_1509] : memref<1000000x64xf32, #tpu.memory_space<hbm>> -> memref<1x64xf32, #tpu.memory_space<hbm>>
      %dma_start3A_1511 = tpu.memref_squeeze %dma_start3A_1510 : memref<1x64xf32, #tpu.memory_space<hbm>> -> memref<64xf32, #tpu.memory_space<hbm>>
      %dma_start3A_1512 = arith.constant 0 : i32
      %dma_start3A_1513 = tpu.memref_slice %arg6[%dma_start3A_1504, %dma_start3A_1505, %dma_start3A_1512] : memref<2x32x64xf32, #tpu.memory_space<vmem>> -> memref<1x1x64xf32, #tpu.memory_space<vmem>>
      %dma_start3A_1514 = tpu.memref_squeeze %dma_start3A_1513 : memref<1x1x64xf32, #tpu.memory_space<vmem>> -> memref<64xf32, #tpu.memory_space<vmem>>
      %dma_start3A_1515 = arith.constant 0 : i32
      %dma_start3A_1516 = tpu.memref_slice %arg2[%reduce_max3A_1503, %dma_start3A_1515] : memref<1000000x64xf32, #tpu.memory_space<hbm>> -> memref<1x64xf32, #tpu.memory_space<hbm>>
      %dma_start3A_1517 = tpu.memref_squeeze %dma_start3A_1516 : memref<1x64xf32, #tpu.memory_space<hbm>> -> memref<64xf32, #tpu.memory_space<hbm>>
      tpu.enqueue_dma source(%dma_start3A_1517 : memref<64xf32, #tpu.memory_space<hbm>>) target(%dma_start3A_1514 : memref<64xf32, #tpu.memory_space<vmem>>) target_semaphore(%arg8 : memref<!tpu.dma_semaphore, #tpu.memory_space<semaphore_mem>>)
      %eq3A_1518 = arith.constant 4 : i32
      %eq3A_1519 = vector.broadcast %eq3A_1518 : i32 to vector<16xi32>
      %eq3A_1520 = arith.cmpi eq, %iota3A, %eq3A_1519 : vector<16xi32>
      %jit3A_1521 = arith.constant 0 : i32
      %broadcast_in_dim3A_1522 = vector.broadcast %jit3A_1521 : i32 to vector<16xi32>
      %select_n3A_1523 = arith.select %eq3A_1520, %get3A_1405, %broadcast_in_dim3A_1522 : vector<16xi1>, vector<16xi32>
      %reduce_max3A_1524 = arith.constant true
      %reduce_max3A_1525 = vector.broadcast %reduce_max3A_1524 : i1 to vector<16xi1>
      %reduce_max3A_1526 = arith.constant -2147483648 : i32
      %reduce_max3A_1527 = vector.broadcast %reduce_max3A_1526 : i32 to vector<16xi32>
      %reduce_max3A_1528 = arith.xori %select_n3A_1523, %reduce_max3A_1527 : vector<16xi32>
      %reduce_max3A_1529 = tpu.scan <max>, %reduce_max3A_1528 masked %reduce_max3A_1525 : vector<16xi32>, vector<16xi1> -> vector<16xi32>
      %reduce_max3A_1530 = arith.xori %reduce_max3A_1529, %reduce_max3A_1527 : vector<16xi32>
      %reduce_max3A_1531 = vector.extract %reduce_max3A_1530[15] : i32 from vector<16xi32>
      %dma_start3A_1532 = arith.constant 1 : i32
      %dma_start3A_1533 = arith.constant 20 : i32
      %dma_start3A_1534 = arith.constant 0 : i32
      %dma_start3A_1535 = tpu.memref_slice %arg6[%dma_start3A_1532, %dma_start3A_1533, %dma_start3A_1534] : memref<2x32x64xf32, #tpu.memory_space<vmem>> -> memref<1x1x64xf32, #tpu.memory_space<vmem>>
      %dma_start3A_1536 = tpu.memref_squeeze %dma_start3A_1535 : memref<1x1x64xf32, #tpu.memory_space<vmem>> -> memref<64xf32, #tpu.memory_space<vmem>>
      %dma_start3A_1537 = arith.constant 0 : i32
      %dma_start3A_1538 = tpu.memref_slice %arg2[%reduce_max3A_1531, %dma_start3A_1537] : memref<1000000x64xf32, #tpu.memory_space<hbm>> -> memref<1x64xf32, #tpu.memory_space<hbm>>
      %dma_start3A_1539 = tpu.memref_squeeze %dma_start3A_1538 : memref<1x64xf32, #tpu.memory_space<hbm>> -> memref<64xf32, #tpu.memory_space<hbm>>
      %dma_start3A_1540 = arith.constant 0 : i32
      %dma_start3A_1541 = tpu.memref_slice %arg6[%dma_start3A_1532, %dma_start3A_1533, %dma_start3A_1540] : memref<2x32x64xf32, #tpu.memory_space<vmem>> -> memref<1x1x64xf32, #tpu.memory_space<vmem>>
      %dma_start3A_1542 = tpu.memref_squeeze %dma_start3A_1541 : memref<1x1x64xf32, #tpu.memory_space<vmem>> -> memref<64xf32, #tpu.memory_space<vmem>>
      %dma_start3A_1543 = arith.constant 0 : i32
      %dma_start3A_1544 = tpu.memref_slice %arg2[%reduce_max3A_1531, %dma_start3A_1543] : memref<1000000x64xf32, #tpu.memory_space<hbm>> -> memref<1x64xf32, #tpu.memory_space<hbm>>
      %dma_start3A_1545 = tpu.memref_squeeze %dma_start3A_1544 : memref<1x64xf32, #tpu.memory_space<hbm>> -> memref<64xf32, #tpu.memory_space<hbm>>
      tpu.enqueue_dma source(%dma_start3A_1545 : memref<64xf32, #tpu.memory_space<hbm>>) target(%dma_start3A_1542 : memref<64xf32, #tpu.memory_space<vmem>>) target_semaphore(%arg8 : memref<!tpu.dma_semaphore, #tpu.memory_space<semaphore_mem>>)
      %eq3A_1546 = arith.constant 5 : i32
      %eq3A_1547 = vector.broadcast %eq3A_1546 : i32 to vector<16xi32>
      %eq3A_1548 = arith.cmpi eq, %iota3A, %eq3A_1547 : vector<16xi32>
      %jit3A_1549 = arith.constant 0 : i32
      %broadcast_in_dim3A_1550 = vector.broadcast %jit3A_1549 : i32 to vector<16xi32>
      %select_n3A_1551 = arith.select %eq3A_1548, %get3A_1405, %broadcast_in_dim3A_1550 : vector<16xi1>, vector<16xi32>
      %reduce_max3A_1552 = arith.constant true
      %reduce_max3A_1553 = vector.broadcast %reduce_max3A_1552 : i1 to vector<16xi1>
      %reduce_max3A_1554 = arith.constant -2147483648 : i32
      %reduce_max3A_1555 = vector.broadcast %reduce_max3A_1554 : i32 to vector<16xi32>
      %reduce_max3A_1556 = arith.xori %select_n3A_1551, %reduce_max3A_1555 : vector<16xi32>
      %reduce_max3A_1557 = tpu.scan <max>, %reduce_max3A_1556 masked %reduce_max3A_1553 : vector<16xi32>, vector<16xi1> -> vector<16xi32>
      %reduce_max3A_1558 = arith.xori %reduce_max3A_1557, %reduce_max3A_1555 : vector<16xi32>
      %reduce_max3A_1559 = vector.extract %reduce_max3A_1558[15] : i32 from vector<16xi32>
      %dma_start3A_1560 = arith.constant 1 : i32
      %dma_start3A_1561 = arith.constant 21 : i32
      %dma_start3A_1562 = arith.constant 0 : i32
      %dma_start3A_1563 = tpu.memref_slice %arg6[%dma_start3A_1560, %dma_start3A_1561, %dma_start3A_1562] : memref<2x32x64xf32, #tpu.memory_space<vmem>> -> memref<1x1x64xf32, #tpu.memory_space<vmem>>
      %dma_start3A_1564 = tpu.memref_squeeze %dma_start3A_1563 : memref<1x1x64xf32, #tpu.memory_space<vmem>> -> memref<64xf32, #tpu.memory_space<vmem>>
      %dma_start3A_1565 = arith.constant 0 : i32
      %dma_start3A_1566 = tpu.memref_slice %arg2[%reduce_max3A_1559, %dma_start3A_1565] : memref<1000000x64xf32, #tpu.memory_space<hbm>> -> memref<1x64xf32, #tpu.memory_space<hbm>>
      %dma_start3A_1567 = tpu.memref_squeeze %dma_start3A_1566 : memref<1x64xf32, #tpu.memory_space<hbm>> -> memref<64xf32, #tpu.memory_space<hbm>>
      %dma_start3A_1568 = arith.constant 0 : i32
      %dma_start3A_1569 = tpu.memref_slice %arg6[%dma_start3A_1560, %dma_start3A_1561, %dma_start3A_1568] : memref<2x32x64xf32, #tpu.memory_space<vmem>> -> memref<1x1x64xf32, #tpu.memory_space<vmem>>
      %dma_start3A_1570 = tpu.memref_squeeze %dma_start3A_1569 : memref<1x1x64xf32, #tpu.memory_space<vmem>> -> memref<64xf32, #tpu.memory_space<vmem>>
      %dma_start3A_1571 = arith.constant 0 : i32
      %dma_start3A_1572 = tpu.memref_slice %arg2[%reduce_max3A_1559, %dma_start3A_1571] : memref<1000000x64xf32, #tpu.memory_space<hbm>> -> memref<1x64xf32, #tpu.memory_space<hbm>>
      %dma_start3A_1573 = tpu.memref_squeeze %dma_start3A_1572 : memref<1x64xf32, #tpu.memory_space<hbm>> -> memref<64xf32, #tpu.memory_space<hbm>>
      tpu.enqueue_dma source(%dma_start3A_1573 : memref<64xf32, #tpu.memory_space<hbm>>) target(%dma_start3A_1570 : memref<64xf32, #tpu.memory_space<vmem>>) target_semaphore(%arg8 : memref<!tpu.dma_semaphore, #tpu.memory_space<semaphore_mem>>)
      %eq3A_1574 = arith.constant 6 : i32
      %eq3A_1575 = vector.broadcast %eq3A_1574 : i32 to vector<16xi32>
      %eq3A_1576 = arith.cmpi eq, %iota3A, %eq3A_1575 : vector<16xi32>
      %jit3A_1577 = arith.constant 0 : i32
      %broadcast_in_dim3A_1578 = vector.broadcast %jit3A_1577 : i32 to vector<16xi32>
      %select_n3A_1579 = arith.select %eq3A_1576, %get3A_1405, %broadcast_in_dim3A_1578 : vector<16xi1>, vector<16xi32>
      %reduce_max3A_1580 = arith.constant true
      %reduce_max3A_1581 = vector.broadcast %reduce_max3A_1580 : i1 to vector<16xi1>
      %reduce_max3A_1582 = arith.constant -2147483648 : i32
      %reduce_max3A_1583 = vector.broadcast %reduce_max3A_1582 : i32 to vector<16xi32>
      %reduce_max3A_1584 = arith.xori %select_n3A_1579, %reduce_max3A_1583 : vector<16xi32>
      %reduce_max3A_1585 = tpu.scan <max>, %reduce_max3A_1584 masked %reduce_max3A_1581 : vector<16xi32>, vector<16xi1> -> vector<16xi32>
      %reduce_max3A_1586 = arith.xori %reduce_max3A_1585, %reduce_max3A_1583 : vector<16xi32>
      %reduce_max3A_1587 = vector.extract %reduce_max3A_1586[15] : i32 from vector<16xi32>
      %dma_start3A_1588 = arith.constant 1 : i32
      %dma_start3A_1589 = arith.constant 22 : i32
      %dma_start3A_1590 = arith.constant 0 : i32
      %dma_start3A_1591 = tpu.memref_slice %arg6[%dma_start3A_1588, %dma_start3A_1589, %dma_start3A_1590] : memref<2x32x64xf32, #tpu.memory_space<vmem>> -> memref<1x1x64xf32, #tpu.memory_space<vmem>>
      %dma_start3A_1592 = tpu.memref_squeeze %dma_start3A_1591 : memref<1x1x64xf32, #tpu.memory_space<vmem>> -> memref<64xf32, #tpu.memory_space<vmem>>
      %dma_start3A_1593 = arith.constant 0 : i32
      %dma_start3A_1594 = tpu.memref_slice %arg2[%reduce_max3A_1587, %dma_start3A_1593] : memref<1000000x64xf32, #tpu.memory_space<hbm>> -> memref<1x64xf32, #tpu.memory_space<hbm>>
      %dma_start3A_1595 = tpu.memref_squeeze %dma_start3A_1594 : memref<1x64xf32, #tpu.memory_space<hbm>> -> memref<64xf32, #tpu.memory_space<hbm>>
      %dma_start3A_1596 = arith.constant 0 : i32
      %dma_start3A_1597 = tpu.memref_slice %arg6[%dma_start3A_1588, %dma_start3A_1589, %dma_start3A_1596] : memref<2x32x64xf32, #tpu.memory_space<vmem>> -> memref<1x1x64xf32, #tpu.memory_space<vmem>>
      %dma_start3A_1598 = tpu.memref_squeeze %dma_start3A_1597 : memref<1x1x64xf32, #tpu.memory_space<vmem>> -> memref<64xf32, #tpu.memory_space<vmem>>
      %dma_start3A_1599 = arith.constant 0 : i32
      %dma_start3A_1600 = tpu.memref_slice %arg2[%reduce_max3A_1587, %dma_start3A_1599] : memref<1000000x64xf32, #tpu.memory_space<hbm>> -> memref<1x64xf32, #tpu.memory_space<hbm>>
      %dma_start3A_1601 = tpu.memref_squeeze %dma_start3A_1600 : memref<1x64xf32, #tpu.memory_space<hbm>> -> memref<64xf32, #tpu.memory_space<hbm>>
      tpu.enqueue_dma source(%dma_start3A_1601 : memref<64xf32, #tpu.memory_space<hbm>>) target(%dma_start3A_1598 : memref<64xf32, #tpu.memory_space<vmem>>) target_semaphore(%arg8 : memref<!tpu.dma_semaphore, #tpu.memory_space<semaphore_mem>>)
      %eq3A_1602 = arith.constant 7 : i32
      %eq3A_1603 = vector.broadcast %eq3A_1602 : i32 to vector<16xi32>
      %eq3A_1604 = arith.cmpi eq, %iota3A, %eq3A_1603 : vector<16xi32>
      %jit3A_1605 = arith.constant 0 : i32
      %broadcast_in_dim3A_1606 = vector.broadcast %jit3A_1605 : i32 to vector<16xi32>
      %select_n3A_1607 = arith.select %eq3A_1604, %get3A_1405, %broadcast_in_dim3A_1606 : vector<16xi1>, vector<16xi32>
      %reduce_max3A_1608 = arith.constant true
      %reduce_max3A_1609 = vector.broadcast %reduce_max3A_1608 : i1 to vector<16xi1>
      %reduce_max3A_1610 = arith.constant -2147483648 : i32
      %reduce_max3A_1611 = vector.broadcast %reduce_max3A_1610 : i32 to vector<16xi32>
      %reduce_max3A_1612 = arith.xori %select_n3A_1607, %reduce_max3A_1611 : vector<16xi32>
      %reduce_max3A_1613 = tpu.scan <max>, %reduce_max3A_1612 masked %reduce_max3A_1609 : vector<16xi32>, vector<16xi1> -> vector<16xi32>
      %reduce_max3A_1614 = arith.xori %reduce_max3A_1613, %reduce_max3A_1611 : vector<16xi32>
      %reduce_max3A_1615 = vector.extract %reduce_max3A_1614[15] : i32 from vector<16xi32>
      %dma_start3A_1616 = arith.constant 1 : i32
      %dma_start3A_1617 = arith.constant 23 : i32
      %dma_start3A_1618 = arith.constant 0 : i32
      %dma_start3A_1619 = tpu.memref_slice %arg6[%dma_start3A_1616, %dma_start3A_1617, %dma_start3A_1618] : memref<2x32x64xf32, #tpu.memory_space<vmem>> -> memref<1x1x64xf32, #tpu.memory_space<vmem>>
      %dma_start3A_1620 = tpu.memref_squeeze %dma_start3A_1619 : memref<1x1x64xf32, #tpu.memory_space<vmem>> -> memref<64xf32, #tpu.memory_space<vmem>>
      %dma_start3A_1621 = arith.constant 0 : i32
      %dma_start3A_1622 = tpu.memref_slice %arg2[%reduce_max3A_1615, %dma_start3A_1621] : memref<1000000x64xf32, #tpu.memory_space<hbm>> -> memref<1x64xf32, #tpu.memory_space<hbm>>
      %dma_start3A_1623 = tpu.memref_squeeze %dma_start3A_1622 : memref<1x64xf32, #tpu.memory_space<hbm>> -> memref<64xf32, #tpu.memory_space<hbm>>
      %dma_start3A_1624 = arith.constant 0 : i32
      %dma_start3A_1625 = tpu.memref_slice %arg6[%dma_start3A_1616, %dma_start3A_1617, %dma_start3A_1624] : memref<2x32x64xf32, #tpu.memory_space<vmem>> -> memref<1x1x64xf32, #tpu.memory_space<vmem>>
      %dma_start3A_1626 = tpu.memref_squeeze %dma_start3A_1625 : memref<1x1x64xf32, #tpu.memory_space<vmem>> -> memref<64xf32, #tpu.memory_space<vmem>>
      %dma_start3A_1627 = arith.constant 0 : i32
      %dma_start3A_1628 = tpu.memref_slice %arg2[%reduce_max3A_1615, %dma_start3A_1627] : memref<1000000x64xf32, #tpu.memory_space<hbm>> -> memref<1x64xf32, #tpu.memory_space<hbm>>
      %dma_start3A_1629 = tpu.memref_squeeze %dma_start3A_1628 : memref<1x64xf32, #tpu.memory_space<hbm>> -> memref<64xf32, #tpu.memory_space<hbm>>
      tpu.enqueue_dma source(%dma_start3A_1629 : memref<64xf32, #tpu.memory_space<hbm>>) target(%dma_start3A_1626 : memref<64xf32, #tpu.memory_space<vmem>>) target_semaphore(%arg8 : memref<!tpu.dma_semaphore, #tpu.memory_space<semaphore_mem>>)
      %eq3A_1630 = arith.constant 8 : i32
      %eq3A_1631 = vector.broadcast %eq3A_1630 : i32 to vector<16xi32>
      %eq3A_1632 = arith.cmpi eq, %iota3A, %eq3A_1631 : vector<16xi32>
      %jit3A_1633 = arith.constant 0 : i32
      %broadcast_in_dim3A_1634 = vector.broadcast %jit3A_1633 : i32 to vector<16xi32>
      %select_n3A_1635 = arith.select %eq3A_1632, %get3A_1405, %broadcast_in_dim3A_1634 : vector<16xi1>, vector<16xi32>
      %reduce_max3A_1636 = arith.constant true
      %reduce_max3A_1637 = vector.broadcast %reduce_max3A_1636 : i1 to vector<16xi1>
      %reduce_max3A_1638 = arith.constant -2147483648 : i32
      %reduce_max3A_1639 = vector.broadcast %reduce_max3A_1638 : i32 to vector<16xi32>
      %reduce_max3A_1640 = arith.xori %select_n3A_1635, %reduce_max3A_1639 : vector<16xi32>
      %reduce_max3A_1641 = tpu.scan <max>, %reduce_max3A_1640 masked %reduce_max3A_1637 : vector<16xi32>, vector<16xi1> -> vector<16xi32>
      %reduce_max3A_1642 = arith.xori %reduce_max3A_1641, %reduce_max3A_1639 : vector<16xi32>
      %reduce_max3A_1643 = vector.extract %reduce_max3A_1642[15] : i32 from vector<16xi32>
      %dma_start3A_1644 = arith.constant 1 : i32
      %dma_start3A_1645 = arith.constant 24 : i32
      %dma_start3A_1646 = arith.constant 0 : i32
      %dma_start3A_1647 = tpu.memref_slice %arg6[%dma_start3A_1644, %dma_start3A_1645, %dma_start3A_1646] : memref<2x32x64xf32, #tpu.memory_space<vmem>> -> memref<1x1x64xf32, #tpu.memory_space<vmem>>
      %dma_start3A_1648 = tpu.memref_squeeze %dma_start3A_1647 : memref<1x1x64xf32, #tpu.memory_space<vmem>> -> memref<64xf32, #tpu.memory_space<vmem>>
      %dma_start3A_1649 = arith.constant 0 : i32
      %dma_start3A_1650 = tpu.memref_slice %arg2[%reduce_max3A_1643, %dma_start3A_1649] : memref<1000000x64xf32, #tpu.memory_space<hbm>> -> memref<1x64xf32, #tpu.memory_space<hbm>>
      %dma_start3A_1651 = tpu.memref_squeeze %dma_start3A_1650 : memref<1x64xf32, #tpu.memory_space<hbm>> -> memref<64xf32, #tpu.memory_space<hbm>>
      %dma_start3A_1652 = arith.constant 0 : i32
      %dma_start3A_1653 = tpu.memref_slice %arg6[%dma_start3A_1644, %dma_start3A_1645, %dma_start3A_1652] : memref<2x32x64xf32, #tpu.memory_space<vmem>> -> memref<1x1x64xf32, #tpu.memory_space<vmem>>
      %dma_start3A_1654 = tpu.memref_squeeze %dma_start3A_1653 : memref<1x1x64xf32, #tpu.memory_space<vmem>> -> memref<64xf32, #tpu.memory_space<vmem>>
      %dma_start3A_1655 = arith.constant 0 : i32
      %dma_start3A_1656 = tpu.memref_slice %arg2[%reduce_max3A_1643, %dma_start3A_1655] : memref<1000000x64xf32, #tpu.memory_space<hbm>> -> memref<1x64xf32, #tpu.memory_space<hbm>>
      %dma_start3A_1657 = tpu.memref_squeeze %dma_start3A_1656 : memref<1x64xf32, #tpu.memory_space<hbm>> -> memref<64xf32, #tpu.memory_space<hbm>>
      tpu.enqueue_dma source(%dma_start3A_1657 : memref<64xf32, #tpu.memory_space<hbm>>) target(%dma_start3A_1654 : memref<64xf32, #tpu.memory_space<vmem>>) target_semaphore(%arg8 : memref<!tpu.dma_semaphore, #tpu.memory_space<semaphore_mem>>)
      %eq3A_1658 = arith.constant 9 : i32
      %eq3A_1659 = vector.broadcast %eq3A_1658 : i32 to vector<16xi32>
      %eq3A_1660 = arith.cmpi eq, %iota3A, %eq3A_1659 : vector<16xi32>
      %jit3A_1661 = arith.constant 0 : i32
      %broadcast_in_dim3A_1662 = vector.broadcast %jit3A_1661 : i32 to vector<16xi32>
      %select_n3A_1663 = arith.select %eq3A_1660, %get3A_1405, %broadcast_in_dim3A_1662 : vector<16xi1>, vector<16xi32>
      %reduce_max3A_1664 = arith.constant true
      %reduce_max3A_1665 = vector.broadcast %reduce_max3A_1664 : i1 to vector<16xi1>
      %reduce_max3A_1666 = arith.constant -2147483648 : i32
      %reduce_max3A_1667 = vector.broadcast %reduce_max3A_1666 : i32 to vector<16xi32>
      %reduce_max3A_1668 = arith.xori %select_n3A_1663, %reduce_max3A_1667 : vector<16xi32>
      %reduce_max3A_1669 = tpu.scan <max>, %reduce_max3A_1668 masked %reduce_max3A_1665 : vector<16xi32>, vector<16xi1> -> vector<16xi32>
      %reduce_max3A_1670 = arith.xori %reduce_max3A_1669, %reduce_max3A_1667 : vector<16xi32>
      %reduce_max3A_1671 = vector.extract %reduce_max3A_1670[15] : i32 from vector<16xi32>
      %dma_start3A_1672 = arith.constant 1 : i32
      %dma_start3A_1673 = arith.constant 25 : i32
      %dma_start3A_1674 = arith.constant 0 : i32
      %dma_start3A_1675 = tpu.memref_slice %arg6[%dma_start3A_1672, %dma_start3A_1673, %dma_start3A_1674] : memref<2x32x64xf32, #tpu.memory_space<vmem>> -> memref<1x1x64xf32, #tpu.memory_space<vmem>>
      %dma_start3A_1676 = tpu.memref_squeeze %dma_start3A_1675 : memref<1x1x64xf32, #tpu.memory_space<vmem>> -> memref<64xf32, #tpu.memory_space<vmem>>
      %dma_start3A_1677 = arith.constant 0 : i32
      %dma_start3A_1678 = tpu.memref_slice %arg2[%reduce_max3A_1671, %dma_start3A_1677] : memref<1000000x64xf32, #tpu.memory_space<hbm>> -> memref<1x64xf32, #tpu.memory_space<hbm>>
      %dma_start3A_1679 = tpu.memref_squeeze %dma_start3A_1678 : memref<1x64xf32, #tpu.memory_space<hbm>> -> memref<64xf32, #tpu.memory_space<hbm>>
      %dma_start3A_1680 = arith.constant 0 : i32
      %dma_start3A_1681 = tpu.memref_slice %arg6[%dma_start3A_1672, %dma_start3A_1673, %dma_start3A_1680] : memref<2x32x64xf32, #tpu.memory_space<vmem>> -> memref<1x1x64xf32, #tpu.memory_space<vmem>>
      %dma_start3A_1682 = tpu.memref_squeeze %dma_start3A_1681 : memref<1x1x64xf32, #tpu.memory_space<vmem>> -> memref<64xf32, #tpu.memory_space<vmem>>
      %dma_start3A_1683 = arith.constant 0 : i32
      %dma_start3A_1684 = tpu.memref_slice %arg2[%reduce_max3A_1671, %dma_start3A_1683] : memref<1000000x64xf32, #tpu.memory_space<hbm>> -> memref<1x64xf32, #tpu.memory_space<hbm>>
      %dma_start3A_1685 = tpu.memref_squeeze %dma_start3A_1684 : memref<1x64xf32, #tpu.memory_space<hbm>> -> memref<64xf32, #tpu.memory_space<hbm>>
      tpu.enqueue_dma source(%dma_start3A_1685 : memref<64xf32, #tpu.memory_space<hbm>>) target(%dma_start3A_1682 : memref<64xf32, #tpu.memory_space<vmem>>) target_semaphore(%arg8 : memref<!tpu.dma_semaphore, #tpu.memory_space<semaphore_mem>>)
      %eq3A_1686 = arith.constant 10 : i32
      %eq3A_1687 = vector.broadcast %eq3A_1686 : i32 to vector<16xi32>
      %eq3A_1688 = arith.cmpi eq, %iota3A, %eq3A_1687 : vector<16xi32>
      %jit3A_1689 = arith.constant 0 : i32
      %broadcast_in_dim3A_1690 = vector.broadcast %jit3A_1689 : i32 to vector<16xi32>
      %select_n3A_1691 = arith.select %eq3A_1688, %get3A_1405, %broadcast_in_dim3A_1690 : vector<16xi1>, vector<16xi32>
      %reduce_max3A_1692 = arith.constant true
      %reduce_max3A_1693 = vector.broadcast %reduce_max3A_1692 : i1 to vector<16xi1>
      %reduce_max3A_1694 = arith.constant -2147483648 : i32
      %reduce_max3A_1695 = vector.broadcast %reduce_max3A_1694 : i32 to vector<16xi32>
      %reduce_max3A_1696 = arith.xori %select_n3A_1691, %reduce_max3A_1695 : vector<16xi32>
      %reduce_max3A_1697 = tpu.scan <max>, %reduce_max3A_1696 masked %reduce_max3A_1693 : vector<16xi32>, vector<16xi1> -> vector<16xi32>
      %reduce_max3A_1698 = arith.xori %reduce_max3A_1697, %reduce_max3A_1695 : vector<16xi32>
      %reduce_max3A_1699 = vector.extract %reduce_max3A_1698[15] : i32 from vector<16xi32>
      %dma_start3A_1700 = arith.constant 1 : i32
      %dma_start3A_1701 = arith.constant 26 : i32
      %dma_start3A_1702 = arith.constant 0 : i32
      %dma_start3A_1703 = tpu.memref_slice %arg6[%dma_start3A_1700, %dma_start3A_1701, %dma_start3A_1702] : memref<2x32x64xf32, #tpu.memory_space<vmem>> -> memref<1x1x64xf32, #tpu.memory_space<vmem>>
      %dma_start3A_1704 = tpu.memref_squeeze %dma_start3A_1703 : memref<1x1x64xf32, #tpu.memory_space<vmem>> -> memref<64xf32, #tpu.memory_space<vmem>>
      %dma_start3A_1705 = arith.constant 0 : i32
      %dma_start3A_1706 = tpu.memref_slice %arg2[%reduce_max3A_1699, %dma_start3A_1705] : memref<1000000x64xf32, #tpu.memory_space<hbm>> -> memref<1x64xf32, #tpu.memory_space<hbm>>
      %dma_start3A_1707 = tpu.memref_squeeze %dma_start3A_1706 : memref<1x64xf32, #tpu.memory_space<hbm>> -> memref<64xf32, #tpu.memory_space<hbm>>
      %dma_start3A_1708 = arith.constant 0 : i32
      %dma_start3A_1709 = tpu.memref_slice %arg6[%dma_start3A_1700, %dma_start3A_1701, %dma_start3A_1708] : memref<2x32x64xf32, #tpu.memory_space<vmem>> -> memref<1x1x64xf32, #tpu.memory_space<vmem>>
      %dma_start3A_1710 = tpu.memref_squeeze %dma_start3A_1709 : memref<1x1x64xf32, #tpu.memory_space<vmem>> -> memref<64xf32, #tpu.memory_space<vmem>>
      %dma_start3A_1711 = arith.constant 0 : i32
      %dma_start3A_1712 = tpu.memref_slice %arg2[%reduce_max3A_1699, %dma_start3A_1711] : memref<1000000x64xf32, #tpu.memory_space<hbm>> -> memref<1x64xf32, #tpu.memory_space<hbm>>
      %dma_start3A_1713 = tpu.memref_squeeze %dma_start3A_1712 : memref<1x64xf32, #tpu.memory_space<hbm>> -> memref<64xf32, #tpu.memory_space<hbm>>
      tpu.enqueue_dma source(%dma_start3A_1713 : memref<64xf32, #tpu.memory_space<hbm>>) target(%dma_start3A_1710 : memref<64xf32, #tpu.memory_space<vmem>>) target_semaphore(%arg8 : memref<!tpu.dma_semaphore, #tpu.memory_space<semaphore_mem>>)
      %eq3A_1714 = arith.constant 11 : i32
      %eq3A_1715 = vector.broadcast %eq3A_1714 : i32 to vector<16xi32>
      %eq3A_1716 = arith.cmpi eq, %iota3A, %eq3A_1715 : vector<16xi32>
      %jit3A_1717 = arith.constant 0 : i32
      %broadcast_in_dim3A_1718 = vector.broadcast %jit3A_1717 : i32 to vector<16xi32>
      %select_n3A_1719 = arith.select %eq3A_1716, %get3A_1405, %broadcast_in_dim3A_1718 : vector<16xi1>, vector<16xi32>
      %reduce_max3A_1720 = arith.constant true
      %reduce_max3A_1721 = vector.broadcast %reduce_max3A_1720 : i1 to vector<16xi1>
      %reduce_max3A_1722 = arith.constant -2147483648 : i32
      %reduce_max3A_1723 = vector.broadcast %reduce_max3A_1722 : i32 to vector<16xi32>
      %reduce_max3A_1724 = arith.xori %select_n3A_1719, %reduce_max3A_1723 : vector<16xi32>
      %reduce_max3A_1725 = tpu.scan <max>, %reduce_max3A_1724 masked %reduce_max3A_1721 : vector<16xi32>, vector<16xi1> -> vector<16xi32>
      %reduce_max3A_1726 = arith.xori %reduce_max3A_1725, %reduce_max3A_1723 : vector<16xi32>
      %reduce_max3A_1727 = vector.extract %reduce_max3A_1726[15] : i32 from vector<16xi32>
      %dma_start3A_1728 = arith.constant 1 : i32
      %dma_start3A_1729 = arith.constant 27 : i32
      %dma_start3A_1730 = arith.constant 0 : i32
      %dma_start3A_1731 = tpu.memref_slice %arg6[%dma_start3A_1728, %dma_start3A_1729, %dma_start3A_1730] : memref<2x32x64xf32, #tpu.memory_space<vmem>> -> memref<1x1x64xf32, #tpu.memory_space<vmem>>
      %dma_start3A_1732 = tpu.memref_squeeze %dma_start3A_1731 : memref<1x1x64xf32, #tpu.memory_space<vmem>> -> memref<64xf32, #tpu.memory_space<vmem>>
      %dma_start3A_1733 = arith.constant 0 : i32
      %dma_start3A_1734 = tpu.memref_slice %arg2[%reduce_max3A_1727, %dma_start3A_1733] : memref<1000000x64xf32, #tpu.memory_space<hbm>> -> memref<1x64xf32, #tpu.memory_space<hbm>>
      %dma_start3A_1735 = tpu.memref_squeeze %dma_start3A_1734 : memref<1x64xf32, #tpu.memory_space<hbm>> -> memref<64xf32, #tpu.memory_space<hbm>>
      %dma_start3A_1736 = arith.constant 0 : i32
      %dma_start3A_1737 = tpu.memref_slice %arg6[%dma_start3A_1728, %dma_start3A_1729, %dma_start3A_1736] : memref<2x32x64xf32, #tpu.memory_space<vmem>> -> memref<1x1x64xf32, #tpu.memory_space<vmem>>
      %dma_start3A_1738 = tpu.memref_squeeze %dma_start3A_1737 : memref<1x1x64xf32, #tpu.memory_space<vmem>> -> memref<64xf32, #tpu.memory_space<vmem>>
      %dma_start3A_1739 = arith.constant 0 : i32
      %dma_start3A_1740 = tpu.memref_slice %arg2[%reduce_max3A_1727, %dma_start3A_1739] : memref<1000000x64xf32, #tpu.memory_space<hbm>> -> memref<1x64xf32, #tpu.memory_space<hbm>>
      %dma_start3A_1741 = tpu.memref_squeeze %dma_start3A_1740 : memref<1x64xf32, #tpu.memory_space<hbm>> -> memref<64xf32, #tpu.memory_space<hbm>>
      tpu.enqueue_dma source(%dma_start3A_1741 : memref<64xf32, #tpu.memory_space<hbm>>) target(%dma_start3A_1738 : memref<64xf32, #tpu.memory_space<vmem>>) target_semaphore(%arg8 : memref<!tpu.dma_semaphore, #tpu.memory_space<semaphore_mem>>)
      %eq3A_1742 = arith.constant 12 : i32
      %eq3A_1743 = vector.broadcast %eq3A_1742 : i32 to vector<16xi32>
      %eq3A_1744 = arith.cmpi eq, %iota3A, %eq3A_1743 : vector<16xi32>
      %jit3A_1745 = arith.constant 0 : i32
      %broadcast_in_dim3A_1746 = vector.broadcast %jit3A_1745 : i32 to vector<16xi32>
      %select_n3A_1747 = arith.select %eq3A_1744, %get3A_1405, %broadcast_in_dim3A_1746 : vector<16xi1>, vector<16xi32>
      %reduce_max3A_1748 = arith.constant true
      %reduce_max3A_1749 = vector.broadcast %reduce_max3A_1748 : i1 to vector<16xi1>
      %reduce_max3A_1750 = arith.constant -2147483648 : i32
      %reduce_max3A_1751 = vector.broadcast %reduce_max3A_1750 : i32 to vector<16xi32>
      %reduce_max3A_1752 = arith.xori %select_n3A_1747, %reduce_max3A_1751 : vector<16xi32>
      %reduce_max3A_1753 = tpu.scan <max>, %reduce_max3A_1752 masked %reduce_max3A_1749 : vector<16xi32>, vector<16xi1> -> vector<16xi32>
      %reduce_max3A_1754 = arith.xori %reduce_max3A_1753, %reduce_max3A_1751 : vector<16xi32>
      %reduce_max3A_1755 = vector.extract %reduce_max3A_1754[15] : i32 from vector<16xi32>
      %dma_start3A_1756 = arith.constant 1 : i32
      %dma_start3A_1757 = arith.constant 28 : i32
      %dma_start3A_1758 = arith.constant 0 : i32
      %dma_start3A_1759 = tpu.memref_slice %arg6[%dma_start3A_1756, %dma_start3A_1757, %dma_start3A_1758] : memref<2x32x64xf32, #tpu.memory_space<vmem>> -> memref<1x1x64xf32, #tpu.memory_space<vmem>>
      %dma_start3A_1760 = tpu.memref_squeeze %dma_start3A_1759 : memref<1x1x64xf32, #tpu.memory_space<vmem>> -> memref<64xf32, #tpu.memory_space<vmem>>
      %dma_start3A_1761 = arith.constant 0 : i32
      %dma_start3A_1762 = tpu.memref_slice %arg2[%reduce_max3A_1755, %dma_start3A_1761] : memref<1000000x64xf32, #tpu.memory_space<hbm>> -> memref<1x64xf32, #tpu.memory_space<hbm>>
      %dma_start3A_1763 = tpu.memref_squeeze %dma_start3A_1762 : memref<1x64xf32, #tpu.memory_space<hbm>> -> memref<64xf32, #tpu.memory_space<hbm>>
      %dma_start3A_1764 = arith.constant 0 : i32
      %dma_start3A_1765 = tpu.memref_slice %arg6[%dma_start3A_1756, %dma_start3A_1757, %dma_start3A_1764] : memref<2x32x64xf32, #tpu.memory_space<vmem>> -> memref<1x1x64xf32, #tpu.memory_space<vmem>>
      %dma_start3A_1766 = tpu.memref_squeeze %dma_start3A_1765 : memref<1x1x64xf32, #tpu.memory_space<vmem>> -> memref<64xf32, #tpu.memory_space<vmem>>
      %dma_start3A_1767 = arith.constant 0 : i32
      %dma_start3A_1768 = tpu.memref_slice %arg2[%reduce_max3A_1755, %dma_start3A_1767] : memref<1000000x64xf32, #tpu.memory_space<hbm>> -> memref<1x64xf32, #tpu.memory_space<hbm>>
      %dma_start3A_1769 = tpu.memref_squeeze %dma_start3A_1768 : memref<1x64xf32, #tpu.memory_space<hbm>> -> memref<64xf32, #tpu.memory_space<hbm>>
      tpu.enqueue_dma source(%dma_start3A_1769 : memref<64xf32, #tpu.memory_space<hbm>>) target(%dma_start3A_1766 : memref<64xf32, #tpu.memory_space<vmem>>) target_semaphore(%arg8 : memref<!tpu.dma_semaphore, #tpu.memory_space<semaphore_mem>>)
      %eq3A_1770 = arith.constant 13 : i32
      %eq3A_1771 = vector.broadcast %eq3A_1770 : i32 to vector<16xi32>
      %eq3A_1772 = arith.cmpi eq, %iota3A, %eq3A_1771 : vector<16xi32>
      %jit3A_1773 = arith.constant 0 : i32
      %broadcast_in_dim3A_1774 = vector.broadcast %jit3A_1773 : i32 to vector<16xi32>
      %select_n3A_1775 = arith.select %eq3A_1772, %get3A_1405, %broadcast_in_dim3A_1774 : vector<16xi1>, vector<16xi32>
      %reduce_max3A_1776 = arith.constant true
      %reduce_max3A_1777 = vector.broadcast %reduce_max3A_1776 : i1 to vector<16xi1>
      %reduce_max3A_1778 = arith.constant -2147483648 : i32
      %reduce_max3A_1779 = vector.broadcast %reduce_max3A_1778 : i32 to vector<16xi32>
      %reduce_max3A_1780 = arith.xori %select_n3A_1775, %reduce_max3A_1779 : vector<16xi32>
      %reduce_max3A_1781 = tpu.scan <max>, %reduce_max3A_1780 masked %reduce_max3A_1777 : vector<16xi32>, vector<16xi1> -> vector<16xi32>
      %reduce_max3A_1782 = arith.xori %reduce_max3A_1781, %reduce_max3A_1779 : vector<16xi32>
      %reduce_max3A_1783 = vector.extract %reduce_max3A_1782[15] : i32 from vector<16xi32>
      %dma_start3A_1784 = arith.constant 1 : i32
      %dma_start3A_1785 = arith.constant 29 : i32
      %dma_start3A_1786 = arith.constant 0 : i32
      %dma_start3A_1787 = tpu.memref_slice %arg6[%dma_start3A_1784, %dma_start3A_1785, %dma_start3A_1786] : memref<2x32x64xf32, #tpu.memory_space<vmem>> -> memref<1x1x64xf32, #tpu.memory_space<vmem>>
      %dma_start3A_1788 = tpu.memref_squeeze %dma_start3A_1787 : memref<1x1x64xf32, #tpu.memory_space<vmem>> -> memref<64xf32, #tpu.memory_space<vmem>>
      %dma_start3A_1789 = arith.constant 0 : i32
      %dma_start3A_1790 = tpu.memref_slice %arg2[%reduce_max3A_1783, %dma_start3A_1789] : memref<1000000x64xf32, #tpu.memory_space<hbm>> -> memref<1x64xf32, #tpu.memory_space<hbm>>
      %dma_start3A_1791 = tpu.memref_squeeze %dma_start3A_1790 : memref<1x64xf32, #tpu.memory_space<hbm>> -> memref<64xf32, #tpu.memory_space<hbm>>
      %dma_start3A_1792 = arith.constant 0 : i32
      %dma_start3A_1793 = tpu.memref_slice %arg6[%dma_start3A_1784, %dma_start3A_1785, %dma_start3A_1792] : memref<2x32x64xf32, #tpu.memory_space<vmem>> -> memref<1x1x64xf32, #tpu.memory_space<vmem>>
      %dma_start3A_1794 = tpu.memref_squeeze %dma_start3A_1793 : memref<1x1x64xf32, #tpu.memory_space<vmem>> -> memref<64xf32, #tpu.memory_space<vmem>>
      %dma_start3A_1795 = arith.constant 0 : i32
      %dma_start3A_1796 = tpu.memref_slice %arg2[%reduce_max3A_1783, %dma_start3A_1795] : memref<1000000x64xf32, #tpu.memory_space<hbm>> -> memref<1x64xf32, #tpu.memory_space<hbm>>
      %dma_start3A_1797 = tpu.memref_squeeze %dma_start3A_1796 : memref<1x64xf32, #tpu.memory_space<hbm>> -> memref<64xf32, #tpu.memory_space<hbm>>
      tpu.enqueue_dma source(%dma_start3A_1797 : memref<64xf32, #tpu.memory_space<hbm>>) target(%dma_start3A_1794 : memref<64xf32, #tpu.memory_space<vmem>>) target_semaphore(%arg8 : memref<!tpu.dma_semaphore, #tpu.memory_space<semaphore_mem>>)
      %eq3A_1798 = arith.constant 14 : i32
      %eq3A_1799 = vector.broadcast %eq3A_1798 : i32 to vector<16xi32>
      %eq3A_1800 = arith.cmpi eq, %iota3A, %eq3A_1799 : vector<16xi32>
      %jit3A_1801 = arith.constant 0 : i32
      %broadcast_in_dim3A_1802 = vector.broadcast %jit3A_1801 : i32 to vector<16xi32>
      %select_n3A_1803 = arith.select %eq3A_1800, %get3A_1405, %broadcast_in_dim3A_1802 : vector<16xi1>, vector<16xi32>
      %reduce_max3A_1804 = arith.constant true
      %reduce_max3A_1805 = vector.broadcast %reduce_max3A_1804 : i1 to vector<16xi1>
      %reduce_max3A_1806 = arith.constant -2147483648 : i32
      %reduce_max3A_1807 = vector.broadcast %reduce_max3A_1806 : i32 to vector<16xi32>
      %reduce_max3A_1808 = arith.xori %select_n3A_1803, %reduce_max3A_1807 : vector<16xi32>
      %reduce_max3A_1809 = tpu.scan <max>, %reduce_max3A_1808 masked %reduce_max3A_1805 : vector<16xi32>, vector<16xi1> -> vector<16xi32>
      %reduce_max3A_1810 = arith.xori %reduce_max3A_1809, %reduce_max3A_1807 : vector<16xi32>
      %reduce_max3A_1811 = vector.extract %reduce_max3A_1810[15] : i32 from vector<16xi32>
      %dma_start3A_1812 = arith.constant 1 : i32
      %dma_start3A_1813 = arith.constant 30 : i32
      %dma_start3A_1814 = arith.constant 0 : i32
      %dma_start3A_1815 = tpu.memref_slice %arg6[%dma_start3A_1812, %dma_start3A_1813, %dma_start3A_1814] : memref<2x32x64xf32, #tpu.memory_space<vmem>> -> memref<1x1x64xf32, #tpu.memory_space<vmem>>
      %dma_start3A_1816 = tpu.memref_squeeze %dma_start3A_1815 : memref<1x1x64xf32, #tpu.memory_space<vmem>> -> memref<64xf32, #tpu.memory_space<vmem>>
      %dma_start3A_1817 = arith.constant 0 : i32
      %dma_start3A_1818 = tpu.memref_slice %arg2[%reduce_max3A_1811, %dma_start3A_1817] : memref<1000000x64xf32, #tpu.memory_space<hbm>> -> memref<1x64xf32, #tpu.memory_space<hbm>>
      %dma_start3A_1819 = tpu.memref_squeeze %dma_start3A_1818 : memref<1x64xf32, #tpu.memory_space<hbm>> -> memref<64xf32, #tpu.memory_space<hbm>>
      %dma_start3A_1820 = arith.constant 0 : i32
      %dma_start3A_1821 = tpu.memref_slice %arg6[%dma_start3A_1812, %dma_start3A_1813, %dma_start3A_1820] : memref<2x32x64xf32, #tpu.memory_space<vmem>> -> memref<1x1x64xf32, #tpu.memory_space<vmem>>
      %dma_start3A_1822 = tpu.memref_squeeze %dma_start3A_1821 : memref<1x1x64xf32, #tpu.memory_space<vmem>> -> memref<64xf32, #tpu.memory_space<vmem>>
      %dma_start3A_1823 = arith.constant 0 : i32
      %dma_start3A_1824 = tpu.memref_slice %arg2[%reduce_max3A_1811, %dma_start3A_1823] : memref<1000000x64xf32, #tpu.memory_space<hbm>> -> memref<1x64xf32, #tpu.memory_space<hbm>>
      %dma_start3A_1825 = tpu.memref_squeeze %dma_start3A_1824 : memref<1x64xf32, #tpu.memory_space<hbm>> -> memref<64xf32, #tpu.memory_space<hbm>>
      tpu.enqueue_dma source(%dma_start3A_1825 : memref<64xf32, #tpu.memory_space<hbm>>) target(%dma_start3A_1822 : memref<64xf32, #tpu.memory_space<vmem>>) target_semaphore(%arg8 : memref<!tpu.dma_semaphore, #tpu.memory_space<semaphore_mem>>)
      %eq3A_1826 = arith.constant 15 : i32
      %eq3A_1827 = vector.broadcast %eq3A_1826 : i32 to vector<16xi32>
      %eq3A_1828 = arith.cmpi eq, %iota3A, %eq3A_1827 : vector<16xi32>
      %jit3A_1829 = arith.constant 0 : i32
      %broadcast_in_dim3A_1830 = vector.broadcast %jit3A_1829 : i32 to vector<16xi32>
      %select_n3A_1831 = arith.select %eq3A_1828, %get3A_1405, %broadcast_in_dim3A_1830 : vector<16xi1>, vector<16xi32>
      %reduce_max3A_1832 = arith.constant true
      %reduce_max3A_1833 = vector.broadcast %reduce_max3A_1832 : i1 to vector<16xi1>
      %reduce_max3A_1834 = arith.constant -2147483648 : i32
      %reduce_max3A_1835 = vector.broadcast %reduce_max3A_1834 : i32 to vector<16xi32>
      %reduce_max3A_1836 = arith.xori %select_n3A_1831, %reduce_max3A_1835 : vector<16xi32>
      %reduce_max3A_1837 = tpu.scan <max>, %reduce_max3A_1836 masked %reduce_max3A_1833 : vector<16xi32>, vector<16xi1> -> vector<16xi32>
      %reduce_max3A_1838 = arith.xori %reduce_max3A_1837, %reduce_max3A_1835 : vector<16xi32>
      %reduce_max3A_1839 = vector.extract %reduce_max3A_1838[15] : i32 from vector<16xi32>
      %dma_start3A_1840 = arith.constant 1 : i32
      %dma_start3A_1841 = arith.constant 31 : i32
      %dma_start3A_1842 = arith.constant 0 : i32
      %dma_start3A_1843 = tpu.memref_slice %arg6[%dma_start3A_1840, %dma_start3A_1841, %dma_start3A_1842] : memref<2x32x64xf32, #tpu.memory_space<vmem>> -> memref<1x1x64xf32, #tpu.memory_space<vmem>>
      %dma_start3A_1844 = tpu.memref_squeeze %dma_start3A_1843 : memref<1x1x64xf32, #tpu.memory_space<vmem>> -> memref<64xf32, #tpu.memory_space<vmem>>
      %dma_start3A_1845 = arith.constant 0 : i32
      %dma_start3A_1846 = tpu.memref_slice %arg2[%reduce_max3A_1839, %dma_start3A_1845] : memref<1000000x64xf32, #tpu.memory_space<hbm>> -> memref<1x64xf32, #tpu.memory_space<hbm>>
      %dma_start3A_1847 = tpu.memref_squeeze %dma_start3A_1846 : memref<1x64xf32, #tpu.memory_space<hbm>> -> memref<64xf32, #tpu.memory_space<hbm>>
      %dma_start3A_1848 = arith.constant 0 : i32
      %dma_start3A_1849 = tpu.memref_slice %arg6[%dma_start3A_1840, %dma_start3A_1841, %dma_start3A_1848] : memref<2x32x64xf32, #tpu.memory_space<vmem>> -> memref<1x1x64xf32, #tpu.memory_space<vmem>>
      %dma_start3A_1850 = tpu.memref_squeeze %dma_start3A_1849 : memref<1x1x64xf32, #tpu.memory_space<vmem>> -> memref<64xf32, #tpu.memory_space<vmem>>
      %dma_start3A_1851 = arith.constant 0 : i32
      %dma_start3A_1852 = tpu.memref_slice %arg2[%reduce_max3A_1839, %dma_start3A_1851] : memref<1000000x64xf32, #tpu.memory_space<hbm>> -> memref<1x64xf32, #tpu.memory_space<hbm>>
      %dma_start3A_1853 = tpu.memref_squeeze %dma_start3A_1852 : memref<1x64xf32, #tpu.memory_space<hbm>> -> memref<64xf32, #tpu.memory_space<hbm>>
      tpu.enqueue_dma source(%dma_start3A_1853 : memref<64xf32, #tpu.memory_space<hbm>>) target(%dma_start3A_1850 : memref<64xf32, #tpu.memory_space<vmem>>) target_semaphore(%arg8 : memref<!tpu.dma_semaphore, #tpu.memory_space<semaphore_mem>>)
      %scan3A_1854 = arith.constant 0 : i32
      %scan3A_1855 = arith.constant 32 : i32
      %scan3A_1856 = arith.addi %scan3A_1854, %scan3A_1855 : i32
      %scan3A_1857 = arith.constant 1 : i32
      scf.for %scan3A_1902 = %scan3A_1854 to %scan3A_1856 step %scan3A_1857  : i32 {
        %mul3A_1903 = arith.constant 1 : i32
        %mul3A_1904 = arith.muli %scan3A_1902, %mul3A_1903 : i32
        %add3A_1905 = arith.constant 0 : i32
        %add3A_1906 = arith.addi %add3A_1905, %mul3A_1904 : i32
        %dma_wait3A_1907 = arith.constant 0 : i32
        %dma_wait3A_1908 = arith.constant 0 : i32
        %dma_wait3A_1909 = arith.constant 0 : i32
        %dma_wait3A_1910 = tpu.memref_slice %arg6[%dma_wait3A_1908, %add3A_1906, %dma_wait3A_1909] : memref<2x32x64xf32, #tpu.memory_space<vmem>> -> memref<1x1x64xf32, #tpu.memory_space<vmem>>
        %dma_wait3A_1911 = tpu.memref_squeeze %dma_wait3A_1910 : memref<1x1x64xf32, #tpu.memory_space<vmem>> -> memref<64xf32, #tpu.memory_space<vmem>>
        %dma_wait3A_1912 = arith.constant 0 : i32
        %dma_wait3A_1913 = tpu.memref_slice %arg2[%dma_wait3A_1907, %dma_wait3A_1912] : memref<1000000x64xf32, #tpu.memory_space<hbm>> -> memref<1x64xf32, #tpu.memory_space<hbm>>
        %dma_wait3A_1914 = tpu.memref_squeeze %dma_wait3A_1913 : memref<1x64xf32, #tpu.memory_space<hbm>> -> memref<64xf32, #tpu.memory_space<hbm>>
        %dma_wait3A_1915 = arith.constant 0 : i32
        %dma_wait3A_1916 = tpu.memref_slice %arg6[%dma_wait3A_1908, %add3A_1906, %dma_wait3A_1915] : memref<2x32x64xf32, #tpu.memory_space<vmem>> -> memref<1x1x64xf32, #tpu.memory_space<vmem>>
        %dma_wait3A_1917 = tpu.memref_squeeze %dma_wait3A_1916 : memref<1x1x64xf32, #tpu.memory_space<vmem>> -> memref<64xf32, #tpu.memory_space<vmem>>
        %dma_wait3A_1918 = arith.constant 0 : i32
        %dma_wait3A_1919 = tpu.memref_slice %arg2[%dma_wait3A_1907, %dma_wait3A_1918] : memref<1000000x64xf32, #tpu.memory_space<hbm>> -> memref<1x64xf32, #tpu.memory_space<hbm>>
        %dma_wait3A_1920 = tpu.memref_squeeze %dma_wait3A_1919 : memref<1x64xf32, #tpu.memory_space<hbm>> -> memref<64xf32, #tpu.memory_space<hbm>>
        tpu.wait_dma2 semaphore(%arg7 : memref<!tpu.dma_semaphore, #tpu.memory_space<semaphore_mem>>) src(%dma_wait3A_1920 : memref<64xf32, #tpu.memory_space<hbm>>) dst(%dma_wait3A_1917 : memref<64xf32, #tpu.memory_space<vmem>>)
      }
      %scan3A_1858 = arith.constant 32 : i32
      %mul3A_1859 = arith.constant 1024 : i32
      %mul3A_1860 = arith.muli %mul3A_943, %mul3A_1859 : i32
      %add3A_1861 = arith.addi %mul3A_1860, %mul3A_2 : i32
      %dma_start3A_1862 = arith.constant 0 : i32
      %dma_start3A_1863 = arith.constant 0 : i32
      %dma_start3A_1864 = arith.constant 0 : i32
      %dma_start3A_1865 = tpu.memref_slice %arg6[%dma_start3A_1862, %dma_start3A_1863, %dma_start3A_1864] : memref<2x32x64xf32, #tpu.memory_space<vmem>> -> memref<1x32x64xf32, #tpu.memory_space<vmem>>
      %dma_start3A_1866 = tpu.memref_squeeze %dma_start3A_1865 : memref<1x32x64xf32, #tpu.memory_space<vmem>> -> memref<32x64xf32, #tpu.memory_space<vmem>>
      %dma_start3A_1867 = arith.constant 0 : i32
      %dma_start3A_1868 = tpu.memref_slice %arg4[%add3A_1861, %dma_start3A_1867] : memref<51200x64xf32, #tpu.memory_space<hbm>> -> memref<32x64xf32, #tpu.memory_space<hbm>>
      %dma_start3A_1869 = arith.constant 0 : i32
      %dma_start3A_1870 = tpu.memref_slice %arg4[%add3A_1861, %dma_start3A_1869] : memref<51200x64xf32, #tpu.memory_space<hbm>> -> memref<32x64xf32, #tpu.memory_space<hbm>>
      %dma_start3A_1871 = arith.constant 0 : i32
      %dma_start3A_1872 = arith.constant 0 : i32
      %dma_start3A_1873 = tpu.memref_slice %arg6[%dma_start3A_1862, %dma_start3A_1871, %dma_start3A_1872] : memref<2x32x64xf32, #tpu.memory_space<vmem>> -> memref<1x32x64xf32, #tpu.memory_space<vmem>>
      %dma_start3A_1874 = tpu.memref_squeeze %dma_start3A_1873 : memref<1x32x64xf32, #tpu.memory_space<vmem>> -> memref<32x64xf32, #tpu.memory_space<vmem>>
      tpu.enqueue_dma source(%dma_start3A_1874 : memref<32x64xf32, #tpu.memory_space<vmem>>) target(%dma_start3A_1870 : memref<32x64xf32, #tpu.memory_space<hbm>>) target_semaphore(%arg9 : memref<!tpu.dma_semaphore, #tpu.memory_space<semaphore_mem>>)
      %lt3A = arith.constant 24 : i32
      %lt3A_1875 = arith.cmpi slt, %add3A_941, %lt3A : i32
      %convert_element_type3A_1876 = arith.extui %lt3A_1875 : i1 to i32
      %cond3A_1877 = arith.constant 0 : i32
      %cond3A_1878 = arith.cmpi ne, %convert_element_type3A_1876, %cond3A_1877 : i32
      scf.if %cond3A_1878 {
        %dma_wait3A_1902 = arith.constant 0 : i32
        %dma_wait3A_1903 = arith.constant 0 : i32
        %dma_wait3A_1904 = arith.constant 0 : i32
        %dma_wait3A_1905 = tpu.memref_slice %arg6[%dma_wait3A_1902, %dma_wait3A_1903, %dma_wait3A_1904] : memref<2x32x64xf32, #tpu.memory_space<vmem>> -> memref<1x32x64xf32, #tpu.memory_space<vmem>>
        %dma_wait3A_1906 = tpu.memref_squeeze %dma_wait3A_1905 : memref<1x32x64xf32, #tpu.memory_space<vmem>> -> memref<32x64xf32, #tpu.memory_space<vmem>>
        %dma_wait3A_1907 = arith.constant 0 : i32
        %dma_wait3A_1908 = arith.constant 0 : i32
        %dma_wait3A_1909 = tpu.memref_slice %arg4[%dma_wait3A_1907, %dma_wait3A_1908] : memref<51200x64xf32, #tpu.memory_space<hbm>> -> memref<32x64xf32, #tpu.memory_space<hbm>>
        %dma_wait3A_1910 = arith.constant 0 : i32
        %dma_wait3A_1911 = arith.constant 0 : i32
        %dma_wait3A_1912 = tpu.memref_slice %arg4[%dma_wait3A_1910, %dma_wait3A_1911] : memref<51200x64xf32, #tpu.memory_space<hbm>> -> memref<32x64xf32, #tpu.memory_space<hbm>>
        %dma_wait3A_1913 = arith.constant 0 : i32
        %dma_wait3A_1914 = arith.constant 0 : i32
        %dma_wait3A_1915 = tpu.memref_slice %arg6[%dma_wait3A_1902, %dma_wait3A_1913, %dma_wait3A_1914] : memref<2x32x64xf32, #tpu.memory_space<vmem>> -> memref<1x32x64xf32, #tpu.memory_space<vmem>>
        %dma_wait3A_1916 = tpu.memref_squeeze %dma_wait3A_1915 : memref<1x32x64xf32, #tpu.memory_space<vmem>> -> memref<32x64xf32, #tpu.memory_space<vmem>>
        tpu.wait_dma2 semaphore(%arg9 : memref<!tpu.dma_semaphore, #tpu.memory_space<semaphore_mem>>) src(%dma_wait3A_1916 : memref<32x64xf32, #tpu.memory_space<vmem>>) dst(%dma_wait3A_1912 : memref<32x64xf32, #tpu.memory_space<hbm>>)
        %add3A_1917 = arith.constant 2 : i32
        %add3A_1918 = arith.addi %mul3A_943, %add3A_1917 : i32
        %add3A_1919 = arith.constant 0 : i32
        %add3A_1920 = arith.addi %mul3A_2, %add3A_1919 : i32
        %get3A_1921 = arith.index_cast %add3A_1918 : i32 to index
        %get3A_1922 = arith.index_cast %add3A_1920 : i32 to index
        %get3A_1923 = tpu.vector_load %arg5[%get3A_1921, %get3A_1922] {strides = array<i32>} : memref<50x1024xi32, #tpu.memory_space<vmem>>, vector<16xi32>,
        %eq3A_1924 = arith.constant 0 : i32
        %eq3A_1925 = vector.broadcast %eq3A_1924 : i32 to vector<16xi32>
        %eq3A_1926 = arith.cmpi eq, %iota3A, %eq3A_1925 : vector<16xi32>
        %jit3A_1927 = arith.constant 0 : i32
        %broadcast_in_dim3A_1928 = vector.broadcast %jit3A_1927 : i32 to vector<16xi32>
        %select_n3A_1929 = arith.select %eq3A_1926, %get3A_1923, %broadcast_in_dim3A_1928 : vector<16xi1>, vector<16xi32>
        %reduce_max3A_1930 = arith.constant true
        %reduce_max3A_1931 = vector.broadcast %reduce_max3A_1930 : i1 to vector<16xi1>
        %reduce_max3A_1932 = arith.constant -2147483648 : i32
        %reduce_max3A_1933 = vector.broadcast %reduce_max3A_1932 : i32 to vector<16xi32>
        %reduce_max3A_1934 = arith.xori %select_n3A_1929, %reduce_max3A_1933 : vector<16xi32>
        %reduce_max3A_1935 = tpu.scan <max>, %reduce_max3A_1934 masked %reduce_max3A_1931 : vector<16xi32>, vector<16xi1> -> vector<16xi32>
        %reduce_max3A_1936 = arith.xori %reduce_max3A_1935, %reduce_max3A_1933 : vector<16xi32>
        %reduce_max3A_1937 = vector.extract %reduce_max3A_1936[15] : i32 from vector<16xi32>
        %dma_start3A_1938 = arith.constant 0 : i32
        %dma_start3A_1939 = arith.constant 0 : i32
        %dma_start3A_1940 = arith.constant 0 : i32
        %dma_start3A_1941 = tpu.memref_slice %arg6[%dma_start3A_1938, %dma_start3A_1939, %dma_start3A_1940] : memref<2x32x64xf32, #tpu.memory_space<vmem>> -> memref<1x1x64xf32, #tpu.memory_space<vmem>>
        %dma_start3A_1942 = tpu.memref_squeeze %dma_start3A_1941 : memref<1x1x64xf32, #tpu.memory_space<vmem>> -> memref<64xf32, #tpu.memory_space<vmem>>
        %dma_start3A_1943 = arith.constant 0 : i32
        %dma_start3A_1944 = tpu.memref_slice %arg2[%reduce_max3A_1937, %dma_start3A_1943] : memref<1000000x64xf32, #tpu.memory_space<hbm>> -> memref<1x64xf32, #tpu.memory_space<hbm>>
        %dma_start3A_1945 = tpu.memref_squeeze %dma_start3A_1944 : memref<1x64xf32, #tpu.memory_space<hbm>> -> memref<64xf32, #tpu.memory_space<hbm>>
        %dma_start3A_1946 = arith.constant 0 : i32
        %dma_start3A_1947 = tpu.memref_slice %arg6[%dma_start3A_1938, %dma_start3A_1939, %dma_start3A_1946] : memref<2x32x64xf32, #tpu.memory_space<vmem>> -> memref<1x1x64xf32, #tpu.memory_space<vmem>>
        %dma_start3A_1948 = tpu.memref_squeeze %dma_start3A_1947 : memref<1x1x64xf32, #tpu.memory_space<vmem>> -> memref<64xf32, #tpu.memory_space<vmem>>
        %dma_start3A_1949 = arith.constant 0 : i32
        %dma_start3A_1950 = tpu.memref_slice %arg2[%reduce_max3A_1937, %dma_start3A_1949] : memref<1000000x64xf32, #tpu.memory_space<hbm>> -> memref<1x64xf32, #tpu.memory_space<hbm>>
        %dma_start3A_1951 = tpu.memref_squeeze %dma_start3A_1950 : memref<1x64xf32, #tpu.memory_space<hbm>> -> memref<64xf32, #tpu.memory_space<hbm>>
        tpu.enqueue_dma source(%dma_start3A_1951 : memref<64xf32, #tpu.memory_space<hbm>>) target(%dma_start3A_1948 : memref<64xf32, #tpu.memory_space<vmem>>) target_semaphore(%arg7 : memref<!tpu.dma_semaphore, #tpu.memory_space<semaphore_mem>>)
        %eq3A_1952 = arith.constant 1 : i32
        %eq3A_1953 = vector.broadcast %eq3A_1952 : i32 to vector<16xi32>
        %eq3A_1954 = arith.cmpi eq, %iota3A, %eq3A_1953 : vector<16xi32>
        %jit3A_1955 = arith.constant 0 : i32
        %broadcast_in_dim3A_1956 = vector.broadcast %jit3A_1955 : i32 to vector<16xi32>
        %select_n3A_1957 = arith.select %eq3A_1954, %get3A_1923, %broadcast_in_dim3A_1956 : vector<16xi1>, vector<16xi32>
        %reduce_max3A_1958 = arith.constant true
        %reduce_max3A_1959 = vector.broadcast %reduce_max3A_1958 : i1 to vector<16xi1>
        %reduce_max3A_1960 = arith.constant -2147483648 : i32
        %reduce_max3A_1961 = vector.broadcast %reduce_max3A_1960 : i32 to vector<16xi32>
        %reduce_max3A_1962 = arith.xori %select_n3A_1957, %reduce_max3A_1961 : vector<16xi32>
        %reduce_max3A_1963 = tpu.scan <max>, %reduce_max3A_1962 masked %reduce_max3A_1959 : vector<16xi32>, vector<16xi1> -> vector<16xi32>
        %reduce_max3A_1964 = arith.xori %reduce_max3A_1963, %reduce_max3A_1961 : vector<16xi32>
        %reduce_max3A_1965 = vector.extract %reduce_max3A_1964[15] : i32 from vector<16xi32>
        %dma_start3A_1966 = arith.constant 0 : i32
        %dma_start3A_1967 = arith.constant 1 : i32
        %dma_start3A_1968 = arith.constant 0 : i32
        %dma_start3A_1969 = tpu.memref_slice %arg6[%dma_start3A_1966, %dma_start3A_1967, %dma_start3A_1968] : memref<2x32x64xf32, #tpu.memory_space<vmem>> -> memref<1x1x64xf32, #tpu.memory_space<vmem>>
        %dma_start3A_1970 = tpu.memref_squeeze %dma_start3A_1969 : memref<1x1x64xf32, #tpu.memory_space<vmem>> -> memref<64xf32, #tpu.memory_space<vmem>>
        %dma_start3A_1971 = arith.constant 0 : i32
        %dma_start3A_1972 = tpu.memref_slice %arg2[%reduce_max3A_1965, %dma_start3A_1971] : memref<1000000x64xf32, #tpu.memory_space<hbm>> -> memref<1x64xf32, #tpu.memory_space<hbm>>
        %dma_start3A_1973 = tpu.memref_squeeze %dma_start3A_1972 : memref<1x64xf32, #tpu.memory_space<hbm>> -> memref<64xf32, #tpu.memory_space<hbm>>
        %dma_start3A_1974 = arith.constant 0 : i32
        %dma_start3A_1975 = tpu.memref_slice %arg6[%dma_start3A_1966, %dma_start3A_1967, %dma_start3A_1974] : memref<2x32x64xf32, #tpu.memory_space<vmem>> -> memref<1x1x64xf32, #tpu.memory_space<vmem>>
        %dma_start3A_1976 = tpu.memref_squeeze %dma_start3A_1975 : memref<1x1x64xf32, #tpu.memory_space<vmem>> -> memref<64xf32, #tpu.memory_space<vmem>>
        %dma_start3A_1977 = arith.constant 0 : i32
        %dma_start3A_1978 = tpu.memref_slice %arg2[%reduce_max3A_1965, %dma_start3A_1977] : memref<1000000x64xf32, #tpu.memory_space<hbm>> -> memref<1x64xf32, #tpu.memory_space<hbm>>
        %dma_start3A_1979 = tpu.memref_squeeze %dma_start3A_1978 : memref<1x64xf32, #tpu.memory_space<hbm>> -> memref<64xf32, #tpu.memory_space<hbm>>
        tpu.enqueue_dma source(%dma_start3A_1979 : memref<64xf32, #tpu.memory_space<hbm>>) target(%dma_start3A_1976 : memref<64xf32, #tpu.memory_space<vmem>>) target_semaphore(%arg7 : memref<!tpu.dma_semaphore, #tpu.memory_space<semaphore_mem>>)
        %eq3A_1980 = arith.constant 2 : i32
        %eq3A_1981 = vector.broadcast %eq3A_1980 : i32 to vector<16xi32>
        %eq3A_1982 = arith.cmpi eq, %iota3A, %eq3A_1981 : vector<16xi32>
        %jit3A_1983 = arith.constant 0 : i32
        %broadcast_in_dim3A_1984 = vector.broadcast %jit3A_1983 : i32 to vector<16xi32>
        %select_n3A_1985 = arith.select %eq3A_1982, %get3A_1923, %broadcast_in_dim3A_1984 : vector<16xi1>, vector<16xi32>
        %reduce_max3A_1986 = arith.constant true
        %reduce_max3A_1987 = vector.broadcast %reduce_max3A_1986 : i1 to vector<16xi1>
        %reduce_max3A_1988 = arith.constant -2147483648 : i32
        %reduce_max3A_1989 = vector.broadcast %reduce_max3A_1988 : i32 to vector<16xi32>
        %reduce_max3A_1990 = arith.xori %select_n3A_1985, %reduce_max3A_1989 : vector<16xi32>
        %reduce_max3A_1991 = tpu.scan <max>, %reduce_max3A_1990 masked %reduce_max3A_1987 : vector<16xi32>, vector<16xi1> -> vector<16xi32>
        %reduce_max3A_1992 = arith.xori %reduce_max3A_1991, %reduce_max3A_1989 : vector<16xi32>
        %reduce_max3A_1993 = vector.extract %reduce_max3A_1992[15] : i32 from vector<16xi32>
        %dma_start3A_1994 = arith.constant 0 : i32
        %dma_start3A_1995 = arith.constant 2 : i32
        %dma_start3A_1996 = arith.constant 0 : i32
        %dma_start3A_1997 = tpu.memref_slice %arg6[%dma_start3A_1994, %dma_start3A_1995, %dma_start3A_1996] : memref<2x32x64xf32, #tpu.memory_space<vmem>> -> memref<1x1x64xf32, #tpu.memory_space<vmem>>
        %dma_start3A_1998 = tpu.memref_squeeze %dma_start3A_1997 : memref<1x1x64xf32, #tpu.memory_space<vmem>> -> memref<64xf32, #tpu.memory_space<vmem>>
        %dma_start3A_1999 = arith.constant 0 : i32
        %dma_start3A_2000 = tpu.memref_slice %arg2[%reduce_max3A_1993, %dma_start3A_1999] : memref<1000000x64xf32, #tpu.memory_space<hbm>> -> memref<1x64xf32, #tpu.memory_space<hbm>>
        %dma_start3A_2001 = tpu.memref_squeeze %dma_start3A_2000 : memref<1x64xf32, #tpu.memory_space<hbm>> -> memref<64xf32, #tpu.memory_space<hbm>>
        %dma_start3A_2002 = arith.constant 0 : i32
        %dma_start3A_2003 = tpu.memref_slice %arg6[%dma_start3A_1994, %dma_start3A_1995, %dma_start3A_2002] : memref<2x32x64xf32, #tpu.memory_space<vmem>> -> memref<1x1x64xf32, #tpu.memory_space<vmem>>
        %dma_start3A_2004 = tpu.memref_squeeze %dma_start3A_2003 : memref<1x1x64xf32, #tpu.memory_space<vmem>> -> memref<64xf32, #tpu.memory_space<vmem>>
        %dma_start3A_2005 = arith.constant 0 : i32
        %dma_start3A_2006 = tpu.memref_slice %arg2[%reduce_max3A_1993, %dma_start3A_2005] : memref<1000000x64xf32, #tpu.memory_space<hbm>> -> memref<1x64xf32, #tpu.memory_space<hbm>>
        %dma_start3A_2007 = tpu.memref_squeeze %dma_start3A_2006 : memref<1x64xf32, #tpu.memory_space<hbm>> -> memref<64xf32, #tpu.memory_space<hbm>>
        tpu.enqueue_dma source(%dma_start3A_2007 : memref<64xf32, #tpu.memory_space<hbm>>) target(%dma_start3A_2004 : memref<64xf32, #tpu.memory_space<vmem>>) target_semaphore(%arg7 : memref<!tpu.dma_semaphore, #tpu.memory_space<semaphore_mem>>)
        %eq3A_2008 = arith.constant 3 : i32
        %eq3A_2009 = vector.broadcast %eq3A_2008 : i32 to vector<16xi32>
        %eq3A_2010 = arith.cmpi eq, %iota3A, %eq3A_2009 : vector<16xi32>
        %jit3A_2011 = arith.constant 0 : i32
        %broadcast_in_dim3A_2012 = vector.broadcast %jit3A_2011 : i32 to vector<16xi32>
        %select_n3A_2013 = arith.select %eq3A_2010, %get3A_1923, %broadcast_in_dim3A_2012 : vector<16xi1>, vector<16xi32>
        %reduce_max3A_2014 = arith.constant true
        %reduce_max3A_2015 = vector.broadcast %reduce_max3A_2014 : i1 to vector<16xi1>
        %reduce_max3A_2016 = arith.constant -2147483648 : i32
        %reduce_max3A_2017 = vector.broadcast %reduce_max3A_2016 : i32 to vector<16xi32>
        %reduce_max3A_2018 = arith.xori %select_n3A_2013, %reduce_max3A_2017 : vector<16xi32>
        %reduce_max3A_2019 = tpu.scan <max>, %reduce_max3A_2018 masked %reduce_max3A_2015 : vector<16xi32>, vector<16xi1> -> vector<16xi32>
        %reduce_max3A_2020 = arith.xori %reduce_max3A_2019, %reduce_max3A_2017 : vector<16xi32>
        %reduce_max3A_2021 = vector.extract %reduce_max3A_2020[15] : i32 from vector<16xi32>
        %dma_start3A_2022 = arith.constant 0 : i32
        %dma_start3A_2023 = arith.constant 3 : i32
        %dma_start3A_2024 = arith.constant 0 : i32
        %dma_start3A_2025 = tpu.memref_slice %arg6[%dma_start3A_2022, %dma_start3A_2023, %dma_start3A_2024] : memref<2x32x64xf32, #tpu.memory_space<vmem>> -> memref<1x1x64xf32, #tpu.memory_space<vmem>>
        %dma_start3A_2026 = tpu.memref_squeeze %dma_start3A_2025 : memref<1x1x64xf32, #tpu.memory_space<vmem>> -> memref<64xf32, #tpu.memory_space<vmem>>
        %dma_start3A_2027 = arith.constant 0 : i32
        %dma_start3A_2028 = tpu.memref_slice %arg2[%reduce_max3A_2021, %dma_start3A_2027] : memref<1000000x64xf32, #tpu.memory_space<hbm>> -> memref<1x64xf32, #tpu.memory_space<hbm>>
        %dma_start3A_2029 = tpu.memref_squeeze %dma_start3A_2028 : memref<1x64xf32, #tpu.memory_space<hbm>> -> memref<64xf32, #tpu.memory_space<hbm>>
        %dma_start3A_2030 = arith.constant 0 : i32
        %dma_start3A_2031 = tpu.memref_slice %arg6[%dma_start3A_2022, %dma_start3A_2023, %dma_start3A_2030] : memref<2x32x64xf32, #tpu.memory_space<vmem>> -> memref<1x1x64xf32, #tpu.memory_space<vmem>>
        %dma_start3A_2032 = tpu.memref_squeeze %dma_start3A_2031 : memref<1x1x64xf32, #tpu.memory_space<vmem>> -> memref<64xf32, #tpu.memory_space<vmem>>
        %dma_start3A_2033 = arith.constant 0 : i32
        %dma_start3A_2034 = tpu.memref_slice %arg2[%reduce_max3A_2021, %dma_start3A_2033] : memref<1000000x64xf32, #tpu.memory_space<hbm>> -> memref<1x64xf32, #tpu.memory_space<hbm>>
        %dma_start3A_2035 = tpu.memref_squeeze %dma_start3A_2034 : memref<1x64xf32, #tpu.memory_space<hbm>> -> memref<64xf32, #tpu.memory_space<hbm>>
        tpu.enqueue_dma source(%dma_start3A_2035 : memref<64xf32, #tpu.memory_space<hbm>>) target(%dma_start3A_2032 : memref<64xf32, #tpu.memory_space<vmem>>) target_semaphore(%arg7 : memref<!tpu.dma_semaphore, #tpu.memory_space<semaphore_mem>>)
        %eq3A_2036 = arith.constant 4 : i32
        %eq3A_2037 = vector.broadcast %eq3A_2036 : i32 to vector<16xi32>
        %eq3A_2038 = arith.cmpi eq, %iota3A, %eq3A_2037 : vector<16xi32>
        %jit3A_2039 = arith.constant 0 : i32
        %broadcast_in_dim3A_2040 = vector.broadcast %jit3A_2039 : i32 to vector<16xi32>
        %select_n3A_2041 = arith.select %eq3A_2038, %get3A_1923, %broadcast_in_dim3A_2040 : vector<16xi1>, vector<16xi32>
        %reduce_max3A_2042 = arith.constant true
        %reduce_max3A_2043 = vector.broadcast %reduce_max3A_2042 : i1 to vector<16xi1>
        %reduce_max3A_2044 = arith.constant -2147483648 : i32
        %reduce_max3A_2045 = vector.broadcast %reduce_max3A_2044 : i32 to vector<16xi32>
        %reduce_max3A_2046 = arith.xori %select_n3A_2041, %reduce_max3A_2045 : vector<16xi32>
        %reduce_max3A_2047 = tpu.scan <max>, %reduce_max3A_2046 masked %reduce_max3A_2043 : vector<16xi32>, vector<16xi1> -> vector<16xi32>
        %reduce_max3A_2048 = arith.xori %reduce_max3A_2047, %reduce_max3A_2045 : vector<16xi32>
        %reduce_max3A_2049 = vector.extract %reduce_max3A_2048[15] : i32 from vector<16xi32>
        %dma_start3A_2050 = arith.constant 0 : i32
        %dma_start3A_2051 = arith.constant 4 : i32
        %dma_start3A_2052 = arith.constant 0 : i32
        %dma_start3A_2053 = tpu.memref_slice %arg6[%dma_start3A_2050, %dma_start3A_2051, %dma_start3A_2052] : memref<2x32x64xf32, #tpu.memory_space<vmem>> -> memref<1x1x64xf32, #tpu.memory_space<vmem>>
        %dma_start3A_2054 = tpu.memref_squeeze %dma_start3A_2053 : memref<1x1x64xf32, #tpu.memory_space<vmem>> -> memref<64xf32, #tpu.memory_space<vmem>>
        %dma_start3A_2055 = arith.constant 0 : i32
        %dma_start3A_2056 = tpu.memref_slice %arg2[%reduce_max3A_2049, %dma_start3A_2055] : memref<1000000x64xf32, #tpu.memory_space<hbm>> -> memref<1x64xf32, #tpu.memory_space<hbm>>
        %dma_start3A_2057 = tpu.memref_squeeze %dma_start3A_2056 : memref<1x64xf32, #tpu.memory_space<hbm>> -> memref<64xf32, #tpu.memory_space<hbm>>
        %dma_start3A_2058 = arith.constant 0 : i32
        %dma_start3A_2059 = tpu.memref_slice %arg6[%dma_start3A_2050, %dma_start3A_2051, %dma_start3A_2058] : memref<2x32x64xf32, #tpu.memory_space<vmem>> -> memref<1x1x64xf32, #tpu.memory_space<vmem>>
        %dma_start3A_2060 = tpu.memref_squeeze %dma_start3A_2059 : memref<1x1x64xf32, #tpu.memory_space<vmem>> -> memref<64xf32, #tpu.memory_space<vmem>>
        %dma_start3A_2061 = arith.constant 0 : i32
        %dma_start3A_2062 = tpu.memref_slice %arg2[%reduce_max3A_2049, %dma_start3A_2061] : memref<1000000x64xf32, #tpu.memory_space<hbm>> -> memref<1x64xf32, #tpu.memory_space<hbm>>
        %dma_start3A_2063 = tpu.memref_squeeze %dma_start3A_2062 : memref<1x64xf32, #tpu.memory_space<hbm>> -> memref<64xf32, #tpu.memory_space<hbm>>
        tpu.enqueue_dma source(%dma_start3A_2063 : memref<64xf32, #tpu.memory_space<hbm>>) target(%dma_start3A_2060 : memref<64xf32, #tpu.memory_space<vmem>>) target_semaphore(%arg7 : memref<!tpu.dma_semaphore, #tpu.memory_space<semaphore_mem>>)
        %eq3A_2064 = arith.constant 5 : i32
        %eq3A_2065 = vector.broadcast %eq3A_2064 : i32 to vector<16xi32>
        %eq3A_2066 = arith.cmpi eq, %iota3A, %eq3A_2065 : vector<16xi32>
        %jit3A_2067 = arith.constant 0 : i32
        %broadcast_in_dim3A_2068 = vector.broadcast %jit3A_2067 : i32 to vector<16xi32>
        %select_n3A_2069 = arith.select %eq3A_2066, %get3A_1923, %broadcast_in_dim3A_2068 : vector<16xi1>, vector<16xi32>
        %reduce_max3A_2070 = arith.constant true
        %reduce_max3A_2071 = vector.broadcast %reduce_max3A_2070 : i1 to vector<16xi1>
        %reduce_max3A_2072 = arith.constant -2147483648 : i32
        %reduce_max3A_2073 = vector.broadcast %reduce_max3A_2072 : i32 to vector<16xi32>
        %reduce_max3A_2074 = arith.xori %select_n3A_2069, %reduce_max3A_2073 : vector<16xi32>
        %reduce_max3A_2075 = tpu.scan <max>, %reduce_max3A_2074 masked %reduce_max3A_2071 : vector<16xi32>, vector<16xi1> -> vector<16xi32>
        %reduce_max3A_2076 = arith.xori %reduce_max3A_2075, %reduce_max3A_2073 : vector<16xi32>
        %reduce_max3A_2077 = vector.extract %reduce_max3A_2076[15] : i32 from vector<16xi32>
        %dma_start3A_2078 = arith.constant 0 : i32
        %dma_start3A_2079 = arith.constant 5 : i32
        %dma_start3A_2080 = arith.constant 0 : i32
        %dma_start3A_2081 = tpu.memref_slice %arg6[%dma_start3A_2078, %dma_start3A_2079, %dma_start3A_2080] : memref<2x32x64xf32, #tpu.memory_space<vmem>> -> memref<1x1x64xf32, #tpu.memory_space<vmem>>
        %dma_start3A_2082 = tpu.memref_squeeze %dma_start3A_2081 : memref<1x1x64xf32, #tpu.memory_space<vmem>> -> memref<64xf32, #tpu.memory_space<vmem>>
        %dma_start3A_2083 = arith.constant 0 : i32
        %dma_start3A_2084 = tpu.memref_slice %arg2[%reduce_max3A_2077, %dma_start3A_2083] : memref<1000000x64xf32, #tpu.memory_space<hbm>> -> memref<1x64xf32, #tpu.memory_space<hbm>>
        %dma_start3A_2085 = tpu.memref_squeeze %dma_start3A_2084 : memref<1x64xf32, #tpu.memory_space<hbm>> -> memref<64xf32, #tpu.memory_space<hbm>>
        %dma_start3A_2086 = arith.constant 0 : i32
        %dma_start3A_2087 = tpu.memref_slice %arg6[%dma_start3A_2078, %dma_start3A_2079, %dma_start3A_2086] : memref<2x32x64xf32, #tpu.memory_space<vmem>> -> memref<1x1x64xf32, #tpu.memory_space<vmem>>
        %dma_start3A_2088 = tpu.memref_squeeze %dma_start3A_2087 : memref<1x1x64xf32, #tpu.memory_space<vmem>> -> memref<64xf32, #tpu.memory_space<vmem>>
        %dma_start3A_2089 = arith.constant 0 : i32
        %dma_start3A_2090 = tpu.memref_slice %arg2[%reduce_max3A_2077, %dma_start3A_2089] : memref<1000000x64xf32, #tpu.memory_space<hbm>> -> memref<1x64xf32, #tpu.memory_space<hbm>>
        %dma_start3A_2091 = tpu.memref_squeeze %dma_start3A_2090 : memref<1x64xf32, #tpu.memory_space<hbm>> -> memref<64xf32, #tpu.memory_space<hbm>>
        tpu.enqueue_dma source(%dma_start3A_2091 : memref<64xf32, #tpu.memory_space<hbm>>) target(%dma_start3A_2088 : memref<64xf32, #tpu.memory_space<vmem>>) target_semaphore(%arg7 : memref<!tpu.dma_semaphore, #tpu.memory_space<semaphore_mem>>)
        %eq3A_2092 = arith.constant 6 : i32
        %eq3A_2093 = vector.broadcast %eq3A_2092 : i32 to vector<16xi32>
        %eq3A_2094 = arith.cmpi eq, %iota3A, %eq3A_2093 : vector<16xi32>
        %jit3A_2095 = arith.constant 0 : i32
        %broadcast_in_dim3A_2096 = vector.broadcast %jit3A_2095 : i32 to vector<16xi32>
        %select_n3A_2097 = arith.select %eq3A_2094, %get3A_1923, %broadcast_in_dim3A_2096 : vector<16xi1>, vector<16xi32>
        %reduce_max3A_2098 = arith.constant true
        %reduce_max3A_2099 = vector.broadcast %reduce_max3A_2098 : i1 to vector<16xi1>
        %reduce_max3A_2100 = arith.constant -2147483648 : i32
        %reduce_max3A_2101 = vector.broadcast %reduce_max3A_2100 : i32 to vector<16xi32>
        %reduce_max3A_2102 = arith.xori %select_n3A_2097, %reduce_max3A_2101 : vector<16xi32>
        %reduce_max3A_2103 = tpu.scan <max>, %reduce_max3A_2102 masked %reduce_max3A_2099 : vector<16xi32>, vector<16xi1> -> vector<16xi32>
        %reduce_max3A_2104 = arith.xori %reduce_max3A_2103, %reduce_max3A_2101 : vector<16xi32>
        %reduce_max3A_2105 = vector.extract %reduce_max3A_2104[15] : i32 from vector<16xi32>
        %dma_start3A_2106 = arith.constant 0 : i32
        %dma_start3A_2107 = arith.constant 6 : i32
        %dma_start3A_2108 = arith.constant 0 : i32
        %dma_start3A_2109 = tpu.memref_slice %arg6[%dma_start3A_2106, %dma_start3A_2107, %dma_start3A_2108] : memref<2x32x64xf32, #tpu.memory_space<vmem>> -> memref<1x1x64xf32, #tpu.memory_space<vmem>>
        %dma_start3A_2110 = tpu.memref_squeeze %dma_start3A_2109 : memref<1x1x64xf32, #tpu.memory_space<vmem>> -> memref<64xf32, #tpu.memory_space<vmem>>
        %dma_start3A_2111 = arith.constant 0 : i32
        %dma_start3A_2112 = tpu.memref_slice %arg2[%reduce_max3A_2105, %dma_start3A_2111] : memref<1000000x64xf32, #tpu.memory_space<hbm>> -> memref<1x64xf32, #tpu.memory_space<hbm>>
        %dma_start3A_2113 = tpu.memref_squeeze %dma_start3A_2112 : memref<1x64xf32, #tpu.memory_space<hbm>> -> memref<64xf32, #tpu.memory_space<hbm>>
        %dma_start3A_2114 = arith.constant 0 : i32
        %dma_start3A_2115 = tpu.memref_slice %arg6[%dma_start3A_2106, %dma_start3A_2107, %dma_start3A_2114] : memref<2x32x64xf32, #tpu.memory_space<vmem>> -> memref<1x1x64xf32, #tpu.memory_space<vmem>>
        %dma_start3A_2116 = tpu.memref_squeeze %dma_start3A_2115 : memref<1x1x64xf32, #tpu.memory_space<vmem>> -> memref<64xf32, #tpu.memory_space<vmem>>
        %dma_start3A_2117 = arith.constant 0 : i32
        %dma_start3A_2118 = tpu.memref_slice %arg2[%reduce_max3A_2105, %dma_start3A_2117] : memref<1000000x64xf32, #tpu.memory_space<hbm>> -> memref<1x64xf32, #tpu.memory_space<hbm>>
        %dma_start3A_2119 = tpu.memref_squeeze %dma_start3A_2118 : memref<1x64xf32, #tpu.memory_space<hbm>> -> memref<64xf32, #tpu.memory_space<hbm>>
        tpu.enqueue_dma source(%dma_start3A_2119 : memref<64xf32, #tpu.memory_space<hbm>>) target(%dma_start3A_2116 : memref<64xf32, #tpu.memory_space<vmem>>) target_semaphore(%arg7 : memref<!tpu.dma_semaphore, #tpu.memory_space<semaphore_mem>>)
        %eq3A_2120 = arith.constant 7 : i32
        %eq3A_2121 = vector.broadcast %eq3A_2120 : i32 to vector<16xi32>
        %eq3A_2122 = arith.cmpi eq, %iota3A, %eq3A_2121 : vector<16xi32>
        %jit3A_2123 = arith.constant 0 : i32
        %broadcast_in_dim3A_2124 = vector.broadcast %jit3A_2123 : i32 to vector<16xi32>
        %select_n3A_2125 = arith.select %eq3A_2122, %get3A_1923, %broadcast_in_dim3A_2124 : vector<16xi1>, vector<16xi32>
        %reduce_max3A_2126 = arith.constant true
        %reduce_max3A_2127 = vector.broadcast %reduce_max3A_2126 : i1 to vector<16xi1>
        %reduce_max3A_2128 = arith.constant -2147483648 : i32
        %reduce_max3A_2129 = vector.broadcast %reduce_max3A_2128 : i32 to vector<16xi32>
        %reduce_max3A_2130 = arith.xori %select_n3A_2125, %reduce_max3A_2129 : vector<16xi32>
        %reduce_max3A_2131 = tpu.scan <max>, %reduce_max3A_2130 masked %reduce_max3A_2127 : vector<16xi32>, vector<16xi1> -> vector<16xi32>
        %reduce_max3A_2132 = arith.xori %reduce_max3A_2131, %reduce_max3A_2129 : vector<16xi32>
        %reduce_max3A_2133 = vector.extract %reduce_max3A_2132[15] : i32 from vector<16xi32>
        %dma_start3A_2134 = arith.constant 0 : i32
        %dma_start3A_2135 = arith.constant 7 : i32
        %dma_start3A_2136 = arith.constant 0 : i32
        %dma_start3A_2137 = tpu.memref_slice %arg6[%dma_start3A_2134, %dma_start3A_2135, %dma_start3A_2136] : memref<2x32x64xf32, #tpu.memory_space<vmem>> -> memref<1x1x64xf32, #tpu.memory_space<vmem>>
        %dma_start3A_2138 = tpu.memref_squeeze %dma_start3A_2137 : memref<1x1x64xf32, #tpu.memory_space<vmem>> -> memref<64xf32, #tpu.memory_space<vmem>>
        %dma_start3A_2139 = arith.constant 0 : i32
        %dma_start3A_2140 = tpu.memref_slice %arg2[%reduce_max3A_2133, %dma_start3A_2139] : memref<1000000x64xf32, #tpu.memory_space<hbm>> -> memref<1x64xf32, #tpu.memory_space<hbm>>
        %dma_start3A_2141 = tpu.memref_squeeze %dma_start3A_2140 : memref<1x64xf32, #tpu.memory_space<hbm>> -> memref<64xf32, #tpu.memory_space<hbm>>
        %dma_start3A_2142 = arith.constant 0 : i32
        %dma_start3A_2143 = tpu.memref_slice %arg6[%dma_start3A_2134, %dma_start3A_2135, %dma_start3A_2142] : memref<2x32x64xf32, #tpu.memory_space<vmem>> -> memref<1x1x64xf32, #tpu.memory_space<vmem>>
        %dma_start3A_2144 = tpu.memref_squeeze %dma_start3A_2143 : memref<1x1x64xf32, #tpu.memory_space<vmem>> -> memref<64xf32, #tpu.memory_space<vmem>>
        %dma_start3A_2145 = arith.constant 0 : i32
        %dma_start3A_2146 = tpu.memref_slice %arg2[%reduce_max3A_2133, %dma_start3A_2145] : memref<1000000x64xf32, #tpu.memory_space<hbm>> -> memref<1x64xf32, #tpu.memory_space<hbm>>
        %dma_start3A_2147 = tpu.memref_squeeze %dma_start3A_2146 : memref<1x64xf32, #tpu.memory_space<hbm>> -> memref<64xf32, #tpu.memory_space<hbm>>
        tpu.enqueue_dma source(%dma_start3A_2147 : memref<64xf32, #tpu.memory_space<hbm>>) target(%dma_start3A_2144 : memref<64xf32, #tpu.memory_space<vmem>>) target_semaphore(%arg7 : memref<!tpu.dma_semaphore, #tpu.memory_space<semaphore_mem>>)
        %eq3A_2148 = arith.constant 8 : i32
        %eq3A_2149 = vector.broadcast %eq3A_2148 : i32 to vector<16xi32>
        %eq3A_2150 = arith.cmpi eq, %iota3A, %eq3A_2149 : vector<16xi32>
        %jit3A_2151 = arith.constant 0 : i32
        %broadcast_in_dim3A_2152 = vector.broadcast %jit3A_2151 : i32 to vector<16xi32>
        %select_n3A_2153 = arith.select %eq3A_2150, %get3A_1923, %broadcast_in_dim3A_2152 : vector<16xi1>, vector<16xi32>
        %reduce_max3A_2154 = arith.constant true
        %reduce_max3A_2155 = vector.broadcast %reduce_max3A_2154 : i1 to vector<16xi1>
        %reduce_max3A_2156 = arith.constant -2147483648 : i32
        %reduce_max3A_2157 = vector.broadcast %reduce_max3A_2156 : i32 to vector<16xi32>
        %reduce_max3A_2158 = arith.xori %select_n3A_2153, %reduce_max3A_2157 : vector<16xi32>
        %reduce_max3A_2159 = tpu.scan <max>, %reduce_max3A_2158 masked %reduce_max3A_2155 : vector<16xi32>, vector<16xi1> -> vector<16xi32>
        %reduce_max3A_2160 = arith.xori %reduce_max3A_2159, %reduce_max3A_2157 : vector<16xi32>
        %reduce_max3A_2161 = vector.extract %reduce_max3A_2160[15] : i32 from vector<16xi32>
        %dma_start3A_2162 = arith.constant 0 : i32
        %dma_start3A_2163 = arith.constant 8 : i32
        %dma_start3A_2164 = arith.constant 0 : i32
        %dma_start3A_2165 = tpu.memref_slice %arg6[%dma_start3A_2162, %dma_start3A_2163, %dma_start3A_2164] : memref<2x32x64xf32, #tpu.memory_space<vmem>> -> memref<1x1x64xf32, #tpu.memory_space<vmem>>
        %dma_start3A_2166 = tpu.memref_squeeze %dma_start3A_2165 : memref<1x1x64xf32, #tpu.memory_space<vmem>> -> memref<64xf32, #tpu.memory_space<vmem>>
        %dma_start3A_2167 = arith.constant 0 : i32
        %dma_start3A_2168 = tpu.memref_slice %arg2[%reduce_max3A_2161, %dma_start3A_2167] : memref<1000000x64xf32, #tpu.memory_space<hbm>> -> memref<1x64xf32, #tpu.memory_space<hbm>>
        %dma_start3A_2169 = tpu.memref_squeeze %dma_start3A_2168 : memref<1x64xf32, #tpu.memory_space<hbm>> -> memref<64xf32, #tpu.memory_space<hbm>>
        %dma_start3A_2170 = arith.constant 0 : i32
        %dma_start3A_2171 = tpu.memref_slice %arg6[%dma_start3A_2162, %dma_start3A_2163, %dma_start3A_2170] : memref<2x32x64xf32, #tpu.memory_space<vmem>> -> memref<1x1x64xf32, #tpu.memory_space<vmem>>
        %dma_start3A_2172 = tpu.memref_squeeze %dma_start3A_2171 : memref<1x1x64xf32, #tpu.memory_space<vmem>> -> memref<64xf32, #tpu.memory_space<vmem>>
        %dma_start3A_2173 = arith.constant 0 : i32
        %dma_start3A_2174 = tpu.memref_slice %arg2[%reduce_max3A_2161, %dma_start3A_2173] : memref<1000000x64xf32, #tpu.memory_space<hbm>> -> memref<1x64xf32, #tpu.memory_space<hbm>>
        %dma_start3A_2175 = tpu.memref_squeeze %dma_start3A_2174 : memref<1x64xf32, #tpu.memory_space<hbm>> -> memref<64xf32, #tpu.memory_space<hbm>>
        tpu.enqueue_dma source(%dma_start3A_2175 : memref<64xf32, #tpu.memory_space<hbm>>) target(%dma_start3A_2172 : memref<64xf32, #tpu.memory_space<vmem>>) target_semaphore(%arg7 : memref<!tpu.dma_semaphore, #tpu.memory_space<semaphore_mem>>)
        %eq3A_2176 = arith.constant 9 : i32
        %eq3A_2177 = vector.broadcast %eq3A_2176 : i32 to vector<16xi32>
        %eq3A_2178 = arith.cmpi eq, %iota3A, %eq3A_2177 : vector<16xi32>
        %jit3A_2179 = arith.constant 0 : i32
        %broadcast_in_dim3A_2180 = vector.broadcast %jit3A_2179 : i32 to vector<16xi32>
        %select_n3A_2181 = arith.select %eq3A_2178, %get3A_1923, %broadcast_in_dim3A_2180 : vector<16xi1>, vector<16xi32>
        %reduce_max3A_2182 = arith.constant true
        %reduce_max3A_2183 = vector.broadcast %reduce_max3A_2182 : i1 to vector<16xi1>
        %reduce_max3A_2184 = arith.constant -2147483648 : i32
        %reduce_max3A_2185 = vector.broadcast %reduce_max3A_2184 : i32 to vector<16xi32>
        %reduce_max3A_2186 = arith.xori %select_n3A_2181, %reduce_max3A_2185 : vector<16xi32>
        %reduce_max3A_2187 = tpu.scan <max>, %reduce_max3A_2186 masked %reduce_max3A_2183 : vector<16xi32>, vector<16xi1> -> vector<16xi32>
        %reduce_max3A_2188 = arith.xori %reduce_max3A_2187, %reduce_max3A_2185 : vector<16xi32>
        %reduce_max3A_2189 = vector.extract %reduce_max3A_2188[15] : i32 from vector<16xi32>
        %dma_start3A_2190 = arith.constant 0 : i32
        %dma_start3A_2191 = arith.constant 9 : i32
        %dma_start3A_2192 = arith.constant 0 : i32
        %dma_start3A_2193 = tpu.memref_slice %arg6[%dma_start3A_2190, %dma_start3A_2191, %dma_start3A_2192] : memref<2x32x64xf32, #tpu.memory_space<vmem>> -> memref<1x1x64xf32, #tpu.memory_space<vmem>>
        %dma_start3A_2194 = tpu.memref_squeeze %dma_start3A_2193 : memref<1x1x64xf32, #tpu.memory_space<vmem>> -> memref<64xf32, #tpu.memory_space<vmem>>
        %dma_start3A_2195 = arith.constant 0 : i32
        %dma_start3A_2196 = tpu.memref_slice %arg2[%reduce_max3A_2189, %dma_start3A_2195] : memref<1000000x64xf32, #tpu.memory_space<hbm>> -> memref<1x64xf32, #tpu.memory_space<hbm>>
        %dma_start3A_2197 = tpu.memref_squeeze %dma_start3A_2196 : memref<1x64xf32, #tpu.memory_space<hbm>> -> memref<64xf32, #tpu.memory_space<hbm>>
        %dma_start3A_2198 = arith.constant 0 : i32
        %dma_start3A_2199 = tpu.memref_slice %arg6[%dma_start3A_2190, %dma_start3A_2191, %dma_start3A_2198] : memref<2x32x64xf32, #tpu.memory_space<vmem>> -> memref<1x1x64xf32, #tpu.memory_space<vmem>>
        %dma_start3A_2200 = tpu.memref_squeeze %dma_start3A_2199 : memref<1x1x64xf32, #tpu.memory_space<vmem>> -> memref<64xf32, #tpu.memory_space<vmem>>
        %dma_start3A_2201 = arith.constant 0 : i32
        %dma_start3A_2202 = tpu.memref_slice %arg2[%reduce_max3A_2189, %dma_start3A_2201] : memref<1000000x64xf32, #tpu.memory_space<hbm>> -> memref<1x64xf32, #tpu.memory_space<hbm>>
        %dma_start3A_2203 = tpu.memref_squeeze %dma_start3A_2202 : memref<1x64xf32, #tpu.memory_space<hbm>> -> memref<64xf32, #tpu.memory_space<hbm>>
        tpu.enqueue_dma source(%dma_start3A_2203 : memref<64xf32, #tpu.memory_space<hbm>>) target(%dma_start3A_2200 : memref<64xf32, #tpu.memory_space<vmem>>) target_semaphore(%arg7 : memref<!tpu.dma_semaphore, #tpu.memory_space<semaphore_mem>>)
        %eq3A_2204 = arith.constant 10 : i32
        %eq3A_2205 = vector.broadcast %eq3A_2204 : i32 to vector<16xi32>
        %eq3A_2206 = arith.cmpi eq, %iota3A, %eq3A_2205 : vector<16xi32>
        %jit3A_2207 = arith.constant 0 : i32
        %broadcast_in_dim3A_2208 = vector.broadcast %jit3A_2207 : i32 to vector<16xi32>
        %select_n3A_2209 = arith.select %eq3A_2206, %get3A_1923, %broadcast_in_dim3A_2208 : vector<16xi1>, vector<16xi32>
        %reduce_max3A_2210 = arith.constant true
        %reduce_max3A_2211 = vector.broadcast %reduce_max3A_2210 : i1 to vector<16xi1>
        %reduce_max3A_2212 = arith.constant -2147483648 : i32
        %reduce_max3A_2213 = vector.broadcast %reduce_max3A_2212 : i32 to vector<16xi32>
        %reduce_max3A_2214 = arith.xori %select_n3A_2209, %reduce_max3A_2213 : vector<16xi32>
        %reduce_max3A_2215 = tpu.scan <max>, %reduce_max3A_2214 masked %reduce_max3A_2211 : vector<16xi32>, vector<16xi1> -> vector<16xi32>
        %reduce_max3A_2216 = arith.xori %reduce_max3A_2215, %reduce_max3A_2213 : vector<16xi32>
        %reduce_max3A_2217 = vector.extract %reduce_max3A_2216[15] : i32 from vector<16xi32>
        %dma_start3A_2218 = arith.constant 0 : i32
        %dma_start3A_2219 = arith.constant 10 : i32
        %dma_start3A_2220 = arith.constant 0 : i32
        %dma_start3A_2221 = tpu.memref_slice %arg6[%dma_start3A_2218, %dma_start3A_2219, %dma_start3A_2220] : memref<2x32x64xf32, #tpu.memory_space<vmem>> -> memref<1x1x64xf32, #tpu.memory_space<vmem>>
        %dma_start3A_2222 = tpu.memref_squeeze %dma_start3A_2221 : memref<1x1x64xf32, #tpu.memory_space<vmem>> -> memref<64xf32, #tpu.memory_space<vmem>>
        %dma_start3A_2223 = arith.constant 0 : i32
        %dma_start3A_2224 = tpu.memref_slice %arg2[%reduce_max3A_2217, %dma_start3A_2223] : memref<1000000x64xf32, #tpu.memory_space<hbm>> -> memref<1x64xf32, #tpu.memory_space<hbm>>
        %dma_start3A_2225 = tpu.memref_squeeze %dma_start3A_2224 : memref<1x64xf32, #tpu.memory_space<hbm>> -> memref<64xf32, #tpu.memory_space<hbm>>
        %dma_start3A_2226 = arith.constant 0 : i32
        %dma_start3A_2227 = tpu.memref_slice %arg6[%dma_start3A_2218, %dma_start3A_2219, %dma_start3A_2226] : memref<2x32x64xf32, #tpu.memory_space<vmem>> -> memref<1x1x64xf32, #tpu.memory_space<vmem>>
        %dma_start3A_2228 = tpu.memref_squeeze %dma_start3A_2227 : memref<1x1x64xf32, #tpu.memory_space<vmem>> -> memref<64xf32, #tpu.memory_space<vmem>>
        %dma_start3A_2229 = arith.constant 0 : i32
        %dma_start3A_2230 = tpu.memref_slice %arg2[%reduce_max3A_2217, %dma_start3A_2229] : memref<1000000x64xf32, #tpu.memory_space<hbm>> -> memref<1x64xf32, #tpu.memory_space<hbm>>
        %dma_start3A_2231 = tpu.memref_squeeze %dma_start3A_2230 : memref<1x64xf32, #tpu.memory_space<hbm>> -> memref<64xf32, #tpu.memory_space<hbm>>
        tpu.enqueue_dma source(%dma_start3A_2231 : memref<64xf32, #tpu.memory_space<hbm>>) target(%dma_start3A_2228 : memref<64xf32, #tpu.memory_space<vmem>>) target_semaphore(%arg7 : memref<!tpu.dma_semaphore, #tpu.memory_space<semaphore_mem>>)
        %eq3A_2232 = arith.constant 11 : i32
        %eq3A_2233 = vector.broadcast %eq3A_2232 : i32 to vector<16xi32>
        %eq3A_2234 = arith.cmpi eq, %iota3A, %eq3A_2233 : vector<16xi32>
        %jit3A_2235 = arith.constant 0 : i32
        %broadcast_in_dim3A_2236 = vector.broadcast %jit3A_2235 : i32 to vector<16xi32>
        %select_n3A_2237 = arith.select %eq3A_2234, %get3A_1923, %broadcast_in_dim3A_2236 : vector<16xi1>, vector<16xi32>
        %reduce_max3A_2238 = arith.constant true
        %reduce_max3A_2239 = vector.broadcast %reduce_max3A_2238 : i1 to vector<16xi1>
        %reduce_max3A_2240 = arith.constant -2147483648 : i32
        %reduce_max3A_2241 = vector.broadcast %reduce_max3A_2240 : i32 to vector<16xi32>
        %reduce_max3A_2242 = arith.xori %select_n3A_2237, %reduce_max3A_2241 : vector<16xi32>
        %reduce_max3A_2243 = tpu.scan <max>, %reduce_max3A_2242 masked %reduce_max3A_2239 : vector<16xi32>, vector<16xi1> -> vector<16xi32>
        %reduce_max3A_2244 = arith.xori %reduce_max3A_2243, %reduce_max3A_2241 : vector<16xi32>
        %reduce_max3A_2245 = vector.extract %reduce_max3A_2244[15] : i32 from vector<16xi32>
        %dma_start3A_2246 = arith.constant 0 : i32
        %dma_start3A_2247 = arith.constant 11 : i32
        %dma_start3A_2248 = arith.constant 0 : i32
        %dma_start3A_2249 = tpu.memref_slice %arg6[%dma_start3A_2246, %dma_start3A_2247, %dma_start3A_2248] : memref<2x32x64xf32, #tpu.memory_space<vmem>> -> memref<1x1x64xf32, #tpu.memory_space<vmem>>
        %dma_start3A_2250 = tpu.memref_squeeze %dma_start3A_2249 : memref<1x1x64xf32, #tpu.memory_space<vmem>> -> memref<64xf32, #tpu.memory_space<vmem>>
        %dma_start3A_2251 = arith.constant 0 : i32
        %dma_start3A_2252 = tpu.memref_slice %arg2[%reduce_max3A_2245, %dma_start3A_2251] : memref<1000000x64xf32, #tpu.memory_space<hbm>> -> memref<1x64xf32, #tpu.memory_space<hbm>>
        %dma_start3A_2253 = tpu.memref_squeeze %dma_start3A_2252 : memref<1x64xf32, #tpu.memory_space<hbm>> -> memref<64xf32, #tpu.memory_space<hbm>>
        %dma_start3A_2254 = arith.constant 0 : i32
        %dma_start3A_2255 = tpu.memref_slice %arg6[%dma_start3A_2246, %dma_start3A_2247, %dma_start3A_2254] : memref<2x32x64xf32, #tpu.memory_space<vmem>> -> memref<1x1x64xf32, #tpu.memory_space<vmem>>
        %dma_start3A_2256 = tpu.memref_squeeze %dma_start3A_2255 : memref<1x1x64xf32, #tpu.memory_space<vmem>> -> memref<64xf32, #tpu.memory_space<vmem>>
        %dma_start3A_2257 = arith.constant 0 : i32
        %dma_start3A_2258 = tpu.memref_slice %arg2[%reduce_max3A_2245, %dma_start3A_2257] : memref<1000000x64xf32, #tpu.memory_space<hbm>> -> memref<1x64xf32, #tpu.memory_space<hbm>>
        %dma_start3A_2259 = tpu.memref_squeeze %dma_start3A_2258 : memref<1x64xf32, #tpu.memory_space<hbm>> -> memref<64xf32, #tpu.memory_space<hbm>>
        tpu.enqueue_dma source(%dma_start3A_2259 : memref<64xf32, #tpu.memory_space<hbm>>) target(%dma_start3A_2256 : memref<64xf32, #tpu.memory_space<vmem>>) target_semaphore(%arg7 : memref<!tpu.dma_semaphore, #tpu.memory_space<semaphore_mem>>)
        %eq3A_2260 = arith.constant 12 : i32
        %eq3A_2261 = vector.broadcast %eq3A_2260 : i32 to vector<16xi32>
        %eq3A_2262 = arith.cmpi eq, %iota3A, %eq3A_2261 : vector<16xi32>
        %jit3A_2263 = arith.constant 0 : i32
        %broadcast_in_dim3A_2264 = vector.broadcast %jit3A_2263 : i32 to vector<16xi32>
        %select_n3A_2265 = arith.select %eq3A_2262, %get3A_1923, %broadcast_in_dim3A_2264 : vector<16xi1>, vector<16xi32>
        %reduce_max3A_2266 = arith.constant true
        %reduce_max3A_2267 = vector.broadcast %reduce_max3A_2266 : i1 to vector<16xi1>
        %reduce_max3A_2268 = arith.constant -2147483648 : i32
        %reduce_max3A_2269 = vector.broadcast %reduce_max3A_2268 : i32 to vector<16xi32>
        %reduce_max3A_2270 = arith.xori %select_n3A_2265, %reduce_max3A_2269 : vector<16xi32>
        %reduce_max3A_2271 = tpu.scan <max>, %reduce_max3A_2270 masked %reduce_max3A_2267 : vector<16xi32>, vector<16xi1> -> vector<16xi32>
        %reduce_max3A_2272 = arith.xori %reduce_max3A_2271, %reduce_max3A_2269 : vector<16xi32>
        %reduce_max3A_2273 = vector.extract %reduce_max3A_2272[15] : i32 from vector<16xi32>
        %dma_start3A_2274 = arith.constant 0 : i32
        %dma_start3A_2275 = arith.constant 12 : i32
        %dma_start3A_2276 = arith.constant 0 : i32
        %dma_start3A_2277 = tpu.memref_slice %arg6[%dma_start3A_2274, %dma_start3A_2275, %dma_start3A_2276] : memref<2x32x64xf32, #tpu.memory_space<vmem>> -> memref<1x1x64xf32, #tpu.memory_space<vmem>>
        %dma_start3A_2278 = tpu.memref_squeeze %dma_start3A_2277 : memref<1x1x64xf32, #tpu.memory_space<vmem>> -> memref<64xf32, #tpu.memory_space<vmem>>
        %dma_start3A_2279 = arith.constant 0 : i32
        %dma_start3A_2280 = tpu.memref_slice %arg2[%reduce_max3A_2273, %dma_start3A_2279] : memref<1000000x64xf32, #tpu.memory_space<hbm>> -> memref<1x64xf32, #tpu.memory_space<hbm>>
        %dma_start3A_2281 = tpu.memref_squeeze %dma_start3A_2280 : memref<1x64xf32, #tpu.memory_space<hbm>> -> memref<64xf32, #tpu.memory_space<hbm>>
        %dma_start3A_2282 = arith.constant 0 : i32
        %dma_start3A_2283 = tpu.memref_slice %arg6[%dma_start3A_2274, %dma_start3A_2275, %dma_start3A_2282] : memref<2x32x64xf32, #tpu.memory_space<vmem>> -> memref<1x1x64xf32, #tpu.memory_space<vmem>>
        %dma_start3A_2284 = tpu.memref_squeeze %dma_start3A_2283 : memref<1x1x64xf32, #tpu.memory_space<vmem>> -> memref<64xf32, #tpu.memory_space<vmem>>
        %dma_start3A_2285 = arith.constant 0 : i32
        %dma_start3A_2286 = tpu.memref_slice %arg2[%reduce_max3A_2273, %dma_start3A_2285] : memref<1000000x64xf32, #tpu.memory_space<hbm>> -> memref<1x64xf32, #tpu.memory_space<hbm>>
        %dma_start3A_2287 = tpu.memref_squeeze %dma_start3A_2286 : memref<1x64xf32, #tpu.memory_space<hbm>> -> memref<64xf32, #tpu.memory_space<hbm>>
        tpu.enqueue_dma source(%dma_start3A_2287 : memref<64xf32, #tpu.memory_space<hbm>>) target(%dma_start3A_2284 : memref<64xf32, #tpu.memory_space<vmem>>) target_semaphore(%arg7 : memref<!tpu.dma_semaphore, #tpu.memory_space<semaphore_mem>>)
        %eq3A_2288 = arith.constant 13 : i32
        %eq3A_2289 = vector.broadcast %eq3A_2288 : i32 to vector<16xi32>
        %eq3A_2290 = arith.cmpi eq, %iota3A, %eq3A_2289 : vector<16xi32>
        %jit3A_2291 = arith.constant 0 : i32
        %broadcast_in_dim3A_2292 = vector.broadcast %jit3A_2291 : i32 to vector<16xi32>
        %select_n3A_2293 = arith.select %eq3A_2290, %get3A_1923, %broadcast_in_dim3A_2292 : vector<16xi1>, vector<16xi32>
        %reduce_max3A_2294 = arith.constant true
        %reduce_max3A_2295 = vector.broadcast %reduce_max3A_2294 : i1 to vector<16xi1>
        %reduce_max3A_2296 = arith.constant -2147483648 : i32
        %reduce_max3A_2297 = vector.broadcast %reduce_max3A_2296 : i32 to vector<16xi32>
        %reduce_max3A_2298 = arith.xori %select_n3A_2293, %reduce_max3A_2297 : vector<16xi32>
        %reduce_max3A_2299 = tpu.scan <max>, %reduce_max3A_2298 masked %reduce_max3A_2295 : vector<16xi32>, vector<16xi1> -> vector<16xi32>
        %reduce_max3A_2300 = arith.xori %reduce_max3A_2299, %reduce_max3A_2297 : vector<16xi32>
        %reduce_max3A_2301 = vector.extract %reduce_max3A_2300[15] : i32 from vector<16xi32>
        %dma_start3A_2302 = arith.constant 0 : i32
        %dma_start3A_2303 = arith.constant 13 : i32
        %dma_start3A_2304 = arith.constant 0 : i32
        %dma_start3A_2305 = tpu.memref_slice %arg6[%dma_start3A_2302, %dma_start3A_2303, %dma_start3A_2304] : memref<2x32x64xf32, #tpu.memory_space<vmem>> -> memref<1x1x64xf32, #tpu.memory_space<vmem>>
        %dma_start3A_2306 = tpu.memref_squeeze %dma_start3A_2305 : memref<1x1x64xf32, #tpu.memory_space<vmem>> -> memref<64xf32, #tpu.memory_space<vmem>>
        %dma_start3A_2307 = arith.constant 0 : i32
        %dma_start3A_2308 = tpu.memref_slice %arg2[%reduce_max3A_2301, %dma_start3A_2307] : memref<1000000x64xf32, #tpu.memory_space<hbm>> -> memref<1x64xf32, #tpu.memory_space<hbm>>
        %dma_start3A_2309 = tpu.memref_squeeze %dma_start3A_2308 : memref<1x64xf32, #tpu.memory_space<hbm>> -> memref<64xf32, #tpu.memory_space<hbm>>
        %dma_start3A_2310 = arith.constant 0 : i32
        %dma_start3A_2311 = tpu.memref_slice %arg6[%dma_start3A_2302, %dma_start3A_2303, %dma_start3A_2310] : memref<2x32x64xf32, #tpu.memory_space<vmem>> -> memref<1x1x64xf32, #tpu.memory_space<vmem>>
        %dma_start3A_2312 = tpu.memref_squeeze %dma_start3A_2311 : memref<1x1x64xf32, #tpu.memory_space<vmem>> -> memref<64xf32, #tpu.memory_space<vmem>>
        %dma_start3A_2313 = arith.constant 0 : i32
        %dma_start3A_2314 = tpu.memref_slice %arg2[%reduce_max3A_2301, %dma_start3A_2313] : memref<1000000x64xf32, #tpu.memory_space<hbm>> -> memref<1x64xf32, #tpu.memory_space<hbm>>
        %dma_start3A_2315 = tpu.memref_squeeze %dma_start3A_2314 : memref<1x64xf32, #tpu.memory_space<hbm>> -> memref<64xf32, #tpu.memory_space<hbm>>
        tpu.enqueue_dma source(%dma_start3A_2315 : memref<64xf32, #tpu.memory_space<hbm>>) target(%dma_start3A_2312 : memref<64xf32, #tpu.memory_space<vmem>>) target_semaphore(%arg7 : memref<!tpu.dma_semaphore, #tpu.memory_space<semaphore_mem>>)
        %eq3A_2316 = arith.constant 14 : i32
        %eq3A_2317 = vector.broadcast %eq3A_2316 : i32 to vector<16xi32>
        %eq3A_2318 = arith.cmpi eq, %iota3A, %eq3A_2317 : vector<16xi32>
        %jit3A_2319 = arith.constant 0 : i32
        %broadcast_in_dim3A_2320 = vector.broadcast %jit3A_2319 : i32 to vector<16xi32>
        %select_n3A_2321 = arith.select %eq3A_2318, %get3A_1923, %broadcast_in_dim3A_2320 : vector<16xi1>, vector<16xi32>
        %reduce_max3A_2322 = arith.constant true
        %reduce_max3A_2323 = vector.broadcast %reduce_max3A_2322 : i1 to vector<16xi1>
        %reduce_max3A_2324 = arith.constant -2147483648 : i32
        %reduce_max3A_2325 = vector.broadcast %reduce_max3A_2324 : i32 to vector<16xi32>
        %reduce_max3A_2326 = arith.xori %select_n3A_2321, %reduce_max3A_2325 : vector<16xi32>
        %reduce_max3A_2327 = tpu.scan <max>, %reduce_max3A_2326 masked %reduce_max3A_2323 : vector<16xi32>, vector<16xi1> -> vector<16xi32>
        %reduce_max3A_2328 = arith.xori %reduce_max3A_2327, %reduce_max3A_2325 : vector<16xi32>
        %reduce_max3A_2329 = vector.extract %reduce_max3A_2328[15] : i32 from vector<16xi32>
        %dma_start3A_2330 = arith.constant 0 : i32
        %dma_start3A_2331 = arith.constant 14 : i32
        %dma_start3A_2332 = arith.constant 0 : i32
        %dma_start3A_2333 = tpu.memref_slice %arg6[%dma_start3A_2330, %dma_start3A_2331, %dma_start3A_2332] : memref<2x32x64xf32, #tpu.memory_space<vmem>> -> memref<1x1x64xf32, #tpu.memory_space<vmem>>
        %dma_start3A_2334 = tpu.memref_squeeze %dma_start3A_2333 : memref<1x1x64xf32, #tpu.memory_space<vmem>> -> memref<64xf32, #tpu.memory_space<vmem>>
        %dma_start3A_2335 = arith.constant 0 : i32
        %dma_start3A_2336 = tpu.memref_slice %arg2[%reduce_max3A_2329, %dma_start3A_2335] : memref<1000000x64xf32, #tpu.memory_space<hbm>> -> memref<1x64xf32, #tpu.memory_space<hbm>>
        %dma_start3A_2337 = tpu.memref_squeeze %dma_start3A_2336 : memref<1x64xf32, #tpu.memory_space<hbm>> -> memref<64xf32, #tpu.memory_space<hbm>>
        %dma_start3A_2338 = arith.constant 0 : i32
        %dma_start3A_2339 = tpu.memref_slice %arg6[%dma_start3A_2330, %dma_start3A_2331, %dma_start3A_2338] : memref<2x32x64xf32, #tpu.memory_space<vmem>> -> memref<1x1x64xf32, #tpu.memory_space<vmem>>
        %dma_start3A_2340 = tpu.memref_squeeze %dma_start3A_2339 : memref<1x1x64xf32, #tpu.memory_space<vmem>> -> memref<64xf32, #tpu.memory_space<vmem>>
        %dma_start3A_2341 = arith.constant 0 : i32
        %dma_start3A_2342 = tpu.memref_slice %arg2[%reduce_max3A_2329, %dma_start3A_2341] : memref<1000000x64xf32, #tpu.memory_space<hbm>> -> memref<1x64xf32, #tpu.memory_space<hbm>>
        %dma_start3A_2343 = tpu.memref_squeeze %dma_start3A_2342 : memref<1x64xf32, #tpu.memory_space<hbm>> -> memref<64xf32, #tpu.memory_space<hbm>>
        tpu.enqueue_dma source(%dma_start3A_2343 : memref<64xf32, #tpu.memory_space<hbm>>) target(%dma_start3A_2340 : memref<64xf32, #tpu.memory_space<vmem>>) target_semaphore(%arg7 : memref<!tpu.dma_semaphore, #tpu.memory_space<semaphore_mem>>)
        %eq3A_2344 = arith.constant 15 : i32
        %eq3A_2345 = vector.broadcast %eq3A_2344 : i32 to vector<16xi32>
        %eq3A_2346 = arith.cmpi eq, %iota3A, %eq3A_2345 : vector<16xi32>
        %jit3A_2347 = arith.constant 0 : i32
        %broadcast_in_dim3A_2348 = vector.broadcast %jit3A_2347 : i32 to vector<16xi32>
        %select_n3A_2349 = arith.select %eq3A_2346, %get3A_1923, %broadcast_in_dim3A_2348 : vector<16xi1>, vector<16xi32>
        %reduce_max3A_2350 = arith.constant true
        %reduce_max3A_2351 = vector.broadcast %reduce_max3A_2350 : i1 to vector<16xi1>
        %reduce_max3A_2352 = arith.constant -2147483648 : i32
        %reduce_max3A_2353 = vector.broadcast %reduce_max3A_2352 : i32 to vector<16xi32>
        %reduce_max3A_2354 = arith.xori %select_n3A_2349, %reduce_max3A_2353 : vector<16xi32>
        %reduce_max3A_2355 = tpu.scan <max>, %reduce_max3A_2354 masked %reduce_max3A_2351 : vector<16xi32>, vector<16xi1> -> vector<16xi32>
        %reduce_max3A_2356 = arith.xori %reduce_max3A_2355, %reduce_max3A_2353 : vector<16xi32>
        %reduce_max3A_2357 = vector.extract %reduce_max3A_2356[15] : i32 from vector<16xi32>
        %dma_start3A_2358 = arith.constant 0 : i32
        %dma_start3A_2359 = arith.constant 15 : i32
        %dma_start3A_2360 = arith.constant 0 : i32
        %dma_start3A_2361 = tpu.memref_slice %arg6[%dma_start3A_2358, %dma_start3A_2359, %dma_start3A_2360] : memref<2x32x64xf32, #tpu.memory_space<vmem>> -> memref<1x1x64xf32, #tpu.memory_space<vmem>>
        %dma_start3A_2362 = tpu.memref_squeeze %dma_start3A_2361 : memref<1x1x64xf32, #tpu.memory_space<vmem>> -> memref<64xf32, #tpu.memory_space<vmem>>
        %dma_start3A_2363 = arith.constant 0 : i32
        %dma_start3A_2364 = tpu.memref_slice %arg2[%reduce_max3A_2357, %dma_start3A_2363] : memref<1000000x64xf32, #tpu.memory_space<hbm>> -> memref<1x64xf32, #tpu.memory_space<hbm>>
        %dma_start3A_2365 = tpu.memref_squeeze %dma_start3A_2364 : memref<1x64xf32, #tpu.memory_space<hbm>> -> memref<64xf32, #tpu.memory_space<hbm>>
        %dma_start3A_2366 = arith.constant 0 : i32
        %dma_start3A_2367 = tpu.memref_slice %arg6[%dma_start3A_2358, %dma_start3A_2359, %dma_start3A_2366] : memref<2x32x64xf32, #tpu.memory_space<vmem>> -> memref<1x1x64xf32, #tpu.memory_space<vmem>>
        %dma_start3A_2368 = tpu.memref_squeeze %dma_start3A_2367 : memref<1x1x64xf32, #tpu.memory_space<vmem>> -> memref<64xf32, #tpu.memory_space<vmem>>
        %dma_start3A_2369 = arith.constant 0 : i32
        %dma_start3A_2370 = tpu.memref_slice %arg2[%reduce_max3A_2357, %dma_start3A_2369] : memref<1000000x64xf32, #tpu.memory_space<hbm>> -> memref<1x64xf32, #tpu.memory_space<hbm>>
        %dma_start3A_2371 = tpu.memref_squeeze %dma_start3A_2370 : memref<1x64xf32, #tpu.memory_space<hbm>> -> memref<64xf32, #tpu.memory_space<hbm>>
        tpu.enqueue_dma source(%dma_start3A_2371 : memref<64xf32, #tpu.memory_space<hbm>>) target(%dma_start3A_2368 : memref<64xf32, #tpu.memory_space<vmem>>) target_semaphore(%arg7 : memref<!tpu.dma_semaphore, #tpu.memory_space<semaphore_mem>>)
        %add3A_2372 = arith.constant 16 : i32
        %add3A_2373 = arith.addi %mul3A_2, %add3A_2372 : i32
        %get3A_2374 = arith.index_cast %add3A_1918 : i32 to index
        %get3A_2375 = arith.index_cast %add3A_2373 : i32 to index
        %get3A_2376 = tpu.vector_load %arg5[%get3A_2374, %get3A_2375] {strides = array<i32>} : memref<50x1024xi32, #tpu.memory_space<vmem>>, vector<16xi32>,
        %eq3A_2377 = arith.constant 0 : i32
        %eq3A_2378 = vector.broadcast %eq3A_2377 : i32 to vector<16xi32>
        %eq3A_2379 = arith.cmpi eq, %iota3A, %eq3A_2378 : vector<16xi32>
        %jit3A_2380 = arith.constant 0 : i32
        %broadcast_in_dim3A_2381 = vector.broadcast %jit3A_2380 : i32 to vector<16xi32>
        %select_n3A_2382 = arith.select %eq3A_2379, %get3A_2376, %broadcast_in_dim3A_2381 : vector<16xi1>, vector<16xi32>
        %reduce_max3A_2383 = arith.constant true
        %reduce_max3A_2384 = vector.broadcast %reduce_max3A_2383 : i1 to vector<16xi1>
        %reduce_max3A_2385 = arith.constant -2147483648 : i32
        %reduce_max3A_2386 = vector.broadcast %reduce_max3A_2385 : i32 to vector<16xi32>
        %reduce_max3A_2387 = arith.xori %select_n3A_2382, %reduce_max3A_2386 : vector<16xi32>
        %reduce_max3A_2388 = tpu.scan <max>, %reduce_max3A_2387 masked %reduce_max3A_2384 : vector<16xi32>, vector<16xi1> -> vector<16xi32>
        %reduce_max3A_2389 = arith.xori %reduce_max3A_2388, %reduce_max3A_2386 : vector<16xi32>
        %reduce_max3A_2390 = vector.extract %reduce_max3A_2389[15] : i32 from vector<16xi32>
        %dma_start3A_2391 = arith.constant 0 : i32
        %dma_start3A_2392 = arith.constant 16 : i32
        %dma_start3A_2393 = arith.constant 0 : i32
        %dma_start3A_2394 = tpu.memref_slice %arg6[%dma_start3A_2391, %dma_start3A_2392, %dma_start3A_2393] : memref<2x32x64xf32, #tpu.memory_space<vmem>> -> memref<1x1x64xf32, #tpu.memory_space<vmem>>
        %dma_start3A_2395 = tpu.memref_squeeze %dma_start3A_2394 : memref<1x1x64xf32, #tpu.memory_space<vmem>> -> memref<64xf32, #tpu.memory_space<vmem>>
        %dma_start3A_2396 = arith.constant 0 : i32
        %dma_start3A_2397 = tpu.memref_slice %arg2[%reduce_max3A_2390, %dma_start3A_2396] : memref<1000000x64xf32, #tpu.memory_space<hbm>> -> memref<1x64xf32, #tpu.memory_space<hbm>>
        %dma_start3A_2398 = tpu.memref_squeeze %dma_start3A_2397 : memref<1x64xf32, #tpu.memory_space<hbm>> -> memref<64xf32, #tpu.memory_space<hbm>>
        %dma_start3A_2399 = arith.constant 0 : i32
        %dma_start3A_2400 = tpu.memref_slice %arg6[%dma_start3A_2391, %dma_start3A_2392, %dma_start3A_2399] : memref<2x32x64xf32, #tpu.memory_space<vmem>> -> memref<1x1x64xf32, #tpu.memory_space<vmem>>
        %dma_start3A_2401 = tpu.memref_squeeze %dma_start3A_2400 : memref<1x1x64xf32, #tpu.memory_space<vmem>> -> memref<64xf32, #tpu.memory_space<vmem>>
        %dma_start3A_2402 = arith.constant 0 : i32
        %dma_start3A_2403 = tpu.memref_slice %arg2[%reduce_max3A_2390, %dma_start3A_2402] : memref<1000000x64xf32, #tpu.memory_space<hbm>> -> memref<1x64xf32, #tpu.memory_space<hbm>>
        %dma_start3A_2404 = tpu.memref_squeeze %dma_start3A_2403 : memref<1x64xf32, #tpu.memory_space<hbm>> -> memref<64xf32, #tpu.memory_space<hbm>>
        tpu.enqueue_dma source(%dma_start3A_2404 : memref<64xf32, #tpu.memory_space<hbm>>) target(%dma_start3A_2401 : memref<64xf32, #tpu.memory_space<vmem>>) target_semaphore(%arg7 : memref<!tpu.dma_semaphore, #tpu.memory_space<semaphore_mem>>)
        %eq3A_2405 = arith.constant 1 : i32
        %eq3A_2406 = vector.broadcast %eq3A_2405 : i32 to vector<16xi32>
        %eq3A_2407 = arith.cmpi eq, %iota3A, %eq3A_2406 : vector<16xi32>
        %jit3A_2408 = arith.constant 0 : i32
        %broadcast_in_dim3A_2409 = vector.broadcast %jit3A_2408 : i32 to vector<16xi32>
        %select_n3A_2410 = arith.select %eq3A_2407, %get3A_2376, %broadcast_in_dim3A_2409 : vector<16xi1>, vector<16xi32>
        %reduce_max3A_2411 = arith.constant true
        %reduce_max3A_2412 = vector.broadcast %reduce_max3A_2411 : i1 to vector<16xi1>
        %reduce_max3A_2413 = arith.constant -2147483648 : i32
        %reduce_max3A_2414 = vector.broadcast %reduce_max3A_2413 : i32 to vector<16xi32>
        %reduce_max3A_2415 = arith.xori %select_n3A_2410, %reduce_max3A_2414 : vector<16xi32>
        %reduce_max3A_2416 = tpu.scan <max>, %reduce_max3A_2415 masked %reduce_max3A_2412 : vector<16xi32>, vector<16xi1> -> vector<16xi32>
        %reduce_max3A_2417 = arith.xori %reduce_max3A_2416, %reduce_max3A_2414 : vector<16xi32>
        %reduce_max3A_2418 = vector.extract %reduce_max3A_2417[15] : i32 from vector<16xi32>
        %dma_start3A_2419 = arith.constant 0 : i32
        %dma_start3A_2420 = arith.constant 17 : i32
        %dma_start3A_2421 = arith.constant 0 : i32
        %dma_start3A_2422 = tpu.memref_slice %arg6[%dma_start3A_2419, %dma_start3A_2420, %dma_start3A_2421] : memref<2x32x64xf32, #tpu.memory_space<vmem>> -> memref<1x1x64xf32, #tpu.memory_space<vmem>>
        %dma_start3A_2423 = tpu.memref_squeeze %dma_start3A_2422 : memref<1x1x64xf32, #tpu.memory_space<vmem>> -> memref<64xf32, #tpu.memory_space<vmem>>
        %dma_start3A_2424 = arith.constant 0 : i32
        %dma_start3A_2425 = tpu.memref_slice %arg2[%reduce_max3A_2418, %dma_start3A_2424] : memref<1000000x64xf32, #tpu.memory_space<hbm>> -> memref<1x64xf32, #tpu.memory_space<hbm>>
        %dma_start3A_2426 = tpu.memref_squeeze %dma_start3A_2425 : memref<1x64xf32, #tpu.memory_space<hbm>> -> memref<64xf32, #tpu.memory_space<hbm>>
        %dma_start3A_2427 = arith.constant 0 : i32
        %dma_start3A_2428 = tpu.memref_slice %arg6[%dma_start3A_2419, %dma_start3A_2420, %dma_start3A_2427] : memref<2x32x64xf32, #tpu.memory_space<vmem>> -> memref<1x1x64xf32, #tpu.memory_space<vmem>>
        %dma_start3A_2429 = tpu.memref_squeeze %dma_start3A_2428 : memref<1x1x64xf32, #tpu.memory_space<vmem>> -> memref<64xf32, #tpu.memory_space<vmem>>
        %dma_start3A_2430 = arith.constant 0 : i32
        %dma_start3A_2431 = tpu.memref_slice %arg2[%reduce_max3A_2418, %dma_start3A_2430] : memref<1000000x64xf32, #tpu.memory_space<hbm>> -> memref<1x64xf32, #tpu.memory_space<hbm>>
        %dma_start3A_2432 = tpu.memref_squeeze %dma_start3A_2431 : memref<1x64xf32, #tpu.memory_space<hbm>> -> memref<64xf32, #tpu.memory_space<hbm>>
        tpu.enqueue_dma source(%dma_start3A_2432 : memref<64xf32, #tpu.memory_space<hbm>>) target(%dma_start3A_2429 : memref<64xf32, #tpu.memory_space<vmem>>) target_semaphore(%arg7 : memref<!tpu.dma_semaphore, #tpu.memory_space<semaphore_mem>>)
        %eq3A_2433 = arith.constant 2 : i32
        %eq3A_2434 = vector.broadcast %eq3A_2433 : i32 to vector<16xi32>
        %eq3A_2435 = arith.cmpi eq, %iota3A, %eq3A_2434 : vector<16xi32>
        %jit3A_2436 = arith.constant 0 : i32
        %broadcast_in_dim3A_2437 = vector.broadcast %jit3A_2436 : i32 to vector<16xi32>
        %select_n3A_2438 = arith.select %eq3A_2435, %get3A_2376, %broadcast_in_dim3A_2437 : vector<16xi1>, vector<16xi32>
        %reduce_max3A_2439 = arith.constant true
        %reduce_max3A_2440 = vector.broadcast %reduce_max3A_2439 : i1 to vector<16xi1>
        %reduce_max3A_2441 = arith.constant -2147483648 : i32
        %reduce_max3A_2442 = vector.broadcast %reduce_max3A_2441 : i32 to vector<16xi32>
        %reduce_max3A_2443 = arith.xori %select_n3A_2438, %reduce_max3A_2442 : vector<16xi32>
        %reduce_max3A_2444 = tpu.scan <max>, %reduce_max3A_2443 masked %reduce_max3A_2440 : vector<16xi32>, vector<16xi1> -> vector<16xi32>
        %reduce_max3A_2445 = arith.xori %reduce_max3A_2444, %reduce_max3A_2442 : vector<16xi32>
        %reduce_max3A_2446 = vector.extract %reduce_max3A_2445[15] : i32 from vector<16xi32>
        %dma_start3A_2447 = arith.constant 0 : i32
        %dma_start3A_2448 = arith.constant 18 : i32
        %dma_start3A_2449 = arith.constant 0 : i32
        %dma_start3A_2450 = tpu.memref_slice %arg6[%dma_start3A_2447, %dma_start3A_2448, %dma_start3A_2449] : memref<2x32x64xf32, #tpu.memory_space<vmem>> -> memref<1x1x64xf32, #tpu.memory_space<vmem>>
        %dma_start3A_2451 = tpu.memref_squeeze %dma_start3A_2450 : memref<1x1x64xf32, #tpu.memory_space<vmem>> -> memref<64xf32, #tpu.memory_space<vmem>>
        %dma_start3A_2452 = arith.constant 0 : i32
        %dma_start3A_2453 = tpu.memref_slice %arg2[%reduce_max3A_2446, %dma_start3A_2452] : memref<1000000x64xf32, #tpu.memory_space<hbm>> -> memref<1x64xf32, #tpu.memory_space<hbm>>
        %dma_start3A_2454 = tpu.memref_squeeze %dma_start3A_2453 : memref<1x64xf32, #tpu.memory_space<hbm>> -> memref<64xf32, #tpu.memory_space<hbm>>
        %dma_start3A_2455 = arith.constant 0 : i32
        %dma_start3A_2456 = tpu.memref_slice %arg6[%dma_start3A_2447, %dma_start3A_2448, %dma_start3A_2455] : memref<2x32x64xf32, #tpu.memory_space<vmem>> -> memref<1x1x64xf32, #tpu.memory_space<vmem>>
        %dma_start3A_2457 = tpu.memref_squeeze %dma_start3A_2456 : memref<1x1x64xf32, #tpu.memory_space<vmem>> -> memref<64xf32, #tpu.memory_space<vmem>>
        %dma_start3A_2458 = arith.constant 0 : i32
        %dma_start3A_2459 = tpu.memref_slice %arg2[%reduce_max3A_2446, %dma_start3A_2458] : memref<1000000x64xf32, #tpu.memory_space<hbm>> -> memref<1x64xf32, #tpu.memory_space<hbm>>
        %dma_start3A_2460 = tpu.memref_squeeze %dma_start3A_2459 : memref<1x64xf32, #tpu.memory_space<hbm>> -> memref<64xf32, #tpu.memory_space<hbm>>
        tpu.enqueue_dma source(%dma_start3A_2460 : memref<64xf32, #tpu.memory_space<hbm>>) target(%dma_start3A_2457 : memref<64xf32, #tpu.memory_space<vmem>>) target_semaphore(%arg7 : memref<!tpu.dma_semaphore, #tpu.memory_space<semaphore_mem>>)
        %eq3A_2461 = arith.constant 3 : i32
        %eq3A_2462 = vector.broadcast %eq3A_2461 : i32 to vector<16xi32>
        %eq3A_2463 = arith.cmpi eq, %iota3A, %eq3A_2462 : vector<16xi32>
        %jit3A_2464 = arith.constant 0 : i32
        %broadcast_in_dim3A_2465 = vector.broadcast %jit3A_2464 : i32 to vector<16xi32>
        %select_n3A_2466 = arith.select %eq3A_2463, %get3A_2376, %broadcast_in_dim3A_2465 : vector<16xi1>, vector<16xi32>
        %reduce_max3A_2467 = arith.constant true
        %reduce_max3A_2468 = vector.broadcast %reduce_max3A_2467 : i1 to vector<16xi1>
        %reduce_max3A_2469 = arith.constant -2147483648 : i32
        %reduce_max3A_2470 = vector.broadcast %reduce_max3A_2469 : i32 to vector<16xi32>
        %reduce_max3A_2471 = arith.xori %select_n3A_2466, %reduce_max3A_2470 : vector<16xi32>
        %reduce_max3A_2472 = tpu.scan <max>, %reduce_max3A_2471 masked %reduce_max3A_2468 : vector<16xi32>, vector<16xi1> -> vector<16xi32>
        %reduce_max3A_2473 = arith.xori %reduce_max3A_2472, %reduce_max3A_2470 : vector<16xi32>
        %reduce_max3A_2474 = vector.extract %reduce_max3A_2473[15] : i32 from vector<16xi32>
        %dma_start3A_2475 = arith.constant 0 : i32
        %dma_start3A_2476 = arith.constant 19 : i32
        %dma_start3A_2477 = arith.constant 0 : i32
        %dma_start3A_2478 = tpu.memref_slice %arg6[%dma_start3A_2475, %dma_start3A_2476, %dma_start3A_2477] : memref<2x32x64xf32, #tpu.memory_space<vmem>> -> memref<1x1x64xf32, #tpu.memory_space<vmem>>
        %dma_start3A_2479 = tpu.memref_squeeze %dma_start3A_2478 : memref<1x1x64xf32, #tpu.memory_space<vmem>> -> memref<64xf32, #tpu.memory_space<vmem>>
        %dma_start3A_2480 = arith.constant 0 : i32
        %dma_start3A_2481 = tpu.memref_slice %arg2[%reduce_max3A_2474, %dma_start3A_2480] : memref<1000000x64xf32, #tpu.memory_space<hbm>> -> memref<1x64xf32, #tpu.memory_space<hbm>>
        %dma_start3A_2482 = tpu.memref_squeeze %dma_start3A_2481 : memref<1x64xf32, #tpu.memory_space<hbm>> -> memref<64xf32, #tpu.memory_space<hbm>>
        %dma_start3A_2483 = arith.constant 0 : i32
        %dma_start3A_2484 = tpu.memref_slice %arg6[%dma_start3A_2475, %dma_start3A_2476, %dma_start3A_2483] : memref<2x32x64xf32, #tpu.memory_space<vmem>> -> memref<1x1x64xf32, #tpu.memory_space<vmem>>
        %dma_start3A_2485 = tpu.memref_squeeze %dma_start3A_2484 : memref<1x1x64xf32, #tpu.memory_space<vmem>> -> memref<64xf32, #tpu.memory_space<vmem>>
        %dma_start3A_2486 = arith.constant 0 : i32
        %dma_start3A_2487 = tpu.memref_slice %arg2[%reduce_max3A_2474, %dma_start3A_2486] : memref<1000000x64xf32, #tpu.memory_space<hbm>> -> memref<1x64xf32, #tpu.memory_space<hbm>>
        %dma_start3A_2488 = tpu.memref_squeeze %dma_start3A_2487 : memref<1x64xf32, #tpu.memory_space<hbm>> -> memref<64xf32, #tpu.memory_space<hbm>>
        tpu.enqueue_dma source(%dma_start3A_2488 : memref<64xf32, #tpu.memory_space<hbm>>) target(%dma_start3A_2485 : memref<64xf32, #tpu.memory_space<vmem>>) target_semaphore(%arg7 : memref<!tpu.dma_semaphore, #tpu.memory_space<semaphore_mem>>)
        %eq3A_2489 = arith.constant 4 : i32
        %eq3A_2490 = vector.broadcast %eq3A_2489 : i32 to vector<16xi32>
        %eq3A_2491 = arith.cmpi eq, %iota3A, %eq3A_2490 : vector<16xi32>
        %jit3A_2492 = arith.constant 0 : i32
        %broadcast_in_dim3A_2493 = vector.broadcast %jit3A_2492 : i32 to vector<16xi32>
        %select_n3A_2494 = arith.select %eq3A_2491, %get3A_2376, %broadcast_in_dim3A_2493 : vector<16xi1>, vector<16xi32>
        %reduce_max3A_2495 = arith.constant true
        %reduce_max3A_2496 = vector.broadcast %reduce_max3A_2495 : i1 to vector<16xi1>
        %reduce_max3A_2497 = arith.constant -2147483648 : i32
        %reduce_max3A_2498 = vector.broadcast %reduce_max3A_2497 : i32 to vector<16xi32>
        %reduce_max3A_2499 = arith.xori %select_n3A_2494, %reduce_max3A_2498 : vector<16xi32>
        %reduce_max3A_2500 = tpu.scan <max>, %reduce_max3A_2499 masked %reduce_max3A_2496 : vector<16xi32>, vector<16xi1> -> vector<16xi32>
        %reduce_max3A_2501 = arith.xori %reduce_max3A_2500, %reduce_max3A_2498 : vector<16xi32>
        %reduce_max3A_2502 = vector.extract %reduce_max3A_2501[15] : i32 from vector<16xi32>
        %dma_start3A_2503 = arith.constant 0 : i32
        %dma_start3A_2504 = arith.constant 20 : i32
        %dma_start3A_2505 = arith.constant 0 : i32
        %dma_start3A_2506 = tpu.memref_slice %arg6[%dma_start3A_2503, %dma_start3A_2504, %dma_start3A_2505] : memref<2x32x64xf32, #tpu.memory_space<vmem>> -> memref<1x1x64xf32, #tpu.memory_space<vmem>>
        %dma_start3A_2507 = tpu.memref_squeeze %dma_start3A_2506 : memref<1x1x64xf32, #tpu.memory_space<vmem>> -> memref<64xf32, #tpu.memory_space<vmem>>
        %dma_start3A_2508 = arith.constant 0 : i32
        %dma_start3A_2509 = tpu.memref_slice %arg2[%reduce_max3A_2502, %dma_start3A_2508] : memref<1000000x64xf32, #tpu.memory_space<hbm>> -> memref<1x64xf32, #tpu.memory_space<hbm>>
        %dma_start3A_2510 = tpu.memref_squeeze %dma_start3A_2509 : memref<1x64xf32, #tpu.memory_space<hbm>> -> memref<64xf32, #tpu.memory_space<hbm>>
        %dma_start3A_2511 = arith.constant 0 : i32
        %dma_start3A_2512 = tpu.memref_slice %arg6[%dma_start3A_2503, %dma_start3A_2504, %dma_start3A_2511] : memref<2x32x64xf32, #tpu.memory_space<vmem>> -> memref<1x1x64xf32, #tpu.memory_space<vmem>>
        %dma_start3A_2513 = tpu.memref_squeeze %dma_start3A_2512 : memref<1x1x64xf32, #tpu.memory_space<vmem>> -> memref<64xf32, #tpu.memory_space<vmem>>
        %dma_start3A_2514 = arith.constant 0 : i32
        %dma_start3A_2515 = tpu.memref_slice %arg2[%reduce_max3A_2502, %dma_start3A_2514] : memref<1000000x64xf32, #tpu.memory_space<hbm>> -> memref<1x64xf32, #tpu.memory_space<hbm>>
        %dma_start3A_2516 = tpu.memref_squeeze %dma_start3A_2515 : memref<1x64xf32, #tpu.memory_space<hbm>> -> memref<64xf32, #tpu.memory_space<hbm>>
        tpu.enqueue_dma source(%dma_start3A_2516 : memref<64xf32, #tpu.memory_space<hbm>>) target(%dma_start3A_2513 : memref<64xf32, #tpu.memory_space<vmem>>) target_semaphore(%arg7 : memref<!tpu.dma_semaphore, #tpu.memory_space<semaphore_mem>>)
        %eq3A_2517 = arith.constant 5 : i32
        %eq3A_2518 = vector.broadcast %eq3A_2517 : i32 to vector<16xi32>
        %eq3A_2519 = arith.cmpi eq, %iota3A, %eq3A_2518 : vector<16xi32>
        %jit3A_2520 = arith.constant 0 : i32
        %broadcast_in_dim3A_2521 = vector.broadcast %jit3A_2520 : i32 to vector<16xi32>
        %select_n3A_2522 = arith.select %eq3A_2519, %get3A_2376, %broadcast_in_dim3A_2521 : vector<16xi1>, vector<16xi32>
        %reduce_max3A_2523 = arith.constant true
        %reduce_max3A_2524 = vector.broadcast %reduce_max3A_2523 : i1 to vector<16xi1>
        %reduce_max3A_2525 = arith.constant -2147483648 : i32
        %reduce_max3A_2526 = vector.broadcast %reduce_max3A_2525 : i32 to vector<16xi32>
        %reduce_max3A_2527 = arith.xori %select_n3A_2522, %reduce_max3A_2526 : vector<16xi32>
        %reduce_max3A_2528 = tpu.scan <max>, %reduce_max3A_2527 masked %reduce_max3A_2524 : vector<16xi32>, vector<16xi1> -> vector<16xi32>
        %reduce_max3A_2529 = arith.xori %reduce_max3A_2528, %reduce_max3A_2526 : vector<16xi32>
        %reduce_max3A_2530 = vector.extract %reduce_max3A_2529[15] : i32 from vector<16xi32>
        %dma_start3A_2531 = arith.constant 0 : i32
        %dma_start3A_2532 = arith.constant 21 : i32
        %dma_start3A_2533 = arith.constant 0 : i32
        %dma_start3A_2534 = tpu.memref_slice %arg6[%dma_start3A_2531, %dma_start3A_2532, %dma_start3A_2533] : memref<2x32x64xf32, #tpu.memory_space<vmem>> -> memref<1x1x64xf32, #tpu.memory_space<vmem>>
        %dma_start3A_2535 = tpu.memref_squeeze %dma_start3A_2534 : memref<1x1x64xf32, #tpu.memory_space<vmem>> -> memref<64xf32, #tpu.memory_space<vmem>>
        %dma_start3A_2536 = arith.constant 0 : i32
        %dma_start3A_2537 = tpu.memref_slice %arg2[%reduce_max3A_2530, %dma_start3A_2536] : memref<1000000x64xf32, #tpu.memory_space<hbm>> -> memref<1x64xf32, #tpu.memory_space<hbm>>
        %dma_start3A_2538 = tpu.memref_squeeze %dma_start3A_2537 : memref<1x64xf32, #tpu.memory_space<hbm>> -> memref<64xf32, #tpu.memory_space<hbm>>
        %dma_start3A_2539 = arith.constant 0 : i32
        %dma_start3A_2540 = tpu.memref_slice %arg6[%dma_start3A_2531, %dma_start3A_2532, %dma_start3A_2539] : memref<2x32x64xf32, #tpu.memory_space<vmem>> -> memref<1x1x64xf32, #tpu.memory_space<vmem>>
        %dma_start3A_2541 = tpu.memref_squeeze %dma_start3A_2540 : memref<1x1x64xf32, #tpu.memory_space<vmem>> -> memref<64xf32, #tpu.memory_space<vmem>>
        %dma_start3A_2542 = arith.constant 0 : i32
        %dma_start3A_2543 = tpu.memref_slice %arg2[%reduce_max3A_2530, %dma_start3A_2542] : memref<1000000x64xf32, #tpu.memory_space<hbm>> -> memref<1x64xf32, #tpu.memory_space<hbm>>
        %dma_start3A_2544 = tpu.memref_squeeze %dma_start3A_2543 : memref<1x64xf32, #tpu.memory_space<hbm>> -> memref<64xf32, #tpu.memory_space<hbm>>
        tpu.enqueue_dma source(%dma_start3A_2544 : memref<64xf32, #tpu.memory_space<hbm>>) target(%dma_start3A_2541 : memref<64xf32, #tpu.memory_space<vmem>>) target_semaphore(%arg7 : memref<!tpu.dma_semaphore, #tpu.memory_space<semaphore_mem>>)
        %eq3A_2545 = arith.constant 6 : i32
        %eq3A_2546 = vector.broadcast %eq3A_2545 : i32 to vector<16xi32>
        %eq3A_2547 = arith.cmpi eq, %iota3A, %eq3A_2546 : vector<16xi32>
        %jit3A_2548 = arith.constant 0 : i32
        %broadcast_in_dim3A_2549 = vector.broadcast %jit3A_2548 : i32 to vector<16xi32>
        %select_n3A_2550 = arith.select %eq3A_2547, %get3A_2376, %broadcast_in_dim3A_2549 : vector<16xi1>, vector<16xi32>
        %reduce_max3A_2551 = arith.constant true
        %reduce_max3A_2552 = vector.broadcast %reduce_max3A_2551 : i1 to vector<16xi1>
        %reduce_max3A_2553 = arith.constant -2147483648 : i32
        %reduce_max3A_2554 = vector.broadcast %reduce_max3A_2553 : i32 to vector<16xi32>
        %reduce_max3A_2555 = arith.xori %select_n3A_2550, %reduce_max3A_2554 : vector<16xi32>
        %reduce_max3A_2556 = tpu.scan <max>, %reduce_max3A_2555 masked %reduce_max3A_2552 : vector<16xi32>, vector<16xi1> -> vector<16xi32>
        %reduce_max3A_2557 = arith.xori %reduce_max3A_2556, %reduce_max3A_2554 : vector<16xi32>
        %reduce_max3A_2558 = vector.extract %reduce_max3A_2557[15] : i32 from vector<16xi32>
        %dma_start3A_2559 = arith.constant 0 : i32
        %dma_start3A_2560 = arith.constant 22 : i32
        %dma_start3A_2561 = arith.constant 0 : i32
        %dma_start3A_2562 = tpu.memref_slice %arg6[%dma_start3A_2559, %dma_start3A_2560, %dma_start3A_2561] : memref<2x32x64xf32, #tpu.memory_space<vmem>> -> memref<1x1x64xf32, #tpu.memory_space<vmem>>
        %dma_start3A_2563 = tpu.memref_squeeze %dma_start3A_2562 : memref<1x1x64xf32, #tpu.memory_space<vmem>> -> memref<64xf32, #tpu.memory_space<vmem>>
        %dma_start3A_2564 = arith.constant 0 : i32
        %dma_start3A_2565 = tpu.memref_slice %arg2[%reduce_max3A_2558, %dma_start3A_2564] : memref<1000000x64xf32, #tpu.memory_space<hbm>> -> memref<1x64xf32, #tpu.memory_space<hbm>>
        %dma_start3A_2566 = tpu.memref_squeeze %dma_start3A_2565 : memref<1x64xf32, #tpu.memory_space<hbm>> -> memref<64xf32, #tpu.memory_space<hbm>>
        %dma_start3A_2567 = arith.constant 0 : i32
        %dma_start3A_2568 = tpu.memref_slice %arg6[%dma_start3A_2559, %dma_start3A_2560, %dma_start3A_2567] : memref<2x32x64xf32, #tpu.memory_space<vmem>> -> memref<1x1x64xf32, #tpu.memory_space<vmem>>
        %dma_start3A_2569 = tpu.memref_squeeze %dma_start3A_2568 : memref<1x1x64xf32, #tpu.memory_space<vmem>> -> memref<64xf32, #tpu.memory_space<vmem>>
        %dma_start3A_2570 = arith.constant 0 : i32
        %dma_start3A_2571 = tpu.memref_slice %arg2[%reduce_max3A_2558, %dma_start3A_2570] : memref<1000000x64xf32, #tpu.memory_space<hbm>> -> memref<1x64xf32, #tpu.memory_space<hbm>>
        %dma_start3A_2572 = tpu.memref_squeeze %dma_start3A_2571 : memref<1x64xf32, #tpu.memory_space<hbm>> -> memref<64xf32, #tpu.memory_space<hbm>>
        tpu.enqueue_dma source(%dma_start3A_2572 : memref<64xf32, #tpu.memory_space<hbm>>) target(%dma_start3A_2569 : memref<64xf32, #tpu.memory_space<vmem>>) target_semaphore(%arg7 : memref<!tpu.dma_semaphore, #tpu.memory_space<semaphore_mem>>)
        %eq3A_2573 = arith.constant 7 : i32
        %eq3A_2574 = vector.broadcast %eq3A_2573 : i32 to vector<16xi32>
        %eq3A_2575 = arith.cmpi eq, %iota3A, %eq3A_2574 : vector<16xi32>
        %jit3A_2576 = arith.constant 0 : i32
        %broadcast_in_dim3A_2577 = vector.broadcast %jit3A_2576 : i32 to vector<16xi32>
        %select_n3A_2578 = arith.select %eq3A_2575, %get3A_2376, %broadcast_in_dim3A_2577 : vector<16xi1>, vector<16xi32>
        %reduce_max3A_2579 = arith.constant true
        %reduce_max3A_2580 = vector.broadcast %reduce_max3A_2579 : i1 to vector<16xi1>
        %reduce_max3A_2581 = arith.constant -2147483648 : i32
        %reduce_max3A_2582 = vector.broadcast %reduce_max3A_2581 : i32 to vector<16xi32>
        %reduce_max3A_2583 = arith.xori %select_n3A_2578, %reduce_max3A_2582 : vector<16xi32>
        %reduce_max3A_2584 = tpu.scan <max>, %reduce_max3A_2583 masked %reduce_max3A_2580 : vector<16xi32>, vector<16xi1> -> vector<16xi32>
        %reduce_max3A_2585 = arith.xori %reduce_max3A_2584, %reduce_max3A_2582 : vector<16xi32>
        %reduce_max3A_2586 = vector.extract %reduce_max3A_2585[15] : i32 from vector<16xi32>
        %dma_start3A_2587 = arith.constant 0 : i32
        %dma_start3A_2588 = arith.constant 23 : i32
        %dma_start3A_2589 = arith.constant 0 : i32
        %dma_start3A_2590 = tpu.memref_slice %arg6[%dma_start3A_2587, %dma_start3A_2588, %dma_start3A_2589] : memref<2x32x64xf32, #tpu.memory_space<vmem>> -> memref<1x1x64xf32, #tpu.memory_space<vmem>>
        %dma_start3A_2591 = tpu.memref_squeeze %dma_start3A_2590 : memref<1x1x64xf32, #tpu.memory_space<vmem>> -> memref<64xf32, #tpu.memory_space<vmem>>
        %dma_start3A_2592 = arith.constant 0 : i32
        %dma_start3A_2593 = tpu.memref_slice %arg2[%reduce_max3A_2586, %dma_start3A_2592] : memref<1000000x64xf32, #tpu.memory_space<hbm>> -> memref<1x64xf32, #tpu.memory_space<hbm>>
        %dma_start3A_2594 = tpu.memref_squeeze %dma_start3A_2593 : memref<1x64xf32, #tpu.memory_space<hbm>> -> memref<64xf32, #tpu.memory_space<hbm>>
        %dma_start3A_2595 = arith.constant 0 : i32
        %dma_start3A_2596 = tpu.memref_slice %arg6[%dma_start3A_2587, %dma_start3A_2588, %dma_start3A_2595] : memref<2x32x64xf32, #tpu.memory_space<vmem>> -> memref<1x1x64xf32, #tpu.memory_space<vmem>>
        %dma_start3A_2597 = tpu.memref_squeeze %dma_start3A_2596 : memref<1x1x64xf32, #tpu.memory_space<vmem>> -> memref<64xf32, #tpu.memory_space<vmem>>
        %dma_start3A_2598 = arith.constant 0 : i32
        %dma_start3A_2599 = tpu.memref_slice %arg2[%reduce_max3A_2586, %dma_start3A_2598] : memref<1000000x64xf32, #tpu.memory_space<hbm>> -> memref<1x64xf32, #tpu.memory_space<hbm>>
        %dma_start3A_2600 = tpu.memref_squeeze %dma_start3A_2599 : memref<1x64xf32, #tpu.memory_space<hbm>> -> memref<64xf32, #tpu.memory_space<hbm>>
        tpu.enqueue_dma source(%dma_start3A_2600 : memref<64xf32, #tpu.memory_space<hbm>>) target(%dma_start3A_2597 : memref<64xf32, #tpu.memory_space<vmem>>) target_semaphore(%arg7 : memref<!tpu.dma_semaphore, #tpu.memory_space<semaphore_mem>>)
        %eq3A_2601 = arith.constant 8 : i32
        %eq3A_2602 = vector.broadcast %eq3A_2601 : i32 to vector<16xi32>
        %eq3A_2603 = arith.cmpi eq, %iota3A, %eq3A_2602 : vector<16xi32>
        %jit3A_2604 = arith.constant 0 : i32
        %broadcast_in_dim3A_2605 = vector.broadcast %jit3A_2604 : i32 to vector<16xi32>
        %select_n3A_2606 = arith.select %eq3A_2603, %get3A_2376, %broadcast_in_dim3A_2605 : vector<16xi1>, vector<16xi32>
        %reduce_max3A_2607 = arith.constant true
        %reduce_max3A_2608 = vector.broadcast %reduce_max3A_2607 : i1 to vector<16xi1>
        %reduce_max3A_2609 = arith.constant -2147483648 : i32
        %reduce_max3A_2610 = vector.broadcast %reduce_max3A_2609 : i32 to vector<16xi32>
        %reduce_max3A_2611 = arith.xori %select_n3A_2606, %reduce_max3A_2610 : vector<16xi32>
        %reduce_max3A_2612 = tpu.scan <max>, %reduce_max3A_2611 masked %reduce_max3A_2608 : vector<16xi32>, vector<16xi1> -> vector<16xi32>
        %reduce_max3A_2613 = arith.xori %reduce_max3A_2612, %reduce_max3A_2610 : vector<16xi32>
        %reduce_max3A_2614 = vector.extract %reduce_max3A_2613[15] : i32 from vector<16xi32>
        %dma_start3A_2615 = arith.constant 0 : i32
        %dma_start3A_2616 = arith.constant 24 : i32
        %dma_start3A_2617 = arith.constant 0 : i32
        %dma_start3A_2618 = tpu.memref_slice %arg6[%dma_start3A_2615, %dma_start3A_2616, %dma_start3A_2617] : memref<2x32x64xf32, #tpu.memory_space<vmem>> -> memref<1x1x64xf32, #tpu.memory_space<vmem>>
        %dma_start3A_2619 = tpu.memref_squeeze %dma_start3A_2618 : memref<1x1x64xf32, #tpu.memory_space<vmem>> -> memref<64xf32, #tpu.memory_space<vmem>>
        %dma_start3A_2620 = arith.constant 0 : i32
        %dma_start3A_2621 = tpu.memref_slice %arg2[%reduce_max3A_2614, %dma_start3A_2620] : memref<1000000x64xf32, #tpu.memory_space<hbm>> -> memref<1x64xf32, #tpu.memory_space<hbm>>
        %dma_start3A_2622 = tpu.memref_squeeze %dma_start3A_2621 : memref<1x64xf32, #tpu.memory_space<hbm>> -> memref<64xf32, #tpu.memory_space<hbm>>
        %dma_start3A_2623 = arith.constant 0 : i32
        %dma_start3A_2624 = tpu.memref_slice %arg6[%dma_start3A_2615, %dma_start3A_2616, %dma_start3A_2623] : memref<2x32x64xf32, #tpu.memory_space<vmem>> -> memref<1x1x64xf32, #tpu.memory_space<vmem>>
        %dma_start3A_2625 = tpu.memref_squeeze %dma_start3A_2624 : memref<1x1x64xf32, #tpu.memory_space<vmem>> -> memref<64xf32, #tpu.memory_space<vmem>>
        %dma_start3A_2626 = arith.constant 0 : i32
        %dma_start3A_2627 = tpu.memref_slice %arg2[%reduce_max3A_2614, %dma_start3A_2626] : memref<1000000x64xf32, #tpu.memory_space<hbm>> -> memref<1x64xf32, #tpu.memory_space<hbm>>
        %dma_start3A_2628 = tpu.memref_squeeze %dma_start3A_2627 : memref<1x64xf32, #tpu.memory_space<hbm>> -> memref<64xf32, #tpu.memory_space<hbm>>
        tpu.enqueue_dma source(%dma_start3A_2628 : memref<64xf32, #tpu.memory_space<hbm>>) target(%dma_start3A_2625 : memref<64xf32, #tpu.memory_space<vmem>>) target_semaphore(%arg7 : memref<!tpu.dma_semaphore, #tpu.memory_space<semaphore_mem>>)
        %eq3A_2629 = arith.constant 9 : i32
        %eq3A_2630 = vector.broadcast %eq3A_2629 : i32 to vector<16xi32>
        %eq3A_2631 = arith.cmpi eq, %iota3A, %eq3A_2630 : vector<16xi32>
        %jit3A_2632 = arith.constant 0 : i32
        %broadcast_in_dim3A_2633 = vector.broadcast %jit3A_2632 : i32 to vector<16xi32>
        %select_n3A_2634 = arith.select %eq3A_2631, %get3A_2376, %broadcast_in_dim3A_2633 : vector<16xi1>, vector<16xi32>
        %reduce_max3A_2635 = arith.constant true
        %reduce_max3A_2636 = vector.broadcast %reduce_max3A_2635 : i1 to vector<16xi1>
        %reduce_max3A_2637 = arith.constant -2147483648 : i32
        %reduce_max3A_2638 = vector.broadcast %reduce_max3A_2637 : i32 to vector<16xi32>
        %reduce_max3A_2639 = arith.xori %select_n3A_2634, %reduce_max3A_2638 : vector<16xi32>
        %reduce_max3A_2640 = tpu.scan <max>, %reduce_max3A_2639 masked %reduce_max3A_2636 : vector<16xi32>, vector<16xi1> -> vector<16xi32>
        %reduce_max3A_2641 = arith.xori %reduce_max3A_2640, %reduce_max3A_2638 : vector<16xi32>
        %reduce_max3A_2642 = vector.extract %reduce_max3A_2641[15] : i32 from vector<16xi32>
        %dma_start3A_2643 = arith.constant 0 : i32
        %dma_start3A_2644 = arith.constant 25 : i32
        %dma_start3A_2645 = arith.constant 0 : i32
        %dma_start3A_2646 = tpu.memref_slice %arg6[%dma_start3A_2643, %dma_start3A_2644, %dma_start3A_2645] : memref<2x32x64xf32, #tpu.memory_space<vmem>> -> memref<1x1x64xf32, #tpu.memory_space<vmem>>
        %dma_start3A_2647 = tpu.memref_squeeze %dma_start3A_2646 : memref<1x1x64xf32, #tpu.memory_space<vmem>> -> memref<64xf32, #tpu.memory_space<vmem>>
        %dma_start3A_2648 = arith.constant 0 : i32
        %dma_start3A_2649 = tpu.memref_slice %arg2[%reduce_max3A_2642, %dma_start3A_2648] : memref<1000000x64xf32, #tpu.memory_space<hbm>> -> memref<1x64xf32, #tpu.memory_space<hbm>>
        %dma_start3A_2650 = tpu.memref_squeeze %dma_start3A_2649 : memref<1x64xf32, #tpu.memory_space<hbm>> -> memref<64xf32, #tpu.memory_space<hbm>>
        %dma_start3A_2651 = arith.constant 0 : i32
        %dma_start3A_2652 = tpu.memref_slice %arg6[%dma_start3A_2643, %dma_start3A_2644, %dma_start3A_2651] : memref<2x32x64xf32, #tpu.memory_space<vmem>> -> memref<1x1x64xf32, #tpu.memory_space<vmem>>
        %dma_start3A_2653 = tpu.memref_squeeze %dma_start3A_2652 : memref<1x1x64xf32, #tpu.memory_space<vmem>> -> memref<64xf32, #tpu.memory_space<vmem>>
        %dma_start3A_2654 = arith.constant 0 : i32
        %dma_start3A_2655 = tpu.memref_slice %arg2[%reduce_max3A_2642, %dma_start3A_2654] : memref<1000000x64xf32, #tpu.memory_space<hbm>> -> memref<1x64xf32, #tpu.memory_space<hbm>>
        %dma_start3A_2656 = tpu.memref_squeeze %dma_start3A_2655 : memref<1x64xf32, #tpu.memory_space<hbm>> -> memref<64xf32, #tpu.memory_space<hbm>>
        tpu.enqueue_dma source(%dma_start3A_2656 : memref<64xf32, #tpu.memory_space<hbm>>) target(%dma_start3A_2653 : memref<64xf32, #tpu.memory_space<vmem>>) target_semaphore(%arg7 : memref<!tpu.dma_semaphore, #tpu.memory_space<semaphore_mem>>)
        %eq3A_2657 = arith.constant 10 : i32
        %eq3A_2658 = vector.broadcast %eq3A_2657 : i32 to vector<16xi32>
        %eq3A_2659 = arith.cmpi eq, %iota3A, %eq3A_2658 : vector<16xi32>
        %jit3A_2660 = arith.constant 0 : i32
        %broadcast_in_dim3A_2661 = vector.broadcast %jit3A_2660 : i32 to vector<16xi32>
        %select_n3A_2662 = arith.select %eq3A_2659, %get3A_2376, %broadcast_in_dim3A_2661 : vector<16xi1>, vector<16xi32>
        %reduce_max3A_2663 = arith.constant true
        %reduce_max3A_2664 = vector.broadcast %reduce_max3A_2663 : i1 to vector<16xi1>
        %reduce_max3A_2665 = arith.constant -2147483648 : i32
        %reduce_max3A_2666 = vector.broadcast %reduce_max3A_2665 : i32 to vector<16xi32>
        %reduce_max3A_2667 = arith.xori %select_n3A_2662, %reduce_max3A_2666 : vector<16xi32>
        %reduce_max3A_2668 = tpu.scan <max>, %reduce_max3A_2667 masked %reduce_max3A_2664 : vector<16xi32>, vector<16xi1> -> vector<16xi32>
        %reduce_max3A_2669 = arith.xori %reduce_max3A_2668, %reduce_max3A_2666 : vector<16xi32>
        %reduce_max3A_2670 = vector.extract %reduce_max3A_2669[15] : i32 from vector<16xi32>
        %dma_start3A_2671 = arith.constant 0 : i32
        %dma_start3A_2672 = arith.constant 26 : i32
        %dma_start3A_2673 = arith.constant 0 : i32
        %dma_start3A_2674 = tpu.memref_slice %arg6[%dma_start3A_2671, %dma_start3A_2672, %dma_start3A_2673] : memref<2x32x64xf32, #tpu.memory_space<vmem>> -> memref<1x1x64xf32, #tpu.memory_space<vmem>>
        %dma_start3A_2675 = tpu.memref_squeeze %dma_start3A_2674 : memref<1x1x64xf32, #tpu.memory_space<vmem>> -> memref<64xf32, #tpu.memory_space<vmem>>
        %dma_start3A_2676 = arith.constant 0 : i32
        %dma_start3A_2677 = tpu.memref_slice %arg2[%reduce_max3A_2670, %dma_start3A_2676] : memref<1000000x64xf32, #tpu.memory_space<hbm>> -> memref<1x64xf32, #tpu.memory_space<hbm>>
        %dma_start3A_2678 = tpu.memref_squeeze %dma_start3A_2677 : memref<1x64xf32, #tpu.memory_space<hbm>> -> memref<64xf32, #tpu.memory_space<hbm>>
        %dma_start3A_2679 = arith.constant 0 : i32
        %dma_start3A_2680 = tpu.memref_slice %arg6[%dma_start3A_2671, %dma_start3A_2672, %dma_start3A_2679] : memref<2x32x64xf32, #tpu.memory_space<vmem>> -> memref<1x1x64xf32, #tpu.memory_space<vmem>>
        %dma_start3A_2681 = tpu.memref_squeeze %dma_start3A_2680 : memref<1x1x64xf32, #tpu.memory_space<vmem>> -> memref<64xf32, #tpu.memory_space<vmem>>
        %dma_start3A_2682 = arith.constant 0 : i32
        %dma_start3A_2683 = tpu.memref_slice %arg2[%reduce_max3A_2670, %dma_start3A_2682] : memref<1000000x64xf32, #tpu.memory_space<hbm>> -> memref<1x64xf32, #tpu.memory_space<hbm>>
        %dma_start3A_2684 = tpu.memref_squeeze %dma_start3A_2683 : memref<1x64xf32, #tpu.memory_space<hbm>> -> memref<64xf32, #tpu.memory_space<hbm>>
        tpu.enqueue_dma source(%dma_start3A_2684 : memref<64xf32, #tpu.memory_space<hbm>>) target(%dma_start3A_2681 : memref<64xf32, #tpu.memory_space<vmem>>) target_semaphore(%arg7 : memref<!tpu.dma_semaphore, #tpu.memory_space<semaphore_mem>>)
        %eq3A_2685 = arith.constant 11 : i32
        %eq3A_2686 = vector.broadcast %eq3A_2685 : i32 to vector<16xi32>
        %eq3A_2687 = arith.cmpi eq, %iota3A, %eq3A_2686 : vector<16xi32>
        %jit3A_2688 = arith.constant 0 : i32
        %broadcast_in_dim3A_2689 = vector.broadcast %jit3A_2688 : i32 to vector<16xi32>
        %select_n3A_2690 = arith.select %eq3A_2687, %get3A_2376, %broadcast_in_dim3A_2689 : vector<16xi1>, vector<16xi32>
        %reduce_max3A_2691 = arith.constant true
        %reduce_max3A_2692 = vector.broadcast %reduce_max3A_2691 : i1 to vector<16xi1>
        %reduce_max3A_2693 = arith.constant -2147483648 : i32
        %reduce_max3A_2694 = vector.broadcast %reduce_max3A_2693 : i32 to vector<16xi32>
        %reduce_max3A_2695 = arith.xori %select_n3A_2690, %reduce_max3A_2694 : vector<16xi32>
        %reduce_max3A_2696 = tpu.scan <max>, %reduce_max3A_2695 masked %reduce_max3A_2692 : vector<16xi32>, vector<16xi1> -> vector<16xi32>
        %reduce_max3A_2697 = arith.xori %reduce_max3A_2696, %reduce_max3A_2694 : vector<16xi32>
        %reduce_max3A_2698 = vector.extract %reduce_max3A_2697[15] : i32 from vector<16xi32>
        %dma_start3A_2699 = arith.constant 0 : i32
        %dma_start3A_2700 = arith.constant 27 : i32
        %dma_start3A_2701 = arith.constant 0 : i32
        %dma_start3A_2702 = tpu.memref_slice %arg6[%dma_start3A_2699, %dma_start3A_2700, %dma_start3A_2701] : memref<2x32x64xf32, #tpu.memory_space<vmem>> -> memref<1x1x64xf32, #tpu.memory_space<vmem>>
        %dma_start3A_2703 = tpu.memref_squeeze %dma_start3A_2702 : memref<1x1x64xf32, #tpu.memory_space<vmem>> -> memref<64xf32, #tpu.memory_space<vmem>>
        %dma_start3A_2704 = arith.constant 0 : i32
        %dma_start3A_2705 = tpu.memref_slice %arg2[%reduce_max3A_2698, %dma_start3A_2704] : memref<1000000x64xf32, #tpu.memory_space<hbm>> -> memref<1x64xf32, #tpu.memory_space<hbm>>
        %dma_start3A_2706 = tpu.memref_squeeze %dma_start3A_2705 : memref<1x64xf32, #tpu.memory_space<hbm>> -> memref<64xf32, #tpu.memory_space<hbm>>
        %dma_start3A_2707 = arith.constant 0 : i32
        %dma_start3A_2708 = tpu.memref_slice %arg6[%dma_start3A_2699, %dma_start3A_2700, %dma_start3A_2707] : memref<2x32x64xf32, #tpu.memory_space<vmem>> -> memref<1x1x64xf32, #tpu.memory_space<vmem>>
        %dma_start3A_2709 = tpu.memref_squeeze %dma_start3A_2708 : memref<1x1x64xf32, #tpu.memory_space<vmem>> -> memref<64xf32, #tpu.memory_space<vmem>>
        %dma_start3A_2710 = arith.constant 0 : i32
        %dma_start3A_2711 = tpu.memref_slice %arg2[%reduce_max3A_2698, %dma_start3A_2710] : memref<1000000x64xf32, #tpu.memory_space<hbm>> -> memref<1x64xf32, #tpu.memory_space<hbm>>
        %dma_start3A_2712 = tpu.memref_squeeze %dma_start3A_2711 : memref<1x64xf32, #tpu.memory_space<hbm>> -> memref<64xf32, #tpu.memory_space<hbm>>
        tpu.enqueue_dma source(%dma_start3A_2712 : memref<64xf32, #tpu.memory_space<hbm>>) target(%dma_start3A_2709 : memref<64xf32, #tpu.memory_space<vmem>>) target_semaphore(%arg7 : memref<!tpu.dma_semaphore, #tpu.memory_space<semaphore_mem>>)
        %eq3A_2713 = arith.constant 12 : i32
        %eq3A_2714 = vector.broadcast %eq3A_2713 : i32 to vector<16xi32>
        %eq3A_2715 = arith.cmpi eq, %iota3A, %eq3A_2714 : vector<16xi32>
        %jit3A_2716 = arith.constant 0 : i32
        %broadcast_in_dim3A_2717 = vector.broadcast %jit3A_2716 : i32 to vector<16xi32>
        %select_n3A_2718 = arith.select %eq3A_2715, %get3A_2376, %broadcast_in_dim3A_2717 : vector<16xi1>, vector<16xi32>
        %reduce_max3A_2719 = arith.constant true
        %reduce_max3A_2720 = vector.broadcast %reduce_max3A_2719 : i1 to vector<16xi1>
        %reduce_max3A_2721 = arith.constant -2147483648 : i32
        %reduce_max3A_2722 = vector.broadcast %reduce_max3A_2721 : i32 to vector<16xi32>
        %reduce_max3A_2723 = arith.xori %select_n3A_2718, %reduce_max3A_2722 : vector<16xi32>
        %reduce_max3A_2724 = tpu.scan <max>, %reduce_max3A_2723 masked %reduce_max3A_2720 : vector<16xi32>, vector<16xi1> -> vector<16xi32>
        %reduce_max3A_2725 = arith.xori %reduce_max3A_2724, %reduce_max3A_2722 : vector<16xi32>
        %reduce_max3A_2726 = vector.extract %reduce_max3A_2725[15] : i32 from vector<16xi32>
        %dma_start3A_2727 = arith.constant 0 : i32
        %dma_start3A_2728 = arith.constant 28 : i32
        %dma_start3A_2729 = arith.constant 0 : i32
        %dma_start3A_2730 = tpu.memref_slice %arg6[%dma_start3A_2727, %dma_start3A_2728, %dma_start3A_2729] : memref<2x32x64xf32, #tpu.memory_space<vmem>> -> memref<1x1x64xf32, #tpu.memory_space<vmem>>
        %dma_start3A_2731 = tpu.memref_squeeze %dma_start3A_2730 : memref<1x1x64xf32, #tpu.memory_space<vmem>> -> memref<64xf32, #tpu.memory_space<vmem>>
        %dma_start3A_2732 = arith.constant 0 : i32
        %dma_start3A_2733 = tpu.memref_slice %arg2[%reduce_max3A_2726, %dma_start3A_2732] : memref<1000000x64xf32, #tpu.memory_space<hbm>> -> memref<1x64xf32, #tpu.memory_space<hbm>>
        %dma_start3A_2734 = tpu.memref_squeeze %dma_start3A_2733 : memref<1x64xf32, #tpu.memory_space<hbm>> -> memref<64xf32, #tpu.memory_space<hbm>>
        %dma_start3A_2735 = arith.constant 0 : i32
        %dma_start3A_2736 = tpu.memref_slice %arg6[%dma_start3A_2727, %dma_start3A_2728, %dma_start3A_2735] : memref<2x32x64xf32, #tpu.memory_space<vmem>> -> memref<1x1x64xf32, #tpu.memory_space<vmem>>
        %dma_start3A_2737 = tpu.memref_squeeze %dma_start3A_2736 : memref<1x1x64xf32, #tpu.memory_space<vmem>> -> memref<64xf32, #tpu.memory_space<vmem>>
        %dma_start3A_2738 = arith.constant 0 : i32
        %dma_start3A_2739 = tpu.memref_slice %arg2[%reduce_max3A_2726, %dma_start3A_2738] : memref<1000000x64xf32, #tpu.memory_space<hbm>> -> memref<1x64xf32, #tpu.memory_space<hbm>>
        %dma_start3A_2740 = tpu.memref_squeeze %dma_start3A_2739 : memref<1x64xf32, #tpu.memory_space<hbm>> -> memref<64xf32, #tpu.memory_space<hbm>>
        tpu.enqueue_dma source(%dma_start3A_2740 : memref<64xf32, #tpu.memory_space<hbm>>) target(%dma_start3A_2737 : memref<64xf32, #tpu.memory_space<vmem>>) target_semaphore(%arg7 : memref<!tpu.dma_semaphore, #tpu.memory_space<semaphore_mem>>)
        %eq3A_2741 = arith.constant 13 : i32
        %eq3A_2742 = vector.broadcast %eq3A_2741 : i32 to vector<16xi32>
        %eq3A_2743 = arith.cmpi eq, %iota3A, %eq3A_2742 : vector<16xi32>
        %jit3A_2744 = arith.constant 0 : i32
        %broadcast_in_dim3A_2745 = vector.broadcast %jit3A_2744 : i32 to vector<16xi32>
        %select_n3A_2746 = arith.select %eq3A_2743, %get3A_2376, %broadcast_in_dim3A_2745 : vector<16xi1>, vector<16xi32>
        %reduce_max3A_2747 = arith.constant true
        %reduce_max3A_2748 = vector.broadcast %reduce_max3A_2747 : i1 to vector<16xi1>
        %reduce_max3A_2749 = arith.constant -2147483648 : i32
        %reduce_max3A_2750 = vector.broadcast %reduce_max3A_2749 : i32 to vector<16xi32>
        %reduce_max3A_2751 = arith.xori %select_n3A_2746, %reduce_max3A_2750 : vector<16xi32>
        %reduce_max3A_2752 = tpu.scan <max>, %reduce_max3A_2751 masked %reduce_max3A_2748 : vector<16xi32>, vector<16xi1> -> vector<16xi32>
        %reduce_max3A_2753 = arith.xori %reduce_max3A_2752, %reduce_max3A_2750 : vector<16xi32>
        %reduce_max3A_2754 = vector.extract %reduce_max3A_2753[15] : i32 from vector<16xi32>
        %dma_start3A_2755 = arith.constant 0 : i32
        %dma_start3A_2756 = arith.constant 29 : i32
        %dma_start3A_2757 = arith.constant 0 : i32
        %dma_start3A_2758 = tpu.memref_slice %arg6[%dma_start3A_2755, %dma_start3A_2756, %dma_start3A_2757] : memref<2x32x64xf32, #tpu.memory_space<vmem>> -> memref<1x1x64xf32, #tpu.memory_space<vmem>>
        %dma_start3A_2759 = tpu.memref_squeeze %dma_start3A_2758 : memref<1x1x64xf32, #tpu.memory_space<vmem>> -> memref<64xf32, #tpu.memory_space<vmem>>
        %dma_start3A_2760 = arith.constant 0 : i32
        %dma_start3A_2761 = tpu.memref_slice %arg2[%reduce_max3A_2754, %dma_start3A_2760] : memref<1000000x64xf32, #tpu.memory_space<hbm>> -> memref<1x64xf32, #tpu.memory_space<hbm>>
        %dma_start3A_2762 = tpu.memref_squeeze %dma_start3A_2761 : memref<1x64xf32, #tpu.memory_space<hbm>> -> memref<64xf32, #tpu.memory_space<hbm>>
        %dma_start3A_2763 = arith.constant 0 : i32
        %dma_start3A_2764 = tpu.memref_slice %arg6[%dma_start3A_2755, %dma_start3A_2756, %dma_start3A_2763] : memref<2x32x64xf32, #tpu.memory_space<vmem>> -> memref<1x1x64xf32, #tpu.memory_space<vmem>>
        %dma_start3A_2765 = tpu.memref_squeeze %dma_start3A_2764 : memref<1x1x64xf32, #tpu.memory_space<vmem>> -> memref<64xf32, #tpu.memory_space<vmem>>
        %dma_start3A_2766 = arith.constant 0 : i32
        %dma_start3A_2767 = tpu.memref_slice %arg2[%reduce_max3A_2754, %dma_start3A_2766] : memref<1000000x64xf32, #tpu.memory_space<hbm>> -> memref<1x64xf32, #tpu.memory_space<hbm>>
        %dma_start3A_2768 = tpu.memref_squeeze %dma_start3A_2767 : memref<1x64xf32, #tpu.memory_space<hbm>> -> memref<64xf32, #tpu.memory_space<hbm>>
        tpu.enqueue_dma source(%dma_start3A_2768 : memref<64xf32, #tpu.memory_space<hbm>>) target(%dma_start3A_2765 : memref<64xf32, #tpu.memory_space<vmem>>) target_semaphore(%arg7 : memref<!tpu.dma_semaphore, #tpu.memory_space<semaphore_mem>>)
        %eq3A_2769 = arith.constant 14 : i32
        %eq3A_2770 = vector.broadcast %eq3A_2769 : i32 to vector<16xi32>
        %eq3A_2771 = arith.cmpi eq, %iota3A, %eq3A_2770 : vector<16xi32>
        %jit3A_2772 = arith.constant 0 : i32
        %broadcast_in_dim3A_2773 = vector.broadcast %jit3A_2772 : i32 to vector<16xi32>
        %select_n3A_2774 = arith.select %eq3A_2771, %get3A_2376, %broadcast_in_dim3A_2773 : vector<16xi1>, vector<16xi32>
        %reduce_max3A_2775 = arith.constant true
        %reduce_max3A_2776 = vector.broadcast %reduce_max3A_2775 : i1 to vector<16xi1>
        %reduce_max3A_2777 = arith.constant -2147483648 : i32
        %reduce_max3A_2778 = vector.broadcast %reduce_max3A_2777 : i32 to vector<16xi32>
        %reduce_max3A_2779 = arith.xori %select_n3A_2774, %reduce_max3A_2778 : vector<16xi32>
        %reduce_max3A_2780 = tpu.scan <max>, %reduce_max3A_2779 masked %reduce_max3A_2776 : vector<16xi32>, vector<16xi1> -> vector<16xi32>
        %reduce_max3A_2781 = arith.xori %reduce_max3A_2780, %reduce_max3A_2778 : vector<16xi32>
        %reduce_max3A_2782 = vector.extract %reduce_max3A_2781[15] : i32 from vector<16xi32>
        %dma_start3A_2783 = arith.constant 0 : i32
        %dma_start3A_2784 = arith.constant 30 : i32
        %dma_start3A_2785 = arith.constant 0 : i32
        %dma_start3A_2786 = tpu.memref_slice %arg6[%dma_start3A_2783, %dma_start3A_2784, %dma_start3A_2785] : memref<2x32x64xf32, #tpu.memory_space<vmem>> -> memref<1x1x64xf32, #tpu.memory_space<vmem>>
        %dma_start3A_2787 = tpu.memref_squeeze %dma_start3A_2786 : memref<1x1x64xf32, #tpu.memory_space<vmem>> -> memref<64xf32, #tpu.memory_space<vmem>>
        %dma_start3A_2788 = arith.constant 0 : i32
        %dma_start3A_2789 = tpu.memref_slice %arg2[%reduce_max3A_2782, %dma_start3A_2788] : memref<1000000x64xf32, #tpu.memory_space<hbm>> -> memref<1x64xf32, #tpu.memory_space<hbm>>
        %dma_start3A_2790 = tpu.memref_squeeze %dma_start3A_2789 : memref<1x64xf32, #tpu.memory_space<hbm>> -> memref<64xf32, #tpu.memory_space<hbm>>
        %dma_start3A_2791 = arith.constant 0 : i32
        %dma_start3A_2792 = tpu.memref_slice %arg6[%dma_start3A_2783, %dma_start3A_2784, %dma_start3A_2791] : memref<2x32x64xf32, #tpu.memory_space<vmem>> -> memref<1x1x64xf32, #tpu.memory_space<vmem>>
        %dma_start3A_2793 = tpu.memref_squeeze %dma_start3A_2792 : memref<1x1x64xf32, #tpu.memory_space<vmem>> -> memref<64xf32, #tpu.memory_space<vmem>>
        %dma_start3A_2794 = arith.constant 0 : i32
        %dma_start3A_2795 = tpu.memref_slice %arg2[%reduce_max3A_2782, %dma_start3A_2794] : memref<1000000x64xf32, #tpu.memory_space<hbm>> -> memref<1x64xf32, #tpu.memory_space<hbm>>
        %dma_start3A_2796 = tpu.memref_squeeze %dma_start3A_2795 : memref<1x64xf32, #tpu.memory_space<hbm>> -> memref<64xf32, #tpu.memory_space<hbm>>
        tpu.enqueue_dma source(%dma_start3A_2796 : memref<64xf32, #tpu.memory_space<hbm>>) target(%dma_start3A_2793 : memref<64xf32, #tpu.memory_space<vmem>>) target_semaphore(%arg7 : memref<!tpu.dma_semaphore, #tpu.memory_space<semaphore_mem>>)
        %eq3A_2797 = arith.constant 15 : i32
        %eq3A_2798 = vector.broadcast %eq3A_2797 : i32 to vector<16xi32>
        %eq3A_2799 = arith.cmpi eq, %iota3A, %eq3A_2798 : vector<16xi32>
        %jit3A_2800 = arith.constant 0 : i32
        %broadcast_in_dim3A_2801 = vector.broadcast %jit3A_2800 : i32 to vector<16xi32>
        %select_n3A_2802 = arith.select %eq3A_2799, %get3A_2376, %broadcast_in_dim3A_2801 : vector<16xi1>, vector<16xi32>
        %reduce_max3A_2803 = arith.constant true
        %reduce_max3A_2804 = vector.broadcast %reduce_max3A_2803 : i1 to vector<16xi1>
        %reduce_max3A_2805 = arith.constant -2147483648 : i32
        %reduce_max3A_2806 = vector.broadcast %reduce_max3A_2805 : i32 to vector<16xi32>
        %reduce_max3A_2807 = arith.xori %select_n3A_2802, %reduce_max3A_2806 : vector<16xi32>
        %reduce_max3A_2808 = tpu.scan <max>, %reduce_max3A_2807 masked %reduce_max3A_2804 : vector<16xi32>, vector<16xi1> -> vector<16xi32>
        %reduce_max3A_2809 = arith.xori %reduce_max3A_2808, %reduce_max3A_2806 : vector<16xi32>
        %reduce_max3A_2810 = vector.extract %reduce_max3A_2809[15] : i32 from vector<16xi32>
        %dma_start3A_2811 = arith.constant 0 : i32
        %dma_start3A_2812 = arith.constant 31 : i32
        %dma_start3A_2813 = arith.constant 0 : i32
        %dma_start3A_2814 = tpu.memref_slice %arg6[%dma_start3A_2811, %dma_start3A_2812, %dma_start3A_2813] : memref<2x32x64xf32, #tpu.memory_space<vmem>> -> memref<1x1x64xf32, #tpu.memory_space<vmem>>
        %dma_start3A_2815 = tpu.memref_squeeze %dma_start3A_2814 : memref<1x1x64xf32, #tpu.memory_space<vmem>> -> memref<64xf32, #tpu.memory_space<vmem>>
        %dma_start3A_2816 = arith.constant 0 : i32
        %dma_start3A_2817 = tpu.memref_slice %arg2[%reduce_max3A_2810, %dma_start3A_2816] : memref<1000000x64xf32, #tpu.memory_space<hbm>> -> memref<1x64xf32, #tpu.memory_space<hbm>>
        %dma_start3A_2818 = tpu.memref_squeeze %dma_start3A_2817 : memref<1x64xf32, #tpu.memory_space<hbm>> -> memref<64xf32, #tpu.memory_space<hbm>>
        %dma_start3A_2819 = arith.constant 0 : i32
        %dma_start3A_2820 = tpu.memref_slice %arg6[%dma_start3A_2811, %dma_start3A_2812, %dma_start3A_2819] : memref<2x32x64xf32, #tpu.memory_space<vmem>> -> memref<1x1x64xf32, #tpu.memory_space<vmem>>
        %dma_start3A_2821 = tpu.memref_squeeze %dma_start3A_2820 : memref<1x1x64xf32, #tpu.memory_space<vmem>> -> memref<64xf32, #tpu.memory_space<vmem>>
        %dma_start3A_2822 = arith.constant 0 : i32
        %dma_start3A_2823 = tpu.memref_slice %arg2[%reduce_max3A_2810, %dma_start3A_2822] : memref<1000000x64xf32, #tpu.memory_space<hbm>> -> memref<1x64xf32, #tpu.memory_space<hbm>>
        %dma_start3A_2824 = tpu.memref_squeeze %dma_start3A_2823 : memref<1x64xf32, #tpu.memory_space<hbm>> -> memref<64xf32, #tpu.memory_space<hbm>>
        tpu.enqueue_dma source(%dma_start3A_2824 : memref<64xf32, #tpu.memory_space<hbm>>) target(%dma_start3A_2821 : memref<64xf32, #tpu.memory_space<vmem>>) target_semaphore(%arg7 : memref<!tpu.dma_semaphore, #tpu.memory_space<semaphore_mem>>)
      } else {
      }
      %scan3A_1879 = arith.constant 0 : i32
      %scan3A_1880 = arith.constant 32 : i32
      %scan3A_1881 = arith.addi %scan3A_1879, %scan3A_1880 : i32
      %scan3A_1882 = arith.constant 1 : i32
      scf.for %scan3A_1902 = %scan3A_1879 to %scan3A_1881 step %scan3A_1882  : i32 {
        %mul3A_1903 = arith.constant 1 : i32
        %mul3A_1904 = arith.muli %scan3A_1902, %mul3A_1903 : i32
        %add3A_1905 = arith.constant 0 : i32
        %add3A_1906 = arith.addi %add3A_1905, %mul3A_1904 : i32
        %dma_wait3A_1907 = arith.constant 0 : i32
        %dma_wait3A_1908 = arith.constant 1 : i32
        %dma_wait3A_1909 = arith.constant 0 : i32
        %dma_wait3A_1910 = tpu.memref_slice %arg6[%dma_wait3A_1908, %add3A_1906, %dma_wait3A_1909] : memref<2x32x64xf32, #tpu.memory_space<vmem>> -> memref<1x1x64xf32, #tpu.memory_space<vmem>>
        %dma_wait3A_1911 = tpu.memref_squeeze %dma_wait3A_1910 : memref<1x1x64xf32, #tpu.memory_space<vmem>> -> memref<64xf32, #tpu.memory_space<vmem>>
        %dma_wait3A_1912 = arith.constant 0 : i32
        %dma_wait3A_1913 = tpu.memref_slice %arg2[%dma_wait3A_1907, %dma_wait3A_1912] : memref<1000000x64xf32, #tpu.memory_space<hbm>> -> memref<1x64xf32, #tpu.memory_space<hbm>>
        %dma_wait3A_1914 = tpu.memref_squeeze %dma_wait3A_1913 : memref<1x64xf32, #tpu.memory_space<hbm>> -> memref<64xf32, #tpu.memory_space<hbm>>
        %dma_wait3A_1915 = arith.constant 0 : i32
        %dma_wait3A_1916 = tpu.memref_slice %arg6[%dma_wait3A_1908, %add3A_1906, %dma_wait3A_1915] : memref<2x32x64xf32, #tpu.memory_space<vmem>> -> memref<1x1x64xf32, #tpu.memory_space<vmem>>
        %dma_wait3A_1917 = tpu.memref_squeeze %dma_wait3A_1916 : memref<1x1x64xf32, #tpu.memory_space<vmem>> -> memref<64xf32, #tpu.memory_space<vmem>>
        %dma_wait3A_1918 = arith.constant 0 : i32
        %dma_wait3A_1919 = tpu.memref_slice %arg2[%dma_wait3A_1907, %dma_wait3A_1918] : memref<1000000x64xf32, #tpu.memory_space<hbm>> -> memref<1x64xf32, #tpu.memory_space<hbm>>
        %dma_wait3A_1920 = tpu.memref_squeeze %dma_wait3A_1919 : memref<1x64xf32, #tpu.memory_space<hbm>> -> memref<64xf32, #tpu.memory_space<hbm>>
        tpu.wait_dma2 semaphore(%arg8 : memref<!tpu.dma_semaphore, #tpu.memory_space<semaphore_mem>>) src(%dma_wait3A_1920 : memref<64xf32, #tpu.memory_space<hbm>>) dst(%dma_wait3A_1917 : memref<64xf32, #tpu.memory_space<vmem>>)
      }
      %scan3A_1883 = arith.constant 32 : i32
      %add3A_1884 = arith.constant 1 : i32
      %add3A_1885 = arith.addi %mul3A_943, %add3A_1884 : i32
      %mul3A_1886 = arith.constant 1024 : i32
      %mul3A_1887 = arith.muli %add3A_1885, %mul3A_1886 : i32
      %add3A_1888 = arith.addi %mul3A_1887, %mul3A_2 : i32
      %dma_start3A_1889 = arith.constant 1 : i32
      %dma_start3A_1890 = arith.constant 0 : i32
      %dma_start3A_1891 = arith.constant 0 : i32
      %dma_start3A_1892 = tpu.memref_slice %arg6[%dma_start3A_1889, %dma_start3A_1890, %dma_start3A_1891] : memref<2x32x64xf32, #tpu.memory_space<vmem>> -> memref<1x32x64xf32, #tpu.memory_space<vmem>>
      %dma_start3A_1893 = tpu.memref_squeeze %dma_start3A_1892 : memref<1x32x64xf32, #tpu.memory_space<vmem>> -> memref<32x64xf32, #tpu.memory_space<vmem>>
      %dma_start3A_1894 = arith.constant 0 : i32
      %dma_start3A_1895 = tpu.memref_slice %arg4[%add3A_1888, %dma_start3A_1894] : memref<51200x64xf32, #tpu.memory_space<hbm>> -> memref<32x64xf32, #tpu.memory_space<hbm>>
      %dma_start3A_1896 = arith.constant 0 : i32
      %dma_start3A_1897 = tpu.memref_slice %arg4[%add3A_1888, %dma_start3A_1896] : memref<51200x64xf32, #tpu.memory_space<hbm>> -> memref<32x64xf32, #tpu.memory_space<hbm>>
      %dma_start3A_1898 = arith.constant 0 : i32
      %dma_start3A_1899 = arith.constant 0 : i32
      %dma_start3A_1900 = tpu.memref_slice %arg6[%dma_start3A_1889, %dma_start3A_1898, %dma_start3A_1899] : memref<2x32x64xf32, #tpu.memory_space<vmem>> -> memref<1x32x64xf32, #tpu.memory_space<vmem>>
      %dma_start3A_1901 = tpu.memref_squeeze %dma_start3A_1900 : memref<1x32x64xf32, #tpu.memory_space<vmem>> -> memref<32x64xf32, #tpu.memory_space<vmem>>
      tpu.enqueue_dma source(%dma_start3A_1901 : memref<32x64xf32, #tpu.memory_space<vmem>>) target(%dma_start3A_1897 : memref<32x64xf32, #tpu.memory_space<hbm>>) target_semaphore(%arg10 : memref<!tpu.dma_semaphore, #tpu.memory_space<semaphore_mem>>)
    }
    %scan3A_907 = arith.constant 25 : i32
    %dma_wait3A = arith.constant 0 : i32
    %dma_wait3A_908 = arith.constant 0 : i32
    %dma_wait3A_909 = arith.constant 0 : i32
    %dma_wait3A_910 = tpu.memref_slice %arg6[%dma_wait3A, %dma_wait3A_908, %dma_wait3A_909] : memref<2x32x64xf32, #tpu.memory_space<vmem>> -> memref<1x32x64xf32, #tpu.memory_space<vmem>>
    %dma_wait3A_911 = tpu.memref_squeeze %dma_wait3A_910 : memref<1x32x64xf32, #tpu.memory_space<vmem>> -> memref<32x64xf32, #tpu.memory_space<vmem>>
    %dma_wait3A_912 = arith.constant 0 : i32
    %dma_wait3A_913 = arith.constant 0 : i32
    %dma_wait3A_914 = tpu.memref_slice %arg4[%dma_wait3A_912, %dma_wait3A_913] : memref<51200x64xf32, #tpu.memory_space<hbm>> -> memref<32x64xf32, #tpu.memory_space<hbm>>
    %dma_wait3A_915 = arith.constant 0 : i32
    %dma_wait3A_916 = arith.constant 0 : i32
    %dma_wait3A_917 = tpu.memref_slice %arg4[%dma_wait3A_915, %dma_wait3A_916] : memref<51200x64xf32, #tpu.memory_space<hbm>> -> memref<32x64xf32, #tpu.memory_space<hbm>>
    %dma_wait3A_918 = arith.constant 0 : i32
    %dma_wait3A_919 = arith.constant 0 : i32
    %dma_wait3A_920 = tpu.memref_slice %arg6[%dma_wait3A, %dma_wait3A_918, %dma_wait3A_919] : memref<2x32x64xf32, #tpu.memory_space<vmem>> -> memref<1x32x64xf32, #tpu.memory_space<vmem>>
    %dma_wait3A_921 = tpu.memref_squeeze %dma_wait3A_920 : memref<1x32x64xf32, #tpu.memory_space<vmem>> -> memref<32x64xf32, #tpu.memory_space<vmem>>
    tpu.wait_dma2 semaphore(%arg9 : memref<!tpu.dma_semaphore, #tpu.memory_space<semaphore_mem>>) src(%dma_wait3A_921 : memref<32x64xf32, #tpu.memory_space<vmem>>) dst(%dma_wait3A_917 : memref<32x64xf32, #tpu.memory_space<hbm>>)
    %dma_wait3A_922 = arith.constant 1 : i32
    %dma_wait3A_923 = arith.constant 0 : i32
    %dma_wait3A_924 = arith.constant 0 : i32
    %dma_wait3A_925 = tpu.memref_slice %arg6[%dma_wait3A_922, %dma_wait3A_923, %dma_wait3A_924] : memref<2x32x64xf32, #tpu.memory_space<vmem>> -> memref<1x32x64xf32, #tpu.memory_space<vmem>>
    %dma_wait3A_926 = tpu.memref_squeeze %dma_wait3A_925 : memref<1x32x64xf32, #tpu.memory_space<vmem>> -> memref<32x64xf32, #tpu.memory_space<vmem>>
    %dma_wait3A_927 = arith.constant 0 : i32
    %dma_wait3A_928 = arith.constant 0 : i32
    %dma_wait3A_929 = tpu.memref_slice %arg4[%dma_wait3A_927, %dma_wait3A_928] : memref<51200x64xf32, #tpu.memory_space<hbm>> -> memref<32x64xf32, #tpu.memory_space<hbm>>
    %dma_wait3A_930 = arith.constant 0 : i32
    %dma_wait3A_931 = arith.constant 0 : i32
    %dma_wait3A_932 = tpu.memref_slice %arg4[%dma_wait3A_930, %dma_wait3A_931] : memref<51200x64xf32, #tpu.memory_space<hbm>> -> memref<32x64xf32, #tpu.memory_space<hbm>>
    %dma_wait3A_933 = arith.constant 0 : i32
    %dma_wait3A_934 = arith.constant 0 : i32
    %dma_wait3A_935 = tpu.memref_slice %arg6[%dma_wait3A_922, %dma_wait3A_933, %dma_wait3A_934] : memref<2x32x64xf32, #tpu.memory_space<vmem>> -> memref<1x32x64xf32, #tpu.memory_space<vmem>>
    %dma_wait3A_936 = tpu.memref_squeeze %dma_wait3A_935 : memref<1x32x64xf32, #tpu.memory_space<vmem>> -> memref<32x64xf32, #tpu.memory_space<vmem>>
    tpu.wait_dma2 semaphore(%arg10 : memref<!tpu.dma_semaphore, #tpu.memory_space<semaphore_mem>>) src(%dma_wait3A_936 : memref<32x64xf32, #tpu.memory_space<vmem>>) dst(%dma_wait3A_932 : memref<32x64xf32, #tpu.memory_space<hbm>>)
    return
  }
}

module attributes {stable_mosaic.version = 14 : i64} {
  func.func @_transpose_body(%arg0: memref<1024x50xi32, #tpu.memory_space<vmem>>, %arg1: memref<50x1024xi32, #tpu.memory_space<vmem>>) attributes {dimension_semantics = [], scalar_prefetch = 0 : i64, scratch_operands = 0 : i64, tpu.core_type = #tpu.core_type<tc>} {
    %get3A = arith.constant 0 : index
    %get3A_0 = arith.constant 0 : index
    %get3A_1 = vector.load %arg0[%get3A, %get3A_0] : memref<1024x50xi32, #tpu.memory_space<vmem>>, vector<1024x50xi32>
    %transpose3A = tpu.transpose %get3A_1, [1, 0] : vector<1024x50xi32> -> vector<50x1024xi32>
    %swap3A = arith.constant 0 : index
    %swap3A_2 = arith.constant 0 : index
    %swap3A_3 = vector.load %arg1[%swap3A, %swap3A_2] : memref<50x1024xi32, #tpu.memory_space<vmem>>, vector<50x1024xi32>
    tpu.vector_store %arg1[%swap3A, %swap3A_2], %transpose3A {strides = array<i32>} : memref<50x1024xi32, #tpu.memory_space<vmem>>, vector<50x1024xi32>,
    return
  }
}

module attributes {stable_mosaic.version = 14 : i64} {
  func.func @_lstm_body(%arg0: memref<51200x64xf32, #tpu.memory_space<vmem>>, %arg1: memref<128x256xf32, #tpu.memory_space<vmem>>, %arg2: memref<1x256xf32, #tpu.memory_space<vmem>>, %arg3: memref<64x256xf32, #tpu.memory_space<vmem>>, %arg4: memref<1x256xf32, #tpu.memory_space<vmem>>, %arg5: memref<128x2xf32, #tpu.memory_space<vmem>>, %arg6: memref<1x2xf32, #tpu.memory_space<vmem>>, %arg7: memref<1024x2xf32, #tpu.memory_space<vmem>>) attributes {dimension_semantics = [], scalar_prefetch = 0 : i64, scratch_operands = 0 : i64, tpu.core_type = #tpu.core_type<tc>} {
    %get3A = arith.constant 0 : index
    %get3A_0 = arith.constant 0 : index
    %get3A_1 = vector.load %arg1[%get3A, %get3A_0] : memref<128x256xf32, #tpu.memory_space<vmem>>, vector<128x256xf32>
    %get3A_2 = arith.constant 0 : index
    %get3A_3 = arith.constant 0 : index
    %get3A_4 = vector.load %arg2[%get3A_2, %get3A_3] : memref<1x256xf32, #tpu.memory_space<vmem>>, vector<1x256xf32>
    %broadcast_in_dim3A = arith.constant 0.000000e+00 : f32
    %broadcast_in_dim3A_5 = vector.broadcast %broadcast_in_dim3A : f32 to vector<1024x64xf32>
    %scan3A = arith.constant 0 : i32
    %scan3A_6 = arith.constant 50 : i32
    %scan3A_7 = arith.addi %scan3A, %scan3A_6 : i32
    %scan3A_8 = arith.constant 10 : i32
    %scan3A_9:2 = scf.for %scan3A_50 = %scan3A to %scan3A_7 step %scan3A_8 iter_args(%scan3A_51 = %broadcast_in_dim3A_5, %scan3A_52 = %broadcast_in_dim3A_5) -> (vector<1024x64xf32>, vector<1024x64xf32>)  : i32 {
      %mul3A_53 = arith.constant 1024 : i32
      %mul3A_54 = arith.muli %scan3A_50, %mul3A_53 : i32
      %get3A_55 = arith.index_cast %mul3A_54 : i32 to index
      %get3A_56 = arith.constant 0 : index
      %get3A_57 = vector.load %arg0[%get3A_55, %get3A_56] : memref<51200x64xf32, #tpu.memory_space<vmem>>, vector<1024x64xf32>
      %concatenate3A_58 = tpu.concatenate %get3A_57, %scan3A_51 in 1 : vector<1024x64xf32>, vector<1024x64xf32> -> vector<1024x128xf32>
      %dot_general3A_59 = arith.constant dense<0.000000e+00> : vector<1024x256xf32>
      %dot_general3A_60 = tpu.matmul %concatenate3A_58, %get3A_1, %dot_general3A_59 {dimension_numbers = #tpu.dot_dimension_numbers<[1], [0], [0], [1], [0, 0, 1, 1], [], []>, transpose_lhs_hint = false} : vector<1024x128xf32>, vector<128x256xf32>, vector<1024x256xf32> -> vector<1024x256xf32>
      %add3A_61 = vector.broadcast %get3A_4 : vector<1x256xf32> to vector<1024x256xf32>
      %add3A_62 = arith.addf %dot_general3A_60, %add3A_61 : vector<1024x256xf32>
      %split3A_63 = vector.extract_strided_slice %add3A_62 {offsets = [0, 0], sizes = [1024, 64], strides = [1, 1]} : vector<1024x256xf32> to vector<1024x64xf32>
      %split3A_64 = vector.extract_strided_slice %add3A_62 {offsets = [0, 64], sizes = [1024, 64], strides = [1, 1]} : vector<1024x256xf32> to vector<1024x64xf32>
      %split3A_65 = vector.extract_strided_slice %add3A_62 {offsets = [0, 128], sizes = [1024, 64], strides = [1, 1]} : vector<1024x256xf32> to vector<1024x64xf32>
      %split3A_66 = vector.extract_strided_slice %add3A_62 {offsets = [0, 192], sizes = [1024, 64], strides = [1, 1]} : vector<1024x256xf32> to vector<1024x64xf32>
      %logistic3A_67 = arith.negf %split3A_64 : vector<1024x64xf32>
      %logistic3A_68 = math.exp %logistic3A_67 : vector<1024x64xf32>
      %logistic3A_69 = arith.constant 1.000000e+00 : f32
      %logistic3A_70 = vector.broadcast %logistic3A_69 : f32 to vector<1024x64xf32>
      %logistic3A_71 = arith.addf %logistic3A_70, %logistic3A_68 : vector<1024x64xf32>
      %logistic3A_72 = arith.divf %logistic3A_70, %logistic3A_71 : vector<1024x64xf32>
      %mul3A_73 = arith.mulf %logistic3A_72, %scan3A_52 : vector<1024x64xf32>
      %logistic3A_74 = arith.negf %split3A_63 : vector<1024x64xf32>
      %logistic3A_75 = math.exp %logistic3A_74 : vector<1024x64xf32>
      %logistic3A_76 = arith.constant 1.000000e+00 : f32
      %logistic3A_77 = vector.broadcast %logistic3A_76 : f32 to vector<1024x64xf32>
      %logistic3A_78 = arith.addf %logistic3A_77, %logistic3A_75 : vector<1024x64xf32>
      %logistic3A_79 = arith.divf %logistic3A_77, %logistic3A_78 : vector<1024x64xf32>
      %tanh3A_80 = math.tanh %split3A_65 : vector<1024x64xf32>
      %mul3A_81 = arith.mulf %logistic3A_79, %tanh3A_80 : vector<1024x64xf32>
      %add3A_82 = arith.addf %mul3A_73, %mul3A_81 : vector<1024x64xf32>
      %logistic3A_83 = arith.negf %split3A_66 : vector<1024x64xf32>
      %logistic3A_84 = math.exp %logistic3A_83 : vector<1024x64xf32>
      %logistic3A_85 = arith.constant 1.000000e+00 : f32
      %logistic3A_86 = vector.broadcast %logistic3A_85 : f32 to vector<1024x64xf32>
      %logistic3A_87 = arith.addf %logistic3A_86, %logistic3A_84 : vector<1024x64xf32>
      %logistic3A_88 = arith.divf %logistic3A_86, %logistic3A_87 : vector<1024x64xf32>
      %tanh3A_89 = math.tanh %add3A_82 : vector<1024x64xf32>
      %mul3A_90 = arith.mulf %logistic3A_88, %tanh3A_89 : vector<1024x64xf32>
      %scan3A_91 = arith.constant 1 : i32
      %scan3A_92 = arith.addi %scan3A_50, %scan3A_91 : i32
      %mul3A_93 = arith.constant 1024 : i32
      %mul3A_94 = arith.muli %scan3A_92, %mul3A_93 : i32
      %get3A_95 = arith.index_cast %mul3A_94 : i32 to index
      %get3A_96 = arith.constant 0 : index
      %get3A_97 = vector.load %arg0[%get3A_95, %get3A_96] : memref<51200x64xf32, #tpu.memory_space<vmem>>, vector<1024x64xf32>
      %concatenate3A_98 = tpu.concatenate %get3A_97, %mul3A_90 in 1 : vector<1024x64xf32>, vector<1024x64xf32> -> vector<1024x128xf32>
      %dot_general3A_99 = arith.constant dense<0.000000e+00> : vector<1024x256xf32>
      %dot_general3A_100 = tpu.matmul %concatenate3A_98, %get3A_1, %dot_general3A_99 {dimension_numbers = #tpu.dot_dimension_numbers<[1], [0], [0], [1], [0, 0, 1, 1], [], []>, transpose_lhs_hint = false} : vector<1024x128xf32>, vector<128x256xf32>, vector<1024x256xf32> -> vector<1024x256xf32>
      %add3A_101 = vector.broadcast %get3A_4 : vector<1x256xf32> to vector<1024x256xf32>
      %add3A_102 = arith.addf %dot_general3A_100, %add3A_101 : vector<1024x256xf32>
      %split3A_103 = vector.extract_strided_slice %add3A_102 {offsets = [0, 0], sizes = [1024, 64], strides = [1, 1]} : vector<1024x256xf32> to vector<1024x64xf32>
      %split3A_104 = vector.extract_strided_slice %add3A_102 {offsets = [0, 64], sizes = [1024, 64], strides = [1, 1]} : vector<1024x256xf32> to vector<1024x64xf32>
      %split3A_105 = vector.extract_strided_slice %add3A_102 {offsets = [0, 128], sizes = [1024, 64], strides = [1, 1]} : vector<1024x256xf32> to vector<1024x64xf32>
      %split3A_106 = vector.extract_strided_slice %add3A_102 {offsets = [0, 192], sizes = [1024, 64], strides = [1, 1]} : vector<1024x256xf32> to vector<1024x64xf32>
      %logistic3A_107 = arith.negf %split3A_104 : vector<1024x64xf32>
      %logistic3A_108 = math.exp %logistic3A_107 : vector<1024x64xf32>
      %logistic3A_109 = arith.constant 1.000000e+00 : f32
      %logistic3A_110 = vector.broadcast %logistic3A_109 : f32 to vector<1024x64xf32>
      %logistic3A_111 = arith.addf %logistic3A_110, %logistic3A_108 : vector<1024x64xf32>
      %logistic3A_112 = arith.divf %logistic3A_110, %logistic3A_111 : vector<1024x64xf32>
      %mul3A_113 = arith.mulf %logistic3A_112, %add3A_82 : vector<1024x64xf32>
      %logistic3A_114 = arith.negf %split3A_103 : vector<1024x64xf32>
      %logistic3A_115 = math.exp %logistic3A_114 : vector<1024x64xf32>
      %logistic3A_116 = arith.constant 1.000000e+00 : f32
      %logistic3A_117 = vector.broadcast %logistic3A_116 : f32 to vector<1024x64xf32>
      %logistic3A_118 = arith.addf %logistic3A_117, %logistic3A_115 : vector<1024x64xf32>
      %logistic3A_119 = arith.divf %logistic3A_117, %logistic3A_118 : vector<1024x64xf32>
      %tanh3A_120 = math.tanh %split3A_105 : vector<1024x64xf32>
      %mul3A_121 = arith.mulf %logistic3A_119, %tanh3A_120 : vector<1024x64xf32>
      %add3A_122 = arith.addf %mul3A_113, %mul3A_121 : vector<1024x64xf32>
      %logistic3A_123 = arith.negf %split3A_106 : vector<1024x64xf32>
      %logistic3A_124 = math.exp %logistic3A_123 : vector<1024x64xf32>
      %logistic3A_125 = arith.constant 1.000000e+00 : f32
      %logistic3A_126 = vector.broadcast %logistic3A_125 : f32 to vector<1024x64xf32>
      %logistic3A_127 = arith.addf %logistic3A_126, %logistic3A_124 : vector<1024x64xf32>
      %logistic3A_128 = arith.divf %logistic3A_126, %logistic3A_127 : vector<1024x64xf32>
      %tanh3A_129 = math.tanh %add3A_122 : vector<1024x64xf32>
      %mul3A_130 = arith.mulf %logistic3A_128, %tanh3A_129 : vector<1024x64xf32>
      %scan3A_131 = arith.constant 2 : i32
      %scan3A_132 = arith.addi %scan3A_50, %scan3A_131 : i32
      %mul3A_133 = arith.constant 1024 : i32
      %mul3A_134 = arith.muli %scan3A_132, %mul3A_133 : i32
      %get3A_135 = arith.index_cast %mul3A_134 : i32 to index
      %get3A_136 = arith.constant 0 : index
      %get3A_137 = vector.load %arg0[%get3A_135, %get3A_136] : memref<51200x64xf32, #tpu.memory_space<vmem>>, vector<1024x64xf32>
      %concatenate3A_138 = tpu.concatenate %get3A_137, %mul3A_130 in 1 : vector<1024x64xf32>, vector<1024x64xf32> -> vector<1024x128xf32>
      %dot_general3A_139 = arith.constant dense<0.000000e+00> : vector<1024x256xf32>
      %dot_general3A_140 = tpu.matmul %concatenate3A_138, %get3A_1, %dot_general3A_139 {dimension_numbers = #tpu.dot_dimension_numbers<[1], [0], [0], [1], [0, 0, 1, 1], [], []>, transpose_lhs_hint = false} : vector<1024x128xf32>, vector<128x256xf32>, vector<1024x256xf32> -> vector<1024x256xf32>
      %add3A_141 = vector.broadcast %get3A_4 : vector<1x256xf32> to vector<1024x256xf32>
      %add3A_142 = arith.addf %dot_general3A_140, %add3A_141 : vector<1024x256xf32>
      %split3A_143 = vector.extract_strided_slice %add3A_142 {offsets = [0, 0], sizes = [1024, 64], strides = [1, 1]} : vector<1024x256xf32> to vector<1024x64xf32>
      %split3A_144 = vector.extract_strided_slice %add3A_142 {offsets = [0, 64], sizes = [1024, 64], strides = [1, 1]} : vector<1024x256xf32> to vector<1024x64xf32>
      %split3A_145 = vector.extract_strided_slice %add3A_142 {offsets = [0, 128], sizes = [1024, 64], strides = [1, 1]} : vector<1024x256xf32> to vector<1024x64xf32>
      %split3A_146 = vector.extract_strided_slice %add3A_142 {offsets = [0, 192], sizes = [1024, 64], strides = [1, 1]} : vector<1024x256xf32> to vector<1024x64xf32>
      %logistic3A_147 = arith.negf %split3A_144 : vector<1024x64xf32>
      %logistic3A_148 = math.exp %logistic3A_147 : vector<1024x64xf32>
      %logistic3A_149 = arith.constant 1.000000e+00 : f32
      %logistic3A_150 = vector.broadcast %logistic3A_149 : f32 to vector<1024x64xf32>
      %logistic3A_151 = arith.addf %logistic3A_150, %logistic3A_148 : vector<1024x64xf32>
      %logistic3A_152 = arith.divf %logistic3A_150, %logistic3A_151 : vector<1024x64xf32>
      %mul3A_153 = arith.mulf %logistic3A_152, %add3A_122 : vector<1024x64xf32>
      %logistic3A_154 = arith.negf %split3A_143 : vector<1024x64xf32>
      %logistic3A_155 = math.exp %logistic3A_154 : vector<1024x64xf32>
      %logistic3A_156 = arith.constant 1.000000e+00 : f32
      %logistic3A_157 = vector.broadcast %logistic3A_156 : f32 to vector<1024x64xf32>
      %logistic3A_158 = arith.addf %logistic3A_157, %logistic3A_155 : vector<1024x64xf32>
      %logistic3A_159 = arith.divf %logistic3A_157, %logistic3A_158 : vector<1024x64xf32>
      %tanh3A_160 = math.tanh %split3A_145 : vector<1024x64xf32>
      %mul3A_161 = arith.mulf %logistic3A_159, %tanh3A_160 : vector<1024x64xf32>
      %add3A_162 = arith.addf %mul3A_153, %mul3A_161 : vector<1024x64xf32>
      %logistic3A_163 = arith.negf %split3A_146 : vector<1024x64xf32>
      %logistic3A_164 = math.exp %logistic3A_163 : vector<1024x64xf32>
      %logistic3A_165 = arith.constant 1.000000e+00 : f32
      %logistic3A_166 = vector.broadcast %logistic3A_165 : f32 to vector<1024x64xf32>
      %logistic3A_167 = arith.addf %logistic3A_166, %logistic3A_164 : vector<1024x64xf32>
      %logistic3A_168 = arith.divf %logistic3A_166, %logistic3A_167 : vector<1024x64xf32>
      %tanh3A_169 = math.tanh %add3A_162 : vector<1024x64xf32>
      %mul3A_170 = arith.mulf %logistic3A_168, %tanh3A_169 : vector<1024x64xf32>
      %scan3A_171 = arith.constant 3 : i32
      %scan3A_172 = arith.addi %scan3A_50, %scan3A_171 : i32
      %mul3A_173 = arith.constant 1024 : i32
      %mul3A_174 = arith.muli %scan3A_172, %mul3A_173 : i32
      %get3A_175 = arith.index_cast %mul3A_174 : i32 to index
      %get3A_176 = arith.constant 0 : index
      %get3A_177 = vector.load %arg0[%get3A_175, %get3A_176] : memref<51200x64xf32, #tpu.memory_space<vmem>>, vector<1024x64xf32>
      %concatenate3A_178 = tpu.concatenate %get3A_177, %mul3A_170 in 1 : vector<1024x64xf32>, vector<1024x64xf32> -> vector<1024x128xf32>
      %dot_general3A_179 = arith.constant dense<0.000000e+00> : vector<1024x256xf32>
      %dot_general3A_180 = tpu.matmul %concatenate3A_178, %get3A_1, %dot_general3A_179 {dimension_numbers = #tpu.dot_dimension_numbers<[1], [0], [0], [1], [0, 0, 1, 1], [], []>, transpose_lhs_hint = false} : vector<1024x128xf32>, vector<128x256xf32>, vector<1024x256xf32> -> vector<1024x256xf32>
      %add3A_181 = vector.broadcast %get3A_4 : vector<1x256xf32> to vector<1024x256xf32>
      %add3A_182 = arith.addf %dot_general3A_180, %add3A_181 : vector<1024x256xf32>
      %split3A_183 = vector.extract_strided_slice %add3A_182 {offsets = [0, 0], sizes = [1024, 64], strides = [1, 1]} : vector<1024x256xf32> to vector<1024x64xf32>
      %split3A_184 = vector.extract_strided_slice %add3A_182 {offsets = [0, 64], sizes = [1024, 64], strides = [1, 1]} : vector<1024x256xf32> to vector<1024x64xf32>
      %split3A_185 = vector.extract_strided_slice %add3A_182 {offsets = [0, 128], sizes = [1024, 64], strides = [1, 1]} : vector<1024x256xf32> to vector<1024x64xf32>
      %split3A_186 = vector.extract_strided_slice %add3A_182 {offsets = [0, 192], sizes = [1024, 64], strides = [1, 1]} : vector<1024x256xf32> to vector<1024x64xf32>
      %logistic3A_187 = arith.negf %split3A_184 : vector<1024x64xf32>
      %logistic3A_188 = math.exp %logistic3A_187 : vector<1024x64xf32>
      %logistic3A_189 = arith.constant 1.000000e+00 : f32
      %logistic3A_190 = vector.broadcast %logistic3A_189 : f32 to vector<1024x64xf32>
      %logistic3A_191 = arith.addf %logistic3A_190, %logistic3A_188 : vector<1024x64xf32>
      %logistic3A_192 = arith.divf %logistic3A_190, %logistic3A_191 : vector<1024x64xf32>
      %mul3A_193 = arith.mulf %logistic3A_192, %add3A_162 : vector<1024x64xf32>
      %logistic3A_194 = arith.negf %split3A_183 : vector<1024x64xf32>
      %logistic3A_195 = math.exp %logistic3A_194 : vector<1024x64xf32>
      %logistic3A_196 = arith.constant 1.000000e+00 : f32
      %logistic3A_197 = vector.broadcast %logistic3A_196 : f32 to vector<1024x64xf32>
      %logistic3A_198 = arith.addf %logistic3A_197, %logistic3A_195 : vector<1024x64xf32>
      %logistic3A_199 = arith.divf %logistic3A_197, %logistic3A_198 : vector<1024x64xf32>
      %tanh3A_200 = math.tanh %split3A_185 : vector<1024x64xf32>
      %mul3A_201 = arith.mulf %logistic3A_199, %tanh3A_200 : vector<1024x64xf32>
      %add3A_202 = arith.addf %mul3A_193, %mul3A_201 : vector<1024x64xf32>
      %logistic3A_203 = arith.negf %split3A_186 : vector<1024x64xf32>
      %logistic3A_204 = math.exp %logistic3A_203 : vector<1024x64xf32>
      %logistic3A_205 = arith.constant 1.000000e+00 : f32
      %logistic3A_206 = vector.broadcast %logistic3A_205 : f32 to vector<1024x64xf32>
      %logistic3A_207 = arith.addf %logistic3A_206, %logistic3A_204 : vector<1024x64xf32>
      %logistic3A_208 = arith.divf %logistic3A_206, %logistic3A_207 : vector<1024x64xf32>
      %tanh3A_209 = math.tanh %add3A_202 : vector<1024x64xf32>
      %mul3A_210 = arith.mulf %logistic3A_208, %tanh3A_209 : vector<1024x64xf32>
      %scan3A_211 = arith.constant 4 : i32
      %scan3A_212 = arith.addi %scan3A_50, %scan3A_211 : i32
      %mul3A_213 = arith.constant 1024 : i32
      %mul3A_214 = arith.muli %scan3A_212, %mul3A_213 : i32
      %get3A_215 = arith.index_cast %mul3A_214 : i32 to index
      %get3A_216 = arith.constant 0 : index
      %get3A_217 = vector.load %arg0[%get3A_215, %get3A_216] : memref<51200x64xf32, #tpu.memory_space<vmem>>, vector<1024x64xf32>
      %concatenate3A_218 = tpu.concatenate %get3A_217, %mul3A_210 in 1 : vector<1024x64xf32>, vector<1024x64xf32> -> vector<1024x128xf32>
      %dot_general3A_219 = arith.constant dense<0.000000e+00> : vector<1024x256xf32>
      %dot_general3A_220 = tpu.matmul %concatenate3A_218, %get3A_1, %dot_general3A_219 {dimension_numbers = #tpu.dot_dimension_numbers<[1], [0], [0], [1], [0, 0, 1, 1], [], []>, transpose_lhs_hint = false} : vector<1024x128xf32>, vector<128x256xf32>, vector<1024x256xf32> -> vector<1024x256xf32>
      %add3A_221 = vector.broadcast %get3A_4 : vector<1x256xf32> to vector<1024x256xf32>
      %add3A_222 = arith.addf %dot_general3A_220, %add3A_221 : vector<1024x256xf32>
      %split3A_223 = vector.extract_strided_slice %add3A_222 {offsets = [0, 0], sizes = [1024, 64], strides = [1, 1]} : vector<1024x256xf32> to vector<1024x64xf32>
      %split3A_224 = vector.extract_strided_slice %add3A_222 {offsets = [0, 64], sizes = [1024, 64], strides = [1, 1]} : vector<1024x256xf32> to vector<1024x64xf32>
      %split3A_225 = vector.extract_strided_slice %add3A_222 {offsets = [0, 128], sizes = [1024, 64], strides = [1, 1]} : vector<1024x256xf32> to vector<1024x64xf32>
      %split3A_226 = vector.extract_strided_slice %add3A_222 {offsets = [0, 192], sizes = [1024, 64], strides = [1, 1]} : vector<1024x256xf32> to vector<1024x64xf32>
      %logistic3A_227 = arith.negf %split3A_224 : vector<1024x64xf32>
      %logistic3A_228 = math.exp %logistic3A_227 : vector<1024x64xf32>
      %logistic3A_229 = arith.constant 1.000000e+00 : f32
      %logistic3A_230 = vector.broadcast %logistic3A_229 : f32 to vector<1024x64xf32>
      %logistic3A_231 = arith.addf %logistic3A_230, %logistic3A_228 : vector<1024x64xf32>
      %logistic3A_232 = arith.divf %logistic3A_230, %logistic3A_231 : vector<1024x64xf32>
      %mul3A_233 = arith.mulf %logistic3A_232, %add3A_202 : vector<1024x64xf32>
      %logistic3A_234 = arith.negf %split3A_223 : vector<1024x64xf32>
      %logistic3A_235 = math.exp %logistic3A_234 : vector<1024x64xf32>
      %logistic3A_236 = arith.constant 1.000000e+00 : f32
      %logistic3A_237 = vector.broadcast %logistic3A_236 : f32 to vector<1024x64xf32>
      %logistic3A_238 = arith.addf %logistic3A_237, %logistic3A_235 : vector<1024x64xf32>
      %logistic3A_239 = arith.divf %logistic3A_237, %logistic3A_238 : vector<1024x64xf32>
      %tanh3A_240 = math.tanh %split3A_225 : vector<1024x64xf32>
      %mul3A_241 = arith.mulf %logistic3A_239, %tanh3A_240 : vector<1024x64xf32>
      %add3A_242 = arith.addf %mul3A_233, %mul3A_241 : vector<1024x64xf32>
      %logistic3A_243 = arith.negf %split3A_226 : vector<1024x64xf32>
      %logistic3A_244 = math.exp %logistic3A_243 : vector<1024x64xf32>
      %logistic3A_245 = arith.constant 1.000000e+00 : f32
      %logistic3A_246 = vector.broadcast %logistic3A_245 : f32 to vector<1024x64xf32>
      %logistic3A_247 = arith.addf %logistic3A_246, %logistic3A_244 : vector<1024x64xf32>
      %logistic3A_248 = arith.divf %logistic3A_246, %logistic3A_247 : vector<1024x64xf32>
      %tanh3A_249 = math.tanh %add3A_242 : vector<1024x64xf32>
      %mul3A_250 = arith.mulf %logistic3A_248, %tanh3A_249 : vector<1024x64xf32>
      %scan3A_251 = arith.constant 5 : i32
      %scan3A_252 = arith.addi %scan3A_50, %scan3A_251 : i32
      %mul3A_253 = arith.constant 1024 : i32
      %mul3A_254 = arith.muli %scan3A_252, %mul3A_253 : i32
      %get3A_255 = arith.index_cast %mul3A_254 : i32 to index
      %get3A_256 = arith.constant 0 : index
      %get3A_257 = vector.load %arg0[%get3A_255, %get3A_256] : memref<51200x64xf32, #tpu.memory_space<vmem>>, vector<1024x64xf32>
      %concatenate3A_258 = tpu.concatenate %get3A_257, %mul3A_250 in 1 : vector<1024x64xf32>, vector<1024x64xf32> -> vector<1024x128xf32>
      %dot_general3A_259 = arith.constant dense<0.000000e+00> : vector<1024x256xf32>
      %dot_general3A_260 = tpu.matmul %concatenate3A_258, %get3A_1, %dot_general3A_259 {dimension_numbers = #tpu.dot_dimension_numbers<[1], [0], [0], [1], [0, 0, 1, 1], [], []>, transpose_lhs_hint = false} : vector<1024x128xf32>, vector<128x256xf32>, vector<1024x256xf32> -> vector<1024x256xf32>
      %add3A_261 = vector.broadcast %get3A_4 : vector<1x256xf32> to vector<1024x256xf32>
      %add3A_262 = arith.addf %dot_general3A_260, %add3A_261 : vector<1024x256xf32>
      %split3A_263 = vector.extract_strided_slice %add3A_262 {offsets = [0, 0], sizes = [1024, 64], strides = [1, 1]} : vector<1024x256xf32> to vector<1024x64xf32>
      %split3A_264 = vector.extract_strided_slice %add3A_262 {offsets = [0, 64], sizes = [1024, 64], strides = [1, 1]} : vector<1024x256xf32> to vector<1024x64xf32>
      %split3A_265 = vector.extract_strided_slice %add3A_262 {offsets = [0, 128], sizes = [1024, 64], strides = [1, 1]} : vector<1024x256xf32> to vector<1024x64xf32>
      %split3A_266 = vector.extract_strided_slice %add3A_262 {offsets = [0, 192], sizes = [1024, 64], strides = [1, 1]} : vector<1024x256xf32> to vector<1024x64xf32>
      %logistic3A_267 = arith.negf %split3A_264 : vector<1024x64xf32>
      %logistic3A_268 = math.exp %logistic3A_267 : vector<1024x64xf32>
      %logistic3A_269 = arith.constant 1.000000e+00 : f32
      %logistic3A_270 = vector.broadcast %logistic3A_269 : f32 to vector<1024x64xf32>
      %logistic3A_271 = arith.addf %logistic3A_270, %logistic3A_268 : vector<1024x64xf32>
      %logistic3A_272 = arith.divf %logistic3A_270, %logistic3A_271 : vector<1024x64xf32>
      %mul3A_273 = arith.mulf %logistic3A_272, %add3A_242 : vector<1024x64xf32>
      %logistic3A_274 = arith.negf %split3A_263 : vector<1024x64xf32>
      %logistic3A_275 = math.exp %logistic3A_274 : vector<1024x64xf32>
      %logistic3A_276 = arith.constant 1.000000e+00 : f32
      %logistic3A_277 = vector.broadcast %logistic3A_276 : f32 to vector<1024x64xf32>
      %logistic3A_278 = arith.addf %logistic3A_277, %logistic3A_275 : vector<1024x64xf32>
      %logistic3A_279 = arith.divf %logistic3A_277, %logistic3A_278 : vector<1024x64xf32>
      %tanh3A_280 = math.tanh %split3A_265 : vector<1024x64xf32>
      %mul3A_281 = arith.mulf %logistic3A_279, %tanh3A_280 : vector<1024x64xf32>
      %add3A_282 = arith.addf %mul3A_273, %mul3A_281 : vector<1024x64xf32>
      %logistic3A_283 = arith.negf %split3A_266 : vector<1024x64xf32>
      %logistic3A_284 = math.exp %logistic3A_283 : vector<1024x64xf32>
      %logistic3A_285 = arith.constant 1.000000e+00 : f32
      %logistic3A_286 = vector.broadcast %logistic3A_285 : f32 to vector<1024x64xf32>
      %logistic3A_287 = arith.addf %logistic3A_286, %logistic3A_284 : vector<1024x64xf32>
      %logistic3A_288 = arith.divf %logistic3A_286, %logistic3A_287 : vector<1024x64xf32>
      %tanh3A_289 = math.tanh %add3A_282 : vector<1024x64xf32>
      %mul3A_290 = arith.mulf %logistic3A_288, %tanh3A_289 : vector<1024x64xf32>
      %scan3A_291 = arith.constant 6 : i32
      %scan3A_292 = arith.addi %scan3A_50, %scan3A_291 : i32
      %mul3A_293 = arith.constant 1024 : i32
      %mul3A_294 = arith.muli %scan3A_292, %mul3A_293 : i32
      %get3A_295 = arith.index_cast %mul3A_294 : i32 to index
      %get3A_296 = arith.constant 0 : index
      %get3A_297 = vector.load %arg0[%get3A_295, %get3A_296] : memref<51200x64xf32, #tpu.memory_space<vmem>>, vector<1024x64xf32>
      %concatenate3A_298 = tpu.concatenate %get3A_297, %mul3A_290 in 1 : vector<1024x64xf32>, vector<1024x64xf32> -> vector<1024x128xf32>
      %dot_general3A_299 = arith.constant dense<0.000000e+00> : vector<1024x256xf32>
      %dot_general3A_300 = tpu.matmul %concatenate3A_298, %get3A_1, %dot_general3A_299 {dimension_numbers = #tpu.dot_dimension_numbers<[1], [0], [0], [1], [0, 0, 1, 1], [], []>, transpose_lhs_hint = false} : vector<1024x128xf32>, vector<128x256xf32>, vector<1024x256xf32> -> vector<1024x256xf32>
      %add3A_301 = vector.broadcast %get3A_4 : vector<1x256xf32> to vector<1024x256xf32>
      %add3A_302 = arith.addf %dot_general3A_300, %add3A_301 : vector<1024x256xf32>
      %split3A_303 = vector.extract_strided_slice %add3A_302 {offsets = [0, 0], sizes = [1024, 64], strides = [1, 1]} : vector<1024x256xf32> to vector<1024x64xf32>
      %split3A_304 = vector.extract_strided_slice %add3A_302 {offsets = [0, 64], sizes = [1024, 64], strides = [1, 1]} : vector<1024x256xf32> to vector<1024x64xf32>
      %split3A_305 = vector.extract_strided_slice %add3A_302 {offsets = [0, 128], sizes = [1024, 64], strides = [1, 1]} : vector<1024x256xf32> to vector<1024x64xf32>
      %split3A_306 = vector.extract_strided_slice %add3A_302 {offsets = [0, 192], sizes = [1024, 64], strides = [1, 1]} : vector<1024x256xf32> to vector<1024x64xf32>
      %logistic3A_307 = arith.negf %split3A_304 : vector<1024x64xf32>
      %logistic3A_308 = math.exp %logistic3A_307 : vector<1024x64xf32>
      %logistic3A_309 = arith.constant 1.000000e+00 : f32
      %logistic3A_310 = vector.broadcast %logistic3A_309 : f32 to vector<1024x64xf32>
      %logistic3A_311 = arith.addf %logistic3A_310, %logistic3A_308 : vector<1024x64xf32>
      %logistic3A_312 = arith.divf %logistic3A_310, %logistic3A_311 : vector<1024x64xf32>
      %mul3A_313 = arith.mulf %logistic3A_312, %add3A_282 : vector<1024x64xf32>
      %logistic3A_314 = arith.negf %split3A_303 : vector<1024x64xf32>
      %logistic3A_315 = math.exp %logistic3A_314 : vector<1024x64xf32>
      %logistic3A_316 = arith.constant 1.000000e+00 : f32
      %logistic3A_317 = vector.broadcast %logistic3A_316 : f32 to vector<1024x64xf32>
      %logistic3A_318 = arith.addf %logistic3A_317, %logistic3A_315 : vector<1024x64xf32>
      %logistic3A_319 = arith.divf %logistic3A_317, %logistic3A_318 : vector<1024x64xf32>
      %tanh3A_320 = math.tanh %split3A_305 : vector<1024x64xf32>
      %mul3A_321 = arith.mulf %logistic3A_319, %tanh3A_320 : vector<1024x64xf32>
      %add3A_322 = arith.addf %mul3A_313, %mul3A_321 : vector<1024x64xf32>
      %logistic3A_323 = arith.negf %split3A_306 : vector<1024x64xf32>
      %logistic3A_324 = math.exp %logistic3A_323 : vector<1024x64xf32>
      %logistic3A_325 = arith.constant 1.000000e+00 : f32
      %logistic3A_326 = vector.broadcast %logistic3A_325 : f32 to vector<1024x64xf32>
      %logistic3A_327 = arith.addf %logistic3A_326, %logistic3A_324 : vector<1024x64xf32>
      %logistic3A_328 = arith.divf %logistic3A_326, %logistic3A_327 : vector<1024x64xf32>
      %tanh3A_329 = math.tanh %add3A_322 : vector<1024x64xf32>
      %mul3A_330 = arith.mulf %logistic3A_328, %tanh3A_329 : vector<1024x64xf32>
      %scan3A_331 = arith.constant 7 : i32
      %scan3A_332 = arith.addi %scan3A_50, %scan3A_331 : i32
      %mul3A_333 = arith.constant 1024 : i32
      %mul3A_334 = arith.muli %scan3A_332, %mul3A_333 : i32
      %get3A_335 = arith.index_cast %mul3A_334 : i32 to index
      %get3A_336 = arith.constant 0 : index
      %get3A_337 = vector.load %arg0[%get3A_335, %get3A_336] : memref<51200x64xf32, #tpu.memory_space<vmem>>, vector<1024x64xf32>
      %concatenate3A_338 = tpu.concatenate %get3A_337, %mul3A_330 in 1 : vector<1024x64xf32>, vector<1024x64xf32> -> vector<1024x128xf32>
      %dot_general3A_339 = arith.constant dense<0.000000e+00> : vector<1024x256xf32>
      %dot_general3A_340 = tpu.matmul %concatenate3A_338, %get3A_1, %dot_general3A_339 {dimension_numbers = #tpu.dot_dimension_numbers<[1], [0], [0], [1], [0, 0, 1, 1], [], []>, transpose_lhs_hint = false} : vector<1024x128xf32>, vector<128x256xf32>, vector<1024x256xf32> -> vector<1024x256xf32>
      %add3A_341 = vector.broadcast %get3A_4 : vector<1x256xf32> to vector<1024x256xf32>
      %add3A_342 = arith.addf %dot_general3A_340, %add3A_341 : vector<1024x256xf32>
      %split3A_343 = vector.extract_strided_slice %add3A_342 {offsets = [0, 0], sizes = [1024, 64], strides = [1, 1]} : vector<1024x256xf32> to vector<1024x64xf32>
      %split3A_344 = vector.extract_strided_slice %add3A_342 {offsets = [0, 64], sizes = [1024, 64], strides = [1, 1]} : vector<1024x256xf32> to vector<1024x64xf32>
      %split3A_345 = vector.extract_strided_slice %add3A_342 {offsets = [0, 128], sizes = [1024, 64], strides = [1, 1]} : vector<1024x256xf32> to vector<1024x64xf32>
      %split3A_346 = vector.extract_strided_slice %add3A_342 {offsets = [0, 192], sizes = [1024, 64], strides = [1, 1]} : vector<1024x256xf32> to vector<1024x64xf32>
      %logistic3A_347 = arith.negf %split3A_344 : vector<1024x64xf32>
      %logistic3A_348 = math.exp %logistic3A_347 : vector<1024x64xf32>
      %logistic3A_349 = arith.constant 1.000000e+00 : f32
      %logistic3A_350 = vector.broadcast %logistic3A_349 : f32 to vector<1024x64xf32>
      %logistic3A_351 = arith.addf %logistic3A_350, %logistic3A_348 : vector<1024x64xf32>
      %logistic3A_352 = arith.divf %logistic3A_350, %logistic3A_351 : vector<1024x64xf32>
      %mul3A_353 = arith.mulf %logistic3A_352, %add3A_322 : vector<1024x64xf32>
      %logistic3A_354 = arith.negf %split3A_343 : vector<1024x64xf32>
      %logistic3A_355 = math.exp %logistic3A_354 : vector<1024x64xf32>
      %logistic3A_356 = arith.constant 1.000000e+00 : f32
      %logistic3A_357 = vector.broadcast %logistic3A_356 : f32 to vector<1024x64xf32>
      %logistic3A_358 = arith.addf %logistic3A_357, %logistic3A_355 : vector<1024x64xf32>
      %logistic3A_359 = arith.divf %logistic3A_357, %logistic3A_358 : vector<1024x64xf32>
      %tanh3A_360 = math.tanh %split3A_345 : vector<1024x64xf32>
      %mul3A_361 = arith.mulf %logistic3A_359, %tanh3A_360 : vector<1024x64xf32>
      %add3A_362 = arith.addf %mul3A_353, %mul3A_361 : vector<1024x64xf32>
      %logistic3A_363 = arith.negf %split3A_346 : vector<1024x64xf32>
      %logistic3A_364 = math.exp %logistic3A_363 : vector<1024x64xf32>
      %logistic3A_365 = arith.constant 1.000000e+00 : f32
      %logistic3A_366 = vector.broadcast %logistic3A_365 : f32 to vector<1024x64xf32>
      %logistic3A_367 = arith.addf %logistic3A_366, %logistic3A_364 : vector<1024x64xf32>
      %logistic3A_368 = arith.divf %logistic3A_366, %logistic3A_367 : vector<1024x64xf32>
      %tanh3A_369 = math.tanh %add3A_362 : vector<1024x64xf32>
      %mul3A_370 = arith.mulf %logistic3A_368, %tanh3A_369 : vector<1024x64xf32>
      %scan3A_371 = arith.constant 8 : i32
      %scan3A_372 = arith.addi %scan3A_50, %scan3A_371 : i32
      %mul3A_373 = arith.constant 1024 : i32
      %mul3A_374 = arith.muli %scan3A_372, %mul3A_373 : i32
      %get3A_375 = arith.index_cast %mul3A_374 : i32 to index
      %get3A_376 = arith.constant 0 : index
      %get3A_377 = vector.load %arg0[%get3A_375, %get3A_376] : memref<51200x64xf32, #tpu.memory_space<vmem>>, vector<1024x64xf32>
      %concatenate3A_378 = tpu.concatenate %get3A_377, %mul3A_370 in 1 : vector<1024x64xf32>, vector<1024x64xf32> -> vector<1024x128xf32>
      %dot_general3A_379 = arith.constant dense<0.000000e+00> : vector<1024x256xf32>
      %dot_general3A_380 = tpu.matmul %concatenate3A_378, %get3A_1, %dot_general3A_379 {dimension_numbers = #tpu.dot_dimension_numbers<[1], [0], [0], [1], [0, 0, 1, 1], [], []>, transpose_lhs_hint = false} : vector<1024x128xf32>, vector<128x256xf32>, vector<1024x256xf32> -> vector<1024x256xf32>
      %add3A_381 = vector.broadcast %get3A_4 : vector<1x256xf32> to vector<1024x256xf32>
      %add3A_382 = arith.addf %dot_general3A_380, %add3A_381 : vector<1024x256xf32>
      %split3A_383 = vector.extract_strided_slice %add3A_382 {offsets = [0, 0], sizes = [1024, 64], strides = [1, 1]} : vector<1024x256xf32> to vector<1024x64xf32>
      %split3A_384 = vector.extract_strided_slice %add3A_382 {offsets = [0, 64], sizes = [1024, 64], strides = [1, 1]} : vector<1024x256xf32> to vector<1024x64xf32>
      %split3A_385 = vector.extract_strided_slice %add3A_382 {offsets = [0, 128], sizes = [1024, 64], strides = [1, 1]} : vector<1024x256xf32> to vector<1024x64xf32>
      %split3A_386 = vector.extract_strided_slice %add3A_382 {offsets = [0, 192], sizes = [1024, 64], strides = [1, 1]} : vector<1024x256xf32> to vector<1024x64xf32>
      %logistic3A_387 = arith.negf %split3A_384 : vector<1024x64xf32>
      %logistic3A_388 = math.exp %logistic3A_387 : vector<1024x64xf32>
      %logistic3A_389 = arith.constant 1.000000e+00 : f32
      %logistic3A_390 = vector.broadcast %logistic3A_389 : f32 to vector<1024x64xf32>
      %logistic3A_391 = arith.addf %logistic3A_390, %logistic3A_388 : vector<1024x64xf32>
      %logistic3A_392 = arith.divf %logistic3A_390, %logistic3A_391 : vector<1024x64xf32>
      %mul3A_393 = arith.mulf %logistic3A_392, %add3A_362 : vector<1024x64xf32>
      %logistic3A_394 = arith.negf %split3A_383 : vector<1024x64xf32>
      %logistic3A_395 = math.exp %logistic3A_394 : vector<1024x64xf32>
      %logistic3A_396 = arith.constant 1.000000e+00 : f32
      %logistic3A_397 = vector.broadcast %logistic3A_396 : f32 to vector<1024x64xf32>
      %logistic3A_398 = arith.addf %logistic3A_397, %logistic3A_395 : vector<1024x64xf32>
      %logistic3A_399 = arith.divf %logistic3A_397, %logistic3A_398 : vector<1024x64xf32>
      %tanh3A_400 = math.tanh %split3A_385 : vector<1024x64xf32>
      %mul3A_401 = arith.mulf %logistic3A_399, %tanh3A_400 : vector<1024x64xf32>
      %add3A_402 = arith.addf %mul3A_393, %mul3A_401 : vector<1024x64xf32>
      %logistic3A_403 = arith.negf %split3A_386 : vector<1024x64xf32>
      %logistic3A_404 = math.exp %logistic3A_403 : vector<1024x64xf32>
      %logistic3A_405 = arith.constant 1.000000e+00 : f32
      %logistic3A_406 = vector.broadcast %logistic3A_405 : f32 to vector<1024x64xf32>
      %logistic3A_407 = arith.addf %logistic3A_406, %logistic3A_404 : vector<1024x64xf32>
      %logistic3A_408 = arith.divf %logistic3A_406, %logistic3A_407 : vector<1024x64xf32>
      %tanh3A_409 = math.tanh %add3A_402 : vector<1024x64xf32>
      %mul3A_410 = arith.mulf %logistic3A_408, %tanh3A_409 : vector<1024x64xf32>
      %scan3A_411 = arith.constant 9 : i32
      %scan3A_412 = arith.addi %scan3A_50, %scan3A_411 : i32
      %mul3A_413 = arith.constant 1024 : i32
      %mul3A_414 = arith.muli %scan3A_412, %mul3A_413 : i32
      %get3A_415 = arith.index_cast %mul3A_414 : i32 to index
      %get3A_416 = arith.constant 0 : index
      %get3A_417 = vector.load %arg0[%get3A_415, %get3A_416] : memref<51200x64xf32, #tpu.memory_space<vmem>>, vector<1024x64xf32>
      %concatenate3A_418 = tpu.concatenate %get3A_417, %mul3A_410 in 1 : vector<1024x64xf32>, vector<1024x64xf32> -> vector<1024x128xf32>
      %dot_general3A_419 = arith.constant dense<0.000000e+00> : vector<1024x256xf32>
      %dot_general3A_420 = tpu.matmul %concatenate3A_418, %get3A_1, %dot_general3A_419 {dimension_numbers = #tpu.dot_dimension_numbers<[1], [0], [0], [1], [0, 0, 1, 1], [], []>, transpose_lhs_hint = false} : vector<1024x128xf32>, vector<128x256xf32>, vector<1024x256xf32> -> vector<1024x256xf32>
      %add3A_421 = vector.broadcast %get3A_4 : vector<1x256xf32> to vector<1024x256xf32>
      %add3A_422 = arith.addf %dot_general3A_420, %add3A_421 : vector<1024x256xf32>
      %split3A_423 = vector.extract_strided_slice %add3A_422 {offsets = [0, 0], sizes = [1024, 64], strides = [1, 1]} : vector<1024x256xf32> to vector<1024x64xf32>
      %split3A_424 = vector.extract_strided_slice %add3A_422 {offsets = [0, 64], sizes = [1024, 64], strides = [1, 1]} : vector<1024x256xf32> to vector<1024x64xf32>
      %split3A_425 = vector.extract_strided_slice %add3A_422 {offsets = [0, 128], sizes = [1024, 64], strides = [1, 1]} : vector<1024x256xf32> to vector<1024x64xf32>
      %split3A_426 = vector.extract_strided_slice %add3A_422 {offsets = [0, 192], sizes = [1024, 64], strides = [1, 1]} : vector<1024x256xf32> to vector<1024x64xf32>
      %logistic3A_427 = arith.negf %split3A_424 : vector<1024x64xf32>
      %logistic3A_428 = math.exp %logistic3A_427 : vector<1024x64xf32>
      %logistic3A_429 = arith.constant 1.000000e+00 : f32
      %logistic3A_430 = vector.broadcast %logistic3A_429 : f32 to vector<1024x64xf32>
      %logistic3A_431 = arith.addf %logistic3A_430, %logistic3A_428 : vector<1024x64xf32>
      %logistic3A_432 = arith.divf %logistic3A_430, %logistic3A_431 : vector<1024x64xf32>
      %mul3A_433 = arith.mulf %logistic3A_432, %add3A_402 : vector<1024x64xf32>
      %logistic3A_434 = arith.negf %split3A_423 : vector<1024x64xf32>
      %logistic3A_435 = math.exp %logistic3A_434 : vector<1024x64xf32>
      %logistic3A_436 = arith.constant 1.000000e+00 : f32
      %logistic3A_437 = vector.broadcast %logistic3A_436 : f32 to vector<1024x64xf32>
      %logistic3A_438 = arith.addf %logistic3A_437, %logistic3A_435 : vector<1024x64xf32>
      %logistic3A_439 = arith.divf %logistic3A_437, %logistic3A_438 : vector<1024x64xf32>
      %tanh3A_440 = math.tanh %split3A_425 : vector<1024x64xf32>
      %mul3A_441 = arith.mulf %logistic3A_439, %tanh3A_440 : vector<1024x64xf32>
      %add3A_442 = arith.addf %mul3A_433, %mul3A_441 : vector<1024x64xf32>
      %logistic3A_443 = arith.negf %split3A_426 : vector<1024x64xf32>
      %logistic3A_444 = math.exp %logistic3A_443 : vector<1024x64xf32>
      %logistic3A_445 = arith.constant 1.000000e+00 : f32
      %logistic3A_446 = vector.broadcast %logistic3A_445 : f32 to vector<1024x64xf32>
      %logistic3A_447 = arith.addf %logistic3A_446, %logistic3A_444 : vector<1024x64xf32>
      %logistic3A_448 = arith.divf %logistic3A_446, %logistic3A_447 : vector<1024x64xf32>
      %tanh3A_449 = math.tanh %add3A_442 : vector<1024x64xf32>
      %mul3A_450 = arith.mulf %logistic3A_448, %tanh3A_449 : vector<1024x64xf32>
      scf.yield %mul3A_450, %add3A_442 : vector<1024x64xf32>, vector<1024x64xf32>
    }
    %scan3A_10 = arith.constant 50 : i32
    %get3A_11 = arith.constant 50176 : index
    %get3A_12 = arith.constant 0 : index
    %get3A_13 = vector.load %arg0[%get3A_11, %get3A_12] : memref<51200x64xf32, #tpu.memory_space<vmem>>, vector<1024x64xf32>
    %get3A_14 = arith.constant 0 : index
    %get3A_15 = arith.constant 0 : index
    %get3A_16 = vector.load %arg3[%get3A_14, %get3A_15] : memref<64x256xf32, #tpu.memory_space<vmem>>, vector<64x256xf32>
    %dot_general3A = arith.constant dense<0.000000e+00> : vector<1024x256xf32>
    %dot_general3A_17 = tpu.matmul %get3A_13, %get3A_16, %dot_general3A {dimension_numbers = #tpu.dot_dimension_numbers<[1], [0], [0], [1], [0, 0, 1, 1], [], []>, transpose_lhs_hint = false} : vector<1024x64xf32>, vector<64x256xf32>, vector<1024x256xf32> -> vector<1024x256xf32>
    %get3A_18 = arith.constant 0 : index
    %get3A_19 = arith.constant 0 : index
    %get3A_20 = vector.load %arg4[%get3A_18, %get3A_19] : memref<1x256xf32, #tpu.memory_space<vmem>>, vector<1x256xf32>
    %add3A = vector.broadcast %get3A_20 : vector<1x256xf32> to vector<1024x256xf32>
    %add3A_21 = arith.addf %dot_general3A_17, %add3A : vector<1024x256xf32>
    %split3A = vector.extract_strided_slice %add3A_21 {offsets = [0, 0], sizes = [1024, 64], strides = [1, 1]} : vector<1024x256xf32> to vector<1024x64xf32>
    %split3A_22 = vector.extract_strided_slice %add3A_21 {offsets = [0, 64], sizes = [1024, 64], strides = [1, 1]} : vector<1024x256xf32> to vector<1024x64xf32>
    %split3A_23 = vector.extract_strided_slice %add3A_21 {offsets = [0, 128], sizes = [1024, 64], strides = [1, 1]} : vector<1024x256xf32> to vector<1024x64xf32>
    %split3A_24 = vector.extract_strided_slice %add3A_21 {offsets = [0, 192], sizes = [1024, 64], strides = [1, 1]} : vector<1024x256xf32> to vector<1024x64xf32>
    %logistic3A = arith.negf %split3A : vector<1024x64xf32>
    %logistic3A_25 = math.exp %logistic3A : vector<1024x64xf32>
    %logistic3A_26 = arith.constant 1.000000e+00 : f32
    %logistic3A_27 = vector.broadcast %logistic3A_26 : f32 to vector<1024x64xf32>
    %logistic3A_28 = arith.addf %logistic3A_27, %logistic3A_25 : vector<1024x64xf32>
    %logistic3A_29 = arith.divf %logistic3A_27, %logistic3A_28 : vector<1024x64xf32>
    %tanh3A = math.tanh %split3A_23 : vector<1024x64xf32>
    %mul3A = arith.mulf %logistic3A_29, %tanh3A : vector<1024x64xf32>
    %logistic3A_30 = arith.negf %split3A_24 : vector<1024x64xf32>
    %logistic3A_31 = math.exp %logistic3A_30 : vector<1024x64xf32>
    %logistic3A_32 = arith.constant 1.000000e+00 : f32
    %logistic3A_33 = vector.broadcast %logistic3A_32 : f32 to vector<1024x64xf32>
    %logistic3A_34 = arith.addf %logistic3A_33, %logistic3A_31 : vector<1024x64xf32>
    %logistic3A_35 = arith.divf %logistic3A_33, %logistic3A_34 : vector<1024x64xf32>
    %tanh3A_36 = math.tanh %mul3A : vector<1024x64xf32>
    %mul3A_37 = arith.mulf %logistic3A_35, %tanh3A_36 : vector<1024x64xf32>
    %concatenate3A = tpu.concatenate %scan3A_9#0, %mul3A_37 in 1 : vector<1024x64xf32>, vector<1024x64xf32> -> vector<1024x128xf32>
    %get3A_38 = arith.constant 0 : index
    %get3A_39 = arith.constant 0 : index
    %get3A_40 = vector.load %arg5[%get3A_38, %get3A_39] : memref<128x2xf32, #tpu.memory_space<vmem>>, vector<128x2xf32>
    %dot_general3A_41 = arith.constant dense<0.000000e+00> : vector<1024x2xf32>
    %dot_general3A_42 = tpu.matmul %concatenate3A, %get3A_40, %dot_general3A_41 {dimension_numbers = #tpu.dot_dimension_numbers<[1], [0], [0], [1], [0, 0, 1, 1], [], []>, transpose_lhs_hint = false} : vector<1024x128xf32>, vector<128x2xf32>, vector<1024x2xf32> -> vector<1024x2xf32>
    %get3A_43 = arith.constant 0 : index
    %get3A_44 = arith.constant 0 : index
    %get3A_45 = vector.load %arg6[%get3A_43, %get3A_44] : memref<1x2xf32, #tpu.memory_space<vmem>>, vector<1x2xf32>
    %add3A_46 = vector.broadcast %get3A_45 : vector<1x2xf32> to vector<1024x2xf32>
    %add3A_47 = arith.addf %dot_general3A_42, %add3A_46 : vector<1024x2xf32>
    %swap3A = arith.constant 0 : index
    %swap3A_48 = arith.constant 0 : index
    %swap3A_49 = vector.load %arg7[%swap3A, %swap3A_48] : memref<1024x2xf32, #tpu.memory_space<vmem>>, vector<1024x2xf32>
    tpu.vector_store %arg7[%swap3A, %swap3A_48], %add3A_47 {strides = array<i32>} : memref<1024x2xf32, #tpu.memory_space<vmem>>, vector<1024x2xf32>,
    return
  }
}

</mosaic_0001>

<sc_bundles>
// kernel: kernel.5.cloned.1.call-start
scs
__scs_entry_jumppad:
0x0: {  	(pc) =	sbr.rel $0x88, $3  }
0x1: {  	(tag) =	ssettag $0x0;
	lr =	simm.s32 $0x1  }
0x2: {  	[smem:$0x3F96] =	sst lr;
	_ =	strace $0xD0000000  }
0x3: {  	_ = 	snop  }
0x4: {  	_ = 	snop  }
0x5: {  	_ = 	snop  }
0x6: {  	_ = 	snop  }
0x7: {  	_ = 	snop  }
__scs_overlays_trampoline_lowered:
0x8: {  	[smem:$0x3FA5] =	sst s0  }
0x9: {  	[smem:$0x3FA6] =	sst s1  }
0xa: {  	[smem:$0x3FA7] =	sst s2  }
0xb: {  	[smem:$0x3FA8] =	sst s3  }
0xc: {  	[smem:$0x3FA9] =	sst s4  }
0xd: {  	[smem:$0x3FAA] =	sst s5  }
0xe: {  	[smem:$0x3FAB] =	sst s6  }
0xf: {  	[smem:$0x3FAC] =	sst s7  }
0x10: {  	[smem:$0x3FAD] =	sst s8  }
0x11: {  	[smem:$0x3FAE] =	sst s9;
	s0 =	simm.s32 @!p0 $0x0  }
0x12: {  	s1 =	sld [smem:$0x3F94];
	s0 =	simm.s32 @p0 $0x1  }
0x13: {  	[smem:$0x3FAF] =	sst s0;
	s0 =	simm.s32 @!p1 $0x0  }
0x14: {  	s2 =	sld [smem:$0x3F93];
	s0 =	simm.s32 @p1 $0x1  }
0x15: {  	[smem:$0x3FB0] =	sst s0;
	s0 =	simm.s32 @!p2 $0x0  }
0x16: {  	s3 =	sld [smem:$0x3FDB];
	s0 =	simm.s32 @p2 $0x1  }
0x17: {  	s4 =	simm.s32 $0x1BF5;
	[smem:$0x3FB2] =	sst s0  }
0x18: {  	s0 =	sld [smem:$0x3F95];
	_ =	swait.ge [sflag:s4], $0x0  }
0x19: {  	s7 =	sld [smem:$0x3F96]  }
0x1a: {  	s8 =	sadd.s32 $0xFFFFE003, lr  }
0x1b: {  	s9 =	sadd.s32 $0xFFFFFEF7, lr;
	s5 =	simm.s32 $0xFFFFFFFF;
	p2 =	slt.u32 s8, $0xFFFFF086  }
0x1c: {  	p1 =	slt.u32 s9, $0xF7A;
	s5 =	simm.s32 @!p2 $0x0  }
0x1d: {  	s5 =	simm.s32 @p1 $0x1;
	p0 =	seq.s32 s7, s2  }
0x1e: {  	s7 =	smul.u32 @!p0 $0xF7A, s2;
	p2 =	seq.s32 @!p0 s5, $0x0  }
0x1f: {  	s9 =	smul.u32 $0xF7A, s1;
	s8 =	simm.s32 @!p0 $0x1BF5;
	p2 =	por !p2, p0  }
0x20: {  	[sflag:s8] =	ssyncset.s32 @!p0 $0xFFFFF086;
	s6 =	sadd.s32 @!p0 s3, s7;
	s7 =	simm.s32 @!p0 $0x108  }
0x21: {  	s3 =	sadd.s32 s3, s9;
	s6 =	sadd.s32 @!p0 $0x88, s6;
	s7 =	simm.s32 @p2 $0x1082  }
0x22: {  	[simem:s7], [sflag:s8] =	dma.local @!p0 [hbm:s6], $0xF7A  }
0x23: {  	s9 =	sor.u32 $0xD0000000, s2;
	s6 =	simm.s32 $0x108;
	_ =	swait.ge @!p0 [sflag:s8], $0x0  }
0x24: {  	s3 =	sadd.s32 $0x88, s3;
	s6 =	simm.s32 @!p1 $0x1082;
	[sflag:s4] =	ssyncset.s32 $0xFFFFF086  }
0x25: {  	[simem:s6], [sflag:s4] =	dma.local [hbm:s3], $0xF7A  }
0x26: {  	[smem:$0x3F96] =	sst s1;
	(tag) =	ssettag s2;
	_ =	strace s9  }
0x27: {  	s1 =	sld [smem:$0x3FA6]  }
0x28: {  	s2 =	sld [smem:$0x3FA7]  }
0x29: {  	s4 =	sld [smem:$0x3FA9]  }
0x2a: {  	p0 =	seq.s32 s5, $0x0;
	s5 =	sld [smem:$0x3FAA]  }
0x2b: {  	s6 =	sld [smem:$0x3FAB]  }
0x2c: {  	s7 =	sld [smem:$0x3FAC]  }
0x2d: {  	s3 =	simm.s32 $0x108;
	s8 =	sld [smem:$0x3FAD]  }
0x2e: {  	s3 =	simm.s32 @!p0 $0x1082;
	s9 =	sld [smem:$0x3FAE]  }
0x2f: {  	lr =	sadd.s32 s0, s3;
	s0 =	sld [smem:$0x3FA5]  }
0x30: {  	s3 =	sld [smem:$0x3FA8]  }
0x31: {  	[smem:$0x3FB1] =	sst s10  }
0x32: {  	s10 =	sld [smem:$0x3FAF];
	_ =	sdelay $0x3  }
0x33: {  	p0 =	seq.s32 s10, $0x1;
	s10 =	sld [smem:$0x3FB1];
	_ =	sdelay $0x3  }
0x34: {  	[smem:$0x3FB1] =	sst s10  }
0x35: {  	s10 =	sld [smem:$0x3FB0];
	_ =	sdelay $0x3  }
0x36: {  	p1 =	seq.s32 s10, $0x1;
	s10 =	sld [smem:$0x3FB1];
	_ =	sdelay $0x3  }
0x37: {  	[smem:$0x3FB1] =	sst s10  }
0x38: {  	s10 =	sld [smem:$0x3FB2]  }
0x39: {  	_ = 	snop;
	(pc) =	sbr.ind lr, $3  }
0x3a: {  	_ = 	snop  }
0x3b: {  	_ = 	snop  }
0x3c: {  	p2 =	seq.s32 s10, $0x1;
	s10 =	sld [smem:$0x3FB1]  }
0x3d: {  	_ =	shalt  }
0x3e: {  	_ =	shalt  }
0x3f: {  	_ =	shalt  }
0x40: {  	_ =	shalt  }
0x41: {  	_ =	shalt  }
0x42: {  	_ =	shalt  }
0x43: {  	_ =	shalt  }
0x44: {  	_ =	shalt  }
0x45: {  	_ =	shalt  }
0x46: {  	_ =	shalt  }
0x47: {  	_ =	shalt  }
0x48: {  	_ =	shalt  }
0x49: {  	_ =	shalt  }
0x4a: {  	_ =	shalt  }
0x4b: {  	_ =	shalt  }
0x4c: {  	_ =	shalt  }
0x4d: {  	_ =	shalt  }
0x4e: {  	_ =	shalt  }
0x4f: {  	_ =	shalt  }
0x50: {  	_ =	shalt  }
0x51: {  	_ =	shalt  }
0x52: {  	_ =	shalt  }
0x53: {  	_ =	shalt  }
0x54: {  	_ =	shalt  }
0x55: {  	_ =	shalt  }
0x56: {  	_ =	shalt  }
0x57: {  	_ =	shalt  }
0x58: {  	_ =	shalt  }
0x59: {  	_ =	shalt  }
0x5a: {  	_ =	shalt  }
0x5b: {  	_ =	shalt  }
0x5c: {  	_ =	shalt  }
0x5d: {  	_ =	shalt  }
0x5e: {  	_ =	shalt  }
0x5f: {  	_ =	shalt  }
0x60: {  	_ =	shalt  }
0x61: {  	_ =	shalt  }
0x62: {  	_ =	shalt  }
0x63: {  	_ =	shalt  }
0x64: {  	_ =	shalt  }
0x65: {  	_ =	shalt  }
0x66: {  	_ =	shalt  }
0x67: {  	_ =	shalt  }
0x68: {  	_ =	shalt  }
0x69: {  	_ =	shalt  }
0x6a: {  	_ =	shalt  }
0x6b: {  	_ =	shalt  }
0x6c: {  	_ =	shalt  }
0x6d: {  	_ =	shalt  }
0x6e: {  	_ =	shalt  }
0x6f: {  	_ =	shalt  }
0x70: {  	_ =	shalt  }
0x71: {  	_ =	shalt  }
0x72: {  	_ =	shalt  }
0x73: {  	_ =	shalt  }
0x74: {  	_ =	shalt  }
0x75: {  	_ =	shalt  }
0x76: {  	_ =	shalt  }
0x77: {  	_ =	shalt  }
0x78: {  	_ =	shalt  }
0x79: {  	_ =	shalt  }
0x7a: {  	_ =	shalt  }
0x7b: {  	_ =	shalt  }
0x7c: {  	_ =	shalt  }
0x7d: {  	_ =	shalt  }
0x7e: {  	_ =	shalt  }
0x7f: {  	_ =	shalt  }
0x80: {  	_ =	shalt  }
0x81: {  	_ =	shalt  }
0x82: {  	_ =	shalt  }
0x83: {  	_ =	shalt  }
0x84: {  	_ =	shalt  }
0x85: {  	_ =	shalt  }
0x86: {  	_ =	shalt  }
0x87: {  	_ =	shalt  }
.Lfunc_end0:
.L_simem_size_0:
called_computation_lowered:
.L_overlay_start_0:
0x88: {  	s2 =	sld [smem:$0x3FD9]  }
0x89: {  	s3 =	sld [smem:$0x3FFE];
	_ =	sdelay $0x1  }
0x8a: {  	s1 =	srdreg.scid  }
0x8b: {  	s0 =	sand.u32 $0x1, s1  }
0x8c: {  	s16 =	sshll.u32 s0, $0xA;
	s2 =	sadd.s32 s3, s2  }
0x8d: {  	s2 =	sadd.s32 s2, s16  }
0x8e: {  	[smem:$0x3FBD] =	sst s2  }
0x8f: {  	_ = 	snop  }
0x90: {  	(tm) =	ssettm $0x1  }
0x91: {  	s17 =	sld [smem:$0x3FFB];
	_ =	sdelay $0x3  }
0x92: {  	_ =	strace s17  }
0x93: {  	s2 =	sld [smem:$0x3FFC];
	_ =	sdelay $0x3  }
0x94: {  	_ =	strace s2  }
0x95: {  	s2 =	sld [smem:$0x3FFD];
	_ =	sdelay $0x3  }
0x96: {  	_ =	strace s2  }
0x97: {  	_ =	strace $0x8FFFFFFF  }
0x98: {  	s18 =	sld [smem:$0x3FDB];
	_ =	sdelay $0x1  }
0x99: {  	s19 =	simm.s32 $_scs_section_size  }
0x9a: {  	s4 =	simm.s32 $_size__tile_overlayer_lowered;
	s5 =	simm.s32 $_tile_overlayer_lowered  }
0x9b: {  	s22 =	simm.s32 $0x1BFF;
	s21 =	sshll.u32 s5, $0x1;
	s2 =	sadd.s32 s19, s18  }
0x9c: {  	s6 =	simm.s32 $0x0;
	s20 =	sshll.u32 s4, $0x1;
	s4 =	sadd.s32 s21, s2  }
0x9d: {  	[timem:s6], [sflag:s22] =	dma.local [hbm:s4], s20  }
0x9e: {  	_ =	swait.ge [sflag:s22], s20  }
0x9f: {  	s3 =	ssub.s32 $0x0, s20;
	[sflag:s22] =	ssyncset.done $0x0  }
0xa0: {  	[sflag:s22] =	ssyncadd.s32 s3;
	_ =	sdelay $0x1  }
0xa1: {  	s23 =	simm.s32 $0x1B8B  }
0xa2: {  	_ =	swait.ge [sflag:s23], $0x1  }
0xa3: {  	[sflag:s23] =	ssyncset.done $0x0  }
0xa4: {  	s25 =	simm.s32 $0x1B8E;
	s24 =	sld [smem:$0x3FFE];
	[sflag:s23] =	ssyncadd.s32 $0xFFFFFFFF  }
0xa5: {  	s26 =	simm.s32 $execute0_lowered;
	[smem:$0x3FD2] =	sst s25  }
0xa6: {  	s4 =	sshll.u32 s26, $0x1;
	_ =	strace $0x80000046;
	[dreg:$0x1] =	wrdreg $0xFFFFFFFF  }
0xa7: {  	s28 =	simm.s32 $_size_execute0_lowered;
	s2 =	sadd.s32 s2, s4;
	[dreg:$0x0] =	wrdreg $0x0  }
0xa8: {  	s4 =	sshll.u32 s28, $0x1;
	[dreg:$0x2] =	wrdreg s2  }
0xa9: {  	[dreg:$0x3] =	wrdreg s4  }
0xaa: {  	[dreg:$0x4] =	wrdreg $0xC0  }
0xab: {  	_ =	task [dreg:s6], $0x5FFFF  }
0xac: {  	[dreg:$0x1] =	wrdreg $0xFFFFFFFF  }
0xad: {  	[dreg:$0x0] =	wrdreg $0x60  }
0xae: {  	[dreg:$0x2] =	wrdreg s24  }
0xaf: {  	[dreg:$0x3] =	wrdreg $0x9  }
0xb0: {  	_ =	task.clear_ibuf [dreg:s6], $0x4FFFF;
	_ =	strace $0x90000046  }
0xb1: {  	s29 =	simm.s32 $0x9;
	_ =	strace $0x80000048  }
0xb2: {  	_ =	swait.ge [sflag:s29], $0x1  }
0xb3: {  	[sflag:s29] =	ssyncadd.s32 $0xFFFFFFFF  }
0xb4: {  	_ =	strace $0x90000048  }
0xb5: {  	_ =	sfence  }
0xb6: {  	s30 =	sld [smem:$0x0];
	_ =	sdelay $0x2  }
0xb7: {  	s31 =	sshll.u32 s1, $0xD;
	s1 =	sshrl.u32 s1, $0x2  }
0xb8: {  	s3 =	sand.u32 $0x4000, s31;
	s1 =	sadd.s32 s1, s30  }
0xb9: {  	s0 =	sor.u32 s3, s0;
	s1 =	sshll.u32 s1, $0x11  }
0xba: {  	s0 =	sor.u32 s1, s0  }
0xbb: {  	s0 =	sadd.s32 $0x8F2B, s0  }
0xbc: {  	[sflag:s0] =	ssyncadd.remote.s32 $0x1  }
0xbd: {  	_ =	sfence.sel $0xFFFF  }
0xbe: {  	[dreg:$0x0] =	wrdreg $0xFFFFFFFF;
	(pc) =	sbr.abs _section_cstart, $3  }
0xbf: {  	[dreg:$0x1] =	wrdreg $0xFFFFFFFF  }
0xc0: {  	_ =	task.clear_ibuf [dreg:s6], $0x2FFFF;
	_ =	strace $0x9FFFFFFF  }
0xc1: {  	(tm) =	ssettm $0x7FFFFFFF  }
tec
execute0_lowered:
.L_overlay_start_1:
0x0: {  	(tag) =	ssettag $0x1  }
0x1: {  	s0 =	rddreg [dreg:$0x0];
	s2 =	simm.s32 $0x0  }
0x2: {  	s8 =	stileid.u32;
	s1 =	srdreg.scid;
	s11 =	simm.s32 $0xE000  }
0x3: {  	s16 =	simm.s32 $0xF000;
	s9 =	simm.s32 $0xFA80;
	s10 =	simm.s32 $0xFB00  }
0x4: {  	s12 =	simm.s32 $0xFB80;
	s13 =	simm.s32 $0xFC00;
	s14 =	simm.s32 $0xFC80  }
0x5: {  	s15 =	simm.s32 $0xFD00;
	s17 =	simm.s32 $0xFD80;
	s18 =	simm.s32 $0xFE00  }
0x6: {  	s19 =	simm.s32 $0xFE80;
	s20 =	simm.s32 $0xFF00;
	s21 =	simm.s32 $0xFF80  }
0x7: {  	s22 =	simm.s32 $0x1;
	s23 =	simm.s32 $0x2;
	s28 =	simm.s32 $0x0  }
0x8: {  	[smem:$0x7FF] =	sst s2;
	s3 =	sadd.s32 $0x1A00, s0;
	s4 =	sadd.s32 $0xF43E00, s0  }
0x9: {  	s24 =	sshll.u32 s8, $0xA;
	s1 =	sand.u32 $0x1, s1;
	s6 =	sshll.u32 s8, $0x6  }
0xa: {  	s26 =	sshll.u32 s8, $0x9;
	s8 =	simm.s32 $0xFA00;
	_ =	strace $0x80000047  }
0xb: {  	[dreg:$0x2] =	wrdreg s4;
	s5 =	ssub.s32 $0x2, s1;
	s7 =	sshll.u32 s1, $0x5  }
0xc: {  	s0 =	sadd.s32 s24, s0;
	s1 =	sshll.u32 s1, $0x9;
	s24 =	simm.s32 $0x3  }
0xd: {  	s25 =	sshrl.u32 s5, $0x1;
	s6 =	sor.u32 s7, s6;
	s0 =	sadd.s32 s1, s0  }
0xe: {  	vm1 =	vcmask $0x308;
	vm2 =	vcmask $0x70C;
	vm3 =	vcmask $0xB10;
	s1 =	simm.s32 $0xF800;
	s4 =	ssub.s32 s5, s25;
	s7 =	sand.u32 $0x60, s6  }
.Ltmp0:
0xf: {  	vm0 =	vmmov $0x1;
	vm4 =	vcmask $0xF14;
	vm5 =	vcmask $0x1318;
	s5 =	sand.u32 $0x1C00, s26;
	s0 =	sadd.s32 $0xF45A00, s0;
	(pc) =	sbr.rel .LBB2_1-.Ltmp0, $4  }
0x10: {  	vm6 =	vcmask $0x171C;
	vm7 =	vcmask $0x1B20;
	vm8 =	vcmask $0x1F24;
	s29 =	sor.u32 $0x10, s7;
	s6 =	sor.u32 s7, s5;
	[dreg:$0x6] =	wrdreg s0  }
0x11: {  	vm9 =	vcmask $0x2328;
	vm10 =	vcmask $0x272C;
	vm11 =	vcmask $0x2B30;
	s31 =	smax.u32 s4, $0x1;
	s0 =	simm.s32 $0xF780;
	[dreg:$0x3] =	wrdreg s6  }
0x12: {  	vm12 =	vcmask $0x2F34;
	vm13 =	vcmask $0x3338;
	vm14 =	vcmask $0x373C;
	s4 =	simm.s32 $0xF880;
	s30 =	sor.u32 s29, s5;
	[dreg:$0x5] =	wrdreg s31  }
0x13: {  	vm15 =	vmmov $0x7fff;
	v0 =	vmov s7;
	s7 =	simm.s32 $0xF980;
	s6 =	simm.s32 $0xF900;
	v1 =	vmov s29;
	[dreg:$0x4] =	wrdreg s30  }
.LBB2_5:
0x14: {  	_ =	swait.ge [sflag:s24], $0x1000  }
0x15: {  	[sflag:s24] =	ssyncset.done $0x0  }
0x16: {  	s26 =	simm.s32 $0x4;
	[sflag:s24] =	ssyncadd.s32 $0xFFFFF000  }
0x17: {  	_ =	swait.ge [sflag:s26], $0x1000  }
0x18: {  	s28 =	rddreg [dreg:$0x7]  }
0x19: {  	s25 =	rddreg [dreg:$0x5];
	s28 =	sadd.s32 $0x1, s28  }
0x1a: {  	p0 =	sne.s32 s28, s25  }
.Ltmp1:
0x1b: {  	_ = 	snop;
	(pc) =	sbr.rel @!p0 .LBB2_6-.Ltmp1, $3  }
0x1c: {  	_ =	sdelay $0x1  }
0x1d: {  	[sflag:s26] =	ssyncset.done $0x0  }
0x1e: {  	[sflag:s26] =	ssyncadd.s32 $0xFFFFF000  }
.LBB2_1:
0x1f: {  	[dreg:$0x7] =	wrdreg s28  }
0x20: {  	s25 =	rddreg [dreg:$0x2];
	s30 =	simm.s32 $0x5  }
0x21: {  	[tilespmem:s2], [sflag:$0x5] =	stream.linear.gather [hbm4b:s25+s2], $0xE000, $0x38;
	[tilespmem:$0x10000] =	vst v63  }
0x22: {  	_ =	swait.ge [sflag:s30], $0xE000  }
0x23: {  	[sflag:s30] =	ssyncset.done $0x0  }
0x24: {  	s31 =	rddreg [dreg:$0x3];
	[sflag:s30] =	ssyncadd.s32 $0xFFFF2000  }
0x25: {  	v2 =	vld [tilespmem:s31+$0x0];
	_ =	sdelay $0x4  }
0x26: {  	v3 =	vnsel vm0, $0x0, v2  }
0x27: {  	v3 =	vxor.u32 $0x80000000, v3  }
0x28: {  	(xrf0) =	vmax.scan.msk.u32 $0xffff, v3;
	_ =	sdelay $0x1  }
0x29: {  	v3 =	vsel vm1, $0x0, v2  }
0x2a: {  	v3 =	vxor.u32 $0x80000000, v3;
	_ =	sdelay $0x1  }
0x2b: {  	(xrf0) =	vmax.scan.msk.u32 $0xffff, v3  }
0x2c: {  	v3, _, _ =	vpop (xrf0)  }
0x2d: {  	(v2sf) =	vpush v3, $0xF;
	v3 =	vsel vm2, $0x0, v2  }
0x2e: {  	v3 =	vxor.u32 $0x80000000, v3;
	_ =	sdelay $0x1  }
0x2f: {  	(xrf0) =	vmax.scan.msk.u32 $0xffff, v3  }
0x30: {  	v3, _, _ =	vpop (xrf0)  }
0x31: {  	(v2sf) =	vpush v3, $0xF;
	v3 =	vsel vm3, $0x0, v2  }
0x32: {  	v3 =	vxor.u32 $0x80000000, v3;
	_ =	sdelay $0x1  }
0x33: {  	(xrf0) =	vmax.scan.msk.u32 $0xffff, v3  }
0x34: {  	v3, _, _ =	vpop (xrf0)  }
0x35: {  	(v2sf) =	vpush v3, $0xF;
	v3 =	vsel vm4, $0x0, v2  }
0x36: {  	v3 =	vxor.u32 $0x80000000, v3;
	_ =	sdelay $0x1  }
0x37: {  	(xrf0) =	vmax.scan.msk.u32 $0xffff, v3  }
0x38: {  	v3, _, _ =	vpop (xrf0)  }
0x39: {  	s26 =	spop (v2sf);
	(v2sf) =	vpush v3, $0xF;
	v3 =	vsel vm5, $0x0, v2  }
0x3a: {  	s25 =	sshll.u32 s26, $0x4;
	v3 =	vxor.u32 $0x80000000, v3  }
0x3b: {  	s25 =	sand.u32 $0x1FFFFFF0, s25  }
0x3c: {  	(xrf0) =	vmax.scan.msk.u32 $0xffff, v3;
	s25 =	sadd.s32 s3, s25  }
0x3d: {  	[tilespmem:s11], [sflag:$0x1] =	stream.linear.gather [hbm4b:s25+s2], $0x80, $0x38;
	v3, _, _ =	vpop (xrf0);
	[tilespmem:$0x10000] =	vst v63  }
0x3e: {  	s29 =	spop (v2sf);
	(v2sf) =	vpush v3, $0xF;
	v3 =	vsel vm6, $0x0, v2  }
0x3f: {  	s25 =	sshll.u32 s29, $0x4;
	v3 =	vxor.u32 $0x80000000, v3  }
0x40: {  	s25 =	sand.u32 $0x1FFFFFF0, s25  }
0x41: {  	s26 =	simm.s32 $0xE080;
	(xrf0) =	vmax.scan.msk.u32 $0xffff, v3;
	s25 =	sadd.s32 s3, s25  }
0x42: {  	[tilespmem:s26], [sflag:$0x1] =	stream.linear.gather [hbm4b:s25+s2], $0x80, $0x38;
	v3, _, _ =	vpop (xrf0);
	[tilespmem:$0x10000] =	vst v63  }
0x43: {  	s30 =	spop (v2sf);
	(v2sf) =	vpush v3, $0xF;
	v3 =	vsel vm7, $0x0, v2  }
0x44: {  	s25 =	sshll.u32 s30, $0x4;
	v3 =	vxor.u32 $0x80000000, v3  }
0x45: {  	s25 =	sand.u32 $0x1FFFFFF0, s25  }
0x46: {  	s31 =	simm.s32 $0xE100;
	(xrf0) =	vmax.scan.msk.u32 $0xffff, v3;
	s25 =	sadd.s32 s3, s25  }
0x47: {  	[tilespmem:s31], [sflag:$0x1] =	stream.linear.gather [hbm4b:s25+s2], $0x80, $0x38;
	v3, _, _ =	vpop (xrf0);
	[tilespmem:$0x10000] =	vst v63  }
0x48: {  	s26 =	spop (v2sf);
	(v2sf) =	vpush v3, $0xF;
	v3 =	vsel vm8, $0x0, v2  }
0x49: {  	s25 =	sshll.u32 s26, $0x4;
	v3 =	vxor.u32 $0x80000000, v3  }
0x4a: {  	s25 =	sand.u32 $0x1FFFFFF0, s25  }
0x4b: {  	s29 =	simm.s32 $0xE180;
	(xrf0) =	vmax.scan.msk.u32 $0xffff, v3;
	s25 =	sadd.s32 s3, s25  }
0x4c: {  	[tilespmem:s29], [sflag:$0x1] =	stream.linear.gather [hbm4b:s25+s2], $0x80, $0x38;
	v3, _, _ =	vpop (xrf0);
	[tilespmem:$0x10000] =	vst v63  }
0x4d: {  	s30 =	spop (v2sf);
	(v2sf) =	vpush v3, $0xF;
	v3 =	vsel vm9, $0x0, v2  }
0x4e: {  	s25 =	sshll.u32 s30, $0x4;
	v3 =	vxor.u32 $0x80000000, v3  }
0x4f: {  	s25 =	sand.u32 $0x1FFFFFF0, s25  }
0x50: {  	s31 =	simm.s32 $0xE200;
	(xrf0) =	vmax.scan.msk.u32 $0xffff, v3;
	s25 =	sadd.s32 s3, s25  }
0x51: {  	[tilespmem:s31], [sflag:$0x1] =	stream.linear.gather [hbm4b:s25+s2], $0x80, $0x38;
	v3, _, _ =	vpop (xrf0);
	[tilespmem:$0x10000] =	vst v63  }
0x52: {  	s26 =	spop (v2sf);
	(v2sf) =	vpush v3, $0xF;
	v3 =	vsel vm10, $0x0, v2  }
0x53: {  	s25 =	sshll.u32 s26, $0x4;
	v3 =	vxor.u32 $0x80000000, v3  }
0x54: {  	s25 =	sand.u32 $0x1FFFFFF0, s25  }
0x55: {  	s29 =	simm.s32 $0xE280;
	(xrf0) =	vmax.scan.msk.u32 $0xffff, v3;
	s25 =	sadd.s32 s3, s25  }
0x56: {  	[tilespmem:s29], [sflag:$0x1] =	stream.linear.gather [hbm4b:s25+s2], $0x80, $0x38;
	v3, _, _ =	vpop (xrf0);
	[tilespmem:$0x10000] =	vst v63  }
0x57: {  	s30 =	spop (v2sf);
	(v2sf) =	vpush v3, $0xF;
	v3 =	vsel vm11, $0x0, v2  }
0x58: {  	s25 =	sshll.u32 s30, $0x4;
	v3 =	vxor.u32 $0x80000000, v3  }
0x59: {  	s25 =	sand.u32 $0x1FFFFFF0, s25  }
0x5a: {  	s31 =	simm.s32 $0xE300;
	(xrf0) =	vmax.scan.msk.u32 $0xffff, v3;
	s25 =	sadd.s32 s3, s25  }
0x5b: {  	[tilespmem:s31], [sflag:$0x1] =	stream.linear.gather [hbm4b:s25+s2], $0x80, $0x38;
	v3, _, _ =	vpop (xrf0);
	[tilespmem:$0x10000] =	vst v63  }
0x5c: {  	s26 =	spop (v2sf);
	(v2sf) =	vpush v3, $0xF;
	v3 =	vsel vm12, $0x0, v2  }
0x5d: {  	s25 =	sshll.u32 s26, $0x4;
	v3 =	vxor.u32 $0x80000000, v3  }
0x5e: {  	s25 =	sand.u32 $0x1FFFFFF0, s25  }
0x5f: {  	s29 =	simm.s32 $0xE380;
	(xrf0) =	vmax.scan.msk.u32 $0xffff, v3;
	s25 =	sadd.s32 s3, s25  }
0x60: {  	[tilespmem:s29], [sflag:$0x1] =	stream.linear.gather [hbm4b:s25+s2], $0x80, $0x38;
	v3, _, _ =	vpop (xrf0);
	[tilespmem:$0x10000] =	vst v63  }
0x61: {  	s30 =	spop (v2sf);
	(v2sf) =	vpush v3, $0xF;
	v3 =	vsel vm13, $0x0, v2  }
0x62: {  	s25 =	sshll.u32 s30, $0x4;
	v3 =	vxor.u32 $0x80000000, v3  }
0x63: {  	s25 =	sand.u32 $0x1FFFFFF0, s25  }
0x64: {  	s31 =	simm.s32 $0xE400;
	(xrf0) =	vmax.scan.msk.u32 $0xffff, v3;
	s25 =	sadd.s32 s3, s25  }
0x65: {  	[tilespmem:s31], [sflag:$0x1] =	stream.linear.gather [hbm4b:s25+s2], $0x80, $0x38;
	v3, _, _ =	vpop (xrf0);
	[tilespmem:$0x10000] =	vst v63  }
0x66: {  	s26 =	spop (v2sf);
	(v2sf) =	vpush v3, $0xF;
	v3 =	vsel vm14, $0x0, v2  }
0x67: {  	s25 =	sshll.u32 s26, $0x4;
	v3 =	vxor.u32 $0x80000000, v3  }
0x68: {  	s25 =	sand.u32 $0x1FFFFFF0, s25  }
0x69: {  	s29 =	simm.s32 $0xE480;
	(xrf0) =	vmax.scan.msk.u32 $0xffff, v3;
	s25 =	sadd.s32 s3, s25  }
0x6a: {  	[tilespmem:s29], [sflag:$0x1] =	stream.linear.gather [hbm4b:s25+s2], $0x80, $0x38;
	v3, _, _ =	vpop (xrf0);
	[tilespmem:$0x10000] =	vst v63  }
0x6b: {  	v2 =	vsel vm15, $0x0, v2;
	s30 =	spop (v2sf);
	(v2sf) =	vpush v3, $0xF  }
0x6c: {  	v2 =	vxor.u32 $0x80000000, v2;
	s25 =	sshll.u32 s30, $0x4  }
0x6d: {  	s25 =	sand.u32 $0x1FFFFFF0, s25  }
0x6e: {  	s31 =	simm.s32 $0xE500;
	(xrf0) =	vmax.scan.msk.u32 $0xffff, v2;
	s25 =	sadd.s32 s3, s25  }
0x6f: {  	v2, _, _ =	vpop (xrf0);
	[tilespmem:s31], [sflag:$0x1] =	stream.linear.gather [hbm4b:s25+s2], $0x80, $0x38;
	[tilespmem:$0x10000] =	vst v63  }
0x70: {  	s26 =	spop (v2sf);
	(v2sf) =	vpush v2, $0xF  }
0x71: {  	s25 =	sshll.u32 s26, $0x4  }
0x72: {  	s25 =	sand.u32 $0x1FFFFFF0, s25  }
0x73: {  	s29 =	simm.s32 $0xE580;
	s25 =	sadd.s32 s3, s25  }
0x74: {  	v2, _, _ =	vpop (xrf0);
	[tilespmem:s29], [sflag:$0x1] =	stream.linear.gather [hbm4b:s25+s2], $0x80, $0x38;
	[tilespmem:$0x10000] =	vst v63  }
0x75: {  	s30 =	spop (v2sf);
	(v2sf) =	vpush v2, $0xF  }
0x76: {  	s25 =	sshll.u32 s30, $0x4  }
0x77: {  	s25 =	sand.u32 $0x1FFFFFF0, s25  }
0x78: {  	s31 =	simm.s32 $0xE600;
	s25 =	sadd.s32 s3, s25  }
0x79: {  	[tilespmem:s31], [sflag:$0x1] =	stream.linear.gather [hbm4b:s25+s2], $0x80, $0x38;
	[tilespmem:$0x10000] =	vst v63  }
0x7a: {  	s26 =	spop (v2sf)  }
0x7b: {  	s25 =	sshll.u32 s26, $0x4  }
0x7c: {  	s25 =	sand.u32 $0x1FFFFFF0, s25  }
0x7d: {  	s29 =	simm.s32 $0xE680;
	s25 =	sadd.s32 s3, s25  }
0x7e: {  	[tilespmem:s29], [sflag:$0x1] =	stream.linear.gather [hbm4b:s25+s2], $0x80, $0x38;
	[tilespmem:$0x10000] =	vst v63  }
0x7f: {  	s30 =	spop (v2sf)  }
0x80: {  	s25 =	sshll.u32 s30, $0x4  }
0x81: {  	s25 =	sand.u32 $0x1FFFFFF0, s25  }
0x82: {  	s31 =	simm.s32 $0xE700;
	s25 =	sadd.s32 s3, s25  }
0x83: {  	[tilespmem:s31], [sflag:$0x1] =	stream.linear.gather [hbm4b:s25+s2], $0x80, $0x38;
	[tilespmem:$0x10000] =	vst v63  }
0x84: {  	s29 =	spop (v2sf)  }
0x85: {  	s25 =	sshll.u32 s29, $0x4  }
0x86: {  	s25 =	sand.u32 $0x1FFFFFF0, s25  }
0x87: {  	s30 =	simm.s32 $0xE780;
	s31 =	rddreg [dreg:$0x4];
	s25 =	sadd.s32 s3, s25  }
0x88: {  	[tilespmem:s30], [sflag:$0x1] =	stream.linear.gather [hbm4b:s25+s2], $0x80, $0x38;
	[tilespmem:$0x10000] =	vst v63  }
0x89: {  	v2 =	vld [tilespmem:s31+$0x0];
	_ =	sdelay $0x4  }
0x8a: {  	v3 =	vnsel vm0, $0x0, v2  }
0x8b: {  	v3 =	vxor.u32 $0x80000000, v3  }
0x8c: {  	(xrf0) =	vmax.scan.msk.u32 $0xffff, v3;
	_ =	sdelay $0x1  }
0x8d: {  	v3 =	vsel vm1, $0x0, v2  }
0x8e: {  	v3 =	vxor.u32 $0x80000000, v3;
	_ =	sdelay $0x1  }
0x8f: {  	(xrf0) =	vmax.scan.msk.u32 $0xffff, v3  }
0x90: {  	v3, _, _ =	vpop (xrf0)  }
0x91: {  	(v2sf) =	vpush v3, $0xF;
	v3 =	vsel vm2, $0x0, v2  }
0x92: {  	v3 =	vxor.u32 $0x80000000, v3  }
0x93: {  	(xrf0) =	vmax.scan.msk.u32 $0xffff, v3  }
0x94: {  	v3 =	vsel vm3, $0x0, v2  }
0x95: {  	v4, _, _ =	vpop (xrf0);
	v3 =	vxor.u32 $0x80000000, v3  }
0x96: {  	(v2sf) =	vpush v4, $0xF;
	(xrf0) =	vmax.scan.msk.u32 $0xffff, v3;
	_ =	sdelay $0x2  }
0x97: {  	v3, _, _ =	vpop (xrf0)  }
0x98: {  	(v2sf) =	vpush v3, $0xF;
	v3 =	vsel vm4, $0x0, v2  }
0x99: {  	v3 =	vxor.u32 $0x80000000, v3  }
0x9a: {  	v58, _, _ =	vpop (xrf0);
	(xrf0) =	vmax.scan.msk.u32 $0xffff, v3  }
0x9b: {  	(v2sf) =	vpush v58, $0xF  }
0x9c: {  	v3 =	vsel vm5, $0x0, v2  }
0x9d: {  	v3 =	vxor.u32 $0x80000000, v3;
	_ =	sdelay $0x2  }
0x9e: {  	(xrf0) =	vmax.scan.msk.u32 $0xffff, v3;
	s26 =	spop (v2sf);
	v3, _, _ =	vpop (xrf0)  }
0x9f: {  	s25 =	sshll.u32 s26, $0x4;
	(v2sf) =	vpush v3, $0xF;
	v3 =	vsel vm6, $0x0, v2  }
0xa0: {  	s25 =	sand.u32 $0x1FFFFFF0, s25;
	v3 =	vxor.u32 $0x80000000, v3  }
0xa1: {  	s29 =	simm.s32 $0xE800;
	s30 =	spop (v2sf);
	s25 =	sadd.s32 s3, s25;
	(xrf0) =	vmax.scan.msk.u32 $0xffff, v3  }
0xa2: {  	[tilespmem:s29], [sflag:$0x1] =	stream.linear.gather [hbm4b:s25+s2], $0x80, $0x38;
	[tilespmem:$0x10000] =	vst v63  }
0xa3: {  	s25 =	sshll.u32 s30, $0x4  }
0xa4: {  	s25 =	sand.u32 $0x1FFFFFF0, s25;
	v3, _, _ =	vpop (xrf0)  }
0xa5: {  	s31 =	simm.s32 $0xE880;
	s25 =	sadd.s32 s3, s25;
	s26 =	spop (v2sf);
	(v2sf) =	vpush v3, $0xF;
	v3 =	vsel vm7, $0x0, v2  }
0xa6: {  	[tilespmem:s31], [sflag:$0x1] =	stream.linear.gather [hbm4b:s25+s2], $0x80, $0x38;
	v3 =	vxor.u32 $0x80000000, v3;
	[tilespmem:$0x10000] =	vst v63  }
0xa7: {  	v59, _, _ =	vpop (xrf0);
	(xrf0) =	vmax.scan.msk.u32 $0xffff, v3  }
0xa8: {  	s25 =	sshll.u32 s26, $0x4;
	s30 =	spop (v2sf);
	(v2sf) =	vpush v59, $0xF  }
0xa9: {  	s25 =	sand.u32 $0x1FFFFFF0, s25;
	v3 =	vsel vm8, $0x0, v2  }
0xaa: {  	s29 =	simm.s32 $0xE900;
	s25 =	sadd.s32 s3, s25;
	v3 =	vxor.u32 $0x80000000, v3  }
0xab: {  	[tilespmem:s29], [sflag:$0x1] =	stream.linear.gather [hbm4b:s25+s2], $0x80, $0x38;
	[tilespmem:$0x10000] =	vst v63  }
0xac: {  	s25 =	sshll.u32 s30, $0x4  }
0xad: {  	(xrf0) =	vmax.scan.msk.u32 $0xffff, v3;
	s25 =	sand.u32 $0x1FFFFFF0, s25;
	v3, _, _ =	vpop (xrf0)  }
0xae: {  	s31 =	simm.s32 $0xE980;
	s25 =	sadd.s32 s3, s25;
	s26 =	spop (v2sf);
	(v2sf) =	vpush v3, $0xF;
	v3 =	vsel vm9, $0x0, v2  }
0xaf: {  	[tilespmem:s31], [sflag:$0x1] =	stream.linear.gather [hbm4b:s25+s2], $0x80, $0x38;
	v3 =	vxor.u32 $0x80000000, v3;
	[tilespmem:$0x10000] =	vst v63  }
0xb0: {  	s25 =	sshll.u32 s26, $0x4;
	(xrf0) =	vmax.scan.msk.u32 $0xffff, v3  }
0xb1: {  	s25 =	sand.u32 $0x1FFFFFF0, s25  }
0xb2: {  	s29 =	simm.s32 $0xEA00;
	v3 =	vsel vm10, $0x0, v2;
	s25 =	sadd.s32 s3, s25  }
0xb3: {  	v60, _, _ =	vpop (xrf0);
	v3 =	vxor.u32 $0x80000000, v3;
	[tilespmem:s29], [sflag:$0x1] =	stream.linear.gather [hbm4b:s25+s2], $0x80, $0x38;
	[tilespmem:$0x10000] =	vst v63  }
0xb4: {  	s30 =	spop (v2sf);
	(v2sf) =	vpush v60, $0xF  }
0xb5: {  	s25 =	sshll.u32 s30, $0x4  }
0xb6: {  	(xrf0) =	vmax.scan.msk.u32 $0xffff, v3;
	s25 =	sand.u32 $0x1FFFFFF0, s25;
	v3, _, _ =	vpop (xrf0)  }
0xb7: {  	s31 =	simm.s32 $0xEA80;
	s25 =	sadd.s32 s3, s25;
	s26 =	spop (v2sf);
	(v2sf) =	vpush v3, $0xF;
	v3 =	vsel vm11, $0x0, v2  }
0xb8: {  	[tilespmem:s31], [sflag:$0x1] =	stream.linear.gather [hbm4b:s25+s2], $0x80, $0x38;
	v3 =	vxor.u32 $0x80000000, v3;
	[tilespmem:$0x10000] =	vst v63  }
0xb9: {  	s25 =	sshll.u32 s26, $0x4;
	(xrf0) =	vmax.scan.msk.u32 $0xffff, v3  }
0xba: {  	s25 =	sand.u32 $0x1FFFFFF0, s25  }
0xbb: {  	s29 =	simm.s32 $0xEB00;
	s25 =	sadd.s32 s3, s25  }
0xbc: {  	v61 =	vsel vm12, $0x0, v2;
	[tilespmem:s29], [sflag:$0x1] =	stream.linear.gather [hbm4b:s25+s2], $0x80, $0x38;
	v3, _, _ =	vpop (xrf0);
	[tilespmem:$0x10000] =	vst v63  }
0xbd: {  	s30 =	spop (v2sf);
	(v2sf) =	vpush v3, $0xF;
	v3 =	vxor.u32 $0x80000000, v61  }
0xbe: {  	(xrf0) =	vmax.scan.msk.u32 $0xffff, v3  }
0xbf: {  	s25 =	sshll.u32 s30, $0x4;
	v3 =	vsel vm13, $0x0, v2;
	v62, _, _ =	vpop (xrf0)  }
0xc0: {  	s25 =	sand.u32 $0x1FFFFFF0, s25;
	v3 =	vxor.u32 $0x80000000, v3;
	(v2sf) =	vpush v62, $0xF  }
0xc1: {  	s31 =	simm.s32 $0xEB80;
	s25 =	sadd.s32 s3, s25;
	(xrf0) =	vmax.scan.msk.u32 $0xffff, v3  }
0xc2: {  	[tilespmem:s31], [sflag:$0x1] =	stream.linear.gather [hbm4b:s25+s2], $0x80, $0x38;
	[tilespmem:$0x10000] =	vst v63  }
0xc3: {  	s26 =	spop (v2sf)  }
0xc4: {  	v63 =	vsel vm14, $0x0, v2;
	s25 =	sshll.u32 s26, $0x4;
	v3, _, _ =	vpop (xrf0)  }
0xc5: {  	s25 =	sand.u32 $0x1FFFFFF0, s25;
	(v2sf) =	vpush v3, $0xF;
	v3 =	vxor.u32 $0x80000000, v63  }
0xc6: {  	s29 =	simm.s32 $0xEC00;
	s25 =	sadd.s32 s3, s25;
	(xrf0) =	vmax.scan.msk.u32 $0xffff, v3;
	s30 =	spop (v2sf)  }
0xc7: {  	[tilespmem:s29], [sflag:$0x1] =	stream.linear.gather [hbm4b:s25+s2], $0x80, $0x38;
	[tilespmem:$0x10000] =	vst v63  }
0xc8: {  	v2 =	vsel vm15, $0x0, v2;
	s25 =	sshll.u32 s30, $0x4;
	v3, _, _ =	vpop (xrf0)  }
0xc9: {  	v2 =	vxor.u32 $0x80000000, v2;
	s25 =	sand.u32 $0x1FFFFFF0, s25;
	(v2sf) =	vpush v3, $0xF  }
0xca: {  	s31 =	simm.s32 $0xEC80;
	(xrf0) =	vmax.scan.msk.u32 $0xffff, v2;
	s25 =	sadd.s32 s3, s25  }
0xcb: {  	[tilespmem:s31], [sflag:$0x1] =	stream.linear.gather [hbm4b:s25+s2], $0x80, $0x38;
	[tilespmem:$0x10000] =	vst v63  }
0xcc: {  	s26 =	spop (v2sf);
	v3, _, _ =	vpop (xrf0)  }
0xcd: {  	s25 =	sshll.u32 s26, $0x4;
	(v2sf) =	vpush v3, $0xF  }
0xce: {  	s25 =	sand.u32 $0x1FFFFFF0, s25  }
0xcf: {  	s29 =	simm.s32 $0xED00;
	s25 =	sadd.s32 s3, s25;
	s30 =	spop (v2sf)  }
0xd0: {  	v2, _, _ =	vpop (xrf0);
	[tilespmem:s29], [sflag:$0x1] =	stream.linear.gather [hbm4b:s25+s2], $0x80, $0x38;
	[tilespmem:$0x10000] =	vst v63  }
0xd1: {  	(v2sf) =	vpush v2, $0xF;
	s25 =	sshll.u32 s30, $0x4  }
0xd2: {  	s25 =	sand.u32 $0x1FFFFFF0, s25  }
0xd3: {  	s28 =	simm.s32 $0xED80;
	s25 =	sadd.s32 s3, s25  }
0xd4: {  	[tilespmem:s28], [sflag:$0x1] =	stream.linear.gather [hbm4b:s25+s2], $0x80, $0x38;
	[tilespmem:$0x10000] =	vst v63  }
0xd5: {  	s31 =	spop (v2sf)  }
0xd6: {  	s26 =	sshll.u32 s31, $0x4  }
0xd7: {  	s25 =	sand.u32 $0x1FFFFFF0, s26  }
0xd8: {  	s28 =	simm.s32 $0xEE00;
	s25 =	sadd.s32 s3, s25;
	s29 =	spop (v2sf)  }
0xd9: {  	[tilespmem:s28], [sflag:$0x1] =	stream.linear.gather [hbm4b:s25+s2], $0x80, $0x38;
	[tilespmem:$0x10000] =	vst v63  }
0xda: {  	s30 =	sshll.u32 s29, $0x4  }
0xdb: {  	s25 =	sand.u32 $0x1FFFFFF0, s30  }
0xdc: {  	s28 =	simm.s32 $0xEE80;
	s25 =	sadd.s32 s3, s25;
	s31 =	spop (v2sf)  }
0xdd: {  	[tilespmem:s28], [sflag:$0x1] =	stream.linear.gather [hbm4b:s25+s2], $0x80, $0x38;
	[tilespmem:$0x10000] =	vst v63  }
0xde: {  	s26 =	sshll.u32 s31, $0x4  }
0xdf: {  	s25 =	sand.u32 $0x1FFFFFF0, s26  }
0xe0: {  	s29 =	simm.s32 $0xEF00;
	s30 =	spop (v2sf);
	s25 =	sadd.s32 s3, s25  }
0xe1: {  	[tilespmem:s29], [sflag:$0x1] =	stream.linear.gather [hbm4b:s25+s2], $0x80, $0x38;
	[tilespmem:$0x10000] =	vst v63  }
.Ltmp2:
0xe2: {  	s25 =	sshll.u32 s30, $0x4;
	(pc) =	sbr.rel .LBB2_2-.Ltmp2, $4  }
0xe3: {  	s25 =	sand.u32 $0x1FFFFFF0, s25  }
0xe4: {  	s31 =	simm.s32 $0xEF80;
	s25 =	sadd.s32 s3, s25  }
0xe5: {  	[tilespmem:s31], [sflag:$0x1] =	stream.linear.gather [hbm4b:s25+s2], $0x80, $0x38;
	[tilespmem:$0x10000] =	vst v63  }
0xe6: {  	s28 =	simm.s32 $0x0;
	s26 =	rddreg [dreg:$0x6];
	s25 =	simm.s32 $0x100  }
.LBB2_4:
0xe7: {  	_ =	swait.ge [sflag:s23], $0x80  }
0xe8: {  	[sflag:s23] =	ssyncset.done $0x0  }
0xe9: {  	[sflag:s23] =	ssyncadd.s32 $0xFFFFFF80  }
0xea: {  	_ =	swait.ge [sflag:s23], $0x80  }
0xeb: {  	[sflag:s23] =	ssyncset.done $0x0  }
0xec: {  	[sflag:s23] =	ssyncadd.s32 $0xFFFFFF80  }
0xed: {  	_ =	swait.ge [sflag:s23], $0x80  }
0xee: {  	[sflag:s23] =	ssyncset.done $0x0  }
0xef: {  	[sflag:s23] =	ssyncadd.s32 $0xFFFFFF80  }
0xf0: {  	_ =	swait.ge [sflag:s23], $0x80  }
0xf1: {  	[sflag:s23] =	ssyncset.done $0x0  }
0xf2: {  	[sflag:s23] =	ssyncadd.s32 $0xFFFFFF80  }
0xf3: {  	_ =	swait.ge [sflag:s23], $0x80  }
0xf4: {  	[sflag:s23] =	ssyncset.done $0x0  }
0xf5: {  	[sflag:s23] =	ssyncadd.s32 $0xFFFFFF80  }
0xf6: {  	_ =	swait.ge [sflag:s23], $0x80  }
0xf7: {  	[sflag:s23] =	ssyncset.done $0x0  }
0xf8: {  	[sflag:s23] =	ssyncadd.s32 $0xFFFFFF80  }
0xf9: {  	_ =	swait.ge [sflag:s23], $0x80  }
0xfa: {  	[sflag:s23] =	ssyncset.done $0x0  }
0xfb: {  	[sflag:s23] =	ssyncadd.s32 $0xFFFFFF80  }
0xfc: {  	_ =	swait.ge [sflag:s23], $0x80  }
0xfd: {  	[sflag:s23] =	ssyncset.done $0x0  }
0xfe: {  	[sflag:s23] =	ssyncadd.s32 $0xFFFFFF80  }
0xff: {  	_ =	swait.ge [sflag:s23], $0x80  }
0x100: {  	[sflag:s23] =	ssyncset.done $0x0  }
0x101: {  	[sflag:s23] =	ssyncadd.s32 $0xFFFFFF80  }
0x102: {  	_ =	swait.ge [sflag:s23], $0x80  }
0x103: {  	[sflag:s23] =	ssyncset.done $0x0  }
0x104: {  	[sflag:s23] =	ssyncadd.s32 $0xFFFFFF80  }
0x105: {  	_ =	swait.ge [sflag:s23], $0x80  }
0x106: {  	[sflag:s23] =	ssyncset.done $0x0  }
0x107: {  	[sflag:s23] =	ssyncadd.s32 $0xFFFFFF80  }
0x108: {  	_ =	swait.ge [sflag:s23], $0x80  }
0x109: {  	[sflag:s23] =	ssyncset.done $0x0  }
0x10a: {  	[sflag:s23] =	ssyncadd.s32 $0xFFFFFF80  }
0x10b: {  	_ =	swait.ge [sflag:s23], $0x80  }
0x10c: {  	[sflag:s23] =	ssyncset.done $0x0  }
0x10d: {  	[sflag:s23] =	ssyncadd.s32 $0xFFFFFF80  }
0x10e: {  	_ =	swait.ge [sflag:s23], $0x80  }
0x10f: {  	[sflag:s23] =	ssyncset.done $0x0  }
0x110: {  	[sflag:s23] =	ssyncadd.s32 $0xFFFFFF80  }
0x111: {  	_ =	swait.ge [sflag:s23], $0x80  }
0x112: {  	[sflag:s23] =	ssyncset.done $0x0  }
0x113: {  	[sflag:s23] =	ssyncadd.s32 $0xFFFFFF80  }
0x114: {  	_ =	swait.ge [sflag:s23], $0x80  }
0x115: {  	[sflag:s23] =	ssyncset.done $0x0  }
0x116: {  	[sflag:s23] =	ssyncadd.s32 $0xFFFFFF80  }
0x117: {  	_ =	swait.ge [sflag:s23], $0x80  }
0x118: {  	[sflag:s23] =	ssyncset.done $0x0  }
0x119: {  	[sflag:s23] =	ssyncadd.s32 $0xFFFFFF80  }
0x11a: {  	_ =	swait.ge [sflag:s23], $0x80  }
0x11b: {  	[sflag:s23] =	ssyncset.done $0x0  }
0x11c: {  	[sflag:s23] =	ssyncadd.s32 $0xFFFFFF80  }
0x11d: {  	_ =	swait.ge [sflag:s23], $0x80  }
0x11e: {  	[sflag:s23] =	ssyncset.done $0x0  }
0x11f: {  	[sflag:s23] =	ssyncadd.s32 $0xFFFFFF80  }
0x120: {  	_ =	swait.ge [sflag:s23], $0x80  }
0x121: {  	[sflag:s23] =	ssyncset.done $0x0  }
0x122: {  	[sflag:s23] =	ssyncadd.s32 $0xFFFFFF80  }
0x123: {  	_ =	swait.ge [sflag:s23], $0x80  }
0x124: {  	[sflag:s23] =	ssyncset.done $0x0  }
0x125: {  	[sflag:s23] =	ssyncadd.s32 $0xFFFFFF80  }
0x126: {  	_ =	swait.ge [sflag:s23], $0x80  }
0x127: {  	[sflag:s23] =	ssyncset.done $0x0  }
0x128: {  	[sflag:s23] =	ssyncadd.s32 $0xFFFFFF80  }
0x129: {  	_ =	swait.ge [sflag:s23], $0x80  }
0x12a: {  	[sflag:s23] =	ssyncset.done $0x0  }
0x12b: {  	[sflag:s23] =	ssyncadd.s32 $0xFFFFFF80  }
0x12c: {  	_ =	swait.ge [sflag:s23], $0x80  }
0x12d: {  	[sflag:s23] =	ssyncset.done $0x0  }
0x12e: {  	[sflag:s23] =	ssyncadd.s32 $0xFFFFFF80  }
0x12f: {  	_ =	swait.ge [sflag:s23], $0x80  }
0x130: {  	[sflag:s23] =	ssyncset.done $0x0  }
0x131: {  	[sflag:s23] =	ssyncadd.s32 $0xFFFFFF80  }
0x132: {  	_ =	swait.ge [sflag:s23], $0x80  }
0x133: {  	[sflag:s23] =	ssyncset.done $0x0  }
0x134: {  	[sflag:s23] =	ssyncadd.s32 $0xFFFFFF80  }
0x135: {  	_ =	swait.ge [sflag:s23], $0x80  }
0x136: {  	[sflag:s23] =	ssyncset.done $0x0  }
0x137: {  	[sflag:s23] =	ssyncadd.s32 $0xFFFFFF80  }
0x138: {  	_ =	swait.ge [sflag:s23], $0x80  }
0x139: {  	[sflag:s23] =	ssyncset.done $0x0  }
0x13a: {  	[sflag:s23] =	ssyncadd.s32 $0xFFFFFF80  }
0x13b: {  	_ =	swait.ge [sflag:s23], $0x80  }
0x13c: {  	[sflag:s23] =	ssyncset.done $0x0  }
0x13d: {  	[sflag:s23] =	ssyncadd.s32 $0xFFFFFF80  }
0x13e: {  	_ =	swait.ge [sflag:s23], $0x80  }
0x13f: {  	[sflag:s23] =	ssyncset.done $0x0  }
0x140: {  	[sflag:s23] =	ssyncadd.s32 $0xFFFFFF80  }
0x141: {  	s28 =	sadd.s32 $0x800, s28;
	_ =	swait.ge [sflag:s23], $0x80  }
0x142: {  	p0 =	sne.s32 s28, $0xC800;
	[sflag:s23] =	ssyncset.done $0x0  }
.Ltmp3:
0x143: {  	[sflag:s23] =	ssyncadd.s32 $0xFFFFFF80;
	(pc) =	sbr.rel @!p0 .LBB2_5-.Ltmp3, $4  }
0x144: {  	_ =	swait.ge [sflag:s23], $0x80  }
0x145: {  	s29 =	sadd.s32 $0x4000, s26;
	[sflag:s23] =	ssyncset.done $0x0  }
0x146: {  	s26 =	sadd.s32 $0x8000, s26;
	s25 =	sadd.s32 $0x100, s25;
	[sflag:s23] =	ssyncadd.s32 $0xFFFFFF80  }
0x147: {  	[hbm4b:s29+s2] =	stream.linear.scatter [tilespmem:s16], [sflag:$0x4], $0x1000, $0x38;
	[tilespmem:$0x10000] =	vst v63  }
.LBB2_2:
0x148: {  	p0 =	seq.s32 s28, $0x0  }
0x149: {  	s29 =	simm.s32 @!p0 $0x4  }
0x14a: {  	s30 =	sand.u32 $0xE000, s28;
	s31 =	sadd.s32 $0xFFFFFF80, s25;
	_ =	swait.ge @!p0 [sflag:s29], $0x1000  }
0x14b: {  	s31 =	sand.u32 $0x380, s31;
	s30 =	sor.u32 s30, s5;
	[sflag:s29] =	ssyncset.done @!p0 $0x0  }
0x14c: {  	[sflag:s29] =	ssyncadd.s32 @!p0 $0xFFFFF000;
	s29 =	sadd.s32 s31, s30  }
0x14d: {  	v2 =	vld.idx.msk [tilespmem:v0+s29+$0x0 ss:$0x1], $0xffff;
	_ =	sdelay $0x4  }
0x14e: {  	v3 =	vnsel vm0, $0x0, v2  }
0x14f: {  	v3 =	vxor.u32 $0x80000000, v3  }
0x150: {  	(xrf0) =	vmax.scan.msk.u32 $0xffff, v3;
	_ =	sdelay $0x1  }
0x151: {  	v3 =	vsel vm1, $0x0, v2  }
0x152: {  	v3 =	vxor.u32 $0x80000000, v3;
	_ =	sdelay $0x1  }
0x153: {  	(xrf0) =	vmax.scan.msk.u32 $0xffff, v3  }
0x154: {  	v3, _, _ =	vpop (xrf0)  }
0x155: {  	(v2sf) =	vpush v3, $0xF;
	v3 =	vsel vm2, $0x0, v2  }
0x156: {  	v3 =	vxor.u32 $0x80000000, v3;
	_ =	sdelay $0x1  }
0x157: {  	(xrf0) =	vmax.scan.msk.u32 $0xffff, v3  }
0x158: {  	v3, _, _ =	vpop (xrf0)  }
0x159: {  	(v2sf) =	vpush v3, $0xF;
	v3 =	vsel vm3, $0x0, v2  }
0x15a: {  	v3 =	vxor.u32 $0x80000000, v3;
	_ =	sdelay $0x1  }
0x15b: {  	(xrf0) =	vmax.scan.msk.u32 $0xffff, v3  }
0x15c: {  	v3, _, _ =	vpop (xrf0)  }
0x15d: {  	(v2sf) =	vpush v3, $0xF;
	v3 =	vsel vm4, $0x0, v2  }
0x15e: {  	v3 =	vxor.u32 $0x80000000, v3;
	_ =	sdelay $0x1  }
0x15f: {  	(xrf0) =	vmax.scan.msk.u32 $0xffff, v3  }
0x160: {  	v3, _, _ =	vpop (xrf0)  }
0x161: {  	s31 =	spop (v2sf);
	(v2sf) =	vpush v3, $0xF;
	v3 =	vsel vm5, $0x0, v2  }
0x162: {  	s30 =	sshll.u32 s31, $0x4;
	v3 =	vxor.u32 $0x80000000, v3  }
0x163: {  	s30 =	sand.u32 $0x1FFFFFF0, s30  }
0x164: {  	(xrf0) =	vmax.scan.msk.u32 $0xffff, v3;
	s30 =	sadd.s32 s3, s30  }
0x165: {  	[tilespmem:s16], [sflag:$0x2] =	stream.linear.gather [hbm4b:s30+s2], $0x80, $0x38;
	v3, _, _ =	vpop (xrf0);
	[tilespmem:$0x10000] =	vst v63  }
0x166: {  	s31 =	spop (v2sf);
	(v2sf) =	vpush v3, $0xF;
	v3 =	vsel vm6, $0x0, v2  }
0x167: {  	s30 =	sshll.u32 s31, $0x4;
	v3 =	vxor.u32 $0x80000000, v3  }
0x168: {  	s30 =	sand.u32 $0x1FFFFFF0, s30  }
0x169: {  	s31 =	simm.s32 $0xF080;
	(xrf0) =	vmax.scan.msk.u32 $0xffff, v3;
	s30 =	sadd.s32 s3, s30  }
0x16a: {  	[tilespmem:s31], [sflag:$0x2] =	stream.linear.gather [hbm4b:s30+s2], $0x80, $0x38;
	v3, _, _ =	vpop (xrf0);
	[tilespmem:$0x10000] =	vst v63  }
0x16b: {  	s31 =	spop (v2sf);
	(v2sf) =	vpush v3, $0xF;
	v3 =	vsel vm7, $0x0, v2  }
0x16c: {  	s30 =	sshll.u32 s31, $0x4;
	v3 =	vxor.u32 $0x80000000, v3  }
0x16d: {  	s30 =	sand.u32 $0x1FFFFFF0, s30  }
0x16e: {  	s31 =	simm.s32 $0xF100;
	(xrf0) =	vmax.scan.msk.u32 $0xffff, v3;
	s30 =	sadd.s32 s3, s30  }
0x16f: {  	[tilespmem:s31], [sflag:$0x2] =	stream.linear.gather [hbm4b:s30+s2], $0x80, $0x38;
	v3, _, _ =	vpop (xrf0);
	[tilespmem:$0x10000] =	vst v63  }
0x170: {  	s31 =	spop (v2sf);
	(v2sf) =	vpush v3, $0xF;
	v3 =	vsel vm8, $0x0, v2  }
0x171: {  	s30 =	sshll.u32 s31, $0x4;
	v3 =	vxor.u32 $0x80000000, v3  }
0x172: {  	s30 =	sand.u32 $0x1FFFFFF0, s30  }
0x173: {  	s31 =	simm.s32 $0xF180;
	(xrf0) =	vmax.scan.msk.u32 $0xffff, v3;
	s30 =	sadd.s32 s3, s30  }
0x174: {  	[tilespmem:s31], [sflag:$0x2] =	stream.linear.gather [hbm4b:s30+s2], $0x80, $0x38;
	v3, _, _ =	vpop (xrf0);
	[tilespmem:$0x10000] =	vst v63  }
0x175: {  	s31 =	spop (v2sf);
	(v2sf) =	vpush v3, $0xF;
	v3 =	vsel vm9, $0x0, v2  }
0x176: {  	s30 =	sshll.u32 s31, $0x4;
	v3 =	vxor.u32 $0x80000000, v3  }
0x177: {  	s30 =	sand.u32 $0x1FFFFFF0, s30  }
0x178: {  	s31 =	simm.s32 $0xF200;
	(xrf0) =	vmax.scan.msk.u32 $0xffff, v3;
	s30 =	sadd.s32 s3, s30  }
0x179: {  	[tilespmem:s31], [sflag:$0x2] =	stream.linear.gather [hbm4b:s30+s2], $0x80, $0x38;
	v3, _, _ =	vpop (xrf0);
	[tilespmem:$0x10000] =	vst v63  }
0x17a: {  	s31 =	spop (v2sf);
	(v2sf) =	vpush v3, $0xF;
	v3 =	vsel vm10, $0x0, v2  }
0x17b: {  	s30 =	sshll.u32 s31, $0x4;
	v3 =	vxor.u32 $0x80000000, v3  }
0x17c: {  	s30 =	sand.u32 $0x1FFFFFF0, s30  }
0x17d: {  	s31 =	simm.s32 $0xF280;
	(xrf0) =	vmax.scan.msk.u32 $0xffff, v3;
	s30 =	sadd.s32 s3, s30  }
0x17e: {  	[tilespmem:s31], [sflag:$0x2] =	stream.linear.gather [hbm4b:s30+s2], $0x80, $0x38;
	v3, _, _ =	vpop (xrf0);
	[tilespmem:$0x10000] =	vst v63  }
0x17f: {  	s31 =	spop (v2sf);
	(v2sf) =	vpush v3, $0xF;
	v3 =	vsel vm11, $0x0, v2  }
0x180: {  	s30 =	sshll.u32 s31, $0x4;
	v3 =	vxor.u32 $0x80000000, v3  }
0x181: {  	s30 =	sand.u32 $0x1FFFFFF0, s30  }
0x182: {  	s31 =	simm.s32 $0xF300;
	(xrf0) =	vmax.scan.msk.u32 $0xffff, v3;
	s30 =	sadd.s32 s3, s30  }
0x183: {  	[tilespmem:s31], [sflag:$0x2] =	stream.linear.gather [hbm4b:s30+s2], $0x80, $0x38;
	v3, _, _ =	vpop (xrf0);
	[tilespmem:$0x10000] =	vst v63  }
0x184: {  	s31 =	spop (v2sf);
	(v2sf) =	vpush v3, $0xF;
	v3 =	vsel vm12, $0x0, v2  }
0x185: {  	s30 =	sshll.u32 s31, $0x4;
	v3 =	vxor.u32 $0x80000000, v3  }
0x186: {  	s30 =	sand.u32 $0x1FFFFFF0, s30  }
0x187: {  	s31 =	simm.s32 $0xF380;
	(xrf0) =	vmax.scan.msk.u32 $0xffff, v3;
	s30 =	sadd.s32 s3, s30  }
0x188: {  	[tilespmem:s31], [sflag:$0x2] =	stream.linear.gather [hbm4b:s30+s2], $0x80, $0x38;
	v3, _, _ =	vpop (xrf0);
	[tilespmem:$0x10000] =	vst v63  }
0x189: {  	s31 =	spop (v2sf);
	(v2sf) =	vpush v3, $0xF;
	v3 =	vsel vm13, $0x0, v2  }
0x18a: {  	s30 =	sshll.u32 s31, $0x4;
	v3 =	vxor.u32 $0x80000000, v3  }
0x18b: {  	s30 =	sand.u32 $0x1FFFFFF0, s30  }
0x18c: {  	s31 =	simm.s32 $0xF400;
	(xrf0) =	vmax.scan.msk.u32 $0xffff, v3;
	s30 =	sadd.s32 s3, s30  }
0x18d: {  	[tilespmem:s31], [sflag:$0x2] =	stream.linear.gather [hbm4b:s30+s2], $0x80, $0x38;
	v3, _, _ =	vpop (xrf0);
	[tilespmem:$0x10000] =	vst v63  }
0x18e: {  	s31 =	spop (v2sf);
	(v2sf) =	vpush v3, $0xF;
	v3 =	vsel vm14, $0x0, v2  }
0x18f: {  	s30 =	sshll.u32 s31, $0x4;
	v3 =	vxor.u32 $0x80000000, v3  }
0x190: {  	s30 =	sand.u32 $0x1FFFFFF0, s30  }
0x191: {  	s31 =	simm.s32 $0xF480;
	(xrf0) =	vmax.scan.msk.u32 $0xffff, v3;
	s30 =	sadd.s32 s3, s30  }
0x192: {  	[tilespmem:s31], [sflag:$0x2] =	stream.linear.gather [hbm4b:s30+s2], $0x80, $0x38;
	v3, _, _ =	vpop (xrf0);
	[tilespmem:$0x10000] =	vst v63  }
0x193: {  	v2 =	vsel vm15, $0x0, v2;
	s31 =	spop (v2sf);
	(v2sf) =	vpush v3, $0xF  }
0x194: {  	v2 =	vxor.u32 $0x80000000, v2;
	s30 =	sshll.u32 s31, $0x4  }
0x195: {  	s30 =	sand.u32 $0x1FFFFFF0, s30  }
0x196: {  	(xrf0) =	vmax.scan.msk.u32 $0xffff, v2;
	s31 =	simm.s32 $0xF500;
	s30 =	sadd.s32 s3, s30  }
0x197: {  	v2, _, _ =	vpop (xrf0);
	[tilespmem:s31], [sflag:$0x2] =	stream.linear.gather [hbm4b:s30+s2], $0x80, $0x38;
	[tilespmem:$0x10000] =	vst v63  }
0x198: {  	s31 =	spop (v2sf);
	(v2sf) =	vpush v2, $0xF  }
0x199: {  	s30 =	sshll.u32 s31, $0x4  }
0x19a: {  	s30 =	sand.u32 $0x1FFFFFF0, s30  }
0x19b: {  	s31 =	simm.s32 $0xF580;
	s30 =	sadd.s32 s3, s30  }
0x19c: {  	v2, _, _ =	vpop (xrf0);
	[tilespmem:s31], [sflag:$0x2] =	stream.linear.gather [hbm4b:s30+s2], $0x80, $0x38;
	[tilespmem:$0x10000] =	vst v63  }
0x19d: {  	s31 =	spop (v2sf);
	(v2sf) =	vpush v2, $0xF  }
0x19e: {  	s30 =	sshll.u32 s31, $0x4  }
0x19f: {  	s30 =	sand.u32 $0x1FFFFFF0, s30  }
0x1a0: {  	s31 =	simm.s32 $0xF600;
	s30 =	sadd.s32 s3, s30  }
0x1a1: {  	[tilespmem:s31], [sflag:$0x2] =	stream.linear.gather [hbm4b:s30+s2], $0x80, $0x38;
	[tilespmem:$0x10000] =	vst v63  }
0x1a2: {  	s31 =	spop (v2sf)  }
0x1a3: {  	s30 =	sshll.u32 s31, $0x4  }
0x1a4: {  	s30 =	sand.u32 $0x1FFFFFF0, s30  }
0x1a5: {  	s31 =	simm.s32 $0xF680;
	s30 =	sadd.s32 s3, s30  }
0x1a6: {  	[tilespmem:s31], [sflag:$0x2] =	stream.linear.gather [hbm4b:s30+s2], $0x80, $0x38;
	[tilespmem:$0x10000] =	vst v63  }
0x1a7: {  	s31 =	spop (v2sf)  }
0x1a8: {  	s30 =	sshll.u32 s31, $0x4  }
0x1a9: {  	s30 =	sand.u32 $0x1FFFFFF0, s30  }
0x1aa: {  	s31 =	simm.s32 $0xF700;
	s30 =	sadd.s32 s3, s30  }
0x1ab: {  	[tilespmem:s31], [sflag:$0x2] =	stream.linear.gather [hbm4b:s30+s2], $0x80, $0x38;
	[tilespmem:$0x10000] =	vst v63  }
0x1ac: {  	s31 =	spop (v2sf)  }
0x1ad: {  	s30 =	sshll.u32 s31, $0x4  }
0x1ae: {  	s30 =	sand.u32 $0x1FFFFFF0, s30  }
0x1af: {  	s30 =	sadd.s32 s3, s30  }
0x1b0: {  	[tilespmem:s0], [sflag:$0x2] =	stream.linear.gather [hbm4b:s30+s2], $0x80, $0x38;
	[tilespmem:$0x10000] =	vst v63  }
0x1b1: {  	v2 =	vld.idx.msk [tilespmem:v1+s29+$0x0 ss:$0x1], $0xffff;
	_ =	sdelay $0x4  }
0x1b2: {  	v3 =	vnsel vm0, $0x0, v2  }
0x1b3: {  	v3 =	vxor.u32 $0x80000000, v3  }
0x1b4: {  	(xrf0) =	vmax.scan.msk.u32 $0xffff, v3;
	_ =	sdelay $0x1  }
0x1b5: {  	v3 =	vsel vm1, $0x0, v2  }
0x1b6: {  	v3 =	vxor.u32 $0x80000000, v3;
	_ =	sdelay $0x1  }
0x1b7: {  	(xrf0) =	vmax.scan.msk.u32 $0xffff, v3  }
0x1b8: {  	v3, _, _ =	vpop (xrf0)  }
0x1b9: {  	(v2sf) =	vpush v3, $0xF;
	v3 =	vsel vm2, $0x0, v2  }
0x1ba: {  	v3 =	vxor.u32 $0x80000000, v3;
	_ =	sdelay $0x1  }
0x1bb: {  	(xrf0) =	vmax.scan.msk.u32 $0xffff, v3  }
0x1bc: {  	v3, _, _ =	vpop (xrf0)  }
0x1bd: {  	(v2sf) =	vpush v3, $0xF;
	v3 =	vsel vm3, $0x0, v2  }
0x1be: {  	v3 =	vxor.u32 $0x80000000, v3;
	_ =	sdelay $0x1  }
0x1bf: {  	(xrf0) =	vmax.scan.msk.u32 $0xffff, v3  }
0x1c0: {  	v3, _, _ =	vpop (xrf0)  }
0x1c1: {  	(v2sf) =	vpush v3, $0xF;
	v3 =	vsel vm4, $0x0, v2  }
0x1c2: {  	v3 =	vxor.u32 $0x80000000, v3;
	_ =	sdelay $0x1  }
0x1c3: {  	(xrf0) =	vmax.scan.msk.u32 $0xffff, v3  }
0x1c4: {  	v3, _, _ =	vpop (xrf0)  }
0x1c5: {  	s30 =	spop (v2sf);
	(v2sf) =	vpush v3, $0xF;
	v3 =	vsel vm5, $0x0, v2  }
0x1c6: {  	s29 =	sshll.u32 s30, $0x4;
	v3 =	vxor.u32 $0x80000000, v3  }
0x1c7: {  	s29 =	sand.u32 $0x1FFFFFF0, s29  }
0x1c8: {  	(xrf0) =	vmax.scan.msk.u32 $0xffff, v3;
	s29 =	sadd.s32 s3, s29  }
0x1c9: {  	[tilespmem:s1], [sflag:$0x2] =	stream.linear.gather [hbm4b:s29+s2], $0x80, $0x38;
	v3, _, _ =	vpop (xrf0);
	[tilespmem:$0x10000] =	vst v63  }
0x1ca: {  	s31 =	spop (v2sf);
	(v2sf) =	vpush v3, $0xF;
	v3 =	vsel vm6, $0x0, v2  }
0x1cb: {  	s29 =	sshll.u32 s31, $0x4;
	v3 =	vxor.u32 $0x80000000, v3  }
0x1cc: {  	s29 =	sand.u32 $0x1FFFFFF0, s29  }
0x1cd: {  	(xrf0) =	vmax.scan.msk.u32 $0xffff, v3;
	s29 =	sadd.s32 s3, s29  }
0x1ce: {  	[tilespmem:s4], [sflag:$0x2] =	stream.linear.gather [hbm4b:s29+s2], $0x80, $0x38;
	v3, _, _ =	vpop (xrf0);
	[tilespmem:$0x10000] =	vst v63  }
0x1cf: {  	s30 =	spop (v2sf);
	(v2sf) =	vpush v3, $0xF;
	v3 =	vsel vm7, $0x0, v2  }
0x1d0: {  	s29 =	sshll.u32 s30, $0x4;
	v3 =	vxor.u32 $0x80000000, v3  }
0x1d1: {  	s29 =	sand.u32 $0x1FFFFFF0, s29  }
0x1d2: {  	(xrf0) =	vmax.scan.msk.u32 $0xffff, v3;
	s29 =	sadd.s32 s3, s29  }
0x1d3: {  	[tilespmem:s6], [sflag:$0x2] =	stream.linear.gather [hbm4b:s29+s2], $0x80, $0x38;
	v3, _, _ =	vpop (xrf0);
	[tilespmem:$0x10000] =	vst v63  }
0x1d4: {  	s31 =	spop (v2sf);
	(v2sf) =	vpush v3, $0xF;
	v3 =	vsel vm8, $0x0, v2  }
0x1d5: {  	s29 =	sshll.u32 s31, $0x4;
	v3 =	vxor.u32 $0x80000000, v3  }
0x1d6: {  	s29 =	sand.u32 $0x1FFFFFF0, s29  }
0x1d7: {  	(xrf0) =	vmax.scan.msk.u32 $0xffff, v3;
	s29 =	sadd.s32 s3, s29  }
0x1d8: {  	[tilespmem:s7], [sflag:$0x2] =	stream.linear.gather [hbm4b:s29+s2], $0x80, $0x38;
	v3, _, _ =	vpop (xrf0);
	[tilespmem:$0x10000] =	vst v63  }
0x1d9: {  	s30 =	spop (v2sf);
	(v2sf) =	vpush v3, $0xF;
	v3 =	vsel vm9, $0x0, v2  }
0x1da: {  	s29 =	sshll.u32 s30, $0x4;
	v3 =	vxor.u32 $0x80000000, v3  }
0x1db: {  	s29 =	sand.u32 $0x1FFFFFF0, s29  }
0x1dc: {  	(xrf0) =	vmax.scan.msk.u32 $0xffff, v3;
	s29 =	sadd.s32 s3, s29  }
0x1dd: {  	[tilespmem:s8], [sflag:$0x2] =	stream.linear.gather [hbm4b:s29+s2], $0x80, $0x38;
	v3, _, _ =	vpop (xrf0);
	[tilespmem:$0x10000] =	vst v63  }
0x1de: {  	s31 =	spop (v2sf);
	(v2sf) =	vpush v3, $0xF;
	v3 =	vsel vm10, $0x0, v2  }
0x1df: {  	s29 =	sshll.u32 s31, $0x4;
	v3 =	vxor.u32 $0x80000000, v3  }
0x1e0: {  	s29 =	sand.u32 $0x1FFFFFF0, s29  }
0x1e1: {  	(xrf0) =	vmax.scan.msk.u32 $0xffff, v3;
	s29 =	sadd.s32 s3, s29  }
0x1e2: {  	[tilespmem:s9], [sflag:$0x2] =	stream.linear.gather [hbm4b:s29+s2], $0x80, $0x38;
	v3, _, _ =	vpop (xrf0);
	[tilespmem:$0x10000] =	vst v63  }
0x1e3: {  	s30 =	spop (v2sf);
	(v2sf) =	vpush v3, $0xF;
	v3 =	vsel vm11, $0x0, v2  }
0x1e4: {  	s29 =	sshll.u32 s30, $0x4;
	v3 =	vxor.u32 $0x80000000, v3  }
0x1e5: {  	s29 =	sand.u32 $0x1FFFFFF0, s29  }
0x1e6: {  	(xrf0) =	vmax.scan.msk.u32 $0xffff, v3;
	s29 =	sadd.s32 s3, s29  }
0x1e7: {  	[tilespmem:s10], [sflag:$0x2] =	stream.linear.gather [hbm4b:s29+s2], $0x80, $0x38;
	v3, _, _ =	vpop (xrf0);
	[tilespmem:$0x10000] =	vst v63  }
0x1e8: {  	s31 =	spop (v2sf);
	(v2sf) =	vpush v3, $0xF;
	v3 =	vsel vm12, $0x0, v2  }
0x1e9: {  	s29 =	sshll.u32 s31, $0x4;
	v3 =	vxor.u32 $0x80000000, v3  }
0x1ea: {  	s29 =	sand.u32 $0x1FFFFFF0, s29  }
0x1eb: {  	(xrf0) =	vmax.scan.msk.u32 $0xffff, v3;
	s29 =	sadd.s32 s3, s29  }
0x1ec: {  	[tilespmem:s12], [sflag:$0x2] =	stream.linear.gather [hbm4b:s29+s2], $0x80, $0x38;
	v3, _, _ =	vpop (xrf0);
	[tilespmem:$0x10000] =	vst v63  }
0x1ed: {  	s30 =	spop (v2sf);
	(v2sf) =	vpush v3, $0xF;
	v3 =	vsel vm13, $0x0, v2  }
0x1ee: {  	s29 =	sshll.u32 s30, $0x4;
	v3 =	vxor.u32 $0x80000000, v3  }
0x1ef: {  	s29 =	sand.u32 $0x1FFFFFF0, s29  }
0x1f0: {  	(xrf0) =	vmax.scan.msk.u32 $0xffff, v3;
	s29 =	sadd.s32 s3, s29  }
0x1f1: {  	[tilespmem:s13], [sflag:$0x2] =	stream.linear.gather [hbm4b:s29+s2], $0x80, $0x38;
	v3, _, _ =	vpop (xrf0);
	[tilespmem:$0x10000] =	vst v63  }
0x1f2: {  	s31 =	spop (v2sf);
	(v2sf) =	vpush v3, $0xF;
	v3 =	vsel vm14, $0x0, v2  }
0x1f3: {  	s29 =	sshll.u32 s31, $0x4;
	v3 =	vxor.u32 $0x80000000, v3  }
0x1f4: {  	s29 =	sand.u32 $0x1FFFFFF0, s29  }
0x1f5: {  	(xrf0) =	vmax.scan.msk.u32 $0xffff, v3;
	s29 =	sadd.s32 s3, s29  }
0x1f6: {  	[tilespmem:s14], [sflag:$0x2] =	stream.linear.gather [hbm4b:s29+s2], $0x80, $0x38;
	v3, _, _ =	vpop (xrf0);
	[tilespmem:$0x10000] =	vst v63  }
0x1f7: {  	v2 =	vsel vm15, $0x0, v2;
	s30 =	spop (v2sf);
	(v2sf) =	vpush v3, $0xF  }
0x1f8: {  	v2 =	vxor.u32 $0x80000000, v2;
	s29 =	sshll.u32 s30, $0x4  }
0x1f9: {  	s29 =	sand.u32 $0x1FFFFFF0, s29  }
0x1fa: {  	(xrf0) =	vmax.scan.msk.u32 $0xffff, v2;
	s29 =	sadd.s32 s3, s29  }
0x1fb: {  	v2, _, _ =	vpop (xrf0);
	[tilespmem:s15], [sflag:$0x2] =	stream.linear.gather [hbm4b:s29+s2], $0x80, $0x38;
	[tilespmem:$0x10000] =	vst v63  }
0x1fc: {  	s31 =	spop (v2sf);
	(v2sf) =	vpush v2, $0xF  }
0x1fd: {  	s29 =	sshll.u32 s31, $0x4  }
0x1fe: {  	s29 =	sand.u32 $0x1FFFFFF0, s29  }
0x1ff: {  	s29 =	sadd.s32 s3, s29  }
0x200: {  	v2, _, _ =	vpop (xrf0);
	[tilespmem:s17], [sflag:$0x2] =	stream.linear.gather [hbm4b:s29+s2], $0x80, $0x38;
	[tilespmem:$0x10000] =	vst v63  }
0x201: {  	s30 =	spop (v2sf);
	(v2sf) =	vpush v2, $0xF  }
0x202: {  	s29 =	sshll.u32 s30, $0x4  }
0x203: {  	s29 =	sand.u32 $0x1FFFFFF0, s29  }
0x204: {  	s29 =	sadd.s32 s3, s29  }
0x205: {  	[tilespmem:s18], [sflag:$0x2] =	stream.linear.gather [hbm4b:s29+s2], $0x80, $0x38;
	[tilespmem:$0x10000] =	vst v63  }
0x206: {  	s31 =	spop (v2sf)  }
0x207: {  	s29 =	sshll.u32 s31, $0x4  }
0x208: {  	s29 =	sand.u32 $0x1FFFFFF0, s29  }
0x209: {  	s29 =	sadd.s32 s3, s29  }
0x20a: {  	[tilespmem:s19], [sflag:$0x2] =	stream.linear.gather [hbm4b:s29+s2], $0x80, $0x38;
	[tilespmem:$0x10000] =	vst v63  }
0x20b: {  	s30 =	spop (v2sf)  }
0x20c: {  	s29 =	sshll.u32 s30, $0x4  }
0x20d: {  	s29 =	sand.u32 $0x1FFFFFF0, s29  }
0x20e: {  	s29 =	sadd.s32 s3, s29  }
0x20f: {  	[tilespmem:s20], [sflag:$0x2] =	stream.linear.gather [hbm4b:s29+s2], $0x80, $0x38;
	[tilespmem:$0x10000] =	vst v63  }
0x210: {  	s31 =	spop (v2sf)  }
0x211: {  	s29 =	sshll.u32 s31, $0x4  }
0x212: {  	s29 =	sand.u32 $0x1FFFFFF0, s29  }
0x213: {  	s29 =	sadd.s32 s3, s29  }
0x214: {  	[tilespmem:s21], [sflag:$0x2] =	stream.linear.gather [hbm4b:s29+s2], $0x80, $0x38;
	[tilespmem:$0x10000] =	vst v63  }
0x215: {  	_ =	swait.ge [sflag:s22], $0x80  }
0x216: {  	[sflag:s22] =	ssyncset.done $0x0  }
0x217: {  	[sflag:s22] =	ssyncadd.s32 $0xFFFFFF80  }
0x218: {  	_ =	swait.ge [sflag:s22], $0x80  }
0x219: {  	[sflag:s22] =	ssyncset.done $0x0  }
0x21a: {  	[sflag:s22] =	ssyncadd.s32 $0xFFFFFF80  }
0x21b: {  	_ =	swait.ge [sflag:s22], $0x80  }
0x21c: {  	[sflag:s22] =	ssyncset.done $0x0  }
0x21d: {  	[sflag:s22] =	ssyncadd.s32 $0xFFFFFF80  }
0x21e: {  	_ =	swait.ge [sflag:s22], $0x80  }
0x21f: {  	[sflag:s22] =	ssyncset.done $0x0  }
0x220: {  	[sflag:s22] =	ssyncadd.s32 $0xFFFFFF80  }
0x221: {  	_ =	swait.ge [sflag:s22], $0x80  }
0x222: {  	[sflag:s22] =	ssyncset.done $0x0  }
0x223: {  	[sflag:s22] =	ssyncadd.s32 $0xFFFFFF80  }
0x224: {  	_ =	swait.ge [sflag:s22], $0x80  }
0x225: {  	[sflag:s22] =	ssyncset.done $0x0  }
0x226: {  	[sflag:s22] =	ssyncadd.s32 $0xFFFFFF80  }
0x227: {  	_ =	swait.ge [sflag:s22], $0x80  }
0x228: {  	[sflag:s22] =	ssyncset.done $0x0  }
0x229: {  	[sflag:s22] =	ssyncadd.s32 $0xFFFFFF80  }
0x22a: {  	_ =	swait.ge [sflag:s22], $0x80  }
0x22b: {  	[sflag:s22] =	ssyncset.done $0x0  }
0x22c: {  	[sflag:s22] =	ssyncadd.s32 $0xFFFFFF80  }
0x22d: {  	_ =	swait.ge [sflag:s22], $0x80  }
0x22e: {  	[sflag:s22] =	ssyncset.done $0x0  }
0x22f: {  	[sflag:s22] =	ssyncadd.s32 $0xFFFFFF80  }
0x230: {  	_ =	swait.ge [sflag:s22], $0x80  }
0x231: {  	[sflag:s22] =	ssyncset.done $0x0  }
0x232: {  	[sflag:s22] =	ssyncadd.s32 $0xFFFFFF80  }
0x233: {  	_ =	swait.ge [sflag:s22], $0x80  }
0x234: {  	[sflag:s22] =	ssyncset.done $0x0  }
0x235: {  	[sflag:s22] =	ssyncadd.s32 $0xFFFFFF80  }
0x236: {  	_ =	swait.ge [sflag:s22], $0x80  }
0x237: {  	[sflag:s22] =	ssyncset.done $0x0  }
0x238: {  	[sflag:s22] =	ssyncadd.s32 $0xFFFFFF80  }
0x239: {  	_ =	swait.ge [sflag:s22], $0x80  }
0x23a: {  	[sflag:s22] =	ssyncset.done $0x0  }
0x23b: {  	[sflag:s22] =	ssyncadd.s32 $0xFFFFFF80  }
0x23c: {  	_ =	swait.ge [sflag:s22], $0x80  }
0x23d: {  	[sflag:s22] =	ssyncset.done $0x0  }
0x23e: {  	[sflag:s22] =	ssyncadd.s32 $0xFFFFFF80  }
0x23f: {  	_ =	swait.ge [sflag:s22], $0x80  }
0x240: {  	[sflag:s22] =	ssyncset.done $0x0  }
0x241: {  	[sflag:s22] =	ssyncadd.s32 $0xFFFFFF80  }
0x242: {  	_ =	swait.ge [sflag:s22], $0x80  }
0x243: {  	[sflag:s22] =	ssyncset.done $0x0  }
0x244: {  	[sflag:s22] =	ssyncadd.s32 $0xFFFFFF80  }
0x245: {  	_ =	swait.ge [sflag:s22], $0x80  }
0x246: {  	[sflag:s22] =	ssyncset.done $0x0  }
0x247: {  	[sflag:s22] =	ssyncadd.s32 $0xFFFFFF80  }
0x248: {  	_ =	swait.ge [sflag:s22], $0x80  }
0x249: {  	[sflag:s22] =	ssyncset.done $0x0  }
0x24a: {  	[sflag:s22] =	ssyncadd.s32 $0xFFFFFF80  }
0x24b: {  	_ =	swait.ge [sflag:s22], $0x80  }
0x24c: {  	[sflag:s22] =	ssyncset.done $0x0  }
0x24d: {  	[sflag:s22] =	ssyncadd.s32 $0xFFFFFF80  }
0x24e: {  	_ =	swait.ge [sflag:s22], $0x80  }
0x24f: {  	[sflag:s22] =	ssyncset.done $0x0  }
0x250: {  	[sflag:s22] =	ssyncadd.s32 $0xFFFFFF80  }
0x251: {  	_ =	swait.ge [sflag:s22], $0x80  }
0x252: {  	[sflag:s22] =	ssyncset.done $0x0  }
0x253: {  	[sflag:s22] =	ssyncadd.s32 $0xFFFFFF80  }
0x254: {  	_ =	swait.ge [sflag:s22], $0x80  }
0x255: {  	[sflag:s22] =	ssyncset.done $0x0  }
0x256: {  	[sflag:s22] =	ssyncadd.s32 $0xFFFFFF80  }
0x257: {  	_ =	swait.ge [sflag:s22], $0x80  }
0x258: {  	[sflag:s22] =	ssyncset.done $0x0  }
0x259: {  	[sflag:s22] =	ssyncadd.s32 $0xFFFFFF80  }
0x25a: {  	_ =	swait.ge [sflag:s22], $0x80  }
0x25b: {  	[sflag:s22] =	ssyncset.done $0x0  }
0x25c: {  	[sflag:s22] =	ssyncadd.s32 $0xFFFFFF80  }
0x25d: {  	_ =	swait.ge [sflag:s22], $0x80  }
0x25e: {  	[sflag:s22] =	ssyncset.done $0x0  }
0x25f: {  	[sflag:s22] =	ssyncadd.s32 $0xFFFFFF80  }
0x260: {  	_ =	swait.ge [sflag:s22], $0x80  }
0x261: {  	[sflag:s22] =	ssyncset.done $0x0  }
0x262: {  	[sflag:s22] =	ssyncadd.s32 $0xFFFFFF80  }
0x263: {  	_ =	swait.ge [sflag:s22], $0x80  }
0x264: {  	[sflag:s22] =	ssyncset.done $0x0  }
0x265: {  	[sflag:s22] =	ssyncadd.s32 $0xFFFFFF80  }
0x266: {  	_ =	swait.ge [sflag:s22], $0x80  }
0x267: {  	[sflag:s22] =	ssyncset.done $0x0  }
0x268: {  	[sflag:s22] =	ssyncadd.s32 $0xFFFFFF80  }
0x269: {  	_ =	swait.ge [sflag:s22], $0x80  }
0x26a: {  	[sflag:s22] =	ssyncset.done $0x0  }
0x26b: {  	[sflag:s22] =	ssyncadd.s32 $0xFFFFFF80  }
0x26c: {  	_ =	swait.ge [sflag:s22], $0x80  }
0x26d: {  	[sflag:s22] =	ssyncset.done $0x0  }
0x26e: {  	[sflag:s22] =	ssyncadd.s32 $0xFFFFFF80  }
0x26f: {  	_ =	swait.ge [sflag:s22], $0x80  }
0x270: {  	p0 =	seq.s32 s28, $0xC000;
	[sflag:s22] =	ssyncset.done $0x0  }
.Ltmp4:
0x271: {  	[sflag:s22] =	ssyncadd.s32 $0xFFFFFF80;
	(pc) =	sbr.rel @p0 .LBB2_4-.Ltmp4, $4  }
0x272: {  	_ =	swait.ge [sflag:s22], $0x80  }
0x273: {  	[sflag:s22] =	ssyncset.done $0x0  }
0x274: {  	[sflag:s22] =	ssyncadd.s32 $0xFFFFFF80  }
0x275: {  	[hbm4b:s26+s2] =	stream.linear.scatter [tilespmem:s11], [sflag:$0x3], $0x1000, $0x38;
	[tilespmem:$0x10000] =	vst v63  }
0x276: {  	s29 =	sadd.s32 $0x800, s28  }
0x277: {  	_ =	swait.ge [sflag:s24], $0x1000;
	s29 =	sand.u32 $0x1E000, s29  }
0x278: {  	s30 =	sand.u32 $0x300, s25;
	[sflag:s24] =	ssyncset.done $0x0;
	s29 =	sor.u32 s29, s5  }
0x279: {  	[sflag:s24] =	ssyncadd.s32 $0xFFFFF000;
	s29 =	sadd.s32 s30, s29  }
0x27a: {  	v2 =	vld.idx.msk [tilespmem:v0+s29+$0x0 ss:$0x1], $0xffff;
	_ =	sdelay $0x4  }
0x27b: {  	v3 =	vnsel vm0, $0x0, v2  }
0x27c: {  	v3 =	vxor.u32 $0x80000000, v3  }
0x27d: {  	(xrf0) =	vmax.scan.msk.u32 $0xffff, v3;
	_ =	sdelay $0x1  }
0x27e: {  	v3 =	vsel vm1, $0x0, v2  }
0x27f: {  	v3 =	vxor.u32 $0x80000000, v3;
	_ =	sdelay $0x1  }
0x280: {  	(xrf0) =	vmax.scan.msk.u32 $0xffff, v3  }
0x281: {  	v3, _, _ =	vpop (xrf0)  }
0x282: {  	(v2sf) =	vpush v3, $0xF;
	v3 =	vsel vm2, $0x0, v2  }
0x283: {  	v3 =	vxor.u32 $0x80000000, v3;
	_ =	sdelay $0x1  }
0x284: {  	(xrf0) =	vmax.scan.msk.u32 $0xffff, v3  }
0x285: {  	v3, _, _ =	vpop (xrf0)  }
0x286: {  	(v2sf) =	vpush v3, $0xF;
	v3 =	vsel vm3, $0x0, v2  }
0x287: {  	v3 =	vxor.u32 $0x80000000, v3;
	_ =	sdelay $0x1  }
0x288: {  	(xrf0) =	vmax.scan.msk.u32 $0xffff, v3  }
0x289: {  	v3, _, _ =	vpop (xrf0)  }
0x28a: {  	(v2sf) =	vpush v3, $0xF;
	v3 =	vsel vm4, $0x0, v2  }
0x28b: {  	v3 =	vxor.u32 $0x80000000, v3;
	_ =	sdelay $0x1  }
0x28c: {  	(xrf0) =	vmax.scan.msk.u32 $0xffff, v3  }
0x28d: {  	v3, _, _ =	vpop (xrf0)  }
0x28e: {  	s31 =	spop (v2sf);
	(v2sf) =	vpush v3, $0xF;
	v3 =	vsel vm5, $0x0, v2  }
0x28f: {  	s30 =	sshll.u32 s31, $0x4;
	v3 =	vxor.u32 $0x80000000, v3  }
0x290: {  	s30 =	sand.u32 $0x1FFFFFF0, s30  }
0x291: {  	(xrf0) =	vmax.scan.msk.u32 $0xffff, v3;
	s30 =	sadd.s32 s3, s30  }
0x292: {  	[tilespmem:s11], [sflag:$0x1] =	stream.linear.gather [hbm4b:s30+s2], $0x80, $0x38;
	v3, _, _ =	vpop (xrf0);
	[tilespmem:$0x10000] =	vst v63  }
0x293: {  	s31 =	spop (v2sf);
	(v2sf) =	vpush v3, $0xF;
	v3 =	vsel vm6, $0x0, v2  }
0x294: {  	s30 =	sshll.u32 s31, $0x4;
	v3 =	vxor.u32 $0x80000000, v3  }
0x295: {  	s30 =	sand.u32 $0x1FFFFFF0, s30  }
0x296: {  	s31 =	simm.s32 $0xE080;
	(xrf0) =	vmax.scan.msk.u32 $0xffff, v3;
	s30 =	sadd.s32 s3, s30  }
0x297: {  	[tilespmem:s31], [sflag:$0x1] =	stream.linear.gather [hbm4b:s30+s2], $0x80, $0x38;
	v3, _, _ =	vpop (xrf0);
	[tilespmem:$0x10000] =	vst v63  }
0x298: {  	s31 =	spop (v2sf);
	(v2sf) =	vpush v3, $0xF;
	v3 =	vsel vm7, $0x0, v2  }
0x299: {  	s30 =	sshll.u32 s31, $0x4;
	v3 =	vxor.u32 $0x80000000, v3  }
0x29a: {  	s30 =	sand.u32 $0x1FFFFFF0, s30  }
0x29b: {  	s31 =	simm.s32 $0xE100;
	(xrf0) =	vmax.scan.msk.u32 $0xffff, v3;
	s30 =	sadd.s32 s3, s30  }
0x29c: {  	[tilespmem:s31], [sflag:$0x1] =	stream.linear.gather [hbm4b:s30+s2], $0x80, $0x38;
	v3, _, _ =	vpop (xrf0);
	[tilespmem:$0x10000] =	vst v63  }
0x29d: {  	s31 =	spop (v2sf);
	(v2sf) =	vpush v3, $0xF;
	v3 =	vsel vm8, $0x0, v2  }
0x29e: {  	s30 =	sshll.u32 s31, $0x4;
	v3 =	vxor.u32 $0x80000000, v3  }
0x29f: {  	s30 =	sand.u32 $0x1FFFFFF0, s30  }
0x2a0: {  	s31 =	simm.s32 $0xE180;
	(xrf0) =	vmax.scan.msk.u32 $0xffff, v3;
	s30 =	sadd.s32 s3, s30  }
0x2a1: {  	[tilespmem:s31], [sflag:$0x1] =	stream.linear.gather [hbm4b:s30+s2], $0x80, $0x38;
	v3, _, _ =	vpop (xrf0);
	[tilespmem:$0x10000] =	vst v63  }
0x2a2: {  	s31 =	spop (v2sf);
	(v2sf) =	vpush v3, $0xF;
	v3 =	vsel vm9, $0x0, v2  }
0x2a3: {  	s30 =	sshll.u32 s31, $0x4;
	v3 =	vxor.u32 $0x80000000, v3  }
0x2a4: {  	s30 =	sand.u32 $0x1FFFFFF0, s30  }
0x2a5: {  	s31 =	simm.s32 $0xE200;
	(xrf0) =	vmax.scan.msk.u32 $0xffff, v3;
	s30 =	sadd.s32 s3, s30  }
0x2a6: {  	[tilespmem:s31], [sflag:$0x1] =	stream.linear.gather [hbm4b:s30+s2], $0x80, $0x38;
	v3, _, _ =	vpop (xrf0);
	[tilespmem:$0x10000] =	vst v63  }
0x2a7: {  	s31 =	spop (v2sf);
	(v2sf) =	vpush v3, $0xF;
	v3 =	vsel vm10, $0x0, v2  }
0x2a8: {  	s30 =	sshll.u32 s31, $0x4;
	v3 =	vxor.u32 $0x80000000, v3  }
0x2a9: {  	s30 =	sand.u32 $0x1FFFFFF0, s30  }
0x2aa: {  	s31 =	simm.s32 $0xE280;
	(xrf0) =	vmax.scan.msk.u32 $0xffff, v3;
	s30 =	sadd.s32 s3, s30  }
0x2ab: {  	[tilespmem:s31], [sflag:$0x1] =	stream.linear.gather [hbm4b:s30+s2], $0x80, $0x38;
	v3, _, _ =	vpop (xrf0);
	[tilespmem:$0x10000] =	vst v63  }
0x2ac: {  	s31 =	spop (v2sf);
	(v2sf) =	vpush v3, $0xF;
	v3 =	vsel vm11, $0x0, v2  }
0x2ad: {  	s30 =	sshll.u32 s31, $0x4;
	v3 =	vxor.u32 $0x80000000, v3  }
0x2ae: {  	s30 =	sand.u32 $0x1FFFFFF0, s30  }
0x2af: {  	s31 =	simm.s32 $0xE300;
	(xrf0) =	vmax.scan.msk.u32 $0xffff, v3;
	s30 =	sadd.s32 s3, s30  }
0x2b0: {  	[tilespmem:s31], [sflag:$0x1] =	stream.linear.gather [hbm4b:s30+s2], $0x80, $0x38;
	v3, _, _ =	vpop (xrf0);
	[tilespmem:$0x10000] =	vst v63  }
0x2b1: {  	s31 =	spop (v2sf);
	(v2sf) =	vpush v3, $0xF;
	v3 =	vsel vm12, $0x0, v2  }
0x2b2: {  	s30 =	sshll.u32 s31, $0x4;
	v3 =	vxor.u32 $0x80000000, v3  }
0x2b3: {  	s30 =	sand.u32 $0x1FFFFFF0, s30  }
0x2b4: {  	s31 =	simm.s32 $0xE380;
	(xrf0) =	vmax.scan.msk.u32 $0xffff, v3;
	s30 =	sadd.s32 s3, s30  }
0x2b5: {  	[tilespmem:s31], [sflag:$0x1] =	stream.linear.gather [hbm4b:s30+s2], $0x80, $0x38;
	v3, _, _ =	vpop (xrf0);
	[tilespmem:$0x10000] =	vst v63  }
0x2b6: {  	s31 =	spop (v2sf);
	(v2sf) =	vpush v3, $0xF;
	v3 =	vsel vm13, $0x0, v2  }
0x2b7: {  	s30 =	sshll.u32 s31, $0x4;
	v3 =	vxor.u32 $0x80000000, v3  }
0x2b8: {  	s30 =	sand.u32 $0x1FFFFFF0, s30  }
0x2b9: {  	s31 =	simm.s32 $0xE400;
	(xrf0) =	vmax.scan.msk.u32 $0xffff, v3;
	s30 =	sadd.s32 s3, s30  }
0x2ba: {  	[tilespmem:s31], [sflag:$0x1] =	stream.linear.gather [hbm4b:s30+s2], $0x80, $0x38;
	v3, _, _ =	vpop (xrf0);
	[tilespmem:$0x10000] =	vst v63  }
0x2bb: {  	s31 =	spop (v2sf);
	(v2sf) =	vpush v3, $0xF;
	v3 =	vsel vm14, $0x0, v2  }
0x2bc: {  	s30 =	sshll.u32 s31, $0x4;
	v3 =	vxor.u32 $0x80000000, v3  }
0x2bd: {  	s30 =	sand.u32 $0x1FFFFFF0, s30  }
0x2be: {  	s31 =	simm.s32 $0xE480;
	(xrf0) =	vmax.scan.msk.u32 $0xffff, v3;
	s30 =	sadd.s32 s3, s30  }
0x2bf: {  	[tilespmem:s31], [sflag:$0x1] =	stream.linear.gather [hbm4b:s30+s2], $0x80, $0x38;
	v3, _, _ =	vpop (xrf0);
	[tilespmem:$0x10000] =	vst v63  }
0x2c0: {  	v2 =	vsel vm15, $0x0, v2;
	s31 =	spop (v2sf);
	(v2sf) =	vpush v3, $0xF  }
0x2c1: {  	v2 =	vxor.u32 $0x80000000, v2;
	s30 =	sshll.u32 s31, $0x4  }
0x2c2: {  	s30 =	sand.u32 $0x1FFFFFF0, s30  }
0x2c3: {  	(xrf0) =	vmax.scan.msk.u32 $0xffff, v2;
	s31 =	simm.s32 $0xE500;
	s30 =	sadd.s32 s3, s30  }
0x2c4: {  	v2, _, _ =	vpop (xrf0);
	[tilespmem:s31], [sflag:$0x1] =	stream.linear.gather [hbm4b:s30+s2], $0x80, $0x38;
	[tilespmem:$0x10000] =	vst v63  }
0x2c5: {  	s31 =	spop (v2sf);
	(v2sf) =	vpush v2, $0xF  }
0x2c6: {  	s30 =	sshll.u32 s31, $0x4  }
0x2c7: {  	s30 =	sand.u32 $0x1FFFFFF0, s30  }
0x2c8: {  	s31 =	simm.s32 $0xE580;
	s30 =	sadd.s32 s3, s30  }
0x2c9: {  	v2, _, _ =	vpop (xrf0);
	[tilespmem:s31], [sflag:$0x1] =	stream.linear.gather [hbm4b:s30+s2], $0x80, $0x38;
	[tilespmem:$0x10000] =	vst v63  }
0x2ca: {  	s31 =	spop (v2sf);
	(v2sf) =	vpush v2, $0xF  }
0x2cb: {  	s30 =	sshll.u32 s31, $0x4  }
0x2cc: {  	s30 =	sand.u32 $0x1FFFFFF0, s30  }
0x2cd: {  	s31 =	simm.s32 $0xE600;
	s30 =	sadd.s32 s3, s30  }
0x2ce: {  	[tilespmem:s31], [sflag:$0x1] =	stream.linear.gather [hbm4b:s30+s2], $0x80, $0x38;
	[tilespmem:$0x10000] =	vst v63  }
0x2cf: {  	s31 =	spop (v2sf)  }
0x2d0: {  	s30 =	sshll.u32 s31, $0x4  }
0x2d1: {  	s30 =	sand.u32 $0x1FFFFFF0, s30  }
0x2d2: {  	s31 =	simm.s32 $0xE680;
	s30 =	sadd.s32 s3, s30  }
0x2d3: {  	[tilespmem:s31], [sflag:$0x1] =	stream.linear.gather [hbm4b:s30+s2], $0x80, $0x38;
	[tilespmem:$0x10000] =	vst v63  }
0x2d4: {  	s31 =	spop (v2sf)  }
0x2d5: {  	s30 =	sshll.u32 s31, $0x4  }
0x2d6: {  	s30 =	sand.u32 $0x1FFFFFF0, s30  }
0x2d7: {  	s31 =	simm.s32 $0xE700;
	s30 =	sadd.s32 s3, s30  }
0x2d8: {  	[tilespmem:s31], [sflag:$0x1] =	stream.linear.gather [hbm4b:s30+s2], $0x80, $0x38;
	[tilespmem:$0x10000] =	vst v63  }
0x2d9: {  	s31 =	spop (v2sf)  }
0x2da: {  	s30 =	sshll.u32 s31, $0x4  }
0x2db: {  	s30 =	sand.u32 $0x1FFFFFF0, s30  }
0x2dc: {  	s31 =	simm.s32 $0xE780;
	s30 =	sadd.s32 s3, s30  }
0x2dd: {  	[tilespmem:s31], [sflag:$0x1] =	stream.linear.gather [hbm4b:s30+s2], $0x80, $0x38;
	[tilespmem:$0x10000] =	vst v63  }
0x2de: {  	v2 =	vld.idx.msk [tilespmem:v1+s29+$0x0 ss:$0x1], $0xffff;
	_ =	sdelay $0x4  }
0x2df: {  	v3 =	vnsel vm0, $0x0, v2  }
0x2e0: {  	v3 =	vxor.u32 $0x80000000, v3  }
0x2e1: {  	(xrf0) =	vmax.scan.msk.u32 $0xffff, v3;
	_ =	sdelay $0x1  }
0x2e2: {  	v3 =	vsel vm1, $0x0, v2  }
0x2e3: {  	v3 =	vxor.u32 $0x80000000, v3;
	_ =	sdelay $0x1  }
0x2e4: {  	(xrf0) =	vmax.scan.msk.u32 $0xffff, v3  }
0x2e5: {  	v3, _, _ =	vpop (xrf0)  }
0x2e6: {  	(v2sf) =	vpush v3, $0xF;
	v3 =	vsel vm2, $0x0, v2  }
0x2e7: {  	v3 =	vxor.u32 $0x80000000, v3;
	_ =	sdelay $0x1  }
0x2e8: {  	(xrf0) =	vmax.scan.msk.u32 $0xffff, v3  }
0x2e9: {  	v3, _, _ =	vpop (xrf0)  }
0x2ea: {  	(v2sf) =	vpush v3, $0xF;
	v3 =	vsel vm3, $0x0, v2  }
0x2eb: {  	v3 =	vxor.u32 $0x80000000, v3;
	_ =	sdelay $0x1  }
0x2ec: {  	(xrf0) =	vmax.scan.msk.u32 $0xffff, v3  }
0x2ed: {  	v3, _, _ =	vpop (xrf0)  }
0x2ee: {  	(v2sf) =	vpush v3, $0xF;
	v3 =	vsel vm4, $0x0, v2  }
0x2ef: {  	v3 =	vxor.u32 $0x80000000, v3;
	_ =	sdelay $0x1  }
0x2f0: {  	(xrf0) =	vmax.scan.msk.u32 $0xffff, v3  }
0x2f1: {  	v3, _, _ =	vpop (xrf0)  }
0x2f2: {  	s30 =	spop (v2sf);
	(v2sf) =	vpush v3, $0xF;
	v3 =	vsel vm5, $0x0, v2  }
0x2f3: {  	s29 =	sshll.u32 s30, $0x4;
	v3 =	vxor.u32 $0x80000000, v3  }
0x2f4: {  	s29 =	sand.u32 $0x1FFFFFF0, s29  }
0x2f5: {  	s31 =	simm.s32 $0xE800;
	(xrf0) =	vmax.scan.msk.u32 $0xffff, v3;
	s29 =	sadd.s32 s3, s29  }
0x2f6: {  	[tilespmem:s31], [sflag:$0x1] =	stream.linear.gather [hbm4b:s29+s2], $0x80, $0x38;
	v3, _, _ =	vpop (xrf0);
	[tilespmem:$0x10000] =	vst v63  }
0x2f7: {  	s30 =	spop (v2sf);
	(v2sf) =	vpush v3, $0xF;
	v3 =	vsel vm6, $0x0, v2  }
0x2f8: {  	s29 =	sshll.u32 s30, $0x4;
	v3 =	vxor.u32 $0x80000000, v3  }
0x2f9: {  	s29 =	sand.u32 $0x1FFFFFF0, s29  }
0x2fa: {  	s31 =	simm.s32 $0xE880;
	(xrf0) =	vmax.scan.msk.u32 $0xffff, v3;
	s29 =	sadd.s32 s3, s29  }
0x2fb: {  	[tilespmem:s31], [sflag:$0x1] =	stream.linear.gather [hbm4b:s29+s2], $0x80, $0x38;
	v3, _, _ =	vpop (xrf0);
	[tilespmem:$0x10000] =	vst v63  }
0x2fc: {  	s30 =	spop (v2sf);
	(v2sf) =	vpush v3, $0xF;
	v3 =	vsel vm7, $0x0, v2  }
0x2fd: {  	s29 =	sshll.u32 s30, $0x4;
	v3 =	vxor.u32 $0x80000000, v3  }
0x2fe: {  	s29 =	sand.u32 $0x1FFFFFF0, s29  }
0x2ff: {  	s31 =	simm.s32 $0xE900;
	(xrf0) =	vmax.scan.msk.u32 $0xffff, v3;
	s29 =	sadd.s32 s3, s29  }
0x300: {  	[tilespmem:s31], [sflag:$0x1] =	stream.linear.gather [hbm4b:s29+s2], $0x80, $0x38;
	v3, _, _ =	vpop (xrf0);
	[tilespmem:$0x10000] =	vst v63  }
0x301: {  	s30 =	spop (v2sf);
	(v2sf) =	vpush v3, $0xF;
	v3 =	vsel vm8, $0x0, v2  }
0x302: {  	s29 =	sshll.u32 s30, $0x4;
	v3 =	vxor.u32 $0x80000000, v3  }
0x303: {  	s29 =	sand.u32 $0x1FFFFFF0, s29  }
0x304: {  	s31 =	simm.s32 $0xE980;
	(xrf0) =	vmax.scan.msk.u32 $0xffff, v3;
	s29 =	sadd.s32 s3, s29  }
0x305: {  	[tilespmem:s31], [sflag:$0x1] =	stream.linear.gather [hbm4b:s29+s2], $0x80, $0x38;
	v3, _, _ =	vpop (xrf0);
	[tilespmem:$0x10000] =	vst v63  }
0x306: {  	s30 =	spop (v2sf);
	(v2sf) =	vpush v3, $0xF;
	v3 =	vsel vm9, $0x0, v2  }
0x307: {  	s29 =	sshll.u32 s30, $0x4;
	v3 =	vxor.u32 $0x80000000, v3  }
0x308: {  	s29 =	sand.u32 $0x1FFFFFF0, s29  }
0x309: {  	s31 =	simm.s32 $0xEA00;
	(xrf0) =	vmax.scan.msk.u32 $0xffff, v3;
	s29 =	sadd.s32 s3, s29  }
0x30a: {  	[tilespmem:s31], [sflag:$0x1] =	stream.linear.gather [hbm4b:s29+s2], $0x80, $0x38;
	v3, _, _ =	vpop (xrf0);
	[tilespmem:$0x10000] =	vst v63  }
0x30b: {  	s30 =	spop (v2sf);
	(v2sf) =	vpush v3, $0xF;
	v3 =	vsel vm10, $0x0, v2  }
0x30c: {  	s29 =	sshll.u32 s30, $0x4;
	v3 =	vxor.u32 $0x80000000, v3  }
0x30d: {  	s29 =	sand.u32 $0x1FFFFFF0, s29  }
0x30e: {  	s31 =	simm.s32 $0xEA80;
	(xrf0) =	vmax.scan.msk.u32 $0xffff, v3;
	s29 =	sadd.s32 s3, s29  }
0x30f: {  	[tilespmem:s31], [sflag:$0x1] =	stream.linear.gather [hbm4b:s29+s2], $0x80, $0x38;
	v3, _, _ =	vpop (xrf0);
	[tilespmem:$0x10000] =	vst v63  }
0x310: {  	s30 =	spop (v2sf);
	(v2sf) =	vpush v3, $0xF;
	v3 =	vsel vm11, $0x0, v2  }
0x311: {  	s29 =	sshll.u32 s30, $0x4;
	v3 =	vxor.u32 $0x80000000, v3  }
0x312: {  	s29 =	sand.u32 $0x1FFFFFF0, s29  }
0x313: {  	s31 =	simm.s32 $0xEB00;
	(xrf0) =	vmax.scan.msk.u32 $0xffff, v3;
	s29 =	sadd.s32 s3, s29  }
0x314: {  	[tilespmem:s31], [sflag:$0x1] =	stream.linear.gather [hbm4b:s29+s2], $0x80, $0x38;
	v3, _, _ =	vpop (xrf0);
	[tilespmem:$0x10000] =	vst v63  }
0x315: {  	s30 =	spop (v2sf);
	(v2sf) =	vpush v3, $0xF;
	v3 =	vsel vm12, $0x0, v2  }
0x316: {  	s29 =	sshll.u32 s30, $0x4;
	v3 =	vxor.u32 $0x80000000, v3  }
0x317: {  	s29 =	sand.u32 $0x1FFFFFF0, s29  }
0x318: {  	s31 =	simm.s32 $0xEB80;
	(xrf0) =	vmax.scan.msk.u32 $0xffff, v3;
	s29 =	sadd.s32 s3, s29  }
0x319: {  	[tilespmem:s31], [sflag:$0x1] =	stream.linear.gather [hbm4b:s29+s2], $0x80, $0x38;
	v3, _, _ =	vpop (xrf0);
	[tilespmem:$0x10000] =	vst v63  }
0x31a: {  	s30 =	spop (v2sf);
	(v2sf) =	vpush v3, $0xF;
	v3 =	vsel vm13, $0x0, v2  }
0x31b: {  	s29 =	sshll.u32 s30, $0x4;
	v3 =	vxor.u32 $0x80000000, v3  }
0x31c: {  	s29 =	sand.u32 $0x1FFFFFF0, s29  }
0x31d: {  	s31 =	simm.s32 $0xEC00;
	(xrf0) =	vmax.scan.msk.u32 $0xffff, v3;
	s29 =	sadd.s32 s3, s29  }
0x31e: {  	[tilespmem:s31], [sflag:$0x1] =	stream.linear.gather [hbm4b:s29+s2], $0x80, $0x38;
	v3, _, _ =	vpop (xrf0);
	[tilespmem:$0x10000] =	vst v63  }
0x31f: {  	s30 =	spop (v2sf);
	(v2sf) =	vpush v3, $0xF;
	v3 =	vsel vm14, $0x0, v2  }
0x320: {  	s29 =	sshll.u32 s30, $0x4;
	v3 =	vxor.u32 $0x80000000, v3  }
0x321: {  	s29 =	sand.u32 $0x1FFFFFF0, s29  }
0x322: {  	s31 =	simm.s32 $0xEC80;
	(xrf0) =	vmax.scan.msk.u32 $0xffff, v3;
	s29 =	sadd.s32 s3, s29  }
0x323: {  	[tilespmem:s31], [sflag:$0x1] =	stream.linear.gather [hbm4b:s29+s2], $0x80, $0x38;
	v3, _, _ =	vpop (xrf0);
	[tilespmem:$0x10000] =	vst v63  }
0x324: {  	v2 =	vsel vm15, $0x0, v2;
	s30 =	spop (v2sf);
	(v2sf) =	vpush v3, $0xF  }
0x325: {  	v2 =	vxor.u32 $0x80000000, v2;
	s29 =	sshll.u32 s30, $0x4  }
0x326: {  	s29 =	sand.u32 $0x1FFFFFF0, s29  }
0x327: {  	(xrf0) =	vmax.scan.msk.u32 $0xffff, v2;
	s31 =	simm.s32 $0xED00;
	s29 =	sadd.s32 s3, s29  }
0x328: {  	v2, _, _ =	vpop (xrf0);
	[tilespmem:s31], [sflag:$0x1] =	stream.linear.gather [hbm4b:s29+s2], $0x80, $0x38;
	[tilespmem:$0x10000] =	vst v63  }
0x329: {  	s30 =	spop (v2sf);
	(v2sf) =	vpush v2, $0xF  }
0x32a: {  	s29 =	sshll.u32 s30, $0x4  }
0x32b: {  	s29 =	sand.u32 $0x1FFFFFF0, s29  }
0x32c: {  	s31 =	simm.s32 $0xED80;
	s29 =	sadd.s32 s3, s29  }
0x32d: {  	v2, _, _ =	vpop (xrf0);
	[tilespmem:s31], [sflag:$0x1] =	stream.linear.gather [hbm4b:s29+s2], $0x80, $0x38;
	[tilespmem:$0x10000] =	vst v63  }
0x32e: {  	s30 =	spop (v2sf);
	(v2sf) =	vpush v2, $0xF  }
0x32f: {  	s29 =	sshll.u32 s30, $0x4  }
0x330: {  	s29 =	sand.u32 $0x1FFFFFF0, s29  }
0x331: {  	s31 =	simm.s32 $0xEE00;
	s29 =	sadd.s32 s3, s29  }
0x332: {  	[tilespmem:s31], [sflag:$0x1] =	stream.linear.gather [hbm4b:s29+s2], $0x80, $0x38;
	[tilespmem:$0x10000] =	vst v63  }
0x333: {  	s30 =	spop (v2sf)  }
0x334: {  	s29 =	sshll.u32 s30, $0x4  }
0x335: {  	s29 =	sand.u32 $0x1FFFFFF0, s29  }
0x336: {  	s31 =	simm.s32 $0xEE80;
	s29 =	sadd.s32 s3, s29  }
0x337: {  	[tilespmem:s31], [sflag:$0x1] =	stream.linear.gather [hbm4b:s29+s2], $0x80, $0x38;
	[tilespmem:$0x10000] =	vst v63  }
0x338: {  	s30 =	spop (v2sf)  }
0x339: {  	s29 =	sshll.u32 s30, $0x4  }
0x33a: {  	s29 =	sand.u32 $0x1FFFFFF0, s29  }
0x33b: {  	s31 =	simm.s32 $0xEF00;
	s29 =	sadd.s32 s3, s29  }
0x33c: {  	[tilespmem:s31], [sflag:$0x1] =	stream.linear.gather [hbm4b:s29+s2], $0x80, $0x38;
	[tilespmem:$0x10000] =	vst v63  }
.Ltmp5:
0x33d: {  	s30 =	spop (v2sf);
	(pc) =	sbr.rel .LBB2_4-.Ltmp5, $4  }
0x33e: {  	s29 =	sshll.u32 s30, $0x4  }
0x33f: {  	s29 =	sand.u32 $0x1FFFFFF0, s29  }
0x340: {  	s31 =	simm.s32 $0xEF80;
	s29 =	sadd.s32 s3, s29  }
0x341: {  	[tilespmem:s31], [sflag:$0x1] =	stream.linear.gather [hbm4b:s29+s2], $0x80, $0x38;
	[tilespmem:$0x10000] =	vst v63  }
.LBB2_6:
0x342: {  	_ =	sfence.sel $0x180000  }
0x343: {  	[bflag:$0x0] =	sbarrier.arrive $0xFFFF  }
0x344: {  	_ =	strace $0x90000047  }
0x345: {  	s0 =	stileid.u32;
	[bflag:$0x2] =	sbarrier.arrive $0xFFFF  }
0x346: {  	p0 =	sne.s32 s0, $0x0;
	s0 =	rddreg [dreg:$0x1]  }
0x347: {  	s0 =	sadd.s32 @!p0 $0x100000, s0  }
0x348: {  	[sflag:s0] =	ssyncadd.tile.s32 @!p0 $0x1;
	_ =	shalt  }
.Lfunc_end2:
_tile_overlayer_lowered:
.L_overlay_start_2:
0x349: {  	(tag) =	ssettag $0x2  }
0x34a: {  	s0 =	rddreg [dreg:$0x0];
	s2 =	stileid.u32  }
0x34b: {  	s1 =	rddreg [dreg:$0x1];
	p0 =	sne.s32 s2, $0x0  }
0x34c: {  	s3 =	rddreg [dreg:$0x2];
	[bflag:$0x3] =	sbarrier.arrive $0xFFFF;
	s2 =	simm.s32 @!p0 $0x1C05  }
0x34d: {  	[timem:s3], [sflag:s2] =	dma.local @!p0 [hbm:s0], s1  }
0x34e: {  	s0 =	simm.s32 @!p0 $0x5  }
0x34f: {  	_ =	swait.ge @!p0 [sflag:s0], s1  }
0x350: {  	s1 =	ssub.s32 @!p0 $0x0, s1;
	[sflag:s0] =	ssyncset.done @!p0 $0x0  }
0x351: {  	[sflag:s0] =	ssyncadd.s32 @!p0 s1  }
0x352: {  	[bflag:$0x3] =	sbarrier.arrive $0xFFFF  }
0x353: {  	_ =	shalt  }

</sc_bundles>
